<compile_context>
chip_gen: v7x
topology: tpu7x:2x2x1
jax: 0.10.2.dev20260603
libtpu: 0.0.44.dev20260713+nightly
codegen_flags: <defaults>
</compile_context>

<pallas_src>
import functools

import jax
import jax.numpy as jnp
from jax import lax
from jax.experimental import pallas as pl
from jax.experimental.pallas import tpu as pltpu
from jax.experimental.pallas import tpu_sc as plsc

N = 10000
E = 320000
D_IN = 128
H = 192
HH = H // 2

NC = 2
NS = 16
NW = NC * NS
EPW = E // NW
DCH = 80
NCHD = EPW // DCH
EPT = E // NS
CH = 64
NFULL = EPT // CH
TAIL = EPT - NFULL * CH
RPT = 632
NPAD = NS * RPT
ZCH = 160
DEGW = 16

BM = 1000

_SC_PARAMS = dict(
    compiler_params=pltpu.CompilerParams(use_tc_tiling_on_sc=False),
)


def _sc_mesh():
    return plsc.VectorSubcoreMesh(
        core_axis_name="c", subcore_axis_name="s", num_cores=NC, num_subcores=NS
    )


def _deg(dstw):

    @functools.partial(
        pl.kernel,
        out_type=jax.ShapeDtypeStruct((NC, NPAD, DEGW), jnp.float32),
        mesh=_sc_mesh(),
        scratch_types=[
            pltpu.VMEM((NCHD, DCH), jnp.int32),
            pltpu.VMEM((DCH, DEGW), jnp.float32),
            pltpu.VMEM((RPT, DEGW), jnp.float32),
            pltpu.VMEM_SHARED((NPAD, DEGW), jnp.float32),
        ],
        **_SC_PARAMS,
    )
    def body(dst_hbm, out_hbm, dst_v, ones_v, zero_v, acc):
        c = lax.axis_index("c")
        s = lax.axis_index("s")
        wid = s * NC + c

        def fill_ones(i, _):
            ones_v[i, :] = jnp.ones((16,), jnp.float32)
            return 0

        def fill_zero(i, _):
            zero_v[i, :] = jnp.zeros((16,), jnp.float32)
            return 0

        lax.fori_loop(0, DCH, fill_ones, 0)
        lax.fori_loop(0, RPT, fill_zero, 0)

        pltpu.sync_copy(zero_v, acc.at[pl.ds(s * RPT, RPT)])
        plsc.subcore_barrier()
        pltpu.sync_copy(dst_hbm.at[wid], dst_v)

        def chunk(j, _):
            pltpu.sync_copy(ones_v, acc.at[dst_v.at[j]], add=True)
            return 0

        lax.fori_loop(0, NCHD, chunk, 0)
        plsc.subcore_barrier()
        pltpu.sync_copy(
            acc.at[pl.ds(s * RPT, RPT)], out_hbm.at[c, pl.ds(s * RPT, RPT)]
        )

    return body(dstw)


def _seg_sum(g2, src_m, dst_m, src_t, dst_t):

    @functools.partial(
        pl.kernel,
        out_type=jax.ShapeDtypeStruct((NC, NPAD, HH), jnp.float32),
        mesh=_sc_mesh(),
        scratch_types=[
            pltpu.VMEM((NFULL, CH), jnp.int32),
            pltpu.VMEM((NFULL, CH), jnp.int32),
            pltpu.VMEM((1, TAIL), jnp.int32),
            pltpu.VMEM((1, TAIL), jnp.int32),
            pltpu.VMEM((2, CH, HH), jnp.float32),
            pltpu.VMEM((ZCH, HH), jnp.float32),
            pltpu.VMEM_SHARED((NPAD, HH), jnp.float32),
            pltpu.SemaphoreType.DMA((2,)),
            pltpu.SemaphoreType.DMA((2,)),
        ],
        **_SC_PARAMS,
    )
    def body(g_hbm, srcm_hbm, dstm_hbm, srct_hbm, dstt_hbm, out_hbm,
             src_v, dst_v, srct_v, dstt_v, rows_v, zero_v, acc, gsem, ssem):
        c = lax.axis_index("c")
        s = lax.axis_index("s")

        def zrow(i, _):
            for j in range(HH // 16):
                zero_v[i, pl.ds(j * 16, 16)] = jnp.zeros((16,), jnp.float32)
            return 0

        lax.fori_loop(0, ZCH, zrow, 0)

        off = 0
        while off < RPT:
            sz = min(ZCH, RPT - off)
            pltpu.sync_copy(zero_v.at[pl.ds(0, sz)], acc.at[pl.ds(s * RPT + off, sz)])
            off += sz
        plsc.subcore_barrier()
        pltpu.sync_copy(srcm_hbm.at[s], src_v)
        pltpu.sync_copy(dstm_hbm.at[s], dst_v)
        pltpu.sync_copy(srct_hbm.at[s], srct_v)
        pltpu.sync_copy(dstt_hbm.at[s], dstt_v)

        def gstart(j, b):
            pltpu.async_copy(g_hbm.at[c].at[src_v.at[j]], rows_v.at[b], gsem.at[b])

        def gwait(j, b):
            pltpu.make_async_copy(
                g_hbm.at[c].at[src_v.at[j]], rows_v.at[b], gsem.at[b]
            ).wait()

        def sstart(j, b):
            pltpu.async_copy(rows_v.at[b], acc.at[dst_v.at[j]], ssem.at[b], add=True)

        def swait(j, b):
            pltpu.make_async_copy(
                rows_v.at[b], acc.at[dst_v.at[j]], ssem.at[b]
            ).wait()

        gstart(0, 0)

        def step(j, _):
            u = j % 2
            gwait(j, u)
            sstart(j, u)

            @pl.when(j >= 1)
            def _():
                swait(j - 1, 1 - u)

            @pl.when(j + 1 < NFULL)
            def _():
                gstart(j + 1, 1 - u)

            return 0

        lax.fori_loop(0, NFULL, step, 0)
        swait(NFULL - 1, (NFULL - 1) % 2)

        pltpu.sync_copy(
            g_hbm.at[c].at[srct_v.at[0]], rows_v.at[0, pl.ds(0, TAIL)]
        )
        pltpu.sync_copy(rows_v.at[0, pl.ds(0, TAIL)], acc.at[dstt_v.at[0]], add=True)

        plsc.subcore_barrier()
        pltpu.sync_copy(
            acc.at[pl.ds(s * RPT, RPT)], out_hbm.at[c, pl.ds(s * RPT, RPT)]
        )

    return body(g2, src_m, dst_m, src_t, dst_t)


def _row_spec(width):
    return pl.BlockSpec((BM, width), lambda i: (i, 0))


def _half_spec():
    return pl.BlockSpec((NC, BM, HH), lambda i: (0, i, 0))


def _full_spec(shape):
    return pl.BlockSpec(shape, lambda i: tuple(0 for _ in shape))


def _split_g(gfull, dinv, g2_ref):
    g = dinv * gfull
    g2_ref[0] = g[:, :HH]
    g2_ref[1] = g[:, HH:]


def _k0_body(x_ref, win_ref, bin_ref, dg_ref, w1_ref, h_ref, g2_ref, deg_ref):
    h = jnp.dot(x_ref[...], win_ref[...], preferred_element_type=jnp.float32)
    h = h + bin_ref[...]
    deg = dg_ref[0, :, :1] + dg_ref[1, :, :1] + 1.0
    dinv = lax.rsqrt(deg)
    h_ref[...] = h
    deg_ref[...] = deg
    _split_g(jnp.dot(h, w1_ref[...], preferred_element_type=jnp.float32), dinv, g2_ref)


def _k0(x, W_in, b_in, degAB, W1):
    return pl.pallas_call(
        _k0_body,
        grid=(N // BM,),
        in_specs=[
            _row_spec(D_IN),
            _full_spec((D_IN, H)),
            _full_spec((1, H)),
            pl.BlockSpec((NC, BM, DEGW), lambda i: (0, i, 0)),
            _full_spec((H, H)),
        ],
        out_specs=[_row_spec(H), _half_spec(), _row_spec(1)],
        out_shape=[
            jax.ShapeDtypeStruct((N, H), jnp.float32),
            jax.ShapeDtypeStruct((NC, N, HH), jnp.float32),
            jax.ShapeDtypeStruct((N, 1), jnp.float32),
        ],
    )(x, W_in, b_in.reshape(1, H), degAB, W1)


def _epilogue(h_ref, g2_ref, s_ref, b2_ref, dinv):
    aggl = dinv * (s_ref[0, :, :] + g2_ref[0, :, :]) + b2_ref[0, :, :]
    aggr = dinv * (s_ref[1, :, :] + g2_ref[1, :, :]) + b2_ref[1, :, :]
    h = h_ref[...]
    hl = h[:, :HH] + jnp.maximum(aggl, 0.0)
    hr = h[:, HH:] + jnp.maximum(aggr, 0.0)
    return hl, hr


def _layer_body(h_ref, g2_ref, s_ref, b2_ref, deg_ref, w2_ref, ho_ref, go_ref):
    dinv = lax.rsqrt(deg_ref[...])
    hl, hr = _epilogue(h_ref, g2_ref, s_ref, b2_ref, dinv)
    ho_ref[:, :HH] = hl
    ho_ref[:, HH:] = hr
    hw = jnp.dot(hl, w2_ref[0], preferred_element_type=jnp.float32)
    hw = hw + jnp.dot(hr, w2_ref[1], preferred_element_type=jnp.float32)
    _split_g(hw, dinv, go_ref)


def _layer(h, g2, s2, b, deg1, Wn):
    return pl.pallas_call(
        _layer_body,
        grid=(N // BM,),
        in_specs=[
            _row_spec(H),
            _half_spec(),
            _half_spec(),
            _full_spec((NC, 1, HH)),
            _row_spec(1),
            _full_spec((NC, HH, H)),
        ],
        out_specs=[_row_spec(H), _half_spec()],
        out_shape=[
            jax.ShapeDtypeStruct((N, H), jnp.float32),
            jax.ShapeDtypeStruct((NC, N, HH), jnp.float32),
        ],
    )(h, g2, s2, b.reshape(NC, 1, HH), deg1, Wn.reshape(NC, HH, H))


def _final_body(h_ref, g2_ref, s_ref, b2_ref, deg_ref, p1, pb1, p2, pb2, p3, pb3,
                r1, rb1, r2, rb2, out_ref):
    f32 = jnp.float32
    dinv = lax.rsqrt(deg_ref[...])
    hl, hr = _epilogue(h_ref, g2_ref, s_ref, b2_ref, dinv)
    p = jnp.dot(hl, p1[0], preferred_element_type=f32)
    p = p + jnp.dot(hr, p1[1], preferred_element_type=f32)
    p = jnp.maximum(p + pb1[...], 0.0)
    p = jnp.maximum(jnp.dot(p, p2[...], preferred_element_type=f32) + pb2[...], 0.0)
    pos = jnp.dot(p, p3[...], preferred_element_type=f32) + pb3[...]
    r = jnp.dot(hl, r1[0], preferred_element_type=f32)
    r = r + jnp.dot(hr, r1[1], preferred_element_type=f32)
    r = jnp.maximum(r + rb1[...], 0.0)
    rad = jax.nn.sigmoid(jnp.dot(r, r2[...], preferred_element_type=f32) + rb2[...])
    nrm = jnp.sqrt(jnp.sum(pos * pos, axis=-1, keepdims=True)) + 1e-8
    out_ref[...] = pos / nrm * rad


def _final(h, g2, s2, b, deg1, P1, pb1, P2, pb2, P3, pb3, R1, rb1, R2, rb2):
    Hh = H // 2
    return pl.pallas_call(
        _final_body,
        grid=(N // BM,),
        in_specs=[
            _row_spec(H),
            _half_spec(),
            _half_spec(),
            _full_spec((NC, 1, HH)),
            _row_spec(1),
            _full_spec((NC, HH, H)),
            _full_spec((1, H)),
            _full_spec((H, Hh)),
            _full_spec((1, Hh)),
            _full_spec((Hh, 2)),
            _full_spec((1, 2)),
            _full_spec((NC, HH, Hh)),
            _full_spec((1, Hh)),
            _full_spec((Hh, 1)),
            _full_spec((1, 1)),
        ],
        out_specs=[_row_spec(2)],
        out_shape=[jax.ShapeDtypeStruct((N, 2), jnp.float32)],
    )(h, g2, s2, b.reshape(NC, 1, HH), deg1,
      P1.reshape(NC, HH, H), pb1.reshape(1, H),
      P2, pb2.reshape(1, Hh), P3, pb3.reshape(1, 2),
      R1.reshape(NC, HH, Hh), rb1.reshape(1, Hh), R2, rb2.reshape(1, 1))[0]


def kernel(x, edge_index, W_in, b_in, W1, b1, W2, b2, W3, b3, W4, b4,
           P1, pb1, P2, pb2, P3, pb3, R1, rb1, R2, rb2):
    src = edge_index[0]
    dst = edge_index[1]
    dstw = dst.reshape(NW, NCHD, DCH)
    srcr = src.reshape(NS, EPT)
    dstr = dst.reshape(NS, EPT)
    src_m = srcr[:, : NFULL * CH].reshape(NS, NFULL, CH)
    dst_m = dstr[:, : NFULL * CH].reshape(NS, NFULL, CH)
    src_t = srcr[:, NFULL * CH :].reshape(NS, 1, TAIL)
    dst_t = dstr[:, NFULL * CH :].reshape(NS, 1, TAIL)
    edges = (src_m, dst_m, src_t, dst_t)

    degAB = _deg(dstw)
    h, g2, deg1 = _k0(x, W_in, b_in, degAB, W1)

    s2 = _seg_sum(g2, *edges)
    h, g2 = _layer(h, g2, s2, b1, deg1, W2)
    s2 = _seg_sum(g2, *edges)
    h, g2 = _layer(h, g2, s2, b2, deg1, W3)
    s2 = _seg_sum(g2, *edges)
    h, g2 = _layer(h, g2, s2, b3, deg1, W4)
    s2 = _seg_sum(g2, *edges)
    return _final(h, g2, s2, b4, deg1, P1, pb1, P2, pb2, P3, pb3, R1, rb1, R2, rb2)

# --- scband reference (transcript-rebuilt; emitter-appended) ---
"""Pipeline reference for scband-gcn-6536940224662 (READ-ONLY COPY).

The authoritative reference and input builder live on the scoring server;
editing this copy changes nothing except your own understanding.
"""

import jax, jax.numpy as jnp
import numpy as np

N = 10000
E = 320000
D_IN = 128
H = 192

def _glorot(key, shape):
    lim = np.sqrt(6.0 / (shape[0] + shape[1]))
    return jax.random.uniform(key, shape, dtype=jnp.float32, minval=-lim, maxval=lim)

def setup_inputs(seed: int = 0):
    key = jax.random.key(seed)
    ks = jax.random.split(key, 16)
    inp = {}
    inp['x'] = jax.random.normal(ks[0], (N, D_IN), dtype=jnp.float32)
    inp['edge_index'] = jax.random.randint(ks[1], (2, E), 0, N, dtype=jnp.int32)
    inp['W_in'] = _glorot(ks[2], (D_IN, H)); inp['b_in'] = jnp.zeros((H,), jnp.float32)
    for i in range(4):
        inp['W%d' % (i + 1)] = _glorot(ks[3 + i], (H, H))
        inp['b%d' % (i + 1)] = jnp.zeros((H,), jnp.float32)
    inp['P1'] = _glorot(ks[7], (H, H)); inp['pb1'] = jnp.zeros((H,), jnp.float32)
    inp['P2'] = _glorot(ks[8], (H, H // 2)); inp['pb2'] = jnp.zeros((H // 2,), jnp.float32)
    inp['P3'] = _glorot(ks[9], (H // 2, 2)); inp['pb3'] = jnp.zeros((2,), jnp.float32)
    inp['R1'] = _glorot(ks[10], (H, H // 2)); inp['rb1'] = jnp.zeros((H // 2,), jnp.float32)
    inp['R2'] = _glorot(ks[11], (H // 2, 1)); inp['rb2'] = jnp.zeros((1,), jnp.float32)
    return inp

def reference(x, edge_index, W_in, b_in, W1, b1, W2, b2, W3, b3, W4, b4, P1, pb1, P2, pb2, P3, pb3, R1, rb1, R2, rb2):
    # eval mode: dropout is identity
    n = x.shape[0]
    loop = jnp.arange(n, dtype=edge_index.dtype)
    src = jnp.concatenate([edge_index[0], loop])
    dst = jnp.concatenate([edge_index[1], loop])
    # GCN symmetric normalization with self-loops (PyG GCNConv default)
    deg = jnp.zeros((n,), jnp.float32).at[dst].add(1.0)
    dinv = 1.0 / jnp.sqrt(deg)
    norm = (dinv[src] * dinv[dst])[:, None]
    h = x.astype(jnp.float32) @ W_in + b_in
    for W, b in ((W1, b1), (W2, b2), (W3, b3), (W4, b4)):
        msg = (h @ W)[src] * norm          # gather over edges
        agg = jnp.zeros_like(h).at[dst].add(msg) + b  # scatter-add
        h = h + jax.nn.relu(agg)           # residual
    # pos_mlp: 192 -> 192 -> 96 -> 2
    p = jax.nn.relu(h @ P1 + pb1)
    p = jax.nn.relu(p @ P2 + pb2)
    pos = p @ P3 + pb3
    # radius_mlp: 192 -> 96 -> 1, constrained via sigmoid
    r = jax.nn.relu(h @ R1 + rb1)
    radius = jax.nn.sigmoid(r @ R2 + rb2)
    # normalize_with_radius, center=False: unit-normalize pos, scale by radius
    coords = pos / (jnp.linalg.norm(pos, axis=-1, keepdims=True) + 1e-8) * radius
    return coords

if __name__ == "__main__":
    import jax
    _d = setup_inputs()
    print(jax.jit(kernel)(*tuple(_d.values())))

</pallas_src>

<mosaic_0001>
#map = affine_map<(d0, d1) -> (0, 0, 0)>
module attributes {stable_mosaic.version = 14 : i64} {
  func.func @body(%arg0: i32, %arg1: i32, %arg2: memref<2x10000x96xf32, #tpu.memory_space<hbm>>, %arg3: memref<16x312x64xi32, #tpu.memory_space<hbm>>, %arg4: memref<16x312x64xi32, #tpu.memory_space<hbm>>, %arg5: memref<16x1x32xi32, #tpu.memory_space<hbm>>, %arg6: memref<16x1x32xi32, #tpu.memory_space<hbm>>, %arg7: memref<2x10112x96xf32, #tpu.memory_space<hbm>>, %arg8: memref<312x64xi32, #tpu.memory_space<vmem>>, %arg9: memref<312x64xi32, #tpu.memory_space<vmem>>, %arg10: memref<1x32xi32, #tpu.memory_space<vmem>>, %arg11: memref<1x32xi32, #tpu.memory_space<vmem>>, %arg12: memref<2x64x96xf32, #tpu.memory_space<vmem>>, %arg13: memref<160x96xf32, #tpu.memory_space<vmem>>, %arg14: memref<10112x96xf32, #tpu.memory_space<vmem_shared>>, %arg15: memref<2x!tpu.dma_semaphore, #tpu.memory_space<semaphore_mem>>, %arg16: memref<2x!tpu.dma_semaphore, #tpu.memory_space<semaphore_mem>>) attributes {dimension_semantics = [#tpu.dimension_semantics<core_parallel>, #tpu.dimension_semantics<subcore_parallel>], iteration_bounds = array<i64: 2, 16>, scalar_prefetch = 0 : i64, scratch_operands = 9 : i64, tpu.core_type = #tpu.core_type<sc_vector_subcore>, window_params = [{transform_indices = #map}, {transform_indices = #map}, {transform_indices = #map}, {transform_indices = #map}, {transform_indices = #map}, {transform_indices = #map}]} {
    %scan3A = arith.constant 0 : i32
    %scan3A_0 = arith.constant 0 : i32
    %scan3A_1 = arith.constant 160 : i32
    %scan3A_2 = arith.addi %scan3A_0, %scan3A_1 : i32
    %scan3A_3 = arith.constant 1 : i32
    %scan3A_4 = scf.for %scan3A_67 = %scan3A_0 to %scan3A_2 step %scan3A_3 iter_args(%scan3A_68 = %scan3A) -> (i32)  : i32 {
      %broadcast_in_dim3A = arith.constant 0.000000e+00 : f32
      %broadcast_in_dim3A_69 = vector.broadcast %broadcast_in_dim3A : f32 to vector<16xf32>
      %swap3A = arith.index_cast %scan3A_67 : i32 to index
      %swap3A_70 = arith.constant 0 : index
      %swap3A_71 = tpu.vector_load %arg13[%swap3A, %swap3A_70] {strides = array<i32>} : memref<160x96xf32, #tpu.memory_space<vmem>>, vector<1x16xf32>,
      %swap3A_72 = vector.shape_cast %swap3A_71 : vector<1x16xf32> to vector<16xf32>
      %swap3A_73 = vector.shape_cast %broadcast_in_dim3A_69 : vector<16xf32> to vector<1x16xf32>
      tpu.vector_store %arg13[%swap3A, %swap3A_70], %swap3A_73 {strides = array<i32>} : memref<160x96xf32, #tpu.memory_space<vmem>>, vector<1x16xf32>,
      %broadcast_in_dim3A_74 = arith.constant 0.000000e+00 : f32
      %broadcast_in_dim3A_75 = vector.broadcast %broadcast_in_dim3A_74 : f32 to vector<16xf32>
      %swap3A_76 = arith.index_cast %scan3A_67 : i32 to index
      %swap3A_77 = arith.constant 16 : index
      %swap3A_78 = tpu.vector_load %arg13[%swap3A_76, %swap3A_77] {strides = array<i32>} : memref<160x96xf32, #tpu.memory_space<vmem>>, vector<1x16xf32>,
      %swap3A_79 = vector.shape_cast %swap3A_78 : vector<1x16xf32> to vector<16xf32>
      %swap3A_80 = vector.shape_cast %broadcast_in_dim3A_75 : vector<16xf32> to vector<1x16xf32>
      tpu.vector_store %arg13[%swap3A_76, %swap3A_77], %swap3A_80 {strides = array<i32>} : memref<160x96xf32, #tpu.memory_space<vmem>>, vector<1x16xf32>,
      %broadcast_in_dim3A_81 = arith.constant 0.000000e+00 : f32
      %broadcast_in_dim3A_82 = vector.broadcast %broadcast_in_dim3A_81 : f32 to vector<16xf32>
      %swap3A_83 = arith.index_cast %scan3A_67 : i32 to index
      %swap3A_84 = arith.constant 32 : index
      %swap3A_85 = tpu.vector_load %arg13[%swap3A_83, %swap3A_84] {strides = array<i32>} : memref<160x96xf32, #tpu.memory_space<vmem>>, vector<1x16xf32>,
      %swap3A_86 = vector.shape_cast %swap3A_85 : vector<1x16xf32> to vector<16xf32>
      %swap3A_87 = vector.shape_cast %broadcast_in_dim3A_82 : vector<16xf32> to vector<1x16xf32>
      tpu.vector_store %arg13[%swap3A_83, %swap3A_84], %swap3A_87 {strides = array<i32>} : memref<160x96xf32, #tpu.memory_space<vmem>>, vector<1x16xf32>,
      %broadcast_in_dim3A_88 = arith.constant 0.000000e+00 : f32
      %broadcast_in_dim3A_89 = vector.broadcast %broadcast_in_dim3A_88 : f32 to vector<16xf32>
      %swap3A_90 = arith.index_cast %scan3A_67 : i32 to index
      %swap3A_91 = arith.constant 48 : index
      %swap3A_92 = tpu.vector_load %arg13[%swap3A_90, %swap3A_91] {strides = array<i32>} : memref<160x96xf32, #tpu.memory_space<vmem>>, vector<1x16xf32>,
      %swap3A_93 = vector.shape_cast %swap3A_92 : vector<1x16xf32> to vector<16xf32>
      %swap3A_94 = vector.shape_cast %broadcast_in_dim3A_89 : vector<16xf32> to vector<1x16xf32>
      tpu.vector_store %arg13[%swap3A_90, %swap3A_91], %swap3A_94 {strides = array<i32>} : memref<160x96xf32, #tpu.memory_space<vmem>>, vector<1x16xf32>,
      %broadcast_in_dim3A_95 = arith.constant 0.000000e+00 : f32
      %broadcast_in_dim3A_96 = vector.broadcast %broadcast_in_dim3A_95 : f32 to vector<16xf32>
      %swap3A_97 = arith.index_cast %scan3A_67 : i32 to index
      %swap3A_98 = arith.constant 64 : index
      %swap3A_99 = tpu.vector_load %arg13[%swap3A_97, %swap3A_98] {strides = array<i32>} : memref<160x96xf32, #tpu.memory_space<vmem>>, vector<1x16xf32>,
      %swap3A_100 = vector.shape_cast %swap3A_99 : vector<1x16xf32> to vector<16xf32>
      %swap3A_101 = vector.shape_cast %broadcast_in_dim3A_96 : vector<16xf32> to vector<1x16xf32>
      tpu.vector_store %arg13[%swap3A_97, %swap3A_98], %swap3A_101 {strides = array<i32>} : memref<160x96xf32, #tpu.memory_space<vmem>>, vector<1x16xf32>,
      %broadcast_in_dim3A_102 = arith.constant 0.000000e+00 : f32
      %broadcast_in_dim3A_103 = vector.broadcast %broadcast_in_dim3A_102 : f32 to vector<16xf32>
      %swap3A_104 = arith.index_cast %scan3A_67 : i32 to index
      %swap3A_105 = arith.constant 80 : index
      %swap3A_106 = tpu.vector_load %arg13[%swap3A_104, %swap3A_105] {strides = array<i32>} : memref<160x96xf32, #tpu.memory_space<vmem>>, vector<1x16xf32>,
      %swap3A_107 = vector.shape_cast %swap3A_106 : vector<1x16xf32> to vector<16xf32>
      %swap3A_108 = vector.shape_cast %broadcast_in_dim3A_103 : vector<16xf32> to vector<1x16xf32>
      tpu.vector_store %arg13[%swap3A_104, %swap3A_105], %swap3A_108 {strides = array<i32>} : memref<160x96xf32, #tpu.memory_space<vmem>>, vector<1x16xf32>,
      %scan3A_109 = arith.constant 0 : i32
      scf.yield %scan3A_109 : i32
    }
    %scan3A_5 = arith.constant 160 : i32
    %mul3A = arith.constant 632 : i32
    %mul3A_6 = arith.muli %arg1, %mul3A : i32
    %add3A = arith.constant 0 : i32
    %add3A_7 = arith.addi %mul3A_6, %add3A : i32
    "tpu.region"() ({
      %run_scoped3A_67 = tpu.sem_alloc : memref<!tpu.dma_semaphore, #tpu.memory_space<semaphore_mem>>
      %dma_start3A_68 = arith.constant 0 : i32
      %dma_start3A_69 = arith.constant 0 : i32
      %dma_start3A_70 = tpu.memref_slice %arg13[%dma_start3A_68, %dma_start3A_69] : memref<160x96xf32, #tpu.memory_space<vmem>> -> memref<160x96xf32, #tpu.memory_space<vmem>>
      %dma_start3A_71 = arith.constant 0 : i32
      %dma_start3A_72 = tpu.memref_slice %arg14[%add3A_7, %dma_start3A_71] : memref<10112x96xf32, #tpu.memory_space<vmem_shared>> -> memref<160x96xf32, #tpu.memory_space<vmem_shared>>
      %dma_start3A_73 = arith.constant 0 : i32
      %dma_start3A_74 = tpu.memref_slice %arg14[%add3A_7, %dma_start3A_73] : memref<10112x96xf32, #tpu.memory_space<vmem_shared>> -> memref<160x96xf32, #tpu.memory_space<vmem_shared>>
      %dma_start3A_75 = arith.constant 0 : i32
      %dma_start3A_76 = arith.constant 0 : i32
      %dma_start3A_77 = tpu.memref_slice %arg13[%dma_start3A_75, %dma_start3A_76] : memref<160x96xf32, #tpu.memory_space<vmem>> -> memref<160x96xf32, #tpu.memory_space<vmem>>
      tpu.enqueue_dma source(%dma_start3A_77 : memref<160x96xf32, #tpu.memory_space<vmem>>) target(%dma_start3A_74 : memref<160x96xf32, #tpu.memory_space<vmem_shared>>) target_semaphore(%run_scoped3A_67 : memref<!tpu.dma_semaphore, #tpu.memory_space<semaphore_mem>>)
      %dma_wait3A_78 = arith.constant 0 : i32
      %dma_wait3A_79 = arith.constant 0 : i32
      %dma_wait3A_80 = tpu.memref_slice %arg13[%dma_wait3A_78, %dma_wait3A_79] : memref<160x96xf32, #tpu.memory_space<vmem>> -> memref<160x96xf32, #tpu.memory_space<vmem>>
      %dma_wait3A_81 = arith.constant 0 : i32
      %dma_wait3A_82 = tpu.memref_slice %arg14[%add3A_7, %dma_wait3A_81] : memref<10112x96xf32, #tpu.memory_space<vmem_shared>> -> memref<160x96xf32, #tpu.memory_space<vmem_shared>>
      %dma_wait3A_83 = arith.constant 0 : i32
      %dma_wait3A_84 = tpu.memref_slice %arg14[%add3A_7, %dma_wait3A_83] : memref<10112x96xf32, #tpu.memory_space<vmem_shared>> -> memref<160x96xf32, #tpu.memory_space<vmem_shared>>
      %dma_wait3A_85 = arith.constant 0 : i32
      %dma_wait3A_86 = arith.constant 0 : i32
      %dma_wait3A_87 = tpu.memref_slice %arg13[%dma_wait3A_85, %dma_wait3A_86] : memref<160x96xf32, #tpu.memory_space<vmem>> -> memref<160x96xf32, #tpu.memory_space<vmem>>
      tpu.wait_dma2 semaphore(%run_scoped3A_67 : memref<!tpu.dma_semaphore, #tpu.memory_space<semaphore_mem>>) src(%dma_wait3A_87 : memref<160x96xf32, #tpu.memory_space<vmem>>) dst(%dma_wait3A_84 : memref<160x96xf32, #tpu.memory_space<vmem_shared>>)
      tpu.yield
    }) : () -> ()
    %mul3A_8 = arith.constant 632 : i32
    %mul3A_9 = arith.muli %arg1, %mul3A_8 : i32
    %add3A_10 = arith.constant 160 : i32
    %add3A_11 = arith.addi %mul3A_9, %add3A_10 : i32
    "tpu.region"() ({
      %run_scoped3A_67 = tpu.sem_alloc : memref<!tpu.dma_semaphore, #tpu.memory_space<semaphore_mem>>
      %dma_start3A_68 = arith.constant 0 : i32
      %dma_start3A_69 = arith.constant 0 : i32
      %dma_start3A_70 = tpu.memref_slice %arg13[%dma_start3A_68, %dma_start3A_69] : memref<160x96xf32, #tpu.memory_space<vmem>> -> memref<160x96xf32, #tpu.memory_space<vmem>>
      %dma_start3A_71 = arith.constant 0 : i32
      %dma_start3A_72 = tpu.memref_slice %arg14[%add3A_11, %dma_start3A_71] : memref<10112x96xf32, #tpu.memory_space<vmem_shared>> -> memref<160x96xf32, #tpu.memory_space<vmem_shared>>
      %dma_start3A_73 = arith.constant 0 : i32
      %dma_start3A_74 = tpu.memref_slice %arg14[%add3A_11, %dma_start3A_73] : memref<10112x96xf32, #tpu.memory_space<vmem_shared>> -> memref<160x96xf32, #tpu.memory_space<vmem_shared>>
      %dma_start3A_75 = arith.constant 0 : i32
      %dma_start3A_76 = arith.constant 0 : i32
      %dma_start3A_77 = tpu.memref_slice %arg13[%dma_start3A_75, %dma_start3A_76] : memref<160x96xf32, #tpu.memory_space<vmem>> -> memref<160x96xf32, #tpu.memory_space<vmem>>
      tpu.enqueue_dma source(%dma_start3A_77 : memref<160x96xf32, #tpu.memory_space<vmem>>) target(%dma_start3A_74 : memref<160x96xf32, #tpu.memory_space<vmem_shared>>) target_semaphore(%run_scoped3A_67 : memref<!tpu.dma_semaphore, #tpu.memory_space<semaphore_mem>>)
      %dma_wait3A_78 = arith.constant 0 : i32
      %dma_wait3A_79 = arith.constant 0 : i32
      %dma_wait3A_80 = tpu.memref_slice %arg13[%dma_wait3A_78, %dma_wait3A_79] : memref<160x96xf32, #tpu.memory_space<vmem>> -> memref<160x96xf32, #tpu.memory_space<vmem>>
      %dma_wait3A_81 = arith.constant 0 : i32
      %dma_wait3A_82 = tpu.memref_slice %arg14[%add3A_11, %dma_wait3A_81] : memref<10112x96xf32, #tpu.memory_space<vmem_shared>> -> memref<160x96xf32, #tpu.memory_space<vmem_shared>>
      %dma_wait3A_83 = arith.constant 0 : i32
      %dma_wait3A_84 = tpu.memref_slice %arg14[%add3A_11, %dma_wait3A_83] : memref<10112x96xf32, #tpu.memory_space<vmem_shared>> -> memref<160x96xf32, #tpu.memory_space<vmem_shared>>
      %dma_wait3A_85 = arith.constant 0 : i32
      %dma_wait3A_86 = arith.constant 0 : i32
      %dma_wait3A_87 = tpu.memref_slice %arg13[%dma_wait3A_85, %dma_wait3A_86] : memref<160x96xf32, #tpu.memory_space<vmem>> -> memref<160x96xf32, #tpu.memory_space<vmem>>
      tpu.wait_dma2 semaphore(%run_scoped3A_67 : memref<!tpu.dma_semaphore, #tpu.memory_space<semaphore_mem>>) src(%dma_wait3A_87 : memref<160x96xf32, #tpu.memory_space<vmem>>) dst(%dma_wait3A_84 : memref<160x96xf32, #tpu.memory_space<vmem_shared>>)
      tpu.yield
    }) : () -> ()
    %mul3A_12 = arith.constant 632 : i32
    %mul3A_13 = arith.muli %arg1, %mul3A_12 : i32
    %add3A_14 = arith.constant 320 : i32
    %add3A_15 = arith.addi %mul3A_13, %add3A_14 : i32
    "tpu.region"() ({
      %run_scoped3A_67 = tpu.sem_alloc : memref<!tpu.dma_semaphore, #tpu.memory_space<semaphore_mem>>
      %dma_start3A_68 = arith.constant 0 : i32
      %dma_start3A_69 = arith.constant 0 : i32
      %dma_start3A_70 = tpu.memref_slice %arg13[%dma_start3A_68, %dma_start3A_69] : memref<160x96xf32, #tpu.memory_space<vmem>> -> memref<160x96xf32, #tpu.memory_space<vmem>>
      %dma_start3A_71 = arith.constant 0 : i32
      %dma_start3A_72 = tpu.memref_slice %arg14[%add3A_15, %dma_start3A_71] : memref<10112x96xf32, #tpu.memory_space<vmem_shared>> -> memref<160x96xf32, #tpu.memory_space<vmem_shared>>
      %dma_start3A_73 = arith.constant 0 : i32
      %dma_start3A_74 = tpu.memref_slice %arg14[%add3A_15, %dma_start3A_73] : memref<10112x96xf32, #tpu.memory_space<vmem_shared>> -> memref<160x96xf32, #tpu.memory_space<vmem_shared>>
      %dma_start3A_75 = arith.constant 0 : i32
      %dma_start3A_76 = arith.constant 0 : i32
      %dma_start3A_77 = tpu.memref_slice %arg13[%dma_start3A_75, %dma_start3A_76] : memref<160x96xf32, #tpu.memory_space<vmem>> -> memref<160x96xf32, #tpu.memory_space<vmem>>
      tpu.enqueue_dma source(%dma_start3A_77 : memref<160x96xf32, #tpu.memory_space<vmem>>) target(%dma_start3A_74 : memref<160x96xf32, #tpu.memory_space<vmem_shared>>) target_semaphore(%run_scoped3A_67 : memref<!tpu.dma_semaphore, #tpu.memory_space<semaphore_mem>>)
      %dma_wait3A_78 = arith.constant 0 : i32
      %dma_wait3A_79 = arith.constant 0 : i32
      %dma_wait3A_80 = tpu.memref_slice %arg13[%dma_wait3A_78, %dma_wait3A_79] : memref<160x96xf32, #tpu.memory_space<vmem>> -> memref<160x96xf32, #tpu.memory_space<vmem>>
      %dma_wait3A_81 = arith.constant 0 : i32
      %dma_wait3A_82 = tpu.memref_slice %arg14[%add3A_15, %dma_wait3A_81] : memref<10112x96xf32, #tpu.memory_space<vmem_shared>> -> memref<160x96xf32, #tpu.memory_space<vmem_shared>>
      %dma_wait3A_83 = arith.constant 0 : i32
      %dma_wait3A_84 = tpu.memref_slice %arg14[%add3A_15, %dma_wait3A_83] : memref<10112x96xf32, #tpu.memory_space<vmem_shared>> -> memref<160x96xf32, #tpu.memory_space<vmem_shared>>
      %dma_wait3A_85 = arith.constant 0 : i32
      %dma_wait3A_86 = arith.constant 0 : i32
      %dma_wait3A_87 = tpu.memref_slice %arg13[%dma_wait3A_85, %dma_wait3A_86] : memref<160x96xf32, #tpu.memory_space<vmem>> -> memref<160x96xf32, #tpu.memory_space<vmem>>
      tpu.wait_dma2 semaphore(%run_scoped3A_67 : memref<!tpu.dma_semaphore, #tpu.memory_space<semaphore_mem>>) src(%dma_wait3A_87 : memref<160x96xf32, #tpu.memory_space<vmem>>) dst(%dma_wait3A_84 : memref<160x96xf32, #tpu.memory_space<vmem_shared>>)
      tpu.yield
    }) : () -> ()
    %mul3A_16 = arith.constant 632 : i32
    %mul3A_17 = arith.muli %arg1, %mul3A_16 : i32
    %add3A_18 = arith.constant 480 : i32
    %add3A_19 = arith.addi %mul3A_17, %add3A_18 : i32
    "tpu.region"() ({
      %run_scoped3A_67 = tpu.sem_alloc : memref<!tpu.dma_semaphore, #tpu.memory_space<semaphore_mem>>
      %dma_start3A_68 = arith.constant 0 : i32
      %dma_start3A_69 = arith.constant 0 : i32
      %dma_start3A_70 = tpu.memref_slice %arg13[%dma_start3A_68, %dma_start3A_69] : memref<160x96xf32, #tpu.memory_space<vmem>> -> memref<152x96xf32, #tpu.memory_space<vmem>>
      %dma_start3A_71 = arith.constant 0 : i32
      %dma_start3A_72 = tpu.memref_slice %arg14[%add3A_19, %dma_start3A_71] : memref<10112x96xf32, #tpu.memory_space<vmem_shared>> -> memref<152x96xf32, #tpu.memory_space<vmem_shared>>
      %dma_start3A_73 = arith.constant 0 : i32
      %dma_start3A_74 = tpu.memref_slice %arg14[%add3A_19, %dma_start3A_73] : memref<10112x96xf32, #tpu.memory_space<vmem_shared>> -> memref<152x96xf32, #tpu.memory_space<vmem_shared>>
      %dma_start3A_75 = arith.constant 0 : i32
      %dma_start3A_76 = arith.constant 0 : i32
      %dma_start3A_77 = tpu.memref_slice %arg13[%dma_start3A_75, %dma_start3A_76] : memref<160x96xf32, #tpu.memory_space<vmem>> -> memref<152x96xf32, #tpu.memory_space<vmem>>
      tpu.enqueue_dma source(%dma_start3A_77 : memref<152x96xf32, #tpu.memory_space<vmem>>) target(%dma_start3A_74 : memref<152x96xf32, #tpu.memory_space<vmem_shared>>) target_semaphore(%run_scoped3A_67 : memref<!tpu.dma_semaphore, #tpu.memory_space<semaphore_mem>>)
      %dma_wait3A_78 = arith.constant 0 : i32
      %dma_wait3A_79 = arith.constant 0 : i32
      %dma_wait3A_80 = tpu.memref_slice %arg13[%dma_wait3A_78, %dma_wait3A_79] : memref<160x96xf32, #tpu.memory_space<vmem>> -> memref<152x96xf32, #tpu.memory_space<vmem>>
      %dma_wait3A_81 = arith.constant 0 : i32
      %dma_wait3A_82 = tpu.memref_slice %arg14[%add3A_19, %dma_wait3A_81] : memref<10112x96xf32, #tpu.memory_space<vmem_shared>> -> memref<152x96xf32, #tpu.memory_space<vmem_shared>>
      %dma_wait3A_83 = arith.constant 0 : i32
      %dma_wait3A_84 = tpu.memref_slice %arg14[%add3A_19, %dma_wait3A_83] : memref<10112x96xf32, #tpu.memory_space<vmem_shared>> -> memref<152x96xf32, #tpu.memory_space<vmem_shared>>
      %dma_wait3A_85 = arith.constant 0 : i32
      %dma_wait3A_86 = arith.constant 0 : i32
      %dma_wait3A_87 = tpu.memref_slice %arg13[%dma_wait3A_85, %dma_wait3A_86] : memref<160x96xf32, #tpu.memory_space<vmem>> -> memref<152x96xf32, #tpu.memory_space<vmem>>
      tpu.wait_dma2 semaphore(%run_scoped3A_67 : memref<!tpu.dma_semaphore, #tpu.memory_space<semaphore_mem>>) src(%dma_wait3A_87 : memref<152x96xf32, #tpu.memory_space<vmem>>) dst(%dma_wait3A_84 : memref<152x96xf32, #tpu.memory_space<vmem_shared>>)
      tpu.yield
    }) : () -> ()
    %barrier3A = arith.constant 0 : index
    tpu.barrier barrier_id(%barrier3A)
    "tpu.region"() ({
      %run_scoped3A_67 = tpu.sem_alloc : memref<!tpu.dma_semaphore, #tpu.memory_space<semaphore_mem>>
      %dma_start3A_68 = arith.constant 0 : i32
      %dma_start3A_69 = arith.constant 0 : i32
      %dma_start3A_70 = tpu.memref_slice %arg3[%arg1, %dma_start3A_68, %dma_start3A_69] : memref<16x312x64xi32, #tpu.memory_space<hbm>> -> memref<1x312x64xi32, #tpu.memory_space<hbm>>
      %dma_start3A_71 = tpu.memref_squeeze %dma_start3A_70 : memref<1x312x64xi32, #tpu.memory_space<hbm>> -> memref<312x64xi32, #tpu.memory_space<hbm>>
      %dma_start3A_72 = arith.constant 0 : i32
      %dma_start3A_73 = arith.constant 0 : i32
      %dma_start3A_74 = tpu.memref_slice %arg3[%arg1, %dma_start3A_72, %dma_start3A_73] : memref<16x312x64xi32, #tpu.memory_space<hbm>> -> memref<1x312x64xi32, #tpu.memory_space<hbm>>
      %dma_start3A_75 = tpu.memref_squeeze %dma_start3A_74 : memref<1x312x64xi32, #tpu.memory_space<hbm>> -> memref<312x64xi32, #tpu.memory_space<hbm>>
      tpu.enqueue_dma source(%dma_start3A_75 : memref<312x64xi32, #tpu.memory_space<hbm>>) target(%arg8 : memref<312x64xi32, #tpu.memory_space<vmem>>) target_semaphore(%run_scoped3A_67 : memref<!tpu.dma_semaphore, #tpu.memory_space<semaphore_mem>>)
      %dma_wait3A_76 = arith.constant 0 : i32
      %dma_wait3A_77 = arith.constant 0 : i32
      %dma_wait3A_78 = tpu.memref_slice %arg3[%arg1, %dma_wait3A_76, %dma_wait3A_77] : memref<16x312x64xi32, #tpu.memory_space<hbm>> -> memref<1x312x64xi32, #tpu.memory_space<hbm>>
      %dma_wait3A_79 = tpu.memref_squeeze %dma_wait3A_78 : memref<1x312x64xi32, #tpu.memory_space<hbm>> -> memref<312x64xi32, #tpu.memory_space<hbm>>
      %dma_wait3A_80 = arith.constant 0 : i32
      %dma_wait3A_81 = arith.constant 0 : i32
      %dma_wait3A_82 = tpu.memref_slice %arg3[%arg1, %dma_wait3A_80, %dma_wait3A_81] : memref<16x312x64xi32, #tpu.memory_space<hbm>> -> memref<1x312x64xi32, #tpu.memory_space<hbm>>
      %dma_wait3A_83 = tpu.memref_squeeze %dma_wait3A_82 : memref<1x312x64xi32, #tpu.memory_space<hbm>> -> memref<312x64xi32, #tpu.memory_space<hbm>>
      tpu.wait_dma2 semaphore(%run_scoped3A_67 : memref<!tpu.dma_semaphore, #tpu.memory_space<semaphore_mem>>) src(%dma_wait3A_83 : memref<312x64xi32, #tpu.memory_space<hbm>>) dst(%arg8 : memref<312x64xi32, #tpu.memory_space<vmem>>)
      tpu.yield
    }) : () -> ()
    "tpu.region"() ({
      %run_scoped3A_67 = tpu.sem_alloc : memref<!tpu.dma_semaphore, #tpu.memory_space<semaphore_mem>>
      %dma_start3A_68 = arith.constant 0 : i32
      %dma_start3A_69 = arith.constant 0 : i32
      %dma_start3A_70 = tpu.memref_slice %arg4[%arg1, %dma_start3A_68, %dma_start3A_69] : memref<16x312x64xi32, #tpu.memory_space<hbm>> -> memref<1x312x64xi32, #tpu.memory_space<hbm>>
      %dma_start3A_71 = tpu.memref_squeeze %dma_start3A_70 : memref<1x312x64xi32, #tpu.memory_space<hbm>> -> memref<312x64xi32, #tpu.memory_space<hbm>>
      %dma_start3A_72 = arith.constant 0 : i32
      %dma_start3A_73 = arith.constant 0 : i32
      %dma_start3A_74 = tpu.memref_slice %arg4[%arg1, %dma_start3A_72, %dma_start3A_73] : memref<16x312x64xi32, #tpu.memory_space<hbm>> -> memref<1x312x64xi32, #tpu.memory_space<hbm>>
      %dma_start3A_75 = tpu.memref_squeeze %dma_start3A_74 : memref<1x312x64xi32, #tpu.memory_space<hbm>> -> memref<312x64xi32, #tpu.memory_space<hbm>>
      tpu.enqueue_dma source(%dma_start3A_75 : memref<312x64xi32, #tpu.memory_space<hbm>>) target(%arg9 : memref<312x64xi32, #tpu.memory_space<vmem>>) target_semaphore(%run_scoped3A_67 : memref<!tpu.dma_semaphore, #tpu.memory_space<semaphore_mem>>)
      %dma_wait3A_76 = arith.constant 0 : i32
      %dma_wait3A_77 = arith.constant 0 : i32
      %dma_wait3A_78 = tpu.memref_slice %arg4[%arg1, %dma_wait3A_76, %dma_wait3A_77] : memref<16x312x64xi32, #tpu.memory_space<hbm>> -> memref<1x312x64xi32, #tpu.memory_space<hbm>>
      %dma_wait3A_79 = tpu.memref_squeeze %dma_wait3A_78 : memref<1x312x64xi32, #tpu.memory_space<hbm>> -> memref<312x64xi32, #tpu.memory_space<hbm>>
      %dma_wait3A_80 = arith.constant 0 : i32
      %dma_wait3A_81 = arith.constant 0 : i32
      %dma_wait3A_82 = tpu.memref_slice %arg4[%arg1, %dma_wait3A_80, %dma_wait3A_81] : memref<16x312x64xi32, #tpu.memory_space<hbm>> -> memref<1x312x64xi32, #tpu.memory_space<hbm>>
      %dma_wait3A_83 = tpu.memref_squeeze %dma_wait3A_82 : memref<1x312x64xi32, #tpu.memory_space<hbm>> -> memref<312x64xi32, #tpu.memory_space<hbm>>
      tpu.wait_dma2 semaphore(%run_scoped3A_67 : memref<!tpu.dma_semaphore, #tpu.memory_space<semaphore_mem>>) src(%dma_wait3A_83 : memref<312x64xi32, #tpu.memory_space<hbm>>) dst(%arg9 : memref<312x64xi32, #tpu.memory_space<vmem>>)
      tpu.yield
    }) : () -> ()
    "tpu.region"() ({
      %run_scoped3A_67 = tpu.sem_alloc : memref<!tpu.dma_semaphore, #tpu.memory_space<semaphore_mem>>
      %dma_start3A_68 = arith.constant 0 : i32
      %dma_start3A_69 = arith.constant 0 : i32
      %dma_start3A_70 = tpu.memref_slice %arg5[%arg1, %dma_start3A_68, %dma_start3A_69] : memref<16x1x32xi32, #tpu.memory_space<hbm>> -> memref<1x1x32xi32, #tpu.memory_space<hbm>>
      %dma_start3A_71 = tpu.memref_squeeze %dma_start3A_70 : memref<1x1x32xi32, #tpu.memory_space<hbm>> -> memref<1x32xi32, #tpu.memory_space<hbm>>
      %dma_start3A_72 = arith.constant 0 : i32
      %dma_start3A_73 = arith.constant 0 : i32
      %dma_start3A_74 = tpu.memref_slice %arg5[%arg1, %dma_start3A_72, %dma_start3A_73] : memref<16x1x32xi32, #tpu.memory_space<hbm>> -> memref<1x1x32xi32, #tpu.memory_space<hbm>>
      %dma_start3A_75 = tpu.memref_squeeze %dma_start3A_74 : memref<1x1x32xi32, #tpu.memory_space<hbm>> -> memref<1x32xi32, #tpu.memory_space<hbm>>
      tpu.enqueue_dma source(%dma_start3A_75 : memref<1x32xi32, #tpu.memory_space<hbm>>) target(%arg10 : memref<1x32xi32, #tpu.memory_space<vmem>>) target_semaphore(%run_scoped3A_67 : memref<!tpu.dma_semaphore, #tpu.memory_space<semaphore_mem>>)
      %dma_wait3A_76 = arith.constant 0 : i32
      %dma_wait3A_77 = arith.constant 0 : i32
      %dma_wait3A_78 = tpu.memref_slice %arg5[%arg1, %dma_wait3A_76, %dma_wait3A_77] : memref<16x1x32xi32, #tpu.memory_space<hbm>> -> memref<1x1x32xi32, #tpu.memory_space<hbm>>
      %dma_wait3A_79 = tpu.memref_squeeze %dma_wait3A_78 : memref<1x1x32xi32, #tpu.memory_space<hbm>> -> memref<1x32xi32, #tpu.memory_space<hbm>>
      %dma_wait3A_80 = arith.constant 0 : i32
      %dma_wait3A_81 = arith.constant 0 : i32
      %dma_wait3A_82 = tpu.memref_slice %arg5[%arg1, %dma_wait3A_80, %dma_wait3A_81] : memref<16x1x32xi32, #tpu.memory_space<hbm>> -> memref<1x1x32xi32, #tpu.memory_space<hbm>>
      %dma_wait3A_83 = tpu.memref_squeeze %dma_wait3A_82 : memref<1x1x32xi32, #tpu.memory_space<hbm>> -> memref<1x32xi32, #tpu.memory_space<hbm>>
      tpu.wait_dma2 semaphore(%run_scoped3A_67 : memref<!tpu.dma_semaphore, #tpu.memory_space<semaphore_mem>>) src(%dma_wait3A_83 : memref<1x32xi32, #tpu.memory_space<hbm>>) dst(%arg10 : memref<1x32xi32, #tpu.memory_space<vmem>>)
      tpu.yield
    }) : () -> ()
    "tpu.region"() ({
      %run_scoped3A_67 = tpu.sem_alloc : memref<!tpu.dma_semaphore, #tpu.memory_space<semaphore_mem>>
      %dma_start3A_68 = arith.constant 0 : i32
      %dma_start3A_69 = arith.constant 0 : i32
      %dma_start3A_70 = tpu.memref_slice %arg6[%arg1, %dma_start3A_68, %dma_start3A_69] : memref<16x1x32xi32, #tpu.memory_space<hbm>> -> memref<1x1x32xi32, #tpu.memory_space<hbm>>
      %dma_start3A_71 = tpu.memref_squeeze %dma_start3A_70 : memref<1x1x32xi32, #tpu.memory_space<hbm>> -> memref<1x32xi32, #tpu.memory_space<hbm>>
      %dma_start3A_72 = arith.constant 0 : i32
      %dma_start3A_73 = arith.constant 0 : i32
      %dma_start3A_74 = tpu.memref_slice %arg6[%arg1, %dma_start3A_72, %dma_start3A_73] : memref<16x1x32xi32, #tpu.memory_space<hbm>> -> memref<1x1x32xi32, #tpu.memory_space<hbm>>
      %dma_start3A_75 = tpu.memref_squeeze %dma_start3A_74 : memref<1x1x32xi32, #tpu.memory_space<hbm>> -> memref<1x32xi32, #tpu.memory_space<hbm>>
      tpu.enqueue_dma source(%dma_start3A_75 : memref<1x32xi32, #tpu.memory_space<hbm>>) target(%arg11 : memref<1x32xi32, #tpu.memory_space<vmem>>) target_semaphore(%run_scoped3A_67 : memref<!tpu.dma_semaphore, #tpu.memory_space<semaphore_mem>>)
      %dma_wait3A_76 = arith.constant 0 : i32
      %dma_wait3A_77 = arith.constant 0 : i32
      %dma_wait3A_78 = tpu.memref_slice %arg6[%arg1, %dma_wait3A_76, %dma_wait3A_77] : memref<16x1x32xi32, #tpu.memory_space<hbm>> -> memref<1x1x32xi32, #tpu.memory_space<hbm>>
      %dma_wait3A_79 = tpu.memref_squeeze %dma_wait3A_78 : memref<1x1x32xi32, #tpu.memory_space<hbm>> -> memref<1x32xi32, #tpu.memory_space<hbm>>
      %dma_wait3A_80 = arith.constant 0 : i32
      %dma_wait3A_81 = arith.constant 0 : i32
      %dma_wait3A_82 = tpu.memref_slice %arg6[%arg1, %dma_wait3A_80, %dma_wait3A_81] : memref<16x1x32xi32, #tpu.memory_space<hbm>> -> memref<1x1x32xi32, #tpu.memory_space<hbm>>
      %dma_wait3A_83 = tpu.memref_squeeze %dma_wait3A_82 : memref<1x1x32xi32, #tpu.memory_space<hbm>> -> memref<1x32xi32, #tpu.memory_space<hbm>>
      tpu.wait_dma2 semaphore(%run_scoped3A_67 : memref<!tpu.dma_semaphore, #tpu.memory_space<semaphore_mem>>) src(%dma_wait3A_83 : memref<1x32xi32, #tpu.memory_space<hbm>>) dst(%arg11 : memref<1x32xi32, #tpu.memory_space<vmem>>)
      tpu.yield
    }) : () -> ()
    %dma_start3A = arith.constant 0 : i32
    %dma_start3A_20 = arith.constant 0 : i32
    %dma_start3A_21 = arith.constant 0 : i32
    %dma_start3A_22 = arith.constant 0 : i32
    %dma_start3A_23 = arith.constant 0 : i32
    %dma_start3A_24 = tpu.memref_slice %arg12[%dma_start3A_20, %dma_start3A_22, %dma_start3A_23] : memref<2x64x96xf32, #tpu.memory_space<vmem>> -> memref<1x64x96xf32, #tpu.memory_space<vmem>>
    %dma_start3A_25 = tpu.memref_squeeze %dma_start3A_24 : memref<1x64x96xf32, #tpu.memory_space<vmem>> -> memref<64x96xf32, #tpu.memory_space<vmem>>
    %dma_start3A_26 = arith.constant 0 : i32
    %dma_start3A_27 = tpu.memref_slice %arg8[%dma_start3A, %dma_start3A_26] : memref<312x64xi32, #tpu.memory_space<vmem>> -> memref<1x64xi32, #tpu.memory_space<vmem>>
    %dma_start3A_28 = tpu.memref_squeeze %dma_start3A_27 : memref<1x64xi32, #tpu.memory_space<vmem>> -> memref<64xi32, #tpu.memory_space<vmem>>
    %dma_start3A_29 = arith.constant 0 : i32
    %dma_start3A_30 = arith.constant 0 : i32
    %dma_start3A_31 = tpu.memref_slice %arg2[%arg0, %dma_start3A_29, %dma_start3A_30] : memref<2x10000x96xf32, #tpu.memory_space<hbm>> -> memref<1x10000x96xf32, #tpu.memory_space<hbm>>
    %dma_start3A_32 = tpu.memref_squeeze %dma_start3A_31 : memref<1x10000x96xf32, #tpu.memory_space<hbm>> -> memref<10000x96xf32, #tpu.memory_space<hbm>>
    %dma_start3A_33 = arith.constant 0 : i32
    %dma_start3A_34 = arith.constant 0 : i32
    %dma_start3A_35 = tpu.memref_slice %dma_start3A_32[%dma_start3A_33, %dma_start3A_34] : memref<10000x96xf32, #tpu.memory_space<hbm>> -> memref<10000x96xf32, #tpu.memory_space<hbm>>
    %dma_start3A_36 = tpu.memref_slice %arg15[%dma_start3A_21] : memref<2x!tpu.dma_semaphore, #tpu.memory_space<semaphore_mem>> -> memref<1x!tpu.dma_semaphore, #tpu.memory_space<semaphore_mem>>
    %dma_start3A_37 = tpu.memref_squeeze %dma_start3A_36 : memref<1x!tpu.dma_semaphore, #tpu.memory_space<semaphore_mem>> -> memref<!tpu.dma_semaphore, #tpu.memory_space<semaphore_mem>>
    tpu.enqueue_indirect_dma source(%dma_start3A_35 : memref<10000x96xf32, #tpu.memory_space<hbm>>) target(%dma_start3A_25 : memref<64x96xf32, #tpu.memory_space<vmem>>) offsets(%dma_start3A_28 : memref<64xi32, #tpu.memory_space<vmem>>) semaphore(%dma_start3A_37 : memref<!tpu.dma_semaphore, #tpu.memory_space<semaphore_mem>>)
    %scan3A_38 = arith.constant 0 : i32
    %scan3A_39 = arith.constant 0 : i32
    %scan3A_40 = arith.constant 312 : i32
    %scan3A_41 = arith.addi %scan3A_39, %scan3A_40 : i32
    %scan3A_42 = arith.constant 1 : i32
    %scan3A_43 = scf.for %scan3A_67 = %scan3A_39 to %scan3A_41 step %scan3A_42 iter_args(%scan3A_68 = %scan3A_38) -> (i32)  : i32 {
      %jit3A = arith.constant 2 : i32
      %eq3A = arith.constant 0 : i32
      %eq3A_69 = arith.cmpi eq, %jit3A, %eq3A : i32
      %jit3A_70 = arith.constant 1 : i32
      %select_n3A = arith.select %eq3A_69, %jit3A_70, %jit3A : i32
      %rem3A = arith.remsi %scan3A_67, %select_n3A : i32
      %ne3A = arith.constant 0 : i32
      %ne3A_71 = arith.cmpi ne, %rem3A, %ne3A : i32
      %lt3A = arith.constant 0 : i32
      %lt3A_72 = arith.cmpi slt, %rem3A, %lt3A : i32
      %lt3A_73 = arith.constant 0 : i32
      %lt3A_74 = arith.cmpi slt, %select_n3A, %lt3A_73 : i32
      %ne3A_75 = arith.xori %lt3A_72, %lt3A_74 : i1
      %and3A = arith.andi %ne3A_75, %ne3A_71 : i1
      %add3A_76 = arith.addi %rem3A, %select_n3A : i32
      %select_n3A_77 = arith.select %and3A, %add3A_76, %rem3A : i32
      %dma_wait3A_78 = arith.constant 0 : i32
      %dma_wait3A_79 = arith.constant 0 : i32
      %dma_wait3A_80 = tpu.memref_slice %arg12[%select_n3A_77, %dma_wait3A_78, %dma_wait3A_79] : memref<2x64x96xf32, #tpu.memory_space<vmem>> -> memref<1x64x96xf32, #tpu.memory_space<vmem>>
      %dma_wait3A_81 = tpu.memref_squeeze %dma_wait3A_80 : memref<1x64x96xf32, #tpu.memory_space<vmem>> -> memref<64x96xf32, #tpu.memory_space<vmem>>
      %dma_wait3A_82 = arith.constant 0 : i32
      %dma_wait3A_83 = tpu.memref_slice %arg8[%scan3A_67, %dma_wait3A_82] : memref<312x64xi32, #tpu.memory_space<vmem>> -> memref<1x64xi32, #tpu.memory_space<vmem>>
      %dma_wait3A_84 = tpu.memref_squeeze %dma_wait3A_83 : memref<1x64xi32, #tpu.memory_space<vmem>> -> memref<64xi32, #tpu.memory_space<vmem>>
      %dma_wait3A_85 = arith.constant 0 : i32
      %dma_wait3A_86 = arith.constant 0 : i32
      %dma_wait3A_87 = tpu.memref_slice %arg2[%arg0, %dma_wait3A_85, %dma_wait3A_86] : memref<2x10000x96xf32, #tpu.memory_space<hbm>> -> memref<1x10000x96xf32, #tpu.memory_space<hbm>>
      %dma_wait3A_88 = tpu.memref_squeeze %dma_wait3A_87 : memref<1x10000x96xf32, #tpu.memory_space<hbm>> -> memref<10000x96xf32, #tpu.memory_space<hbm>>
      %dma_wait3A_89 = arith.constant 0 : i32
      %dma_wait3A_90 = arith.constant 0 : i32
      %dma_wait3A_91 = tpu.memref_slice %dma_wait3A_88[%dma_wait3A_89, %dma_wait3A_90] : memref<10000x96xf32, #tpu.memory_space<hbm>> -> memref<10000x96xf32, #tpu.memory_space<hbm>>
      %dma_wait3A_92 = tpu.memref_slice %arg15[%select_n3A_77] : memref<2x!tpu.dma_semaphore, #tpu.memory_space<semaphore_mem>> -> memref<1x!tpu.dma_semaphore, #tpu.memory_space<semaphore_mem>>
      %dma_wait3A_93 = tpu.memref_squeeze %dma_wait3A_92 : memref<1x!tpu.dma_semaphore, #tpu.memory_space<semaphore_mem>> -> memref<!tpu.dma_semaphore, #tpu.memory_space<semaphore_mem>>
      tpu.wait_indirect_dma semaphore(%dma_wait3A_93 : memref<!tpu.dma_semaphore, #tpu.memory_space<semaphore_mem>>) src(%dma_wait3A_91 : memref<10000x96xf32, #tpu.memory_space<hbm>>) dst(%dma_wait3A_81 : memref<64x96xf32, #tpu.memory_space<vmem>>)
      %dma_start3A_94 = arith.constant 0 : i32
      %dma_start3A_95 = arith.constant 0 : i32
      %dma_start3A_96 = tpu.memref_slice %arg12[%select_n3A_77, %dma_start3A_94, %dma_start3A_95] : memref<2x64x96xf32, #tpu.memory_space<vmem>> -> memref<1x64x96xf32, #tpu.memory_space<vmem>>
      %dma_start3A_97 = tpu.memref_squeeze %dma_start3A_96 : memref<1x64x96xf32, #tpu.memory_space<vmem>> -> memref<64x96xf32, #tpu.memory_space<vmem>>
      %dma_start3A_98 = arith.constant 0 : i32
      %dma_start3A_99 = tpu.memref_slice %arg9[%scan3A_67, %dma_start3A_98] : memref<312x64xi32, #tpu.memory_space<vmem>> -> memref<1x64xi32, #tpu.memory_space<vmem>>
      %dma_start3A_100 = tpu.memref_squeeze %dma_start3A_99 : memref<1x64xi32, #tpu.memory_space<vmem>> -> memref<64xi32, #tpu.memory_space<vmem>>
      %dma_start3A_101 = arith.constant 0 : i32
      %dma_start3A_102 = arith.constant 0 : i32
      %dma_start3A_103 = tpu.memref_slice %arg14[%dma_start3A_101, %dma_start3A_102] : memref<10112x96xf32, #tpu.memory_space<vmem_shared>> -> memref<10112x96xf32, #tpu.memory_space<vmem_shared>>
      %dma_start3A_104 = tpu.memref_slice %arg16[%select_n3A_77] : memref<2x!tpu.dma_semaphore, #tpu.memory_space<semaphore_mem>> -> memref<1x!tpu.dma_semaphore, #tpu.memory_space<semaphore_mem>>
      %dma_start3A_105 = tpu.memref_squeeze %dma_start3A_104 : memref<1x!tpu.dma_semaphore, #tpu.memory_space<semaphore_mem>> -> memref<!tpu.dma_semaphore, #tpu.memory_space<semaphore_mem>>
      tpu.enqueue_indirect_dma source(%dma_start3A_97 : memref<64x96xf32, #tpu.memory_space<vmem>>) target(%dma_start3A_103 : memref<10112x96xf32, #tpu.memory_space<vmem_shared>>) offsets(%dma_start3A_100 : memref<64xi32, #tpu.memory_space<vmem>>) semaphore(%dma_start3A_105 : memref<!tpu.dma_semaphore, #tpu.memory_space<semaphore_mem>>) {add = true}
      %ge3A = arith.constant 1 : i32
      %ge3A_106 = arith.cmpi sge, %scan3A_67, %ge3A : i32
      %convert_element_type3A = arith.extui %ge3A_106 : i1 to i32
      %cond3A = arith.constant 0 : i32
      %cond3A_107 = arith.cmpi ne, %convert_element_type3A, %cond3A : i32
      scf.if %cond3A_107 {
        %sub3A = arith.constant 1 : i32
        %sub3A_116 = arith.subi %scan3A_67, %sub3A : i32
        %sub3A_117 = arith.constant 1 : i32
        %sub3A_118 = arith.subi %sub3A_117, %select_n3A_77 : i32
        %dma_wait3A_119 = arith.constant 0 : i32
        %dma_wait3A_120 = arith.constant 0 : i32
        %dma_wait3A_121 = tpu.memref_slice %arg12[%sub3A_118, %dma_wait3A_119, %dma_wait3A_120] : memref<2x64x96xf32, #tpu.memory_space<vmem>> -> memref<1x64x96xf32, #tpu.memory_space<vmem>>
        %dma_wait3A_122 = tpu.memref_squeeze %dma_wait3A_121 : memref<1x64x96xf32, #tpu.memory_space<vmem>> -> memref<64x96xf32, #tpu.memory_space<vmem>>
        %dma_wait3A_123 = arith.constant 0 : i32
        %dma_wait3A_124 = tpu.memref_slice %arg9[%sub3A_116, %dma_wait3A_123] : memref<312x64xi32, #tpu.memory_space<vmem>> -> memref<1x64xi32, #tpu.memory_space<vmem>>
        %dma_wait3A_125 = tpu.memref_squeeze %dma_wait3A_124 : memref<1x64xi32, #tpu.memory_space<vmem>> -> memref<64xi32, #tpu.memory_space<vmem>>
        %dma_wait3A_126 = arith.constant 0 : i32
        %dma_wait3A_127 = arith.constant 0 : i32
        %dma_wait3A_128 = tpu.memref_slice %arg14[%dma_wait3A_126, %dma_wait3A_127] : memref<10112x96xf32, #tpu.memory_space<vmem_shared>> -> memref<10112x96xf32, #tpu.memory_space<vmem_shared>>
        %dma_wait3A_129 = tpu.memref_slice %arg16[%sub3A_118] : memref<2x!tpu.dma_semaphore, #tpu.memory_space<semaphore_mem>> -> memref<1x!tpu.dma_semaphore, #tpu.memory_space<semaphore_mem>>
        %dma_wait3A_130 = tpu.memref_squeeze %dma_wait3A_129 : memref<1x!tpu.dma_semaphore, #tpu.memory_space<semaphore_mem>> -> memref<!tpu.dma_semaphore, #tpu.memory_space<semaphore_mem>>
        tpu.wait_indirect_dma semaphore(%dma_wait3A_130 : memref<!tpu.dma_semaphore, #tpu.memory_space<semaphore_mem>>) src(%dma_wait3A_122 : memref<64x96xf32, #tpu.memory_space<vmem>>) dst(%dma_wait3A_128 : memref<10112x96xf32, #tpu.memory_space<vmem_shared>>)
      } else {
      }
      %add3A_108 = arith.constant 1 : i32
      %add3A_109 = arith.addi %scan3A_67, %add3A_108 : i32
      %lt3A_110 = arith.constant 312 : i32
      %lt3A_111 = arith.cmpi slt, %add3A_109, %lt3A_110 : i32
      %convert_element_type3A_112 = arith.extui %lt3A_111 : i1 to i32
      %cond3A_113 = arith.constant 0 : i32
      %cond3A_114 = arith.cmpi ne, %convert_element_type3A_112, %cond3A_113 : i32
      scf.if %cond3A_114 {
        %add3A_116 = arith.constant 1 : i32
        %add3A_117 = arith.addi %scan3A_67, %add3A_116 : i32
        %sub3A = arith.constant 1 : i32
        %sub3A_118 = arith.subi %sub3A, %select_n3A_77 : i32
        %dma_start3A_119 = arith.constant 0 : i32
        %dma_start3A_120 = arith.constant 0 : i32
        %dma_start3A_121 = tpu.memref_slice %arg12[%sub3A_118, %dma_start3A_119, %dma_start3A_120] : memref<2x64x96xf32, #tpu.memory_space<vmem>> -> memref<1x64x96xf32, #tpu.memory_space<vmem>>
        %dma_start3A_122 = tpu.memref_squeeze %dma_start3A_121 : memref<1x64x96xf32, #tpu.memory_space<vmem>> -> memref<64x96xf32, #tpu.memory_space<vmem>>
        %dma_start3A_123 = arith.constant 0 : i32
        %dma_start3A_124 = tpu.memref_slice %arg8[%add3A_117, %dma_start3A_123] : memref<312x64xi32, #tpu.memory_space<vmem>> -> memref<1x64xi32, #tpu.memory_space<vmem>>
        %dma_start3A_125 = tpu.memref_squeeze %dma_start3A_124 : memref<1x64xi32, #tpu.memory_space<vmem>> -> memref<64xi32, #tpu.memory_space<vmem>>
        %dma_start3A_126 = arith.constant 0 : i32
        %dma_start3A_127 = arith.constant 0 : i32
        %dma_start3A_128 = tpu.memref_slice %arg2[%arg0, %dma_start3A_126, %dma_start3A_127] : memref<2x10000x96xf32, #tpu.memory_space<hbm>> -> memref<1x10000x96xf32, #tpu.memory_space<hbm>>
        %dma_start3A_129 = tpu.memref_squeeze %dma_start3A_128 : memref<1x10000x96xf32, #tpu.memory_space<hbm>> -> memref<10000x96xf32, #tpu.memory_space<hbm>>
        %dma_start3A_130 = arith.constant 0 : i32
        %dma_start3A_131 = arith.constant 0 : i32
        %dma_start3A_132 = tpu.memref_slice %dma_start3A_129[%dma_start3A_130, %dma_start3A_131] : memref<10000x96xf32, #tpu.memory_space<hbm>> -> memref<10000x96xf32, #tpu.memory_space<hbm>>
        %dma_start3A_133 = tpu.memref_slice %arg15[%sub3A_118] : memref<2x!tpu.dma_semaphore, #tpu.memory_space<semaphore_mem>> -> memref<1x!tpu.dma_semaphore, #tpu.memory_space<semaphore_mem>>
        %dma_start3A_134 = tpu.memref_squeeze %dma_start3A_133 : memref<1x!tpu.dma_semaphore, #tpu.memory_space<semaphore_mem>> -> memref<!tpu.dma_semaphore, #tpu.memory_space<semaphore_mem>>
        tpu.enqueue_indirect_dma source(%dma_start3A_132 : memref<10000x96xf32, #tpu.memory_space<hbm>>) target(%dma_start3A_122 : memref<64x96xf32, #tpu.memory_space<vmem>>) offsets(%dma_start3A_125 : memref<64xi32, #tpu.memory_space<vmem>>) semaphore(%dma_start3A_134 : memref<!tpu.dma_semaphore, #tpu.memory_space<semaphore_mem>>)
      } else {
      }
      %scan3A_115 = arith.constant 0 : i32
      scf.yield %scan3A_115 : i32
    }
    %scan3A_44 = arith.constant 312 : i32
    %dma_wait3A = arith.constant 1 : i32
    %dma_wait3A_45 = arith.constant 311 : i32
    %dma_wait3A_46 = arith.constant 1 : i32
    %dma_wait3A_47 = arith.constant 0 : i32
    %dma_wait3A_48 = arith.constant 0 : i32
    %dma_wait3A_49 = tpu.memref_slice %arg12[%dma_wait3A, %dma_wait3A_47, %dma_wait3A_48] : memref<2x64x96xf32, #tpu.memory_space<vmem>> -> memref<1x64x96xf32, #tpu.memory_space<vmem>>
    %dma_wait3A_50 = tpu.memref_squeeze %dma_wait3A_49 : memref<1x64x96xf32, #tpu.memory_space<vmem>> -> memref<64x96xf32, #tpu.memory_space<vmem>>
    %dma_wait3A_51 = arith.constant 0 : i32
    %dma_wait3A_52 = tpu.memref_slice %arg9[%dma_wait3A_45, %dma_wait3A_51] : memref<312x64xi32, #tpu.memory_space<vmem>> -> memref<1x64xi32, #tpu.memory_space<vmem>>
    %dma_wait3A_53 = tpu.memref_squeeze %dma_wait3A_52 : memref<1x64xi32, #tpu.memory_space<vmem>> -> memref<64xi32, #tpu.memory_space<vmem>>
    %dma_wait3A_54 = arith.constant 0 : i32
    %dma_wait3A_55 = arith.constant 0 : i32
    %dma_wait3A_56 = tpu.memref_slice %arg14[%dma_wait3A_54, %dma_wait3A_55] : memref<10112x96xf32, #tpu.memory_space<vmem_shared>> -> memref<10112x96xf32, #tpu.memory_space<vmem_shared>>
    %dma_wait3A_57 = tpu.memref_slice %arg16[%dma_wait3A_46] : memref<2x!tpu.dma_semaphore, #tpu.memory_space<semaphore_mem>> -> memref<1x!tpu.dma_semaphore, #tpu.memory_space<semaphore_mem>>
    %dma_wait3A_58 = tpu.memref_squeeze %dma_wait3A_57 : memref<1x!tpu.dma_semaphore, #tpu.memory_space<semaphore_mem>> -> memref<!tpu.dma_semaphore, #tpu.memory_space<semaphore_mem>>
    tpu.wait_indirect_dma semaphore(%dma_wait3A_58 : memref<!tpu.dma_semaphore, #tpu.memory_space<semaphore_mem>>) src(%dma_wait3A_50 : memref<64x96xf32, #tpu.memory_space<vmem>>) dst(%dma_wait3A_56 : memref<10112x96xf32, #tpu.memory_space<vmem_shared>>)
    %run_scoped3A = arith.constant 0 : i32
    %run_scoped3A_59 = arith.constant 0 : i32
    "tpu.region"() ({
      %run_scoped3A_67 = tpu.sem_alloc : memref<!tpu.dma_semaphore, #tpu.memory_space<semaphore_mem>>
      %dma_start3A_68 = arith.constant 0 : i32
      %dma_start3A_69 = arith.constant 0 : i32
      %dma_start3A_70 = tpu.memref_slice %arg12[%run_scoped3A_59, %dma_start3A_68, %dma_start3A_69] : memref<2x64x96xf32, #tpu.memory_space<vmem>> -> memref<1x32x96xf32, #tpu.memory_space<vmem>>
      %dma_start3A_71 = tpu.memref_squeeze %dma_start3A_70 : memref<1x32x96xf32, #tpu.memory_space<vmem>> -> memref<32x96xf32, #tpu.memory_space<vmem>>
      %dma_start3A_72 = arith.constant 0 : i32
      %dma_start3A_73 = tpu.memref_slice %arg10[%run_scoped3A, %dma_start3A_72] : memref<1x32xi32, #tpu.memory_space<vmem>> -> memref<1x32xi32, #tpu.memory_space<vmem>>
      %dma_start3A_74 = tpu.memref_squeeze %dma_start3A_73 : memref<1x32xi32, #tpu.memory_space<vmem>> -> memref<32xi32, #tpu.memory_space<vmem>>
      %dma_start3A_75 = arith.constant 0 : i32
      %dma_start3A_76 = arith.constant 0 : i32
      %dma_start3A_77 = tpu.memref_slice %arg2[%arg0, %dma_start3A_75, %dma_start3A_76] : memref<2x10000x96xf32, #tpu.memory_space<hbm>> -> memref<1x10000x96xf32, #tpu.memory_space<hbm>>
      %dma_start3A_78 = tpu.memref_squeeze %dma_start3A_77 : memref<1x10000x96xf32, #tpu.memory_space<hbm>> -> memref<10000x96xf32, #tpu.memory_space<hbm>>
      %dma_start3A_79 = arith.constant 0 : i32
      %dma_start3A_80 = arith.constant 0 : i32
      %dma_start3A_81 = tpu.memref_slice %dma_start3A_78[%dma_start3A_79, %dma_start3A_80] : memref<10000x96xf32, #tpu.memory_space<hbm>> -> memref<10000x96xf32, #tpu.memory_space<hbm>>
      tpu.enqueue_indirect_dma source(%dma_start3A_81 : memref<10000x96xf32, #tpu.memory_space<hbm>>) target(%dma_start3A_71 : memref<32x96xf32, #tpu.memory_space<vmem>>) offsets(%dma_start3A_74 : memref<32xi32, #tpu.memory_space<vmem>>) semaphore(%run_scoped3A_67 : memref<!tpu.dma_semaphore, #tpu.memory_space<semaphore_mem>>)
      %dma_wait3A_82 = arith.constant 0 : i32
      %dma_wait3A_83 = arith.constant 0 : i32
      %dma_wait3A_84 = tpu.memref_slice %arg12[%run_scoped3A_59, %dma_wait3A_82, %dma_wait3A_83] : memref<2x64x96xf32, #tpu.memory_space<vmem>> -> memref<1x32x96xf32, #tpu.memory_space<vmem>>
      %dma_wait3A_85 = tpu.memref_squeeze %dma_wait3A_84 : memref<1x32x96xf32, #tpu.memory_space<vmem>> -> memref<32x96xf32, #tpu.memory_space<vmem>>
      %dma_wait3A_86 = arith.constant 0 : i32
      %dma_wait3A_87 = tpu.memref_slice %arg10[%run_scoped3A, %dma_wait3A_86] : memref<1x32xi32, #tpu.memory_space<vmem>> -> memref<1x32xi32, #tpu.memory_space<vmem>>
      %dma_wait3A_88 = tpu.memref_squeeze %dma_wait3A_87 : memref<1x32xi32, #tpu.memory_space<vmem>> -> memref<32xi32, #tpu.memory_space<vmem>>
      %dma_wait3A_89 = arith.constant 0 : i32
      %dma_wait3A_90 = arith.constant 0 : i32
      %dma_wait3A_91 = tpu.memref_slice %arg2[%arg0, %dma_wait3A_89, %dma_wait3A_90] : memref<2x10000x96xf32, #tpu.memory_space<hbm>> -> memref<1x10000x96xf32, #tpu.memory_space<hbm>>
      %dma_wait3A_92 = tpu.memref_squeeze %dma_wait3A_91 : memref<1x10000x96xf32, #tpu.memory_space<hbm>> -> memref<10000x96xf32, #tpu.memory_space<hbm>>
      %dma_wait3A_93 = arith.constant 0 : i32
      %dma_wait3A_94 = arith.constant 0 : i32
      %dma_wait3A_95 = tpu.memref_slice %dma_wait3A_92[%dma_wait3A_93, %dma_wait3A_94] : memref<10000x96xf32, #tpu.memory_space<hbm>> -> memref<10000x96xf32, #tpu.memory_space<hbm>>
      tpu.wait_indirect_dma semaphore(%run_scoped3A_67 : memref<!tpu.dma_semaphore, #tpu.memory_space<semaphore_mem>>) src(%dma_wait3A_95 : memref<10000x96xf32, #tpu.memory_space<hbm>>) dst(%dma_wait3A_85 : memref<32x96xf32, #tpu.memory_space<vmem>>)
      tpu.yield
    }) : () -> ()
    %run_scoped3A_60 = arith.constant 0 : i32
    %run_scoped3A_61 = arith.constant 0 : i32
    "tpu.region"() ({
      %run_scoped3A_67 = tpu.sem_alloc : memref<!tpu.dma_semaphore, #tpu.memory_space<semaphore_mem>>
      %dma_start3A_68 = arith.constant 0 : i32
      %dma_start3A_69 = arith.constant 0 : i32
      %dma_start3A_70 = tpu.memref_slice %arg12[%run_scoped3A_60, %dma_start3A_68, %dma_start3A_69] : memref<2x64x96xf32, #tpu.memory_space<vmem>> -> memref<1x32x96xf32, #tpu.memory_space<vmem>>
      %dma_start3A_71 = tpu.memref_squeeze %dma_start3A_70 : memref<1x32x96xf32, #tpu.memory_space<vmem>> -> memref<32x96xf32, #tpu.memory_space<vmem>>
      %dma_start3A_72 = arith.constant 0 : i32
      %dma_start3A_73 = tpu.memref_slice %arg11[%run_scoped3A_61, %dma_start3A_72] : memref<1x32xi32, #tpu.memory_space<vmem>> -> memref<1x32xi32, #tpu.memory_space<vmem>>
      %dma_start3A_74 = tpu.memref_squeeze %dma_start3A_73 : memref<1x32xi32, #tpu.memory_space<vmem>> -> memref<32xi32, #tpu.memory_space<vmem>>
      %dma_start3A_75 = arith.constant 0 : i32
      %dma_start3A_76 = arith.constant 0 : i32
      %dma_start3A_77 = tpu.memref_slice %arg14[%dma_start3A_75, %dma_start3A_76] : memref<10112x96xf32, #tpu.memory_space<vmem_shared>> -> memref<10112x96xf32, #tpu.memory_space<vmem_shared>>
      tpu.enqueue_indirect_dma source(%dma_start3A_71 : memref<32x96xf32, #tpu.memory_space<vmem>>) target(%dma_start3A_77 : memref<10112x96xf32, #tpu.memory_space<vmem_shared>>) offsets(%dma_start3A_74 : memref<32xi32, #tpu.memory_space<vmem>>) semaphore(%run_scoped3A_67 : memref<!tpu.dma_semaphore, #tpu.memory_space<semaphore_mem>>) {add = true}
      %dma_wait3A_78 = arith.constant 0 : i32
      %dma_wait3A_79 = arith.constant 0 : i32
      %dma_wait3A_80 = tpu.memref_slice %arg12[%run_scoped3A_60, %dma_wait3A_78, %dma_wait3A_79] : memref<2x64x96xf32, #tpu.memory_space<vmem>> -> memref<1x32x96xf32, #tpu.memory_space<vmem>>
      %dma_wait3A_81 = tpu.memref_squeeze %dma_wait3A_80 : memref<1x32x96xf32, #tpu.memory_space<vmem>> -> memref<32x96xf32, #tpu.memory_space<vmem>>
      %dma_wait3A_82 = arith.constant 0 : i32
      %dma_wait3A_83 = tpu.memref_slice %arg11[%run_scoped3A_61, %dma_wait3A_82] : memref<1x32xi32, #tpu.memory_space<vmem>> -> memref<1x32xi32, #tpu.memory_space<vmem>>
      %dma_wait3A_84 = tpu.memref_squeeze %dma_wait3A_83 : memref<1x32xi32, #tpu.memory_space<vmem>> -> memref<32xi32, #tpu.memory_space<vmem>>
      %dma_wait3A_85 = arith.constant 0 : i32
      %dma_wait3A_86 = arith.constant 0 : i32
      %dma_wait3A_87 = tpu.memref_slice %arg14[%dma_wait3A_85, %dma_wait3A_86] : memref<10112x96xf32, #tpu.memory_space<vmem_shared>> -> memref<10112x96xf32, #tpu.memory_space<vmem_shared>>
      tpu.wait_indirect_dma semaphore(%run_scoped3A_67 : memref<!tpu.dma_semaphore, #tpu.memory_space<semaphore_mem>>) src(%dma_wait3A_81 : memref<32x96xf32, #tpu.memory_space<vmem>>) dst(%dma_wait3A_87 : memref<10112x96xf32, #tpu.memory_space<vmem_shared>>)
      tpu.yield
    }) : () -> ()
    %barrier3A_62 = arith.constant 0 : index
    tpu.barrier barrier_id(%barrier3A_62)
    %mul3A_63 = arith.constant 632 : i32
    %mul3A_64 = arith.muli %arg1, %mul3A_63 : i32
    %mul3A_65 = arith.constant 632 : i32
    %mul3A_66 = arith.muli %arg1, %mul3A_65 : i32
    "tpu.region"() ({
      %run_scoped3A_67 = tpu.sem_alloc : memref<!tpu.dma_semaphore, #tpu.memory_space<semaphore_mem>>
      %dma_start3A_68 = arith.constant 0 : i32
      %dma_start3A_69 = tpu.memref_slice %arg7[%arg0, %mul3A_66, %dma_start3A_68] : memref<2x10112x96xf32, #tpu.memory_space<hbm>> -> memref<1x632x96xf32, #tpu.memory_space<hbm>>
      %dma_start3A_70 = tpu.memref_squeeze %dma_start3A_69 : memref<1x632x96xf32, #tpu.memory_space<hbm>> -> memref<632x96xf32, #tpu.memory_space<hbm>>
      %dma_start3A_71 = arith.constant 0 : i32
      %dma_start3A_72 = tpu.memref_slice %arg14[%mul3A_64, %dma_start3A_71] : memref<10112x96xf32, #tpu.memory_space<vmem_shared>> -> memref<632x96xf32, #tpu.memory_space<vmem_shared>>
      tpu.enqueue_dma source(%dma_start3A_72 : memref<632x96xf32, #tpu.memory_space<vmem_shared>>) target(%dma_start3A_70 : memref<632x96xf32, #tpu.memory_space<hbm>>) target_semaphore(%run_scoped3A_67 : memref<!tpu.dma_semaphore, #tpu.memory_space<semaphore_mem>>)
      %dma_wait3A_73 = arith.constant 0 : i32
      %dma_wait3A_74 = tpu.memref_slice %arg7[%arg0, %mul3A_66, %dma_wait3A_73] : memref<2x10112x96xf32, #tpu.memory_space<hbm>> -> memref<1x632x96xf32, #tpu.memory_space<hbm>>
      %dma_wait3A_75 = tpu.memref_squeeze %dma_wait3A_74 : memref<1x632x96xf32, #tpu.memory_space<hbm>> -> memref<632x96xf32, #tpu.memory_space<hbm>>
      %dma_wait3A_76 = arith.constant 0 : i32
      %dma_wait3A_77 = tpu.memref_slice %arg14[%mul3A_64, %dma_wait3A_76] : memref<10112x96xf32, #tpu.memory_space<vmem_shared>> -> memref<632x96xf32, #tpu.memory_space<vmem_shared>>
      tpu.wait_dma2 semaphore(%run_scoped3A_67 : memref<!tpu.dma_semaphore, #tpu.memory_space<semaphore_mem>>) src(%dma_wait3A_77 : memref<632x96xf32, #tpu.memory_space<vmem_shared>>) dst(%dma_wait3A_75 : memref<632x96xf32, #tpu.memory_space<hbm>>)
      tpu.yield
    }) : () -> ()
    return
  }
}

#map = affine_map<(d0, d1) -> (0, 0, 0)>
module attributes {stable_mosaic.version = 14 : i64} {
  func.func @body(%arg0: i32, %arg1: i32, %arg2: memref<32x125x80xi32, #tpu.memory_space<hbm>>, %arg3: memref<2x10112x16xf32, #tpu.memory_space<hbm>>, %arg4: memref<125x80xi32, #tpu.memory_space<vmem>>, %arg5: memref<80x16xf32, #tpu.memory_space<vmem>>, %arg6: memref<632x16xf32, #tpu.memory_space<vmem>>, %arg7: memref<10112x16xf32, #tpu.memory_space<vmem_shared>>) attributes {dimension_semantics = [#tpu.dimension_semantics<core_parallel>, #tpu.dimension_semantics<subcore_parallel>], iteration_bounds = array<i64: 2, 16>, scalar_prefetch = 0 : i64, scratch_operands = 4 : i64, tpu.core_type = #tpu.core_type<sc_vector_subcore>, window_params = [{transform_indices = #map}, {transform_indices = #map}]} {
    %mul3A = arith.constant 2 : i32
    %mul3A_0 = arith.muli %arg1, %mul3A : i32
    %add3A = arith.addi %mul3A_0, %arg0 : i32
    %scan3A = arith.constant 0 : i32
    %scan3A_1 = arith.constant 0 : i32
    %scan3A_2 = arith.constant 80 : i32
    %scan3A_3 = arith.addi %scan3A_1, %scan3A_2 : i32
    %scan3A_4 = arith.constant 1 : i32
    %scan3A_5 = scf.for %scan3A_28 = %scan3A_1 to %scan3A_3 step %scan3A_4 iter_args(%scan3A_29 = %scan3A) -> (i32)  : i32 {
      %broadcast_in_dim3A = arith.constant 1.000000e+00 : f32
      %broadcast_in_dim3A_30 = vector.broadcast %broadcast_in_dim3A : f32 to vector<16xf32>
      %swap3A = arith.index_cast %scan3A_28 : i32 to index
      %swap3A_31 = arith.constant 0 : index
      %swap3A_32 = tpu.vector_load %arg5[%swap3A, %swap3A_31] {strides = array<i32>} : memref<80x16xf32, #tpu.memory_space<vmem>>, vector<1x16xf32>,
      %swap3A_33 = vector.shape_cast %swap3A_32 : vector<1x16xf32> to vector<16xf32>
      %swap3A_34 = vector.shape_cast %broadcast_in_dim3A_30 : vector<16xf32> to vector<1x16xf32>
      tpu.vector_store %arg5[%swap3A, %swap3A_31], %swap3A_34 {strides = array<i32>} : memref<80x16xf32, #tpu.memory_space<vmem>>, vector<1x16xf32>,
      %scan3A_35 = arith.constant 0 : i32
      scf.yield %scan3A_35 : i32
    }
    %scan3A_6 = arith.constant 80 : i32
    %scan3A_7 = arith.constant 0 : i32
    %scan3A_8 = arith.constant 0 : i32
    %scan3A_9 = arith.constant 632 : i32
    %scan3A_10 = arith.addi %scan3A_8, %scan3A_9 : i32
    %scan3A_11 = arith.constant 1 : i32
    %scan3A_12 = scf.for %scan3A_28 = %scan3A_8 to %scan3A_10 step %scan3A_11 iter_args(%scan3A_29 = %scan3A_7) -> (i32)  : i32 {
      %broadcast_in_dim3A = arith.constant 0.000000e+00 : f32
      %broadcast_in_dim3A_30 = vector.broadcast %broadcast_in_dim3A : f32 to vector<16xf32>
      %swap3A = arith.index_cast %scan3A_28 : i32 to index
      %swap3A_31 = arith.constant 0 : index
      %swap3A_32 = tpu.vector_load %arg6[%swap3A, %swap3A_31] {strides = array<i32>} : memref<632x16xf32, #tpu.memory_space<vmem>>, vector<1x16xf32>,
      %swap3A_33 = vector.shape_cast %swap3A_32 : vector<1x16xf32> to vector<16xf32>
      %swap3A_34 = vector.shape_cast %broadcast_in_dim3A_30 : vector<16xf32> to vector<1x16xf32>
      tpu.vector_store %arg6[%swap3A, %swap3A_31], %swap3A_34 {strides = array<i32>} : memref<632x16xf32, #tpu.memory_space<vmem>>, vector<1x16xf32>,
      %scan3A_35 = arith.constant 0 : i32
      scf.yield %scan3A_35 : i32
    }
    %scan3A_13 = arith.constant 632 : i32
    %mul3A_14 = arith.constant 632 : i32
    %mul3A_15 = arith.muli %arg1, %mul3A_14 : i32
    "tpu.region"() ({
      %run_scoped3A = tpu.sem_alloc : memref<!tpu.dma_semaphore, #tpu.memory_space<semaphore_mem>>
      %dma_start3A = arith.constant 0 : i32
      %dma_start3A_28 = tpu.memref_slice %arg7[%mul3A_15, %dma_start3A] : memref<10112x16xf32, #tpu.memory_space<vmem_shared>> -> memref<632x16xf32, #tpu.memory_space<vmem_shared>>
      %dma_start3A_29 = arith.constant 0 : i32
      %dma_start3A_30 = tpu.memref_slice %arg7[%mul3A_15, %dma_start3A_29] : memref<10112x16xf32, #tpu.memory_space<vmem_shared>> -> memref<632x16xf32, #tpu.memory_space<vmem_shared>>
      tpu.enqueue_dma source(%arg6 : memref<632x16xf32, #tpu.memory_space<vmem>>) target(%dma_start3A_30 : memref<632x16xf32, #tpu.memory_space<vmem_shared>>) target_semaphore(%run_scoped3A : memref<!tpu.dma_semaphore, #tpu.memory_space<semaphore_mem>>)
      %dma_wait3A = arith.constant 0 : i32
      %dma_wait3A_31 = tpu.memref_slice %arg7[%mul3A_15, %dma_wait3A] : memref<10112x16xf32, #tpu.memory_space<vmem_shared>> -> memref<632x16xf32, #tpu.memory_space<vmem_shared>>
      %dma_wait3A_32 = arith.constant 0 : i32
      %dma_wait3A_33 = tpu.memref_slice %arg7[%mul3A_15, %dma_wait3A_32] : memref<10112x16xf32, #tpu.memory_space<vmem_shared>> -> memref<632x16xf32, #tpu.memory_space<vmem_shared>>
      tpu.wait_dma2 semaphore(%run_scoped3A : memref<!tpu.dma_semaphore, #tpu.memory_space<semaphore_mem>>) src(%arg6 : memref<632x16xf32, #tpu.memory_space<vmem>>) dst(%dma_wait3A_33 : memref<632x16xf32, #tpu.memory_space<vmem_shared>>)
      tpu.yield
    }) : () -> ()
    %barrier3A = arith.constant 0 : index
    tpu.barrier barrier_id(%barrier3A)
    "tpu.region"() ({
      %run_scoped3A = tpu.sem_alloc : memref<!tpu.dma_semaphore, #tpu.memory_space<semaphore_mem>>
      %dma_start3A = arith.constant 0 : i32
      %dma_start3A_28 = arith.constant 0 : i32
      %dma_start3A_29 = tpu.memref_slice %arg2[%add3A, %dma_start3A, %dma_start3A_28] : memref<32x125x80xi32, #tpu.memory_space<hbm>> -> memref<1x125x80xi32, #tpu.memory_space<hbm>>
      %dma_start3A_30 = tpu.memref_squeeze %dma_start3A_29 : memref<1x125x80xi32, #tpu.memory_space<hbm>> -> memref<125x80xi32, #tpu.memory_space<hbm>>
      %dma_start3A_31 = arith.constant 0 : i32
      %dma_start3A_32 = arith.constant 0 : i32
      %dma_start3A_33 = tpu.memref_slice %arg2[%add3A, %dma_start3A_31, %dma_start3A_32] : memref<32x125x80xi32, #tpu.memory_space<hbm>> -> memref<1x125x80xi32, #tpu.memory_space<hbm>>
      %dma_start3A_34 = tpu.memref_squeeze %dma_start3A_33 : memref<1x125x80xi32, #tpu.memory_space<hbm>> -> memref<125x80xi32, #tpu.memory_space<hbm>>
      tpu.enqueue_dma source(%dma_start3A_34 : memref<125x80xi32, #tpu.memory_space<hbm>>) target(%arg4 : memref<125x80xi32, #tpu.memory_space<vmem>>) target_semaphore(%run_scoped3A : memref<!tpu.dma_semaphore, #tpu.memory_space<semaphore_mem>>)
      %dma_wait3A = arith.constant 0 : i32
      %dma_wait3A_35 = arith.constant 0 : i32
      %dma_wait3A_36 = tpu.memref_slice %arg2[%add3A, %dma_wait3A, %dma_wait3A_35] : memref<32x125x80xi32, #tpu.memory_space<hbm>> -> memref<1x125x80xi32, #tpu.memory_space<hbm>>
      %dma_wait3A_37 = tpu.memref_squeeze %dma_wait3A_36 : memref<1x125x80xi32, #tpu.memory_space<hbm>> -> memref<125x80xi32, #tpu.memory_space<hbm>>
      %dma_wait3A_38 = arith.constant 0 : i32
      %dma_wait3A_39 = arith.constant 0 : i32
      %dma_wait3A_40 = tpu.memref_slice %arg2[%add3A, %dma_wait3A_38, %dma_wait3A_39] : memref<32x125x80xi32, #tpu.memory_space<hbm>> -> memref<1x125x80xi32, #tpu.memory_space<hbm>>
      %dma_wait3A_41 = tpu.memref_squeeze %dma_wait3A_40 : memref<1x125x80xi32, #tpu.memory_space<hbm>> -> memref<125x80xi32, #tpu.memory_space<hbm>>
      tpu.wait_dma2 semaphore(%run_scoped3A : memref<!tpu.dma_semaphore, #tpu.memory_space<semaphore_mem>>) src(%dma_wait3A_41 : memref<125x80xi32, #tpu.memory_space<hbm>>) dst(%arg4 : memref<125x80xi32, #tpu.memory_space<vmem>>)
      tpu.yield
    }) : () -> ()
    %scan3A_16 = arith.constant 0 : i32
    %scan3A_17 = arith.constant 0 : i32
    %scan3A_18 = arith.constant 125 : i32
    %scan3A_19 = arith.addi %scan3A_17, %scan3A_18 : i32
    %scan3A_20 = arith.constant 1 : i32
    %scan3A_21 = scf.for %scan3A_28 = %scan3A_17 to %scan3A_19 step %scan3A_20 iter_args(%scan3A_29 = %scan3A_16) -> (i32)  : i32 {
      "tpu.region"() ({
        %run_scoped3A = tpu.sem_alloc : memref<!tpu.dma_semaphore, #tpu.memory_space<semaphore_mem>>
        %dma_start3A = arith.constant 0 : i32
        %dma_start3A_31 = tpu.memref_slice %arg4[%scan3A_28, %dma_start3A] : memref<125x80xi32, #tpu.memory_space<vmem>> -> memref<1x80xi32, #tpu.memory_space<vmem>>
        %dma_start3A_32 = tpu.memref_squeeze %dma_start3A_31 : memref<1x80xi32, #tpu.memory_space<vmem>> -> memref<80xi32, #tpu.memory_space<vmem>>
        %dma_start3A_33 = arith.constant 0 : i32
        %dma_start3A_34 = arith.constant 0 : i32
        %dma_start3A_35 = tpu.memref_slice %arg7[%dma_start3A_33, %dma_start3A_34] : memref<10112x16xf32, #tpu.memory_space<vmem_shared>> -> memref<10112x16xf32, #tpu.memory_space<vmem_shared>>
        tpu.enqueue_indirect_dma source(%arg5 : memref<80x16xf32, #tpu.memory_space<vmem>>) target(%dma_start3A_35 : memref<10112x16xf32, #tpu.memory_space<vmem_shared>>) offsets(%dma_start3A_32 : memref<80xi32, #tpu.memory_space<vmem>>) semaphore(%run_scoped3A : memref<!tpu.dma_semaphore, #tpu.memory_space<semaphore_mem>>) {add = true}
        %dma_wait3A = arith.constant 0 : i32
        %dma_wait3A_36 = tpu.memref_slice %arg4[%scan3A_28, %dma_wait3A] : memref<125x80xi32, #tpu.memory_space<vmem>> -> memref<1x80xi32, #tpu.memory_space<vmem>>
        %dma_wait3A_37 = tpu.memref_squeeze %dma_wait3A_36 : memref<1x80xi32, #tpu.memory_space<vmem>> -> memref<80xi32, #tpu.memory_space<vmem>>
        %dma_wait3A_38 = arith.constant 0 : i32
        %dma_wait3A_39 = arith.constant 0 : i32
        %dma_wait3A_40 = tpu.memref_slice %arg7[%dma_wait3A_38, %dma_wait3A_39] : memref<10112x16xf32, #tpu.memory_space<vmem_shared>> -> memref<10112x16xf32, #tpu.memory_space<vmem_shared>>
        tpu.wait_indirect_dma semaphore(%run_scoped3A : memref<!tpu.dma_semaphore, #tpu.memory_space<semaphore_mem>>) src(%arg5 : memref<80x16xf32, #tpu.memory_space<vmem>>) dst(%dma_wait3A_40 : memref<10112x16xf32, #tpu.memory_space<vmem_shared>>)
        tpu.yield
      }) : () -> ()
      %scan3A_30 = arith.constant 0 : i32
      scf.yield %scan3A_30 : i32
    }
    %scan3A_22 = arith.constant 125 : i32
    %barrier3A_23 = arith.constant 0 : index
    tpu.barrier barrier_id(%barrier3A_23)
    %mul3A_24 = arith.constant 632 : i32
    %mul3A_25 = arith.muli %arg1, %mul3A_24 : i32
    %mul3A_26 = arith.constant 632 : i32
    %mul3A_27 = arith.muli %arg1, %mul3A_26 : i32
    "tpu.region"() ({
      %run_scoped3A = tpu.sem_alloc : memref<!tpu.dma_semaphore, #tpu.memory_space<semaphore_mem>>
      %dma_start3A = arith.constant 0 : i32
      %dma_start3A_28 = tpu.memref_slice %arg3[%arg0, %mul3A_27, %dma_start3A] : memref<2x10112x16xf32, #tpu.memory_space<hbm>> -> memref<1x632x16xf32, #tpu.memory_space<hbm>>
      %dma_start3A_29 = tpu.memref_squeeze %dma_start3A_28 : memref<1x632x16xf32, #tpu.memory_space<hbm>> -> memref<632x16xf32, #tpu.memory_space<hbm>>
      %dma_start3A_30 = arith.constant 0 : i32
      %dma_start3A_31 = tpu.memref_slice %arg7[%mul3A_25, %dma_start3A_30] : memref<10112x16xf32, #tpu.memory_space<vmem_shared>> -> memref<632x16xf32, #tpu.memory_space<vmem_shared>>
      tpu.enqueue_dma source(%dma_start3A_31 : memref<632x16xf32, #tpu.memory_space<vmem_shared>>) target(%dma_start3A_29 : memref<632x16xf32, #tpu.memory_space<hbm>>) target_semaphore(%run_scoped3A : memref<!tpu.dma_semaphore, #tpu.memory_space<semaphore_mem>>)
      %dma_wait3A = arith.constant 0 : i32
      %dma_wait3A_32 = tpu.memref_slice %arg3[%arg0, %mul3A_27, %dma_wait3A] : memref<2x10112x16xf32, #tpu.memory_space<hbm>> -> memref<1x632x16xf32, #tpu.memory_space<hbm>>
      %dma_wait3A_33 = tpu.memref_squeeze %dma_wait3A_32 : memref<1x632x16xf32, #tpu.memory_space<hbm>> -> memref<632x16xf32, #tpu.memory_space<hbm>>
      %dma_wait3A_34 = arith.constant 0 : i32
      %dma_wait3A_35 = tpu.memref_slice %arg7[%mul3A_25, %dma_wait3A_34] : memref<10112x16xf32, #tpu.memory_space<vmem_shared>> -> memref<632x16xf32, #tpu.memory_space<vmem_shared>>
      tpu.wait_dma2 semaphore(%run_scoped3A : memref<!tpu.dma_semaphore, #tpu.memory_space<semaphore_mem>>) src(%dma_wait3A_35 : memref<632x16xf32, #tpu.memory_space<vmem_shared>>) dst(%dma_wait3A_33 : memref<632x16xf32, #tpu.memory_space<hbm>>)
      tpu.yield
    }) : () -> ()
    return
  }
}

#map = affine_map<(d0, d1) -> (0, 0, 0)>
module attributes {stable_mosaic.version = 14 : i64} {
  func.func @body(%arg0: i32, %arg1: i32, %arg2: memref<2x10000x96xf32, #tpu.memory_space<hbm>>, %arg3: memref<16x312x64xi32, #tpu.memory_space<hbm>>, %arg4: memref<16x312x64xi32, #tpu.memory_space<hbm>>, %arg5: memref<16x1x32xi32, #tpu.memory_space<hbm>>, %arg6: memref<16x1x32xi32, #tpu.memory_space<hbm>>, %arg7: memref<2x10112x96xf32, #tpu.memory_space<hbm>>, %arg8: memref<312x64xi32, #tpu.memory_space<vmem>>, %arg9: memref<312x64xi32, #tpu.memory_space<vmem>>, %arg10: memref<1x32xi32, #tpu.memory_space<vmem>>, %arg11: memref<1x32xi32, #tpu.memory_space<vmem>>, %arg12: memref<2x64x96xf32, #tpu.memory_space<vmem>>, %arg13: memref<160x96xf32, #tpu.memory_space<vmem>>, %arg14: memref<10112x96xf32, #tpu.memory_space<vmem_shared>>, %arg15: memref<2x!tpu.dma_semaphore, #tpu.memory_space<semaphore_mem>>, %arg16: memref<2x!tpu.dma_semaphore, #tpu.memory_space<semaphore_mem>>) attributes {dimension_semantics = [#tpu.dimension_semantics<core_parallel>, #tpu.dimension_semantics<subcore_parallel>], iteration_bounds = array<i64: 2, 16>, scalar_prefetch = 0 : i64, scratch_operands = 9 : i64, tpu.core_type = #tpu.core_type<sc_vector_subcore>, window_params = [{transform_indices = #map}, {transform_indices = #map}, {transform_indices = #map}, {transform_indices = #map}, {transform_indices = #map}, {transform_indices = #map}]} {
    %scan3A = arith.constant 0 : i32
    %scan3A_0 = arith.constant 0 : i32
    %scan3A_1 = arith.constant 160 : i32
    %scan3A_2 = arith.addi %scan3A_0, %scan3A_1 : i32
    %scan3A_3 = arith.constant 1 : i32
    %scan3A_4 = scf.for %scan3A_67 = %scan3A_0 to %scan3A_2 step %scan3A_3 iter_args(%scan3A_68 = %scan3A) -> (i32)  : i32 {
      %broadcast_in_dim3A = arith.constant 0.000000e+00 : f32
      %broadcast_in_dim3A_69 = vector.broadcast %broadcast_in_dim3A : f32 to vector<16xf32>
      %swap3A = arith.index_cast %scan3A_67 : i32 to index
      %swap3A_70 = arith.constant 0 : index
      %swap3A_71 = tpu.vector_load %arg13[%swap3A, %swap3A_70] {strides = array<i32>} : memref<160x96xf32, #tpu.memory_space<vmem>>, vector<1x16xf32>,
      %swap3A_72 = vector.shape_cast %swap3A_71 : vector<1x16xf32> to vector<16xf32>
      %swap3A_73 = vector.shape_cast %broadcast_in_dim3A_69 : vector<16xf32> to vector<1x16xf32>
      tpu.vector_store %arg13[%swap3A, %swap3A_70], %swap3A_73 {strides = array<i32>} : memref<160x96xf32, #tpu.memory_space<vmem>>, vector<1x16xf32>,
      %broadcast_in_dim3A_74 = arith.constant 0.000000e+00 : f32
      %broadcast_in_dim3A_75 = vector.broadcast %broadcast_in_dim3A_74 : f32 to vector<16xf32>
      %swap3A_76 = arith.index_cast %scan3A_67 : i32 to index
      %swap3A_77 = arith.constant 16 : index
      %swap3A_78 = tpu.vector_load %arg13[%swap3A_76, %swap3A_77] {strides = array<i32>} : memref<160x96xf32, #tpu.memory_space<vmem>>, vector<1x16xf32>,
      %swap3A_79 = vector.shape_cast %swap3A_78 : vector<1x16xf32> to vector<16xf32>
      %swap3A_80 = vector.shape_cast %broadcast_in_dim3A_75 : vector<16xf32> to vector<1x16xf32>
      tpu.vector_store %arg13[%swap3A_76, %swap3A_77], %swap3A_80 {strides = array<i32>} : memref<160x96xf32, #tpu.memory_space<vmem>>, vector<1x16xf32>,
      %broadcast_in_dim3A_81 = arith.constant 0.000000e+00 : f32
      %broadcast_in_dim3A_82 = vector.broadcast %broadcast_in_dim3A_81 : f32 to vector<16xf32>
      %swap3A_83 = arith.index_cast %scan3A_67 : i32 to index
      %swap3A_84 = arith.constant 32 : index
      %swap3A_85 = tpu.vector_load %arg13[%swap3A_83, %swap3A_84] {strides = array<i32>} : memref<160x96xf32, #tpu.memory_space<vmem>>, vector<1x16xf32>,
      %swap3A_86 = vector.shape_cast %swap3A_85 : vector<1x16xf32> to vector<16xf32>
      %swap3A_87 = vector.shape_cast %broadcast_in_dim3A_82 : vector<16xf32> to vector<1x16xf32>
      tpu.vector_store %arg13[%swap3A_83, %swap3A_84], %swap3A_87 {strides = array<i32>} : memref<160x96xf32, #tpu.memory_space<vmem>>, vector<1x16xf32>,
      %broadcast_in_dim3A_88 = arith.constant 0.000000e+00 : f32
      %broadcast_in_dim3A_89 = vector.broadcast %broadcast_in_dim3A_88 : f32 to vector<16xf32>
      %swap3A_90 = arith.index_cast %scan3A_67 : i32 to index
      %swap3A_91 = arith.constant 48 : index
      %swap3A_92 = tpu.vector_load %arg13[%swap3A_90, %swap3A_91] {strides = array<i32>} : memref<160x96xf32, #tpu.memory_space<vmem>>, vector<1x16xf32>,
      %swap3A_93 = vector.shape_cast %swap3A_92 : vector<1x16xf32> to vector<16xf32>
      %swap3A_94 = vector.shape_cast %broadcast_in_dim3A_89 : vector<16xf32> to vector<1x16xf32>
      tpu.vector_store %arg13[%swap3A_90, %swap3A_91], %swap3A_94 {strides = array<i32>} : memref<160x96xf32, #tpu.memory_space<vmem>>, vector<1x16xf32>,
      %broadcast_in_dim3A_95 = arith.constant 0.000000e+00 : f32
      %broadcast_in_dim3A_96 = vector.broadcast %broadcast_in_dim3A_95 : f32 to vector<16xf32>
      %swap3A_97 = arith.index_cast %scan3A_67 : i32 to index
      %swap3A_98 = arith.constant 64 : index
      %swap3A_99 = tpu.vector_load %arg13[%swap3A_97, %swap3A_98] {strides = array<i32>} : memref<160x96xf32, #tpu.memory_space<vmem>>, vector<1x16xf32>,
      %swap3A_100 = vector.shape_cast %swap3A_99 : vector<1x16xf32> to vector<16xf32>
      %swap3A_101 = vector.shape_cast %broadcast_in_dim3A_96 : vector<16xf32> to vector<1x16xf32>
      tpu.vector_store %arg13[%swap3A_97, %swap3A_98], %swap3A_101 {strides = array<i32>} : memref<160x96xf32, #tpu.memory_space<vmem>>, vector<1x16xf32>,
      %broadcast_in_dim3A_102 = arith.constant 0.000000e+00 : f32
      %broadcast_in_dim3A_103 = vector.broadcast %broadcast_in_dim3A_102 : f32 to vector<16xf32>
      %swap3A_104 = arith.index_cast %scan3A_67 : i32 to index
      %swap3A_105 = arith.constant 80 : index
      %swap3A_106 = tpu.vector_load %arg13[%swap3A_104, %swap3A_105] {strides = array<i32>} : memref<160x96xf32, #tpu.memory_space<vmem>>, vector<1x16xf32>,
      %swap3A_107 = vector.shape_cast %swap3A_106 : vector<1x16xf32> to vector<16xf32>
      %swap3A_108 = vector.shape_cast %broadcast_in_dim3A_103 : vector<16xf32> to vector<1x16xf32>
      tpu.vector_store %arg13[%swap3A_104, %swap3A_105], %swap3A_108 {strides = array<i32>} : memref<160x96xf32, #tpu.memory_space<vmem>>, vector<1x16xf32>,
      %scan3A_109 = arith.constant 0 : i32
      scf.yield %scan3A_109 : i32
    }
    %scan3A_5 = arith.constant 160 : i32
    %mul3A = arith.constant 632 : i32
    %mul3A_6 = arith.muli %arg1, %mul3A : i32
    %add3A = arith.constant 0 : i32
    %add3A_7 = arith.addi %mul3A_6, %add3A : i32
    "tpu.region"() ({
      %run_scoped3A_67 = tpu.sem_alloc : memref<!tpu.dma_semaphore, #tpu.memory_space<semaphore_mem>>
      %dma_start3A_68 = arith.constant 0 : i32
      %dma_start3A_69 = arith.constant 0 : i32
      %dma_start3A_70 = tpu.memref_slice %arg13[%dma_start3A_68, %dma_start3A_69] : memref<160x96xf32, #tpu.memory_space<vmem>> -> memref<160x96xf32, #tpu.memory_space<vmem>>
      %dma_start3A_71 = arith.constant 0 : i32
      %dma_start3A_72 = tpu.memref_slice %arg14[%add3A_7, %dma_start3A_71] : memref<10112x96xf32, #tpu.memory_space<vmem_shared>> -> memref<160x96xf32, #tpu.memory_space<vmem_shared>>
      %dma_start3A_73 = arith.constant 0 : i32
      %dma_start3A_74 = tpu.memref_slice %arg14[%add3A_7, %dma_start3A_73] : memref<10112x96xf32, #tpu.memory_space<vmem_shared>> -> memref<160x96xf32, #tpu.memory_space<vmem_shared>>
      %dma_start3A_75 = arith.constant 0 : i32
      %dma_start3A_76 = arith.constant 0 : i32
      %dma_start3A_77 = tpu.memref_slice %arg13[%dma_start3A_75, %dma_start3A_76] : memref<160x96xf32, #tpu.memory_space<vmem>> -> memref<160x96xf32, #tpu.memory_space<vmem>>
      tpu.enqueue_dma source(%dma_start3A_77 : memref<160x96xf32, #tpu.memory_space<vmem>>) target(%dma_start3A_74 : memref<160x96xf32, #tpu.memory_space<vmem_shared>>) target_semaphore(%run_scoped3A_67 : memref<!tpu.dma_semaphore, #tpu.memory_space<semaphore_mem>>)
      %dma_wait3A_78 = arith.constant 0 : i32
      %dma_wait3A_79 = arith.constant 0 : i32
      %dma_wait3A_80 = tpu.memref_slice %arg13[%dma_wait3A_78, %dma_wait3A_79] : memref<160x96xf32, #tpu.memory_space<vmem>> -> memref<160x96xf32, #tpu.memory_space<vmem>>
      %dma_wait3A_81 = arith.constant 0 : i32
      %dma_wait3A_82 = tpu.memref_slice %arg14[%add3A_7, %dma_wait3A_81] : memref<10112x96xf32, #tpu.memory_space<vmem_shared>> -> memref<160x96xf32, #tpu.memory_space<vmem_shared>>
      %dma_wait3A_83 = arith.constant 0 : i32
      %dma_wait3A_84 = tpu.memref_slice %arg14[%add3A_7, %dma_wait3A_83] : memref<10112x96xf32, #tpu.memory_space<vmem_shared>> -> memref<160x96xf32, #tpu.memory_space<vmem_shared>>
      %dma_wait3A_85 = arith.constant 0 : i32
      %dma_wait3A_86 = arith.constant 0 : i32
      %dma_wait3A_87 = tpu.memref_slice %arg13[%dma_wait3A_85, %dma_wait3A_86] : memref<160x96xf32, #tpu.memory_space<vmem>> -> memref<160x96xf32, #tpu.memory_space<vmem>>
      tpu.wait_dma2 semaphore(%run_scoped3A_67 : memref<!tpu.dma_semaphore, #tpu.memory_space<semaphore_mem>>) src(%dma_wait3A_87 : memref<160x96xf32, #tpu.memory_space<vmem>>) dst(%dma_wait3A_84 : memref<160x96xf32, #tpu.memory_space<vmem_shared>>)
      tpu.yield
    }) : () -> ()
    %mul3A_8 = arith.constant 632 : i32
    %mul3A_9 = arith.muli %arg1, %mul3A_8 : i32
    %add3A_10 = arith.constant 160 : i32
    %add3A_11 = arith.addi %mul3A_9, %add3A_10 : i32
    "tpu.region"() ({
      %run_scoped3A_67 = tpu.sem_alloc : memref<!tpu.dma_semaphore, #tpu.memory_space<semaphore_mem>>
      %dma_start3A_68 = arith.constant 0 : i32
      %dma_start3A_69 = arith.constant 0 : i32
      %dma_start3A_70 = tpu.memref_slice %arg13[%dma_start3A_68, %dma_start3A_69] : memref<160x96xf32, #tpu.memory_space<vmem>> -> memref<160x96xf32, #tpu.memory_space<vmem>>
      %dma_start3A_71 = arith.constant 0 : i32
      %dma_start3A_72 = tpu.memref_slice %arg14[%add3A_11, %dma_start3A_71] : memref<10112x96xf32, #tpu.memory_space<vmem_shared>> -> memref<160x96xf32, #tpu.memory_space<vmem_shared>>
      %dma_start3A_73 = arith.constant 0 : i32
      %dma_start3A_74 = tpu.memref_slice %arg14[%add3A_11, %dma_start3A_73] : memref<10112x96xf32, #tpu.memory_space<vmem_shared>> -> memref<160x96xf32, #tpu.memory_space<vmem_shared>>
      %dma_start3A_75 = arith.constant 0 : i32
      %dma_start3A_76 = arith.constant 0 : i32
      %dma_start3A_77 = tpu.memref_slice %arg13[%dma_start3A_75, %dma_start3A_76] : memref<160x96xf32, #tpu.memory_space<vmem>> -> memref<160x96xf32, #tpu.memory_space<vmem>>
      tpu.enqueue_dma source(%dma_start3A_77 : memref<160x96xf32, #tpu.memory_space<vmem>>) target(%dma_start3A_74 : memref<160x96xf32, #tpu.memory_space<vmem_shared>>) target_semaphore(%run_scoped3A_67 : memref<!tpu.dma_semaphore, #tpu.memory_space<semaphore_mem>>)
      %dma_wait3A_78 = arith.constant 0 : i32
      %dma_wait3A_79 = arith.constant 0 : i32
      %dma_wait3A_80 = tpu.memref_slice %arg13[%dma_wait3A_78, %dma_wait3A_79] : memref<160x96xf32, #tpu.memory_space<vmem>> -> memref<160x96xf32, #tpu.memory_space<vmem>>
      %dma_wait3A_81 = arith.constant 0 : i32
      %dma_wait3A_82 = tpu.memref_slice %arg14[%add3A_11, %dma_wait3A_81] : memref<10112x96xf32, #tpu.memory_space<vmem_shared>> -> memref<160x96xf32, #tpu.memory_space<vmem_shared>>
      %dma_wait3A_83 = arith.constant 0 : i32
      %dma_wait3A_84 = tpu.memref_slice %arg14[%add3A_11, %dma_wait3A_83] : memref<10112x96xf32, #tpu.memory_space<vmem_shared>> -> memref<160x96xf32, #tpu.memory_space<vmem_shared>>
      %dma_wait3A_85 = arith.constant 0 : i32
      %dma_wait3A_86 = arith.constant 0 : i32
      %dma_wait3A_87 = tpu.memref_slice %arg13[%dma_wait3A_85, %dma_wait3A_86] : memref<160x96xf32, #tpu.memory_space<vmem>> -> memref<160x96xf32, #tpu.memory_space<vmem>>
      tpu.wait_dma2 semaphore(%run_scoped3A_67 : memref<!tpu.dma_semaphore, #tpu.memory_space<semaphore_mem>>) src(%dma_wait3A_87 : memref<160x96xf32, #tpu.memory_space<vmem>>) dst(%dma_wait3A_84 : memref<160x96xf32, #tpu.memory_space<vmem_shared>>)
      tpu.yield
    }) : () -> ()
    %mul3A_12 = arith.constant 632 : i32
    %mul3A_13 = arith.muli %arg1, %mul3A_12 : i32
    %add3A_14 = arith.constant 320 : i32
    %add3A_15 = arith.addi %mul3A_13, %add3A_14 : i32
    "tpu.region"() ({
      %run_scoped3A_67 = tpu.sem_alloc : memref<!tpu.dma_semaphore, #tpu.memory_space<semaphore_mem>>
      %dma_start3A_68 = arith.constant 0 : i32
      %dma_start3A_69 = arith.constant 0 : i32
      %dma_start3A_70 = tpu.memref_slice %arg13[%dma_start3A_68, %dma_start3A_69] : memref<160x96xf32, #tpu.memory_space<vmem>> -> memref<160x96xf32, #tpu.memory_space<vmem>>
      %dma_start3A_71 = arith.constant 0 : i32
      %dma_start3A_72 = tpu.memref_slice %arg14[%add3A_15, %dma_start3A_71] : memref<10112x96xf32, #tpu.memory_space<vmem_shared>> -> memref<160x96xf32, #tpu.memory_space<vmem_shared>>
      %dma_start3A_73 = arith.constant 0 : i32
      %dma_start3A_74 = tpu.memref_slice %arg14[%add3A_15, %dma_start3A_73] : memref<10112x96xf32, #tpu.memory_space<vmem_shared>> -> memref<160x96xf32, #tpu.memory_space<vmem_shared>>
      %dma_start3A_75 = arith.constant 0 : i32
      %dma_start3A_76 = arith.constant 0 : i32
      %dma_start3A_77 = tpu.memref_slice %arg13[%dma_start3A_75, %dma_start3A_76] : memref<160x96xf32, #tpu.memory_space<vmem>> -> memref<160x96xf32, #tpu.memory_space<vmem>>
      tpu.enqueue_dma source(%dma_start3A_77 : memref<160x96xf32, #tpu.memory_space<vmem>>) target(%dma_start3A_74 : memref<160x96xf32, #tpu.memory_space<vmem_shared>>) target_semaphore(%run_scoped3A_67 : memref<!tpu.dma_semaphore, #tpu.memory_space<semaphore_mem>>)
      %dma_wait3A_78 = arith.constant 0 : i32
      %dma_wait3A_79 = arith.constant 0 : i32
      %dma_wait3A_80 = tpu.memref_slice %arg13[%dma_wait3A_78, %dma_wait3A_79] : memref<160x96xf32, #tpu.memory_space<vmem>> -> memref<160x96xf32, #tpu.memory_space<vmem>>
      %dma_wait3A_81 = arith.constant 0 : i32
      %dma_wait3A_82 = tpu.memref_slice %arg14[%add3A_15, %dma_wait3A_81] : memref<10112x96xf32, #tpu.memory_space<vmem_shared>> -> memref<160x96xf32, #tpu.memory_space<vmem_shared>>
      %dma_wait3A_83 = arith.constant 0 : i32
      %dma_wait3A_84 = tpu.memref_slice %arg14[%add3A_15, %dma_wait3A_83] : memref<10112x96xf32, #tpu.memory_space<vmem_shared>> -> memref<160x96xf32, #tpu.memory_space<vmem_shared>>
      %dma_wait3A_85 = arith.constant 0 : i32
      %dma_wait3A_86 = arith.constant 0 : i32
      %dma_wait3A_87 = tpu.memref_slice %arg13[%dma_wait3A_85, %dma_wait3A_86] : memref<160x96xf32, #tpu.memory_space<vmem>> -> memref<160x96xf32, #tpu.memory_space<vmem>>
      tpu.wait_dma2 semaphore(%run_scoped3A_67 : memref<!tpu.dma_semaphore, #tpu.memory_space<semaphore_mem>>) src(%dma_wait3A_87 : memref<160x96xf32, #tpu.memory_space<vmem>>) dst(%dma_wait3A_84 : memref<160x96xf32, #tpu.memory_space<vmem_shared>>)
      tpu.yield
    }) : () -> ()
    %mul3A_16 = arith.constant 632 : i32
    %mul3A_17 = arith.muli %arg1, %mul3A_16 : i32
    %add3A_18 = arith.constant 480 : i32
    %add3A_19 = arith.addi %mul3A_17, %add3A_18 : i32
    "tpu.region"() ({
      %run_scoped3A_67 = tpu.sem_alloc : memref<!tpu.dma_semaphore, #tpu.memory_space<semaphore_mem>>
      %dma_start3A_68 = arith.constant 0 : i32
      %dma_start3A_69 = arith.constant 0 : i32
      %dma_start3A_70 = tpu.memref_slice %arg13[%dma_start3A_68, %dma_start3A_69] : memref<160x96xf32, #tpu.memory_space<vmem>> -> memref<152x96xf32, #tpu.memory_space<vmem>>
      %dma_start3A_71 = arith.constant 0 : i32
      %dma_start3A_72 = tpu.memref_slice %arg14[%add3A_19, %dma_start3A_71] : memref<10112x96xf32, #tpu.memory_space<vmem_shared>> -> memref<152x96xf32, #tpu.memory_space<vmem_shared>>
      %dma_start3A_73 = arith.constant 0 : i32
      %dma_start3A_74 = tpu.memref_slice %arg14[%add3A_19, %dma_start3A_73] : memref<10112x96xf32, #tpu.memory_space<vmem_shared>> -> memref<152x96xf32, #tpu.memory_space<vmem_shared>>
      %dma_start3A_75 = arith.constant 0 : i32
      %dma_start3A_76 = arith.constant 0 : i32
      %dma_start3A_77 = tpu.memref_slice %arg13[%dma_start3A_75, %dma_start3A_76] : memref<160x96xf32, #tpu.memory_space<vmem>> -> memref<152x96xf32, #tpu.memory_space<vmem>>
      tpu.enqueue_dma source(%dma_start3A_77 : memref<152x96xf32, #tpu.memory_space<vmem>>) target(%dma_start3A_74 : memref<152x96xf32, #tpu.memory_space<vmem_shared>>) target_semaphore(%run_scoped3A_67 : memref<!tpu.dma_semaphore, #tpu.memory_space<semaphore_mem>>)
      %dma_wait3A_78 = arith.constant 0 : i32
      %dma_wait3A_79 = arith.constant 0 : i32
      %dma_wait3A_80 = tpu.memref_slice %arg13[%dma_wait3A_78, %dma_wait3A_79] : memref<160x96xf32, #tpu.memory_space<vmem>> -> memref<152x96xf32, #tpu.memory_space<vmem>>
      %dma_wait3A_81 = arith.constant 0 : i32
      %dma_wait3A_82 = tpu.memref_slice %arg14[%add3A_19, %dma_wait3A_81] : memref<10112x96xf32, #tpu.memory_space<vmem_shared>> -> memref<152x96xf32, #tpu.memory_space<vmem_shared>>
      %dma_wait3A_83 = arith.constant 0 : i32
      %dma_wait3A_84 = tpu.memref_slice %arg14[%add3A_19, %dma_wait3A_83] : memref<10112x96xf32, #tpu.memory_space<vmem_shared>> -> memref<152x96xf32, #tpu.memory_space<vmem_shared>>
      %dma_wait3A_85 = arith.constant 0 : i32
      %dma_wait3A_86 = arith.constant 0 : i32
      %dma_wait3A_87 = tpu.memref_slice %arg13[%dma_wait3A_85, %dma_wait3A_86] : memref<160x96xf32, #tpu.memory_space<vmem>> -> memref<152x96xf32, #tpu.memory_space<vmem>>
      tpu.wait_dma2 semaphore(%run_scoped3A_67 : memref<!tpu.dma_semaphore, #tpu.memory_space<semaphore_mem>>) src(%dma_wait3A_87 : memref<152x96xf32, #tpu.memory_space<vmem>>) dst(%dma_wait3A_84 : memref<152x96xf32, #tpu.memory_space<vmem_shared>>)
      tpu.yield
    }) : () -> ()
    %barrier3A = arith.constant 0 : index
    tpu.barrier barrier_id(%barrier3A)
    "tpu.region"() ({
      %run_scoped3A_67 = tpu.sem_alloc : memref<!tpu.dma_semaphore, #tpu.memory_space<semaphore_mem>>
      %dma_start3A_68 = arith.constant 0 : i32
      %dma_start3A_69 = arith.constant 0 : i32
      %dma_start3A_70 = tpu.memref_slice %arg3[%arg1, %dma_start3A_68, %dma_start3A_69] : memref<16x312x64xi32, #tpu.memory_space<hbm>> -> memref<1x312x64xi32, #tpu.memory_space<hbm>>
      %dma_start3A_71 = tpu.memref_squeeze %dma_start3A_70 : memref<1x312x64xi32, #tpu.memory_space<hbm>> -> memref<312x64xi32, #tpu.memory_space<hbm>>
      %dma_start3A_72 = arith.constant 0 : i32
      %dma_start3A_73 = arith.constant 0 : i32
      %dma_start3A_74 = tpu.memref_slice %arg3[%arg1, %dma_start3A_72, %dma_start3A_73] : memref<16x312x64xi32, #tpu.memory_space<hbm>> -> memref<1x312x64xi32, #tpu.memory_space<hbm>>
      %dma_start3A_75 = tpu.memref_squeeze %dma_start3A_74 : memref<1x312x64xi32, #tpu.memory_space<hbm>> -> memref<312x64xi32, #tpu.memory_space<hbm>>
      tpu.enqueue_dma source(%dma_start3A_75 : memref<312x64xi32, #tpu.memory_space<hbm>>) target(%arg8 : memref<312x64xi32, #tpu.memory_space<vmem>>) target_semaphore(%run_scoped3A_67 : memref<!tpu.dma_semaphore, #tpu.memory_space<semaphore_mem>>)
      %dma_wait3A_76 = arith.constant 0 : i32
      %dma_wait3A_77 = arith.constant 0 : i32
      %dma_wait3A_78 = tpu.memref_slice %arg3[%arg1, %dma_wait3A_76, %dma_wait3A_77] : memref<16x312x64xi32, #tpu.memory_space<hbm>> -> memref<1x312x64xi32, #tpu.memory_space<hbm>>
      %dma_wait3A_79 = tpu.memref_squeeze %dma_wait3A_78 : memref<1x312x64xi32, #tpu.memory_space<hbm>> -> memref<312x64xi32, #tpu.memory_space<hbm>>
      %dma_wait3A_80 = arith.constant 0 : i32
      %dma_wait3A_81 = arith.constant 0 : i32
      %dma_wait3A_82 = tpu.memref_slice %arg3[%arg1, %dma_wait3A_80, %dma_wait3A_81] : memref<16x312x64xi32, #tpu.memory_space<hbm>> -> memref<1x312x64xi32, #tpu.memory_space<hbm>>
      %dma_wait3A_83 = tpu.memref_squeeze %dma_wait3A_82 : memref<1x312x64xi32, #tpu.memory_space<hbm>> -> memref<312x64xi32, #tpu.memory_space<hbm>>
      tpu.wait_dma2 semaphore(%run_scoped3A_67 : memref<!tpu.dma_semaphore, #tpu.memory_space<semaphore_mem>>) src(%dma_wait3A_83 : memref<312x64xi32, #tpu.memory_space<hbm>>) dst(%arg8 : memref<312x64xi32, #tpu.memory_space<vmem>>)
      tpu.yield
    }) : () -> ()
    "tpu.region"() ({
      %run_scoped3A_67 = tpu.sem_alloc : memref<!tpu.dma_semaphore, #tpu.memory_space<semaphore_mem>>
      %dma_start3A_68 = arith.constant 0 : i32
      %dma_start3A_69 = arith.constant 0 : i32
      %dma_start3A_70 = tpu.memref_slice %arg4[%arg1, %dma_start3A_68, %dma_start3A_69] : memref<16x312x64xi32, #tpu.memory_space<hbm>> -> memref<1x312x64xi32, #tpu.memory_space<hbm>>
      %dma_start3A_71 = tpu.memref_squeeze %dma_start3A_70 : memref<1x312x64xi32, #tpu.memory_space<hbm>> -> memref<312x64xi32, #tpu.memory_space<hbm>>
      %dma_start3A_72 = arith.constant 0 : i32
      %dma_start3A_73 = arith.constant 0 : i32
      %dma_start3A_74 = tpu.memref_slice %arg4[%arg1, %dma_start3A_72, %dma_start3A_73] : memref<16x312x64xi32, #tpu.memory_space<hbm>> -> memref<1x312x64xi32, #tpu.memory_space<hbm>>
      %dma_start3A_75 = tpu.memref_squeeze %dma_start3A_74 : memref<1x312x64xi32, #tpu.memory_space<hbm>> -> memref<312x64xi32, #tpu.memory_space<hbm>>
      tpu.enqueue_dma source(%dma_start3A_75 : memref<312x64xi32, #tpu.memory_space<hbm>>) target(%arg9 : memref<312x64xi32, #tpu.memory_space<vmem>>) target_semaphore(%run_scoped3A_67 : memref<!tpu.dma_semaphore, #tpu.memory_space<semaphore_mem>>)
      %dma_wait3A_76 = arith.constant 0 : i32
      %dma_wait3A_77 = arith.constant 0 : i32
      %dma_wait3A_78 = tpu.memref_slice %arg4[%arg1, %dma_wait3A_76, %dma_wait3A_77] : memref<16x312x64xi32, #tpu.memory_space<hbm>> -> memref<1x312x64xi32, #tpu.memory_space<hbm>>
      %dma_wait3A_79 = tpu.memref_squeeze %dma_wait3A_78 : memref<1x312x64xi32, #tpu.memory_space<hbm>> -> memref<312x64xi32, #tpu.memory_space<hbm>>
      %dma_wait3A_80 = arith.constant 0 : i32
      %dma_wait3A_81 = arith.constant 0 : i32
      %dma_wait3A_82 = tpu.memref_slice %arg4[%arg1, %dma_wait3A_80, %dma_wait3A_81] : memref<16x312x64xi32, #tpu.memory_space<hbm>> -> memref<1x312x64xi32, #tpu.memory_space<hbm>>
      %dma_wait3A_83 = tpu.memref_squeeze %dma_wait3A_82 : memref<1x312x64xi32, #tpu.memory_space<hbm>> -> memref<312x64xi32, #tpu.memory_space<hbm>>
      tpu.wait_dma2 semaphore(%run_scoped3A_67 : memref<!tpu.dma_semaphore, #tpu.memory_space<semaphore_mem>>) src(%dma_wait3A_83 : memref<312x64xi32, #tpu.memory_space<hbm>>) dst(%arg9 : memref<312x64xi32, #tpu.memory_space<vmem>>)
      tpu.yield
    }) : () -> ()
    "tpu.region"() ({
      %run_scoped3A_67 = tpu.sem_alloc : memref<!tpu.dma_semaphore, #tpu.memory_space<semaphore_mem>>
      %dma_start3A_68 = arith.constant 0 : i32
      %dma_start3A_69 = arith.constant 0 : i32
      %dma_start3A_70 = tpu.memref_slice %arg5[%arg1, %dma_start3A_68, %dma_start3A_69] : memref<16x1x32xi32, #tpu.memory_space<hbm>> -> memref<1x1x32xi32, #tpu.memory_space<hbm>>
      %dma_start3A_71 = tpu.memref_squeeze %dma_start3A_70 : memref<1x1x32xi32, #tpu.memory_space<hbm>> -> memref<1x32xi32, #tpu.memory_space<hbm>>
      %dma_start3A_72 = arith.constant 0 : i32
      %dma_start3A_73 = arith.constant 0 : i32
      %dma_start3A_74 = tpu.memref_slice %arg5[%arg1, %dma_start3A_72, %dma_start3A_73] : memref<16x1x32xi32, #tpu.memory_space<hbm>> -> memref<1x1x32xi32, #tpu.memory_space<hbm>>
      %dma_start3A_75 = tpu.memref_squeeze %dma_start3A_74 : memref<1x1x32xi32, #tpu.memory_space<hbm>> -> memref<1x32xi32, #tpu.memory_space<hbm>>
      tpu.enqueue_dma source(%dma_start3A_75 : memref<1x32xi32, #tpu.memory_space<hbm>>) target(%arg10 : memref<1x32xi32, #tpu.memory_space<vmem>>) target_semaphore(%run_scoped3A_67 : memref<!tpu.dma_semaphore, #tpu.memory_space<semaphore_mem>>)
      %dma_wait3A_76 = arith.constant 0 : i32
      %dma_wait3A_77 = arith.constant 0 : i32
      %dma_wait3A_78 = tpu.memref_slice %arg5[%arg1, %dma_wait3A_76, %dma_wait3A_77] : memref<16x1x32xi32, #tpu.memory_space<hbm>> -> memref<1x1x32xi32, #tpu.memory_space<hbm>>
      %dma_wait3A_79 = tpu.memref_squeeze %dma_wait3A_78 : memref<1x1x32xi32, #tpu.memory_space<hbm>> -> memref<1x32xi32, #tpu.memory_space<hbm>>
      %dma_wait3A_80 = arith.constant 0 : i32
      %dma_wait3A_81 = arith.constant 0 : i32
      %dma_wait3A_82 = tpu.memref_slice %arg5[%arg1, %dma_wait3A_80, %dma_wait3A_81] : memref<16x1x32xi32, #tpu.memory_space<hbm>> -> memref<1x1x32xi32, #tpu.memory_space<hbm>>
      %dma_wait3A_83 = tpu.memref_squeeze %dma_wait3A_82 : memref<1x1x32xi32, #tpu.memory_space<hbm>> -> memref<1x32xi32, #tpu.memory_space<hbm>>
      tpu.wait_dma2 semaphore(%run_scoped3A_67 : memref<!tpu.dma_semaphore, #tpu.memory_space<semaphore_mem>>) src(%dma_wait3A_83 : memref<1x32xi32, #tpu.memory_space<hbm>>) dst(%arg10 : memref<1x32xi32, #tpu.memory_space<vmem>>)
      tpu.yield
    }) : () -> ()
    "tpu.region"() ({
      %run_scoped3A_67 = tpu.sem_alloc : memref<!tpu.dma_semaphore, #tpu.memory_space<semaphore_mem>>
      %dma_start3A_68 = arith.constant 0 : i32
      %dma_start3A_69 = arith.constant 0 : i32
      %dma_start3A_70 = tpu.memref_slice %arg6[%arg1, %dma_start3A_68, %dma_start3A_69] : memref<16x1x32xi32, #tpu.memory_space<hbm>> -> memref<1x1x32xi32, #tpu.memory_space<hbm>>
      %dma_start3A_71 = tpu.memref_squeeze %dma_start3A_70 : memref<1x1x32xi32, #tpu.memory_space<hbm>> -> memref<1x32xi32, #tpu.memory_space<hbm>>
      %dma_start3A_72 = arith.constant 0 : i32
      %dma_start3A_73 = arith.constant 0 : i32
      %dma_start3A_74 = tpu.memref_slice %arg6[%arg1, %dma_start3A_72, %dma_start3A_73] : memref<16x1x32xi32, #tpu.memory_space<hbm>> -> memref<1x1x32xi32, #tpu.memory_space<hbm>>
      %dma_start3A_75 = tpu.memref_squeeze %dma_start3A_74 : memref<1x1x32xi32, #tpu.memory_space<hbm>> -> memref<1x32xi32, #tpu.memory_space<hbm>>
      tpu.enqueue_dma source(%dma_start3A_75 : memref<1x32xi32, #tpu.memory_space<hbm>>) target(%arg11 : memref<1x32xi32, #tpu.memory_space<vmem>>) target_semaphore(%run_scoped3A_67 : memref<!tpu.dma_semaphore, #tpu.memory_space<semaphore_mem>>)
      %dma_wait3A_76 = arith.constant 0 : i32
      %dma_wait3A_77 = arith.constant 0 : i32
      %dma_wait3A_78 = tpu.memref_slice %arg6[%arg1, %dma_wait3A_76, %dma_wait3A_77] : memref<16x1x32xi32, #tpu.memory_space<hbm>> -> memref<1x1x32xi32, #tpu.memory_space<hbm>>
      %dma_wait3A_79 = tpu.memref_squeeze %dma_wait3A_78 : memref<1x1x32xi32, #tpu.memory_space<hbm>> -> memref<1x32xi32, #tpu.memory_space<hbm>>
      %dma_wait3A_80 = arith.constant 0 : i32
      %dma_wait3A_81 = arith.constant 0 : i32
      %dma_wait3A_82 = tpu.memref_slice %arg6[%arg1, %dma_wait3A_80, %dma_wait3A_81] : memref<16x1x32xi32, #tpu.memory_space<hbm>> -> memref<1x1x32xi32, #tpu.memory_space<hbm>>
      %dma_wait3A_83 = tpu.memref_squeeze %dma_wait3A_82 : memref<1x1x32xi32, #tpu.memory_space<hbm>> -> memref<1x32xi32, #tpu.memory_space<hbm>>
      tpu.wait_dma2 semaphore(%run_scoped3A_67 : memref<!tpu.dma_semaphore, #tpu.memory_space<semaphore_mem>>) src(%dma_wait3A_83 : memref<1x32xi32, #tpu.memory_space<hbm>>) dst(%arg11 : memref<1x32xi32, #tpu.memory_space<vmem>>)
      tpu.yield
    }) : () -> ()
    %dma_start3A = arith.constant 0 : i32
    %dma_start3A_20 = arith.constant 0 : i32
    %dma_start3A_21 = arith.constant 0 : i32
    %dma_start3A_22 = arith.constant 0 : i32
    %dma_start3A_23 = arith.constant 0 : i32
    %dma_start3A_24 = tpu.memref_slice %arg12[%dma_start3A_20, %dma_start3A_22, %dma_start3A_23] : memref<2x64x96xf32, #tpu.memory_space<vmem>> -> memref<1x64x96xf32, #tpu.memory_space<vmem>>
    %dma_start3A_25 = tpu.memref_squeeze %dma_start3A_24 : memref<1x64x96xf32, #tpu.memory_space<vmem>> -> memref<64x96xf32, #tpu.memory_space<vmem>>
    %dma_start3A_26 = arith.constant 0 : i32
    %dma_start3A_27 = tpu.memref_slice %arg8[%dma_start3A, %dma_start3A_26] : memref<312x64xi32, #tpu.memory_space<vmem>> -> memref<1x64xi32, #tpu.memory_space<vmem>>
    %dma_start3A_28 = tpu.memref_squeeze %dma_start3A_27 : memref<1x64xi32, #tpu.memory_space<vmem>> -> memref<64xi32, #tpu.memory_space<vmem>>
    %dma_start3A_29 = arith.constant 0 : i32
    %dma_start3A_30 = arith.constant 0 : i32
    %dma_start3A_31 = tpu.memref_slice %arg2[%arg0, %dma_start3A_29, %dma_start3A_30] : memref<2x10000x96xf32, #tpu.memory_space<hbm>> -> memref<1x10000x96xf32, #tpu.memory_space<hbm>>
    %dma_start3A_32 = tpu.memref_squeeze %dma_start3A_31 : memref<1x10000x96xf32, #tpu.memory_space<hbm>> -> memref<10000x96xf32, #tpu.memory_space<hbm>>
    %dma_start3A_33 = arith.constant 0 : i32
    %dma_start3A_34 = arith.constant 0 : i32
    %dma_start3A_35 = tpu.memref_slice %dma_start3A_32[%dma_start3A_33, %dma_start3A_34] : memref<10000x96xf32, #tpu.memory_space<hbm>> -> memref<10000x96xf32, #tpu.memory_space<hbm>>
    %dma_start3A_36 = tpu.memref_slice %arg15[%dma_start3A_21] : memref<2x!tpu.dma_semaphore, #tpu.memory_space<semaphore_mem>> -> memref<1x!tpu.dma_semaphore, #tpu.memory_space<semaphore_mem>>
    %dma_start3A_37 = tpu.memref_squeeze %dma_start3A_36 : memref<1x!tpu.dma_semaphore, #tpu.memory_space<semaphore_mem>> -> memref<!tpu.dma_semaphore, #tpu.memory_space<semaphore_mem>>
    tpu.enqueue_indirect_dma source(%dma_start3A_35 : memref<10000x96xf32, #tpu.memory_space<hbm>>) target(%dma_start3A_25 : memref<64x96xf32, #tpu.memory_space<vmem>>) offsets(%dma_start3A_28 : memref<64xi32, #tpu.memory_space<vmem>>) semaphore(%dma_start3A_37 : memref<!tpu.dma_semaphore, #tpu.memory_space<semaphore_mem>>)
    %scan3A_38 = arith.constant 0 : i32
    %scan3A_39 = arith.constant 0 : i32
    %scan3A_40 = arith.constant 312 : i32
    %scan3A_41 = arith.addi %scan3A_39, %scan3A_40 : i32
    %scan3A_42 = arith.constant 1 : i32
    %scan3A_43 = scf.for %scan3A_67 = %scan3A_39 to %scan3A_41 step %scan3A_42 iter_args(%scan3A_68 = %scan3A_38) -> (i32)  : i32 {
      %jit3A = arith.constant 2 : i32
      %eq3A = arith.constant 0 : i32
      %eq3A_69 = arith.cmpi eq, %jit3A, %eq3A : i32
      %jit3A_70 = arith.constant 1 : i32
      %select_n3A = arith.select %eq3A_69, %jit3A_70, %jit3A : i32
      %rem3A = arith.remsi %scan3A_67, %select_n3A : i32
      %ne3A = arith.constant 0 : i32
      %ne3A_71 = arith.cmpi ne, %rem3A, %ne3A : i32
      %lt3A = arith.constant 0 : i32
      %lt3A_72 = arith.cmpi slt, %rem3A, %lt3A : i32
      %lt3A_73 = arith.constant 0 : i32
      %lt3A_74 = arith.cmpi slt, %select_n3A, %lt3A_73 : i32
      %ne3A_75 = arith.xori %lt3A_72, %lt3A_74 : i1
      %and3A = arith.andi %ne3A_75, %ne3A_71 : i1
      %add3A_76 = arith.addi %rem3A, %select_n3A : i32
      %select_n3A_77 = arith.select %and3A, %add3A_76, %rem3A : i32
      %dma_wait3A_78 = arith.constant 0 : i32
      %dma_wait3A_79 = arith.constant 0 : i32
      %dma_wait3A_80 = tpu.memref_slice %arg12[%select_n3A_77, %dma_wait3A_78, %dma_wait3A_79] : memref<2x64x96xf32, #tpu.memory_space<vmem>> -> memref<1x64x96xf32, #tpu.memory_space<vmem>>
      %dma_wait3A_81 = tpu.memref_squeeze %dma_wait3A_80 : memref<1x64x96xf32, #tpu.memory_space<vmem>> -> memref<64x96xf32, #tpu.memory_space<vmem>>
      %dma_wait3A_82 = arith.constant 0 : i32
      %dma_wait3A_83 = tpu.memref_slice %arg8[%scan3A_67, %dma_wait3A_82] : memref<312x64xi32, #tpu.memory_space<vmem>> -> memref<1x64xi32, #tpu.memory_space<vmem>>
      %dma_wait3A_84 = tpu.memref_squeeze %dma_wait3A_83 : memref<1x64xi32, #tpu.memory_space<vmem>> -> memref<64xi32, #tpu.memory_space<vmem>>
      %dma_wait3A_85 = arith.constant 0 : i32
      %dma_wait3A_86 = arith.constant 0 : i32
      %dma_wait3A_87 = tpu.memref_slice %arg2[%arg0, %dma_wait3A_85, %dma_wait3A_86] : memref<2x10000x96xf32, #tpu.memory_space<hbm>> -> memref<1x10000x96xf32, #tpu.memory_space<hbm>>
      %dma_wait3A_88 = tpu.memref_squeeze %dma_wait3A_87 : memref<1x10000x96xf32, #tpu.memory_space<hbm>> -> memref<10000x96xf32, #tpu.memory_space<hbm>>
      %dma_wait3A_89 = arith.constant 0 : i32
      %dma_wait3A_90 = arith.constant 0 : i32
      %dma_wait3A_91 = tpu.memref_slice %dma_wait3A_88[%dma_wait3A_89, %dma_wait3A_90] : memref<10000x96xf32, #tpu.memory_space<hbm>> -> memref<10000x96xf32, #tpu.memory_space<hbm>>
      %dma_wait3A_92 = tpu.memref_slice %arg15[%select_n3A_77] : memref<2x!tpu.dma_semaphore, #tpu.memory_space<semaphore_mem>> -> memref<1x!tpu.dma_semaphore, #tpu.memory_space<semaphore_mem>>
      %dma_wait3A_93 = tpu.memref_squeeze %dma_wait3A_92 : memref<1x!tpu.dma_semaphore, #tpu.memory_space<semaphore_mem>> -> memref<!tpu.dma_semaphore, #tpu.memory_space<semaphore_mem>>
      tpu.wait_indirect_dma semaphore(%dma_wait3A_93 : memref<!tpu.dma_semaphore, #tpu.memory_space<semaphore_mem>>) src(%dma_wait3A_91 : memref<10000x96xf32, #tpu.memory_space<hbm>>) dst(%dma_wait3A_81 : memref<64x96xf32, #tpu.memory_space<vmem>>)
      %dma_start3A_94 = arith.constant 0 : i32
      %dma_start3A_95 = arith.constant 0 : i32
      %dma_start3A_96 = tpu.memref_slice %arg12[%select_n3A_77, %dma_start3A_94, %dma_start3A_95] : memref<2x64x96xf32, #tpu.memory_space<vmem>> -> memref<1x64x96xf32, #tpu.memory_space<vmem>>
      %dma_start3A_97 = tpu.memref_squeeze %dma_start3A_96 : memref<1x64x96xf32, #tpu.memory_space<vmem>> -> memref<64x96xf32, #tpu.memory_space<vmem>>
      %dma_start3A_98 = arith.constant 0 : i32
      %dma_start3A_99 = tpu.memref_slice %arg9[%scan3A_67, %dma_start3A_98] : memref<312x64xi32, #tpu.memory_space<vmem>> -> memref<1x64xi32, #tpu.memory_space<vmem>>
      %dma_start3A_100 = tpu.memref_squeeze %dma_start3A_99 : memref<1x64xi32, #tpu.memory_space<vmem>> -> memref<64xi32, #tpu.memory_space<vmem>>
      %dma_start3A_101 = arith.constant 0 : i32
      %dma_start3A_102 = arith.constant 0 : i32
      %dma_start3A_103 = tpu.memref_slice %arg14[%dma_start3A_101, %dma_start3A_102] : memref<10112x96xf32, #tpu.memory_space<vmem_shared>> -> memref<10112x96xf32, #tpu.memory_space<vmem_shared>>
      %dma_start3A_104 = tpu.memref_slice %arg16[%select_n3A_77] : memref<2x!tpu.dma_semaphore, #tpu.memory_space<semaphore_mem>> -> memref<1x!tpu.dma_semaphore, #tpu.memory_space<semaphore_mem>>
      %dma_start3A_105 = tpu.memref_squeeze %dma_start3A_104 : memref<1x!tpu.dma_semaphore, #tpu.memory_space<semaphore_mem>> -> memref<!tpu.dma_semaphore, #tpu.memory_space<semaphore_mem>>
      tpu.enqueue_indirect_dma source(%dma_start3A_97 : memref<64x96xf32, #tpu.memory_space<vmem>>) target(%dma_start3A_103 : memref<10112x96xf32, #tpu.memory_space<vmem_shared>>) offsets(%dma_start3A_100 : memref<64xi32, #tpu.memory_space<vmem>>) semaphore(%dma_start3A_105 : memref<!tpu.dma_semaphore, #tpu.memory_space<semaphore_mem>>) {add = true}
      %ge3A = arith.constant 1 : i32
      %ge3A_106 = arith.cmpi sge, %scan3A_67, %ge3A : i32
      %convert_element_type3A = arith.extui %ge3A_106 : i1 to i32
      %cond3A = arith.constant 0 : i32
      %cond3A_107 = arith.cmpi ne, %convert_element_type3A, %cond3A : i32
      scf.if %cond3A_107 {
        %sub3A = arith.constant 1 : i32
        %sub3A_116 = arith.subi %scan3A_67, %sub3A : i32
        %sub3A_117 = arith.constant 1 : i32
        %sub3A_118 = arith.subi %sub3A_117, %select_n3A_77 : i32
        %dma_wait3A_119 = arith.constant 0 : i32
        %dma_wait3A_120 = arith.constant 0 : i32
        %dma_wait3A_121 = tpu.memref_slice %arg12[%sub3A_118, %dma_wait3A_119, %dma_wait3A_120] : memref<2x64x96xf32, #tpu.memory_space<vmem>> -> memref<1x64x96xf32, #tpu.memory_space<vmem>>
        %dma_wait3A_122 = tpu.memref_squeeze %dma_wait3A_121 : memref<1x64x96xf32, #tpu.memory_space<vmem>> -> memref<64x96xf32, #tpu.memory_space<vmem>>
        %dma_wait3A_123 = arith.constant 0 : i32
        %dma_wait3A_124 = tpu.memref_slice %arg9[%sub3A_116, %dma_wait3A_123] : memref<312x64xi32, #tpu.memory_space<vmem>> -> memref<1x64xi32, #tpu.memory_space<vmem>>
        %dma_wait3A_125 = tpu.memref_squeeze %dma_wait3A_124 : memref<1x64xi32, #tpu.memory_space<vmem>> -> memref<64xi32, #tpu.memory_space<vmem>>
        %dma_wait3A_126 = arith.constant 0 : i32
        %dma_wait3A_127 = arith.constant 0 : i32
        %dma_wait3A_128 = tpu.memref_slice %arg14[%dma_wait3A_126, %dma_wait3A_127] : memref<10112x96xf32, #tpu.memory_space<vmem_shared>> -> memref<10112x96xf32, #tpu.memory_space<vmem_shared>>
        %dma_wait3A_129 = tpu.memref_slice %arg16[%sub3A_118] : memref<2x!tpu.dma_semaphore, #tpu.memory_space<semaphore_mem>> -> memref<1x!tpu.dma_semaphore, #tpu.memory_space<semaphore_mem>>
        %dma_wait3A_130 = tpu.memref_squeeze %dma_wait3A_129 : memref<1x!tpu.dma_semaphore, #tpu.memory_space<semaphore_mem>> -> memref<!tpu.dma_semaphore, #tpu.memory_space<semaphore_mem>>
        tpu.wait_indirect_dma semaphore(%dma_wait3A_130 : memref<!tpu.dma_semaphore, #tpu.memory_space<semaphore_mem>>) src(%dma_wait3A_122 : memref<64x96xf32, #tpu.memory_space<vmem>>) dst(%dma_wait3A_128 : memref<10112x96xf32, #tpu.memory_space<vmem_shared>>)
      } else {
      }
      %add3A_108 = arith.constant 1 : i32
      %add3A_109 = arith.addi %scan3A_67, %add3A_108 : i32
      %lt3A_110 = arith.constant 312 : i32
      %lt3A_111 = arith.cmpi slt, %add3A_109, %lt3A_110 : i32
      %convert_element_type3A_112 = arith.extui %lt3A_111 : i1 to i32
      %cond3A_113 = arith.constant 0 : i32
      %cond3A_114 = arith.cmpi ne, %convert_element_type3A_112, %cond3A_113 : i32
      scf.if %cond3A_114 {
        %add3A_116 = arith.constant 1 : i32
        %add3A_117 = arith.addi %scan3A_67, %add3A_116 : i32
        %sub3A = arith.constant 1 : i32
        %sub3A_118 = arith.subi %sub3A, %select_n3A_77 : i32
        %dma_start3A_119 = arith.constant 0 : i32
        %dma_start3A_120 = arith.constant 0 : i32
        %dma_start3A_121 = tpu.memref_slice %arg12[%sub3A_118, %dma_start3A_119, %dma_start3A_120] : memref<2x64x96xf32, #tpu.memory_space<vmem>> -> memref<1x64x96xf32, #tpu.memory_space<vmem>>
        %dma_start3A_122 = tpu.memref_squeeze %dma_start3A_121 : memref<1x64x96xf32, #tpu.memory_space<vmem>> -> memref<64x96xf32, #tpu.memory_space<vmem>>
        %dma_start3A_123 = arith.constant 0 : i32
        %dma_start3A_124 = tpu.memref_slice %arg8[%add3A_117, %dma_start3A_123] : memref<312x64xi32, #tpu.memory_space<vmem>> -> memref<1x64xi32, #tpu.memory_space<vmem>>
        %dma_start3A_125 = tpu.memref_squeeze %dma_start3A_124 : memref<1x64xi32, #tpu.memory_space<vmem>> -> memref<64xi32, #tpu.memory_space<vmem>>
        %dma_start3A_126 = arith.constant 0 : i32
        %dma_start3A_127 = arith.constant 0 : i32
        %dma_start3A_128 = tpu.memref_slice %arg2[%arg0, %dma_start3A_126, %dma_start3A_127] : memref<2x10000x96xf32, #tpu.memory_space<hbm>> -> memref<1x10000x96xf32, #tpu.memory_space<hbm>>
        %dma_start3A_129 = tpu.memref_squeeze %dma_start3A_128 : memref<1x10000x96xf32, #tpu.memory_space<hbm>> -> memref<10000x96xf32, #tpu.memory_space<hbm>>
        %dma_start3A_130 = arith.constant 0 : i32
        %dma_start3A_131 = arith.constant 0 : i32
        %dma_start3A_132 = tpu.memref_slice %dma_start3A_129[%dma_start3A_130, %dma_start3A_131] : memref<10000x96xf32, #tpu.memory_space<hbm>> -> memref<10000x96xf32, #tpu.memory_space<hbm>>
        %dma_start3A_133 = tpu.memref_slice %arg15[%sub3A_118] : memref<2x!tpu.dma_semaphore, #tpu.memory_space<semaphore_mem>> -> memref<1x!tpu.dma_semaphore, #tpu.memory_space<semaphore_mem>>
        %dma_start3A_134 = tpu.memref_squeeze %dma_start3A_133 : memref<1x!tpu.dma_semaphore, #tpu.memory_space<semaphore_mem>> -> memref<!tpu.dma_semaphore, #tpu.memory_space<semaphore_mem>>
        tpu.enqueue_indirect_dma source(%dma_start3A_132 : memref<10000x96xf32, #tpu.memory_space<hbm>>) target(%dma_start3A_122 : memref<64x96xf32, #tpu.memory_space<vmem>>) offsets(%dma_start3A_125 : memref<64xi32, #tpu.memory_space<vmem>>) semaphore(%dma_start3A_134 : memref<!tpu.dma_semaphore, #tpu.memory_space<semaphore_mem>>)
      } else {
      }
      %scan3A_115 = arith.constant 0 : i32
      scf.yield %scan3A_115 : i32
    }
    %scan3A_44 = arith.constant 312 : i32
    %dma_wait3A = arith.constant 1 : i32
    %dma_wait3A_45 = arith.constant 311 : i32
    %dma_wait3A_46 = arith.constant 1 : i32
    %dma_wait3A_47 = arith.constant 0 : i32
    %dma_wait3A_48 = arith.constant 0 : i32
    %dma_wait3A_49 = tpu.memref_slice %arg12[%dma_wait3A, %dma_wait3A_47, %dma_wait3A_48] : memref<2x64x96xf32, #tpu.memory_space<vmem>> -> memref<1x64x96xf32, #tpu.memory_space<vmem>>
    %dma_wait3A_50 = tpu.memref_squeeze %dma_wait3A_49 : memref<1x64x96xf32, #tpu.memory_space<vmem>> -> memref<64x96xf32, #tpu.memory_space<vmem>>
    %dma_wait3A_51 = arith.constant 0 : i32
    %dma_wait3A_52 = tpu.memref_slice %arg9[%dma_wait3A_45, %dma_wait3A_51] : memref<312x64xi32, #tpu.memory_space<vmem>> -> memref<1x64xi32, #tpu.memory_space<vmem>>
    %dma_wait3A_53 = tpu.memref_squeeze %dma_wait3A_52 : memref<1x64xi32, #tpu.memory_space<vmem>> -> memref<64xi32, #tpu.memory_space<vmem>>
    %dma_wait3A_54 = arith.constant 0 : i32
    %dma_wait3A_55 = arith.constant 0 : i32
    %dma_wait3A_56 = tpu.memref_slice %arg14[%dma_wait3A_54, %dma_wait3A_55] : memref<10112x96xf32, #tpu.memory_space<vmem_shared>> -> memref<10112x96xf32, #tpu.memory_space<vmem_shared>>
    %dma_wait3A_57 = tpu.memref_slice %arg16[%dma_wait3A_46] : memref<2x!tpu.dma_semaphore, #tpu.memory_space<semaphore_mem>> -> memref<1x!tpu.dma_semaphore, #tpu.memory_space<semaphore_mem>>
    %dma_wait3A_58 = tpu.memref_squeeze %dma_wait3A_57 : memref<1x!tpu.dma_semaphore, #tpu.memory_space<semaphore_mem>> -> memref<!tpu.dma_semaphore, #tpu.memory_space<semaphore_mem>>
    tpu.wait_indirect_dma semaphore(%dma_wait3A_58 : memref<!tpu.dma_semaphore, #tpu.memory_space<semaphore_mem>>) src(%dma_wait3A_50 : memref<64x96xf32, #tpu.memory_space<vmem>>) dst(%dma_wait3A_56 : memref<10112x96xf32, #tpu.memory_space<vmem_shared>>)
    %run_scoped3A = arith.constant 0 : i32
    %run_scoped3A_59 = arith.constant 0 : i32
    "tpu.region"() ({
      %run_scoped3A_67 = tpu.sem_alloc : memref<!tpu.dma_semaphore, #tpu.memory_space<semaphore_mem>>
      %dma_start3A_68 = arith.constant 0 : i32
      %dma_start3A_69 = arith.constant 0 : i32
      %dma_start3A_70 = tpu.memref_slice %arg12[%run_scoped3A_59, %dma_start3A_68, %dma_start3A_69] : memref<2x64x96xf32, #tpu.memory_space<vmem>> -> memref<1x32x96xf32, #tpu.memory_space<vmem>>
      %dma_start3A_71 = tpu.memref_squeeze %dma_start3A_70 : memref<1x32x96xf32, #tpu.memory_space<vmem>> -> memref<32x96xf32, #tpu.memory_space<vmem>>
      %dma_start3A_72 = arith.constant 0 : i32
      %dma_start3A_73 = tpu.memref_slice %arg10[%run_scoped3A, %dma_start3A_72] : memref<1x32xi32, #tpu.memory_space<vmem>> -> memref<1x32xi32, #tpu.memory_space<vmem>>
      %dma_start3A_74 = tpu.memref_squeeze %dma_start3A_73 : memref<1x32xi32, #tpu.memory_space<vmem>> -> memref<32xi32, #tpu.memory_space<vmem>>
      %dma_start3A_75 = arith.constant 0 : i32
      %dma_start3A_76 = arith.constant 0 : i32
      %dma_start3A_77 = tpu.memref_slice %arg2[%arg0, %dma_start3A_75, %dma_start3A_76] : memref<2x10000x96xf32, #tpu.memory_space<hbm>> -> memref<1x10000x96xf32, #tpu.memory_space<hbm>>
      %dma_start3A_78 = tpu.memref_squeeze %dma_start3A_77 : memref<1x10000x96xf32, #tpu.memory_space<hbm>> -> memref<10000x96xf32, #tpu.memory_space<hbm>>
      %dma_start3A_79 = arith.constant 0 : i32
      %dma_start3A_80 = arith.constant 0 : i32
      %dma_start3A_81 = tpu.memref_slice %dma_start3A_78[%dma_start3A_79, %dma_start3A_80] : memref<10000x96xf32, #tpu.memory_space<hbm>> -> memref<10000x96xf32, #tpu.memory_space<hbm>>
      tpu.enqueue_indirect_dma source(%dma_start3A_81 : memref<10000x96xf32, #tpu.memory_space<hbm>>) target(%dma_start3A_71 : memref<32x96xf32, #tpu.memory_space<vmem>>) offsets(%dma_start3A_74 : memref<32xi32, #tpu.memory_space<vmem>>) semaphore(%run_scoped3A_67 : memref<!tpu.dma_semaphore, #tpu.memory_space<semaphore_mem>>)
      %dma_wait3A_82 = arith.constant 0 : i32
      %dma_wait3A_83 = arith.constant 0 : i32
      %dma_wait3A_84 = tpu.memref_slice %arg12[%run_scoped3A_59, %dma_wait3A_82, %dma_wait3A_83] : memref<2x64x96xf32, #tpu.memory_space<vmem>> -> memref<1x32x96xf32, #tpu.memory_space<vmem>>
      %dma_wait3A_85 = tpu.memref_squeeze %dma_wait3A_84 : memref<1x32x96xf32, #tpu.memory_space<vmem>> -> memref<32x96xf32, #tpu.memory_space<vmem>>
      %dma_wait3A_86 = arith.constant 0 : i32
      %dma_wait3A_87 = tpu.memref_slice %arg10[%run_scoped3A, %dma_wait3A_86] : memref<1x32xi32, #tpu.memory_space<vmem>> -> memref<1x32xi32, #tpu.memory_space<vmem>>
      %dma_wait3A_88 = tpu.memref_squeeze %dma_wait3A_87 : memref<1x32xi32, #tpu.memory_space<vmem>> -> memref<32xi32, #tpu.memory_space<vmem>>
      %dma_wait3A_89 = arith.constant 0 : i32
      %dma_wait3A_90 = arith.constant 0 : i32
      %dma_wait3A_91 = tpu.memref_slice %arg2[%arg0, %dma_wait3A_89, %dma_wait3A_90] : memref<2x10000x96xf32, #tpu.memory_space<hbm>> -> memref<1x10000x96xf32, #tpu.memory_space<hbm>>
      %dma_wait3A_92 = tpu.memref_squeeze %dma_wait3A_91 : memref<1x10000x96xf32, #tpu.memory_space<hbm>> -> memref<10000x96xf32, #tpu.memory_space<hbm>>
      %dma_wait3A_93 = arith.constant 0 : i32
      %dma_wait3A_94 = arith.constant 0 : i32
      %dma_wait3A_95 = tpu.memref_slice %dma_wait3A_92[%dma_wait3A_93, %dma_wait3A_94] : memref<10000x96xf32, #tpu.memory_space<hbm>> -> memref<10000x96xf32, #tpu.memory_space<hbm>>
      tpu.wait_indirect_dma semaphore(%run_scoped3A_67 : memref<!tpu.dma_semaphore, #tpu.memory_space<semaphore_mem>>) src(%dma_wait3A_95 : memref<10000x96xf32, #tpu.memory_space<hbm>>) dst(%dma_wait3A_85 : memref<32x96xf32, #tpu.memory_space<vmem>>)
      tpu.yield
    }) : () -> ()
    %run_scoped3A_60 = arith.constant 0 : i32
    %run_scoped3A_61 = arith.constant 0 : i32
    "tpu.region"() ({
      %run_scoped3A_67 = tpu.sem_alloc : memref<!tpu.dma_semaphore, #tpu.memory_space<semaphore_mem>>
      %dma_start3A_68 = arith.constant 0 : i32
      %dma_start3A_69 = arith.constant 0 : i32
      %dma_start3A_70 = tpu.memref_slice %arg12[%run_scoped3A_60, %dma_start3A_68, %dma_start3A_69] : memref<2x64x96xf32, #tpu.memory_space<vmem>> -> memref<1x32x96xf32, #tpu.memory_space<vmem>>
      %dma_start3A_71 = tpu.memref_squeeze %dma_start3A_70 : memref<1x32x96xf32, #tpu.memory_space<vmem>> -> memref<32x96xf32, #tpu.memory_space<vmem>>
      %dma_start3A_72 = arith.constant 0 : i32
      %dma_start3A_73 = tpu.memref_slice %arg11[%run_scoped3A_61, %dma_start3A_72] : memref<1x32xi32, #tpu.memory_space<vmem>> -> memref<1x32xi32, #tpu.memory_space<vmem>>
      %dma_start3A_74 = tpu.memref_squeeze %dma_start3A_73 : memref<1x32xi32, #tpu.memory_space<vmem>> -> memref<32xi32, #tpu.memory_space<vmem>>
      %dma_start3A_75 = arith.constant 0 : i32
      %dma_start3A_76 = arith.constant 0 : i32
      %dma_start3A_77 = tpu.memref_slice %arg14[%dma_start3A_75, %dma_start3A_76] : memref<10112x96xf32, #tpu.memory_space<vmem_shared>> -> memref<10112x96xf32, #tpu.memory_space<vmem_shared>>
      tpu.enqueue_indirect_dma source(%dma_start3A_71 : memref<32x96xf32, #tpu.memory_space<vmem>>) target(%dma_start3A_77 : memref<10112x96xf32, #tpu.memory_space<vmem_shared>>) offsets(%dma_start3A_74 : memref<32xi32, #tpu.memory_space<vmem>>) semaphore(%run_scoped3A_67 : memref<!tpu.dma_semaphore, #tpu.memory_space<semaphore_mem>>) {add = true}
      %dma_wait3A_78 = arith.constant 0 : i32
      %dma_wait3A_79 = arith.constant 0 : i32
      %dma_wait3A_80 = tpu.memref_slice %arg12[%run_scoped3A_60, %dma_wait3A_78, %dma_wait3A_79] : memref<2x64x96xf32, #tpu.memory_space<vmem>> -> memref<1x32x96xf32, #tpu.memory_space<vmem>>
      %dma_wait3A_81 = tpu.memref_squeeze %dma_wait3A_80 : memref<1x32x96xf32, #tpu.memory_space<vmem>> -> memref<32x96xf32, #tpu.memory_space<vmem>>
      %dma_wait3A_82 = arith.constant 0 : i32
      %dma_wait3A_83 = tpu.memref_slice %arg11[%run_scoped3A_61, %dma_wait3A_82] : memref<1x32xi32, #tpu.memory_space<vmem>> -> memref<1x32xi32, #tpu.memory_space<vmem>>
      %dma_wait3A_84 = tpu.memref_squeeze %dma_wait3A_83 : memref<1x32xi32, #tpu.memory_space<vmem>> -> memref<32xi32, #tpu.memory_space<vmem>>
      %dma_wait3A_85 = arith.constant 0 : i32
      %dma_wait3A_86 = arith.constant 0 : i32
      %dma_wait3A_87 = tpu.memref_slice %arg14[%dma_wait3A_85, %dma_wait3A_86] : memref<10112x96xf32, #tpu.memory_space<vmem_shared>> -> memref<10112x96xf32, #tpu.memory_space<vmem_shared>>
      tpu.wait_indirect_dma semaphore(%run_scoped3A_67 : memref<!tpu.dma_semaphore, #tpu.memory_space<semaphore_mem>>) src(%dma_wait3A_81 : memref<32x96xf32, #tpu.memory_space<vmem>>) dst(%dma_wait3A_87 : memref<10112x96xf32, #tpu.memory_space<vmem_shared>>)
      tpu.yield
    }) : () -> ()
    %barrier3A_62 = arith.constant 0 : index
    tpu.barrier barrier_id(%barrier3A_62)
    %mul3A_63 = arith.constant 632 : i32
    %mul3A_64 = arith.muli %arg1, %mul3A_63 : i32
    %mul3A_65 = arith.constant 632 : i32
    %mul3A_66 = arith.muli %arg1, %mul3A_65 : i32
    "tpu.region"() ({
      %run_scoped3A_67 = tpu.sem_alloc : memref<!tpu.dma_semaphore, #tpu.memory_space<semaphore_mem>>
      %dma_start3A_68 = arith.constant 0 : i32
      %dma_start3A_69 = tpu.memref_slice %arg7[%arg0, %mul3A_66, %dma_start3A_68] : memref<2x10112x96xf32, #tpu.memory_space<hbm>> -> memref<1x632x96xf32, #tpu.memory_space<hbm>>
      %dma_start3A_70 = tpu.memref_squeeze %dma_start3A_69 : memref<1x632x96xf32, #tpu.memory_space<hbm>> -> memref<632x96xf32, #tpu.memory_space<hbm>>
      %dma_start3A_71 = arith.constant 0 : i32
      %dma_start3A_72 = tpu.memref_slice %arg14[%mul3A_64, %dma_start3A_71] : memref<10112x96xf32, #tpu.memory_space<vmem_shared>> -> memref<632x96xf32, #tpu.memory_space<vmem_shared>>
      tpu.enqueue_dma source(%dma_start3A_72 : memref<632x96xf32, #tpu.memory_space<vmem_shared>>) target(%dma_start3A_70 : memref<632x96xf32, #tpu.memory_space<hbm>>) target_semaphore(%run_scoped3A_67 : memref<!tpu.dma_semaphore, #tpu.memory_space<semaphore_mem>>)
      %dma_wait3A_73 = arith.constant 0 : i32
      %dma_wait3A_74 = tpu.memref_slice %arg7[%arg0, %mul3A_66, %dma_wait3A_73] : memref<2x10112x96xf32, #tpu.memory_space<hbm>> -> memref<1x632x96xf32, #tpu.memory_space<hbm>>
      %dma_wait3A_75 = tpu.memref_squeeze %dma_wait3A_74 : memref<1x632x96xf32, #tpu.memory_space<hbm>> -> memref<632x96xf32, #tpu.memory_space<hbm>>
      %dma_wait3A_76 = arith.constant 0 : i32
      %dma_wait3A_77 = tpu.memref_slice %arg14[%mul3A_64, %dma_wait3A_76] : memref<10112x96xf32, #tpu.memory_space<vmem_shared>> -> memref<632x96xf32, #tpu.memory_space<vmem_shared>>
      tpu.wait_dma2 semaphore(%run_scoped3A_67 : memref<!tpu.dma_semaphore, #tpu.memory_space<semaphore_mem>>) src(%dma_wait3A_77 : memref<632x96xf32, #tpu.memory_space<vmem_shared>>) dst(%dma_wait3A_75 : memref<632x96xf32, #tpu.memory_space<hbm>>)
      tpu.yield
    }) : () -> ()
    return
  }
}

#map = affine_map<(d0, d1) -> (0, 0, 0)>
module attributes {stable_mosaic.version = 14 : i64} {
  func.func @body(%arg0: i32, %arg1: i32, %arg2: memref<2x10000x96xf32, #tpu.memory_space<hbm>>, %arg3: memref<16x312x64xi32, #tpu.memory_space<hbm>>, %arg4: memref<16x312x64xi32, #tpu.memory_space<hbm>>, %arg5: memref<16x1x32xi32, #tpu.memory_space<hbm>>, %arg6: memref<16x1x32xi32, #tpu.memory_space<hbm>>, %arg7: memref<2x10112x96xf32, #tpu.memory_space<hbm>>, %arg8: memref<312x64xi32, #tpu.memory_space<vmem>>, %arg9: memref<312x64xi32, #tpu.memory_space<vmem>>, %arg10: memref<1x32xi32, #tpu.memory_space<vmem>>, %arg11: memref<1x32xi32, #tpu.memory_space<vmem>>, %arg12: memref<2x64x96xf32, #tpu.memory_space<vmem>>, %arg13: memref<160x96xf32, #tpu.memory_space<vmem>>, %arg14: memref<10112x96xf32, #tpu.memory_space<vmem_shared>>, %arg15: memref<2x!tpu.dma_semaphore, #tpu.memory_space<semaphore_mem>>, %arg16: memref<2x!tpu.dma_semaphore, #tpu.memory_space<semaphore_mem>>) attributes {dimension_semantics = [#tpu.dimension_semantics<core_parallel>, #tpu.dimension_semantics<subcore_parallel>], iteration_bounds = array<i64: 2, 16>, scalar_prefetch = 0 : i64, scratch_operands = 9 : i64, tpu.core_type = #tpu.core_type<sc_vector_subcore>, window_params = [{transform_indices = #map}, {transform_indices = #map}, {transform_indices = #map}, {transform_indices = #map}, {transform_indices = #map}, {transform_indices = #map}]} {
    %scan3A = arith.constant 0 : i32
    %scan3A_0 = arith.constant 0 : i32
    %scan3A_1 = arith.constant 160 : i32
    %scan3A_2 = arith.addi %scan3A_0, %scan3A_1 : i32
    %scan3A_3 = arith.constant 1 : i32
    %scan3A_4 = scf.for %scan3A_67 = %scan3A_0 to %scan3A_2 step %scan3A_3 iter_args(%scan3A_68 = %scan3A) -> (i32)  : i32 {
      %broadcast_in_dim3A = arith.constant 0.000000e+00 : f32
      %broadcast_in_dim3A_69 = vector.broadcast %broadcast_in_dim3A : f32 to vector<16xf32>
      %swap3A = arith.index_cast %scan3A_67 : i32 to index
      %swap3A_70 = arith.constant 0 : index
      %swap3A_71 = tpu.vector_load %arg13[%swap3A, %swap3A_70] {strides = array<i32>} : memref<160x96xf32, #tpu.memory_space<vmem>>, vector<1x16xf32>,
      %swap3A_72 = vector.shape_cast %swap3A_71 : vector<1x16xf32> to vector<16xf32>
      %swap3A_73 = vector.shape_cast %broadcast_in_dim3A_69 : vector<16xf32> to vector<1x16xf32>
      tpu.vector_store %arg13[%swap3A, %swap3A_70], %swap3A_73 {strides = array<i32>} : memref<160x96xf32, #tpu.memory_space<vmem>>, vector<1x16xf32>,
      %broadcast_in_dim3A_74 = arith.constant 0.000000e+00 : f32
      %broadcast_in_dim3A_75 = vector.broadcast %broadcast_in_dim3A_74 : f32 to vector<16xf32>
      %swap3A_76 = arith.index_cast %scan3A_67 : i32 to index
      %swap3A_77 = arith.constant 16 : index
      %swap3A_78 = tpu.vector_load %arg13[%swap3A_76, %swap3A_77] {strides = array<i32>} : memref<160x96xf32, #tpu.memory_space<vmem>>, vector<1x16xf32>,
      %swap3A_79 = vector.shape_cast %swap3A_78 : vector<1x16xf32> to vector<16xf32>
      %swap3A_80 = vector.shape_cast %broadcast_in_dim3A_75 : vector<16xf32> to vector<1x16xf32>
      tpu.vector_store %arg13[%swap3A_76, %swap3A_77], %swap3A_80 {strides = array<i32>} : memref<160x96xf32, #tpu.memory_space<vmem>>, vector<1x16xf32>,
      %broadcast_in_dim3A_81 = arith.constant 0.000000e+00 : f32
      %broadcast_in_dim3A_82 = vector.broadcast %broadcast_in_dim3A_81 : f32 to vector<16xf32>
      %swap3A_83 = arith.index_cast %scan3A_67 : i32 to index
      %swap3A_84 = arith.constant 32 : index
      %swap3A_85 = tpu.vector_load %arg13[%swap3A_83, %swap3A_84] {strides = array<i32>} : memref<160x96xf32, #tpu.memory_space<vmem>>, vector<1x16xf32>,
      %swap3A_86 = vector.shape_cast %swap3A_85 : vector<1x16xf32> to vector<16xf32>
      %swap3A_87 = vector.shape_cast %broadcast_in_dim3A_82 : vector<16xf32> to vector<1x16xf32>
      tpu.vector_store %arg13[%swap3A_83, %swap3A_84], %swap3A_87 {strides = array<i32>} : memref<160x96xf32, #tpu.memory_space<vmem>>, vector<1x16xf32>,
      %broadcast_in_dim3A_88 = arith.constant 0.000000e+00 : f32
      %broadcast_in_dim3A_89 = vector.broadcast %broadcast_in_dim3A_88 : f32 to vector<16xf32>
      %swap3A_90 = arith.index_cast %scan3A_67 : i32 to index
      %swap3A_91 = arith.constant 48 : index
      %swap3A_92 = tpu.vector_load %arg13[%swap3A_90, %swap3A_91] {strides = array<i32>} : memref<160x96xf32, #tpu.memory_space<vmem>>, vector<1x16xf32>,
      %swap3A_93 = vector.shape_cast %swap3A_92 : vector<1x16xf32> to vector<16xf32>
      %swap3A_94 = vector.shape_cast %broadcast_in_dim3A_89 : vector<16xf32> to vector<1x16xf32>
      tpu.vector_store %arg13[%swap3A_90, %swap3A_91], %swap3A_94 {strides = array<i32>} : memref<160x96xf32, #tpu.memory_space<vmem>>, vector<1x16xf32>,
      %broadcast_in_dim3A_95 = arith.constant 0.000000e+00 : f32
      %broadcast_in_dim3A_96 = vector.broadcast %broadcast_in_dim3A_95 : f32 to vector<16xf32>
      %swap3A_97 = arith.index_cast %scan3A_67 : i32 to index
      %swap3A_98 = arith.constant 64 : index
      %swap3A_99 = tpu.vector_load %arg13[%swap3A_97, %swap3A_98] {strides = array<i32>} : memref<160x96xf32, #tpu.memory_space<vmem>>, vector<1x16xf32>,
      %swap3A_100 = vector.shape_cast %swap3A_99 : vector<1x16xf32> to vector<16xf32>
      %swap3A_101 = vector.shape_cast %broadcast_in_dim3A_96 : vector<16xf32> to vector<1x16xf32>
      tpu.vector_store %arg13[%swap3A_97, %swap3A_98], %swap3A_101 {strides = array<i32>} : memref<160x96xf32, #tpu.memory_space<vmem>>, vector<1x16xf32>,
      %broadcast_in_dim3A_102 = arith.constant 0.000000e+00 : f32
      %broadcast_in_dim3A_103 = vector.broadcast %broadcast_in_dim3A_102 : f32 to vector<16xf32>
      %swap3A_104 = arith.index_cast %scan3A_67 : i32 to index
      %swap3A_105 = arith.constant 80 : index
      %swap3A_106 = tpu.vector_load %arg13[%swap3A_104, %swap3A_105] {strides = array<i32>} : memref<160x96xf32, #tpu.memory_space<vmem>>, vector<1x16xf32>,
      %swap3A_107 = vector.shape_cast %swap3A_106 : vector<1x16xf32> to vector<16xf32>
      %swap3A_108 = vector.shape_cast %broadcast_in_dim3A_103 : vector<16xf32> to vector<1x16xf32>
      tpu.vector_store %arg13[%swap3A_104, %swap3A_105], %swap3A_108 {strides = array<i32>} : memref<160x96xf32, #tpu.memory_space<vmem>>, vector<1x16xf32>,
      %scan3A_109 = arith.constant 0 : i32
      scf.yield %scan3A_109 : i32
    }
    %scan3A_5 = arith.constant 160 : i32
    %mul3A = arith.constant 632 : i32
    %mul3A_6 = arith.muli %arg1, %mul3A : i32
    %add3A = arith.constant 0 : i32
    %add3A_7 = arith.addi %mul3A_6, %add3A : i32
    "tpu.region"() ({
      %run_scoped3A_67 = tpu.sem_alloc : memref<!tpu.dma_semaphore, #tpu.memory_space<semaphore_mem>>
      %dma_start3A_68 = arith.constant 0 : i32
      %dma_start3A_69 = arith.constant 0 : i32
      %dma_start3A_70 = tpu.memref_slice %arg13[%dma_start3A_68, %dma_start3A_69] : memref<160x96xf32, #tpu.memory_space<vmem>> -> memref<160x96xf32, #tpu.memory_space<vmem>>
      %dma_start3A_71 = arith.constant 0 : i32
      %dma_start3A_72 = tpu.memref_slice %arg14[%add3A_7, %dma_start3A_71] : memref<10112x96xf32, #tpu.memory_space<vmem_shared>> -> memref<160x96xf32, #tpu.memory_space<vmem_shared>>
      %dma_start3A_73 = arith.constant 0 : i32
      %dma_start3A_74 = tpu.memref_slice %arg14[%add3A_7, %dma_start3A_73] : memref<10112x96xf32, #tpu.memory_space<vmem_shared>> -> memref<160x96xf32, #tpu.memory_space<vmem_shared>>
      %dma_start3A_75 = arith.constant 0 : i32
      %dma_start3A_76 = arith.constant 0 : i32
      %dma_start3A_77 = tpu.memref_slice %arg13[%dma_start3A_75, %dma_start3A_76] : memref<160x96xf32, #tpu.memory_space<vmem>> -> memref<160x96xf32, #tpu.memory_space<vmem>>
      tpu.enqueue_dma source(%dma_start3A_77 : memref<160x96xf32, #tpu.memory_space<vmem>>) target(%dma_start3A_74 : memref<160x96xf32, #tpu.memory_space<vmem_shared>>) target_semaphore(%run_scoped3A_67 : memref<!tpu.dma_semaphore, #tpu.memory_space<semaphore_mem>>)
      %dma_wait3A_78 = arith.constant 0 : i32
      %dma_wait3A_79 = arith.constant 0 : i32
      %dma_wait3A_80 = tpu.memref_slice %arg13[%dma_wait3A_78, %dma_wait3A_79] : memref<160x96xf32, #tpu.memory_space<vmem>> -> memref<160x96xf32, #tpu.memory_space<vmem>>
      %dma_wait3A_81 = arith.constant 0 : i32
      %dma_wait3A_82 = tpu.memref_slice %arg14[%add3A_7, %dma_wait3A_81] : memref<10112x96xf32, #tpu.memory_space<vmem_shared>> -> memref<160x96xf32, #tpu.memory_space<vmem_shared>>
      %dma_wait3A_83 = arith.constant 0 : i32
      %dma_wait3A_84 = tpu.memref_slice %arg14[%add3A_7, %dma_wait3A_83] : memref<10112x96xf32, #tpu.memory_space<vmem_shared>> -> memref<160x96xf32, #tpu.memory_space<vmem_shared>>
      %dma_wait3A_85 = arith.constant 0 : i32
      %dma_wait3A_86 = arith.constant 0 : i32
      %dma_wait3A_87 = tpu.memref_slice %arg13[%dma_wait3A_85, %dma_wait3A_86] : memref<160x96xf32, #tpu.memory_space<vmem>> -> memref<160x96xf32, #tpu.memory_space<vmem>>
      tpu.wait_dma2 semaphore(%run_scoped3A_67 : memref<!tpu.dma_semaphore, #tpu.memory_space<semaphore_mem>>) src(%dma_wait3A_87 : memref<160x96xf32, #tpu.memory_space<vmem>>) dst(%dma_wait3A_84 : memref<160x96xf32, #tpu.memory_space<vmem_shared>>)
      tpu.yield
    }) : () -> ()
    %mul3A_8 = arith.constant 632 : i32
    %mul3A_9 = arith.muli %arg1, %mul3A_8 : i32
    %add3A_10 = arith.constant 160 : i32
    %add3A_11 = arith.addi %mul3A_9, %add3A_10 : i32
    "tpu.region"() ({
      %run_scoped3A_67 = tpu.sem_alloc : memref<!tpu.dma_semaphore, #tpu.memory_space<semaphore_mem>>
      %dma_start3A_68 = arith.constant 0 : i32
      %dma_start3A_69 = arith.constant 0 : i32
      %dma_start3A_70 = tpu.memref_slice %arg13[%dma_start3A_68, %dma_start3A_69] : memref<160x96xf32, #tpu.memory_space<vmem>> -> memref<160x96xf32, #tpu.memory_space<vmem>>
      %dma_start3A_71 = arith.constant 0 : i32
      %dma_start3A_72 = tpu.memref_slice %arg14[%add3A_11, %dma_start3A_71] : memref<10112x96xf32, #tpu.memory_space<vmem_shared>> -> memref<160x96xf32, #tpu.memory_space<vmem_shared>>
      %dma_start3A_73 = arith.constant 0 : i32
      %dma_start3A_74 = tpu.memref_slice %arg14[%add3A_11, %dma_start3A_73] : memref<10112x96xf32, #tpu.memory_space<vmem_shared>> -> memref<160x96xf32, #tpu.memory_space<vmem_shared>>
      %dma_start3A_75 = arith.constant 0 : i32
      %dma_start3A_76 = arith.constant 0 : i32
      %dma_start3A_77 = tpu.memref_slice %arg13[%dma_start3A_75, %dma_start3A_76] : memref<160x96xf32, #tpu.memory_space<vmem>> -> memref<160x96xf32, #tpu.memory_space<vmem>>
      tpu.enqueue_dma source(%dma_start3A_77 : memref<160x96xf32, #tpu.memory_space<vmem>>) target(%dma_start3A_74 : memref<160x96xf32, #tpu.memory_space<vmem_shared>>) target_semaphore(%run_scoped3A_67 : memref<!tpu.dma_semaphore, #tpu.memory_space<semaphore_mem>>)
      %dma_wait3A_78 = arith.constant 0 : i32
      %dma_wait3A_79 = arith.constant 0 : i32
      %dma_wait3A_80 = tpu.memref_slice %arg13[%dma_wait3A_78, %dma_wait3A_79] : memref<160x96xf32, #tpu.memory_space<vmem>> -> memref<160x96xf32, #tpu.memory_space<vmem>>
      %dma_wait3A_81 = arith.constant 0 : i32
      %dma_wait3A_82 = tpu.memref_slice %arg14[%add3A_11, %dma_wait3A_81] : memref<10112x96xf32, #tpu.memory_space<vmem_shared>> -> memref<160x96xf32, #tpu.memory_space<vmem_shared>>
      %dma_wait3A_83 = arith.constant 0 : i32
      %dma_wait3A_84 = tpu.memref_slice %arg14[%add3A_11, %dma_wait3A_83] : memref<10112x96xf32, #tpu.memory_space<vmem_shared>> -> memref<160x96xf32, #tpu.memory_space<vmem_shared>>
      %dma_wait3A_85 = arith.constant 0 : i32
      %dma_wait3A_86 = arith.constant 0 : i32
      %dma_wait3A_87 = tpu.memref_slice %arg13[%dma_wait3A_85, %dma_wait3A_86] : memref<160x96xf32, #tpu.memory_space<vmem>> -> memref<160x96xf32, #tpu.memory_space<vmem>>
      tpu.wait_dma2 semaphore(%run_scoped3A_67 : memref<!tpu.dma_semaphore, #tpu.memory_space<semaphore_mem>>) src(%dma_wait3A_87 : memref<160x96xf32, #tpu.memory_space<vmem>>) dst(%dma_wait3A_84 : memref<160x96xf32, #tpu.memory_space<vmem_shared>>)
      tpu.yield
    }) : () -> ()
    %mul3A_12 = arith.constant 632 : i32
    %mul3A_13 = arith.muli %arg1, %mul3A_12 : i32
    %add3A_14 = arith.constant 320 : i32
    %add3A_15 = arith.addi %mul3A_13, %add3A_14 : i32
    "tpu.region"() ({
      %run_scoped3A_67 = tpu.sem_alloc : memref<!tpu.dma_semaphore, #tpu.memory_space<semaphore_mem>>
      %dma_start3A_68 = arith.constant 0 : i32
      %dma_start3A_69 = arith.constant 0 : i32
      %dma_start3A_70 = tpu.memref_slice %arg13[%dma_start3A_68, %dma_start3A_69] : memref<160x96xf32, #tpu.memory_space<vmem>> -> memref<160x96xf32, #tpu.memory_space<vmem>>
      %dma_start3A_71 = arith.constant 0 : i32
      %dma_start3A_72 = tpu.memref_slice %arg14[%add3A_15, %dma_start3A_71] : memref<10112x96xf32, #tpu.memory_space<vmem_shared>> -> memref<160x96xf32, #tpu.memory_space<vmem_shared>>
      %dma_start3A_73 = arith.constant 0 : i32
      %dma_start3A_74 = tpu.memref_slice %arg14[%add3A_15, %dma_start3A_73] : memref<10112x96xf32, #tpu.memory_space<vmem_shared>> -> memref<160x96xf32, #tpu.memory_space<vmem_shared>>
      %dma_start3A_75 = arith.constant 0 : i32
      %dma_start3A_76 = arith.constant 0 : i32
      %dma_start3A_77 = tpu.memref_slice %arg13[%dma_start3A_75, %dma_start3A_76] : memref<160x96xf32, #tpu.memory_space<vmem>> -> memref<160x96xf32, #tpu.memory_space<vmem>>
      tpu.enqueue_dma source(%dma_start3A_77 : memref<160x96xf32, #tpu.memory_space<vmem>>) target(%dma_start3A_74 : memref<160x96xf32, #tpu.memory_space<vmem_shared>>) target_semaphore(%run_scoped3A_67 : memref<!tpu.dma_semaphore, #tpu.memory_space<semaphore_mem>>)
      %dma_wait3A_78 = arith.constant 0 : i32
      %dma_wait3A_79 = arith.constant 0 : i32
      %dma_wait3A_80 = tpu.memref_slice %arg13[%dma_wait3A_78, %dma_wait3A_79] : memref<160x96xf32, #tpu.memory_space<vmem>> -> memref<160x96xf32, #tpu.memory_space<vmem>>
      %dma_wait3A_81 = arith.constant 0 : i32
      %dma_wait3A_82 = tpu.memref_slice %arg14[%add3A_15, %dma_wait3A_81] : memref<10112x96xf32, #tpu.memory_space<vmem_shared>> -> memref<160x96xf32, #tpu.memory_space<vmem_shared>>
      %dma_wait3A_83 = arith.constant 0 : i32
      %dma_wait3A_84 = tpu.memref_slice %arg14[%add3A_15, %dma_wait3A_83] : memref<10112x96xf32, #tpu.memory_space<vmem_shared>> -> memref<160x96xf32, #tpu.memory_space<vmem_shared>>
      %dma_wait3A_85 = arith.constant 0 : i32
      %dma_wait3A_86 = arith.constant 0 : i32
      %dma_wait3A_87 = tpu.memref_slice %arg13[%dma_wait3A_85, %dma_wait3A_86] : memref<160x96xf32, #tpu.memory_space<vmem>> -> memref<160x96xf32, #tpu.memory_space<vmem>>
      tpu.wait_dma2 semaphore(%run_scoped3A_67 : memref<!tpu.dma_semaphore, #tpu.memory_space<semaphore_mem>>) src(%dma_wait3A_87 : memref<160x96xf32, #tpu.memory_space<vmem>>) dst(%dma_wait3A_84 : memref<160x96xf32, #tpu.memory_space<vmem_shared>>)
      tpu.yield
    }) : () -> ()
    %mul3A_16 = arith.constant 632 : i32
    %mul3A_17 = arith.muli %arg1, %mul3A_16 : i32
    %add3A_18 = arith.constant 480 : i32
    %add3A_19 = arith.addi %mul3A_17, %add3A_18 : i32
    "tpu.region"() ({
      %run_scoped3A_67 = tpu.sem_alloc : memref<!tpu.dma_semaphore, #tpu.memory_space<semaphore_mem>>
      %dma_start3A_68 = arith.constant 0 : i32
      %dma_start3A_69 = arith.constant 0 : i32
      %dma_start3A_70 = tpu.memref_slice %arg13[%dma_start3A_68, %dma_start3A_69] : memref<160x96xf32, #tpu.memory_space<vmem>> -> memref<152x96xf32, #tpu.memory_space<vmem>>
      %dma_start3A_71 = arith.constant 0 : i32
      %dma_start3A_72 = tpu.memref_slice %arg14[%add3A_19, %dma_start3A_71] : memref<10112x96xf32, #tpu.memory_space<vmem_shared>> -> memref<152x96xf32, #tpu.memory_space<vmem_shared>>
      %dma_start3A_73 = arith.constant 0 : i32
      %dma_start3A_74 = tpu.memref_slice %arg14[%add3A_19, %dma_start3A_73] : memref<10112x96xf32, #tpu.memory_space<vmem_shared>> -> memref<152x96xf32, #tpu.memory_space<vmem_shared>>
      %dma_start3A_75 = arith.constant 0 : i32
      %dma_start3A_76 = arith.constant 0 : i32
      %dma_start3A_77 = tpu.memref_slice %arg13[%dma_start3A_75, %dma_start3A_76] : memref<160x96xf32, #tpu.memory_space<vmem>> -> memref<152x96xf32, #tpu.memory_space<vmem>>
      tpu.enqueue_dma source(%dma_start3A_77 : memref<152x96xf32, #tpu.memory_space<vmem>>) target(%dma_start3A_74 : memref<152x96xf32, #tpu.memory_space<vmem_shared>>) target_semaphore(%run_scoped3A_67 : memref<!tpu.dma_semaphore, #tpu.memory_space<semaphore_mem>>)
      %dma_wait3A_78 = arith.constant 0 : i32
      %dma_wait3A_79 = arith.constant 0 : i32
      %dma_wait3A_80 = tpu.memref_slice %arg13[%dma_wait3A_78, %dma_wait3A_79] : memref<160x96xf32, #tpu.memory_space<vmem>> -> memref<152x96xf32, #tpu.memory_space<vmem>>
      %dma_wait3A_81 = arith.constant 0 : i32
      %dma_wait3A_82 = tpu.memref_slice %arg14[%add3A_19, %dma_wait3A_81] : memref<10112x96xf32, #tpu.memory_space<vmem_shared>> -> memref<152x96xf32, #tpu.memory_space<vmem_shared>>
      %dma_wait3A_83 = arith.constant 0 : i32
      %dma_wait3A_84 = tpu.memref_slice %arg14[%add3A_19, %dma_wait3A_83] : memref<10112x96xf32, #tpu.memory_space<vmem_shared>> -> memref<152x96xf32, #tpu.memory_space<vmem_shared>>
      %dma_wait3A_85 = arith.constant 0 : i32
      %dma_wait3A_86 = arith.constant 0 : i32
      %dma_wait3A_87 = tpu.memref_slice %arg13[%dma_wait3A_85, %dma_wait3A_86] : memref<160x96xf32, #tpu.memory_space<vmem>> -> memref<152x96xf32, #tpu.memory_space<vmem>>
      tpu.wait_dma2 semaphore(%run_scoped3A_67 : memref<!tpu.dma_semaphore, #tpu.memory_space<semaphore_mem>>) src(%dma_wait3A_87 : memref<152x96xf32, #tpu.memory_space<vmem>>) dst(%dma_wait3A_84 : memref<152x96xf32, #tpu.memory_space<vmem_shared>>)
      tpu.yield
    }) : () -> ()
    %barrier3A = arith.constant 0 : index
    tpu.barrier barrier_id(%barrier3A)
    "tpu.region"() ({
      %run_scoped3A_67 = tpu.sem_alloc : memref<!tpu.dma_semaphore, #tpu.memory_space<semaphore_mem>>
      %dma_start3A_68 = arith.constant 0 : i32
      %dma_start3A_69 = arith.constant 0 : i32
      %dma_start3A_70 = tpu.memref_slice %arg3[%arg1, %dma_start3A_68, %dma_start3A_69] : memref<16x312x64xi32, #tpu.memory_space<hbm>> -> memref<1x312x64xi32, #tpu.memory_space<hbm>>
      %dma_start3A_71 = tpu.memref_squeeze %dma_start3A_70 : memref<1x312x64xi32, #tpu.memory_space<hbm>> -> memref<312x64xi32, #tpu.memory_space<hbm>>
      %dma_start3A_72 = arith.constant 0 : i32
      %dma_start3A_73 = arith.constant 0 : i32
      %dma_start3A_74 = tpu.memref_slice %arg3[%arg1, %dma_start3A_72, %dma_start3A_73] : memref<16x312x64xi32, #tpu.memory_space<hbm>> -> memref<1x312x64xi32, #tpu.memory_space<hbm>>
      %dma_start3A_75 = tpu.memref_squeeze %dma_start3A_74 : memref<1x312x64xi32, #tpu.memory_space<hbm>> -> memref<312x64xi32, #tpu.memory_space<hbm>>
      tpu.enqueue_dma source(%dma_start3A_75 : memref<312x64xi32, #tpu.memory_space<hbm>>) target(%arg8 : memref<312x64xi32, #tpu.memory_space<vmem>>) target_semaphore(%run_scoped3A_67 : memref<!tpu.dma_semaphore, #tpu.memory_space<semaphore_mem>>)
      %dma_wait3A_76 = arith.constant 0 : i32
      %dma_wait3A_77 = arith.constant 0 : i32
      %dma_wait3A_78 = tpu.memref_slice %arg3[%arg1, %dma_wait3A_76, %dma_wait3A_77] : memref<16x312x64xi32, #tpu.memory_space<hbm>> -> memref<1x312x64xi32, #tpu.memory_space<hbm>>
      %dma_wait3A_79 = tpu.memref_squeeze %dma_wait3A_78 : memref<1x312x64xi32, #tpu.memory_space<hbm>> -> memref<312x64xi32, #tpu.memory_space<hbm>>
      %dma_wait3A_80 = arith.constant 0 : i32
      %dma_wait3A_81 = arith.constant 0 : i32
      %dma_wait3A_82 = tpu.memref_slice %arg3[%arg1, %dma_wait3A_80, %dma_wait3A_81] : memref<16x312x64xi32, #tpu.memory_space<hbm>> -> memref<1x312x64xi32, #tpu.memory_space<hbm>>
      %dma_wait3A_83 = tpu.memref_squeeze %dma_wait3A_82 : memref<1x312x64xi32, #tpu.memory_space<hbm>> -> memref<312x64xi32, #tpu.memory_space<hbm>>
      tpu.wait_dma2 semaphore(%run_scoped3A_67 : memref<!tpu.dma_semaphore, #tpu.memory_space<semaphore_mem>>) src(%dma_wait3A_83 : memref<312x64xi32, #tpu.memory_space<hbm>>) dst(%arg8 : memref<312x64xi32, #tpu.memory_space<vmem>>)
      tpu.yield
    }) : () -> ()
    "tpu.region"() ({
      %run_scoped3A_67 = tpu.sem_alloc : memref<!tpu.dma_semaphore, #tpu.memory_space<semaphore_mem>>
      %dma_start3A_68 = arith.constant 0 : i32
      %dma_start3A_69 = arith.constant 0 : i32
      %dma_start3A_70 = tpu.memref_slice %arg4[%arg1, %dma_start3A_68, %dma_start3A_69] : memref<16x312x64xi32, #tpu.memory_space<hbm>> -> memref<1x312x64xi32, #tpu.memory_space<hbm>>
      %dma_start3A_71 = tpu.memref_squeeze %dma_start3A_70 : memref<1x312x64xi32, #tpu.memory_space<hbm>> -> memref<312x64xi32, #tpu.memory_space<hbm>>
      %dma_start3A_72 = arith.constant 0 : i32
      %dma_start3A_73 = arith.constant 0 : i32
      %dma_start3A_74 = tpu.memref_slice %arg4[%arg1, %dma_start3A_72, %dma_start3A_73] : memref<16x312x64xi32, #tpu.memory_space<hbm>> -> memref<1x312x64xi32, #tpu.memory_space<hbm>>
      %dma_start3A_75 = tpu.memref_squeeze %dma_start3A_74 : memref<1x312x64xi32, #tpu.memory_space<hbm>> -> memref<312x64xi32, #tpu.memory_space<hbm>>
      tpu.enqueue_dma source(%dma_start3A_75 : memref<312x64xi32, #tpu.memory_space<hbm>>) target(%arg9 : memref<312x64xi32, #tpu.memory_space<vmem>>) target_semaphore(%run_scoped3A_67 : memref<!tpu.dma_semaphore, #tpu.memory_space<semaphore_mem>>)
      %dma_wait3A_76 = arith.constant 0 : i32
      %dma_wait3A_77 = arith.constant 0 : i32
      %dma_wait3A_78 = tpu.memref_slice %arg4[%arg1, %dma_wait3A_76, %dma_wait3A_77] : memref<16x312x64xi32, #tpu.memory_space<hbm>> -> memref<1x312x64xi32, #tpu.memory_space<hbm>>
      %dma_wait3A_79 = tpu.memref_squeeze %dma_wait3A_78 : memref<1x312x64xi32, #tpu.memory_space<hbm>> -> memref<312x64xi32, #tpu.memory_space<hbm>>
      %dma_wait3A_80 = arith.constant 0 : i32
      %dma_wait3A_81 = arith.constant 0 : i32
      %dma_wait3A_82 = tpu.memref_slice %arg4[%arg1, %dma_wait3A_80, %dma_wait3A_81] : memref<16x312x64xi32, #tpu.memory_space<hbm>> -> memref<1x312x64xi32, #tpu.memory_space<hbm>>
      %dma_wait3A_83 = tpu.memref_squeeze %dma_wait3A_82 : memref<1x312x64xi32, #tpu.memory_space<hbm>> -> memref<312x64xi32, #tpu.memory_space<hbm>>
      tpu.wait_dma2 semaphore(%run_scoped3A_67 : memref<!tpu.dma_semaphore, #tpu.memory_space<semaphore_mem>>) src(%dma_wait3A_83 : memref<312x64xi32, #tpu.memory_space<hbm>>) dst(%arg9 : memref<312x64xi32, #tpu.memory_space<vmem>>)
      tpu.yield
    }) : () -> ()
    "tpu.region"() ({
      %run_scoped3A_67 = tpu.sem_alloc : memref<!tpu.dma_semaphore, #tpu.memory_space<semaphore_mem>>
      %dma_start3A_68 = arith.constant 0 : i32
      %dma_start3A_69 = arith.constant 0 : i32
      %dma_start3A_70 = tpu.memref_slice %arg5[%arg1, %dma_start3A_68, %dma_start3A_69] : memref<16x1x32xi32, #tpu.memory_space<hbm>> -> memref<1x1x32xi32, #tpu.memory_space<hbm>>
      %dma_start3A_71 = tpu.memref_squeeze %dma_start3A_70 : memref<1x1x32xi32, #tpu.memory_space<hbm>> -> memref<1x32xi32, #tpu.memory_space<hbm>>
      %dma_start3A_72 = arith.constant 0 : i32
      %dma_start3A_73 = arith.constant 0 : i32
      %dma_start3A_74 = tpu.memref_slice %arg5[%arg1, %dma_start3A_72, %dma_start3A_73] : memref<16x1x32xi32, #tpu.memory_space<hbm>> -> memref<1x1x32xi32, #tpu.memory_space<hbm>>
      %dma_start3A_75 = tpu.memref_squeeze %dma_start3A_74 : memref<1x1x32xi32, #tpu.memory_space<hbm>> -> memref<1x32xi32, #tpu.memory_space<hbm>>
      tpu.enqueue_dma source(%dma_start3A_75 : memref<1x32xi32, #tpu.memory_space<hbm>>) target(%arg10 : memref<1x32xi32, #tpu.memory_space<vmem>>) target_semaphore(%run_scoped3A_67 : memref<!tpu.dma_semaphore, #tpu.memory_space<semaphore_mem>>)
      %dma_wait3A_76 = arith.constant 0 : i32
      %dma_wait3A_77 = arith.constant 0 : i32
      %dma_wait3A_78 = tpu.memref_slice %arg5[%arg1, %dma_wait3A_76, %dma_wait3A_77] : memref<16x1x32xi32, #tpu.memory_space<hbm>> -> memref<1x1x32xi32, #tpu.memory_space<hbm>>
      %dma_wait3A_79 = tpu.memref_squeeze %dma_wait3A_78 : memref<1x1x32xi32, #tpu.memory_space<hbm>> -> memref<1x32xi32, #tpu.memory_space<hbm>>
      %dma_wait3A_80 = arith.constant 0 : i32
      %dma_wait3A_81 = arith.constant 0 : i32
      %dma_wait3A_82 = tpu.memref_slice %arg5[%arg1, %dma_wait3A_80, %dma_wait3A_81] : memref<16x1x32xi32, #tpu.memory_space<hbm>> -> memref<1x1x32xi32, #tpu.memory_space<hbm>>
      %dma_wait3A_83 = tpu.memref_squeeze %dma_wait3A_82 : memref<1x1x32xi32, #tpu.memory_space<hbm>> -> memref<1x32xi32, #tpu.memory_space<hbm>>
      tpu.wait_dma2 semaphore(%run_scoped3A_67 : memref<!tpu.dma_semaphore, #tpu.memory_space<semaphore_mem>>) src(%dma_wait3A_83 : memref<1x32xi32, #tpu.memory_space<hbm>>) dst(%arg10 : memref<1x32xi32, #tpu.memory_space<vmem>>)
      tpu.yield
    }) : () -> ()
    "tpu.region"() ({
      %run_scoped3A_67 = tpu.sem_alloc : memref<!tpu.dma_semaphore, #tpu.memory_space<semaphore_mem>>
      %dma_start3A_68 = arith.constant 0 : i32
      %dma_start3A_69 = arith.constant 0 : i32
      %dma_start3A_70 = tpu.memref_slice %arg6[%arg1, %dma_start3A_68, %dma_start3A_69] : memref<16x1x32xi32, #tpu.memory_space<hbm>> -> memref<1x1x32xi32, #tpu.memory_space<hbm>>
      %dma_start3A_71 = tpu.memref_squeeze %dma_start3A_70 : memref<1x1x32xi32, #tpu.memory_space<hbm>> -> memref<1x32xi32, #tpu.memory_space<hbm>>
      %dma_start3A_72 = arith.constant 0 : i32
      %dma_start3A_73 = arith.constant 0 : i32
      %dma_start3A_74 = tpu.memref_slice %arg6[%arg1, %dma_start3A_72, %dma_start3A_73] : memref<16x1x32xi32, #tpu.memory_space<hbm>> -> memref<1x1x32xi32, #tpu.memory_space<hbm>>
      %dma_start3A_75 = tpu.memref_squeeze %dma_start3A_74 : memref<1x1x32xi32, #tpu.memory_space<hbm>> -> memref<1x32xi32, #tpu.memory_space<hbm>>
      tpu.enqueue_dma source(%dma_start3A_75 : memref<1x32xi32, #tpu.memory_space<hbm>>) target(%arg11 : memref<1x32xi32, #tpu.memory_space<vmem>>) target_semaphore(%run_scoped3A_67 : memref<!tpu.dma_semaphore, #tpu.memory_space<semaphore_mem>>)
      %dma_wait3A_76 = arith.constant 0 : i32
      %dma_wait3A_77 = arith.constant 0 : i32
      %dma_wait3A_78 = tpu.memref_slice %arg6[%arg1, %dma_wait3A_76, %dma_wait3A_77] : memref<16x1x32xi32, #tpu.memory_space<hbm>> -> memref<1x1x32xi32, #tpu.memory_space<hbm>>
      %dma_wait3A_79 = tpu.memref_squeeze %dma_wait3A_78 : memref<1x1x32xi32, #tpu.memory_space<hbm>> -> memref<1x32xi32, #tpu.memory_space<hbm>>
      %dma_wait3A_80 = arith.constant 0 : i32
      %dma_wait3A_81 = arith.constant 0 : i32
      %dma_wait3A_82 = tpu.memref_slice %arg6[%arg1, %dma_wait3A_80, %dma_wait3A_81] : memref<16x1x32xi32, #tpu.memory_space<hbm>> -> memref<1x1x32xi32, #tpu.memory_space<hbm>>
      %dma_wait3A_83 = tpu.memref_squeeze %dma_wait3A_82 : memref<1x1x32xi32, #tpu.memory_space<hbm>> -> memref<1x32xi32, #tpu.memory_space<hbm>>
      tpu.wait_dma2 semaphore(%run_scoped3A_67 : memref<!tpu.dma_semaphore, #tpu.memory_space<semaphore_mem>>) src(%dma_wait3A_83 : memref<1x32xi32, #tpu.memory_space<hbm>>) dst(%arg11 : memref<1x32xi32, #tpu.memory_space<vmem>>)
      tpu.yield
    }) : () -> ()
    %dma_start3A = arith.constant 0 : i32
    %dma_start3A_20 = arith.constant 0 : i32
    %dma_start3A_21 = arith.constant 0 : i32
    %dma_start3A_22 = arith.constant 0 : i32
    %dma_start3A_23 = arith.constant 0 : i32
    %dma_start3A_24 = tpu.memref_slice %arg12[%dma_start3A_20, %dma_start3A_22, %dma_start3A_23] : memref<2x64x96xf32, #tpu.memory_space<vmem>> -> memref<1x64x96xf32, #tpu.memory_space<vmem>>
    %dma_start3A_25 = tpu.memref_squeeze %dma_start3A_24 : memref<1x64x96xf32, #tpu.memory_space<vmem>> -> memref<64x96xf32, #tpu.memory_space<vmem>>
    %dma_start3A_26 = arith.constant 0 : i32
    %dma_start3A_27 = tpu.memref_slice %arg8[%dma_start3A, %dma_start3A_26] : memref<312x64xi32, #tpu.memory_space<vmem>> -> memref<1x64xi32, #tpu.memory_space<vmem>>
    %dma_start3A_28 = tpu.memref_squeeze %dma_start3A_27 : memref<1x64xi32, #tpu.memory_space<vmem>> -> memref<64xi32, #tpu.memory_space<vmem>>
    %dma_start3A_29 = arith.constant 0 : i32
    %dma_start3A_30 = arith.constant 0 : i32
    %dma_start3A_31 = tpu.memref_slice %arg2[%arg0, %dma_start3A_29, %dma_start3A_30] : memref<2x10000x96xf32, #tpu.memory_space<hbm>> -> memref<1x10000x96xf32, #tpu.memory_space<hbm>>
    %dma_start3A_32 = tpu.memref_squeeze %dma_start3A_31 : memref<1x10000x96xf32, #tpu.memory_space<hbm>> -> memref<10000x96xf32, #tpu.memory_space<hbm>>
    %dma_start3A_33 = arith.constant 0 : i32
    %dma_start3A_34 = arith.constant 0 : i32
    %dma_start3A_35 = tpu.memref_slice %dma_start3A_32[%dma_start3A_33, %dma_start3A_34] : memref<10000x96xf32, #tpu.memory_space<hbm>> -> memref<10000x96xf32, #tpu.memory_space<hbm>>
    %dma_start3A_36 = tpu.memref_slice %arg15[%dma_start3A_21] : memref<2x!tpu.dma_semaphore, #tpu.memory_space<semaphore_mem>> -> memref<1x!tpu.dma_semaphore, #tpu.memory_space<semaphore_mem>>
    %dma_start3A_37 = tpu.memref_squeeze %dma_start3A_36 : memref<1x!tpu.dma_semaphore, #tpu.memory_space<semaphore_mem>> -> memref<!tpu.dma_semaphore, #tpu.memory_space<semaphore_mem>>
    tpu.enqueue_indirect_dma source(%dma_start3A_35 : memref<10000x96xf32, #tpu.memory_space<hbm>>) target(%dma_start3A_25 : memref<64x96xf32, #tpu.memory_space<vmem>>) offsets(%dma_start3A_28 : memref<64xi32, #tpu.memory_space<vmem>>) semaphore(%dma_start3A_37 : memref<!tpu.dma_semaphore, #tpu.memory_space<semaphore_mem>>)
    %scan3A_38 = arith.constant 0 : i32
    %scan3A_39 = arith.constant 0 : i32
    %scan3A_40 = arith.constant 312 : i32
    %scan3A_41 = arith.addi %scan3A_39, %scan3A_40 : i32
    %scan3A_42 = arith.constant 1 : i32
    %scan3A_43 = scf.for %scan3A_67 = %scan3A_39 to %scan3A_41 step %scan3A_42 iter_args(%scan3A_68 = %scan3A_38) -> (i32)  : i32 {
      %jit3A = arith.constant 2 : i32
      %eq3A = arith.constant 0 : i32
      %eq3A_69 = arith.cmpi eq, %jit3A, %eq3A : i32
      %jit3A_70 = arith.constant 1 : i32
      %select_n3A = arith.select %eq3A_69, %jit3A_70, %jit3A : i32
      %rem3A = arith.remsi %scan3A_67, %select_n3A : i32
      %ne3A = arith.constant 0 : i32
      %ne3A_71 = arith.cmpi ne, %rem3A, %ne3A : i32
      %lt3A = arith.constant 0 : i32
      %lt3A_72 = arith.cmpi slt, %rem3A, %lt3A : i32
      %lt3A_73 = arith.constant 0 : i32
      %lt3A_74 = arith.cmpi slt, %select_n3A, %lt3A_73 : i32
      %ne3A_75 = arith.xori %lt3A_72, %lt3A_74 : i1
      %and3A = arith.andi %ne3A_75, %ne3A_71 : i1
      %add3A_76 = arith.addi %rem3A, %select_n3A : i32
      %select_n3A_77 = arith.select %and3A, %add3A_76, %rem3A : i32
      %dma_wait3A_78 = arith.constant 0 : i32
      %dma_wait3A_79 = arith.constant 0 : i32
      %dma_wait3A_80 = tpu.memref_slice %arg12[%select_n3A_77, %dma_wait3A_78, %dma_wait3A_79] : memref<2x64x96xf32, #tpu.memory_space<vmem>> -> memref<1x64x96xf32, #tpu.memory_space<vmem>>
      %dma_wait3A_81 = tpu.memref_squeeze %dma_wait3A_80 : memref<1x64x96xf32, #tpu.memory_space<vmem>> -> memref<64x96xf32, #tpu.memory_space<vmem>>
      %dma_wait3A_82 = arith.constant 0 : i32
      %dma_wait3A_83 = tpu.memref_slice %arg8[%scan3A_67, %dma_wait3A_82] : memref<312x64xi32, #tpu.memory_space<vmem>> -> memref<1x64xi32, #tpu.memory_space<vmem>>
      %dma_wait3A_84 = tpu.memref_squeeze %dma_wait3A_83 : memref<1x64xi32, #tpu.memory_space<vmem>> -> memref<64xi32, #tpu.memory_space<vmem>>
      %dma_wait3A_85 = arith.constant 0 : i32
      %dma_wait3A_86 = arith.constant 0 : i32
      %dma_wait3A_87 = tpu.memref_slice %arg2[%arg0, %dma_wait3A_85, %dma_wait3A_86] : memref<2x10000x96xf32, #tpu.memory_space<hbm>> -> memref<1x10000x96xf32, #tpu.memory_space<hbm>>
      %dma_wait3A_88 = tpu.memref_squeeze %dma_wait3A_87 : memref<1x10000x96xf32, #tpu.memory_space<hbm>> -> memref<10000x96xf32, #tpu.memory_space<hbm>>
      %dma_wait3A_89 = arith.constant 0 : i32
      %dma_wait3A_90 = arith.constant 0 : i32
      %dma_wait3A_91 = tpu.memref_slice %dma_wait3A_88[%dma_wait3A_89, %dma_wait3A_90] : memref<10000x96xf32, #tpu.memory_space<hbm>> -> memref<10000x96xf32, #tpu.memory_space<hbm>>
      %dma_wait3A_92 = tpu.memref_slice %arg15[%select_n3A_77] : memref<2x!tpu.dma_semaphore, #tpu.memory_space<semaphore_mem>> -> memref<1x!tpu.dma_semaphore, #tpu.memory_space<semaphore_mem>>
      %dma_wait3A_93 = tpu.memref_squeeze %dma_wait3A_92 : memref<1x!tpu.dma_semaphore, #tpu.memory_space<semaphore_mem>> -> memref<!tpu.dma_semaphore, #tpu.memory_space<semaphore_mem>>
      tpu.wait_indirect_dma semaphore(%dma_wait3A_93 : memref<!tpu.dma_semaphore, #tpu.memory_space<semaphore_mem>>) src(%dma_wait3A_91 : memref<10000x96xf32, #tpu.memory_space<hbm>>) dst(%dma_wait3A_81 : memref<64x96xf32, #tpu.memory_space<vmem>>)
      %dma_start3A_94 = arith.constant 0 : i32
      %dma_start3A_95 = arith.constant 0 : i32
      %dma_start3A_96 = tpu.memref_slice %arg12[%select_n3A_77, %dma_start3A_94, %dma_start3A_95] : memref<2x64x96xf32, #tpu.memory_space<vmem>> -> memref<1x64x96xf32, #tpu.memory_space<vmem>>
      %dma_start3A_97 = tpu.memref_squeeze %dma_start3A_96 : memref<1x64x96xf32, #tpu.memory_space<vmem>> -> memref<64x96xf32, #tpu.memory_space<vmem>>
      %dma_start3A_98 = arith.constant 0 : i32
      %dma_start3A_99 = tpu.memref_slice %arg9[%scan3A_67, %dma_start3A_98] : memref<312x64xi32, #tpu.memory_space<vmem>> -> memref<1x64xi32, #tpu.memory_space<vmem>>
      %dma_start3A_100 = tpu.memref_squeeze %dma_start3A_99 : memref<1x64xi32, #tpu.memory_space<vmem>> -> memref<64xi32, #tpu.memory_space<vmem>>
      %dma_start3A_101 = arith.constant 0 : i32
      %dma_start3A_102 = arith.constant 0 : i32
      %dma_start3A_103 = tpu.memref_slice %arg14[%dma_start3A_101, %dma_start3A_102] : memref<10112x96xf32, #tpu.memory_space<vmem_shared>> -> memref<10112x96xf32, #tpu.memory_space<vmem_shared>>
      %dma_start3A_104 = tpu.memref_slice %arg16[%select_n3A_77] : memref<2x!tpu.dma_semaphore, #tpu.memory_space<semaphore_mem>> -> memref<1x!tpu.dma_semaphore, #tpu.memory_space<semaphore_mem>>
      %dma_start3A_105 = tpu.memref_squeeze %dma_start3A_104 : memref<1x!tpu.dma_semaphore, #tpu.memory_space<semaphore_mem>> -> memref<!tpu.dma_semaphore, #tpu.memory_space<semaphore_mem>>
      tpu.enqueue_indirect_dma source(%dma_start3A_97 : memref<64x96xf32, #tpu.memory_space<vmem>>) target(%dma_start3A_103 : memref<10112x96xf32, #tpu.memory_space<vmem_shared>>) offsets(%dma_start3A_100 : memref<64xi32, #tpu.memory_space<vmem>>) semaphore(%dma_start3A_105 : memref<!tpu.dma_semaphore, #tpu.memory_space<semaphore_mem>>) {add = true}
      %ge3A = arith.constant 1 : i32
      %ge3A_106 = arith.cmpi sge, %scan3A_67, %ge3A : i32
      %convert_element_type3A = arith.extui %ge3A_106 : i1 to i32
      %cond3A = arith.constant 0 : i32
      %cond3A_107 = arith.cmpi ne, %convert_element_type3A, %cond3A : i32
      scf.if %cond3A_107 {
        %sub3A = arith.constant 1 : i32
        %sub3A_116 = arith.subi %scan3A_67, %sub3A : i32
        %sub3A_117 = arith.constant 1 : i32
        %sub3A_118 = arith.subi %sub3A_117, %select_n3A_77 : i32
        %dma_wait3A_119 = arith.constant 0 : i32
        %dma_wait3A_120 = arith.constant 0 : i32
        %dma_wait3A_121 = tpu.memref_slice %arg12[%sub3A_118, %dma_wait3A_119, %dma_wait3A_120] : memref<2x64x96xf32, #tpu.memory_space<vmem>> -> memref<1x64x96xf32, #tpu.memory_space<vmem>>
        %dma_wait3A_122 = tpu.memref_squeeze %dma_wait3A_121 : memref<1x64x96xf32, #tpu.memory_space<vmem>> -> memref<64x96xf32, #tpu.memory_space<vmem>>
        %dma_wait3A_123 = arith.constant 0 : i32
        %dma_wait3A_124 = tpu.memref_slice %arg9[%sub3A_116, %dma_wait3A_123] : memref<312x64xi32, #tpu.memory_space<vmem>> -> memref<1x64xi32, #tpu.memory_space<vmem>>
        %dma_wait3A_125 = tpu.memref_squeeze %dma_wait3A_124 : memref<1x64xi32, #tpu.memory_space<vmem>> -> memref<64xi32, #tpu.memory_space<vmem>>
        %dma_wait3A_126 = arith.constant 0 : i32
        %dma_wait3A_127 = arith.constant 0 : i32
        %dma_wait3A_128 = tpu.memref_slice %arg14[%dma_wait3A_126, %dma_wait3A_127] : memref<10112x96xf32, #tpu.memory_space<vmem_shared>> -> memref<10112x96xf32, #tpu.memory_space<vmem_shared>>
        %dma_wait3A_129 = tpu.memref_slice %arg16[%sub3A_118] : memref<2x!tpu.dma_semaphore, #tpu.memory_space<semaphore_mem>> -> memref<1x!tpu.dma_semaphore, #tpu.memory_space<semaphore_mem>>
        %dma_wait3A_130 = tpu.memref_squeeze %dma_wait3A_129 : memref<1x!tpu.dma_semaphore, #tpu.memory_space<semaphore_mem>> -> memref<!tpu.dma_semaphore, #tpu.memory_space<semaphore_mem>>
        tpu.wait_indirect_dma semaphore(%dma_wait3A_130 : memref<!tpu.dma_semaphore, #tpu.memory_space<semaphore_mem>>) src(%dma_wait3A_122 : memref<64x96xf32, #tpu.memory_space<vmem>>) dst(%dma_wait3A_128 : memref<10112x96xf32, #tpu.memory_space<vmem_shared>>)
      } else {
      }
      %add3A_108 = arith.constant 1 : i32
      %add3A_109 = arith.addi %scan3A_67, %add3A_108 : i32
      %lt3A_110 = arith.constant 312 : i32
      %lt3A_111 = arith.cmpi slt, %add3A_109, %lt3A_110 : i32
      %convert_element_type3A_112 = arith.extui %lt3A_111 : i1 to i32
      %cond3A_113 = arith.constant 0 : i32
      %cond3A_114 = arith.cmpi ne, %convert_element_type3A_112, %cond3A_113 : i32
      scf.if %cond3A_114 {
        %add3A_116 = arith.constant 1 : i32
        %add3A_117 = arith.addi %scan3A_67, %add3A_116 : i32
        %sub3A = arith.constant 1 : i32
        %sub3A_118 = arith.subi %sub3A, %select_n3A_77 : i32
        %dma_start3A_119 = arith.constant 0 : i32
        %dma_start3A_120 = arith.constant 0 : i32
        %dma_start3A_121 = tpu.memref_slice %arg12[%sub3A_118, %dma_start3A_119, %dma_start3A_120] : memref<2x64x96xf32, #tpu.memory_space<vmem>> -> memref<1x64x96xf32, #tpu.memory_space<vmem>>
        %dma_start3A_122 = tpu.memref_squeeze %dma_start3A_121 : memref<1x64x96xf32, #tpu.memory_space<vmem>> -> memref<64x96xf32, #tpu.memory_space<vmem>>
        %dma_start3A_123 = arith.constant 0 : i32
        %dma_start3A_124 = tpu.memref_slice %arg8[%add3A_117, %dma_start3A_123] : memref<312x64xi32, #tpu.memory_space<vmem>> -> memref<1x64xi32, #tpu.memory_space<vmem>>
        %dma_start3A_125 = tpu.memref_squeeze %dma_start3A_124 : memref<1x64xi32, #tpu.memory_space<vmem>> -> memref<64xi32, #tpu.memory_space<vmem>>
        %dma_start3A_126 = arith.constant 0 : i32
        %dma_start3A_127 = arith.constant 0 : i32
        %dma_start3A_128 = tpu.memref_slice %arg2[%arg0, %dma_start3A_126, %dma_start3A_127] : memref<2x10000x96xf32, #tpu.memory_space<hbm>> -> memref<1x10000x96xf32, #tpu.memory_space<hbm>>
        %dma_start3A_129 = tpu.memref_squeeze %dma_start3A_128 : memref<1x10000x96xf32, #tpu.memory_space<hbm>> -> memref<10000x96xf32, #tpu.memory_space<hbm>>
        %dma_start3A_130 = arith.constant 0 : i32
        %dma_start3A_131 = arith.constant 0 : i32
        %dma_start3A_132 = tpu.memref_slice %dma_start3A_129[%dma_start3A_130, %dma_start3A_131] : memref<10000x96xf32, #tpu.memory_space<hbm>> -> memref<10000x96xf32, #tpu.memory_space<hbm>>
        %dma_start3A_133 = tpu.memref_slice %arg15[%sub3A_118] : memref<2x!tpu.dma_semaphore, #tpu.memory_space<semaphore_mem>> -> memref<1x!tpu.dma_semaphore, #tpu.memory_space<semaphore_mem>>
        %dma_start3A_134 = tpu.memref_squeeze %dma_start3A_133 : memref<1x!tpu.dma_semaphore, #tpu.memory_space<semaphore_mem>> -> memref<!tpu.dma_semaphore, #tpu.memory_space<semaphore_mem>>
        tpu.enqueue_indirect_dma source(%dma_start3A_132 : memref<10000x96xf32, #tpu.memory_space<hbm>>) target(%dma_start3A_122 : memref<64x96xf32, #tpu.memory_space<vmem>>) offsets(%dma_start3A_125 : memref<64xi32, #tpu.memory_space<vmem>>) semaphore(%dma_start3A_134 : memref<!tpu.dma_semaphore, #tpu.memory_space<semaphore_mem>>)
      } else {
      }
      %scan3A_115 = arith.constant 0 : i32
      scf.yield %scan3A_115 : i32
    }
    %scan3A_44 = arith.constant 312 : i32
    %dma_wait3A = arith.constant 1 : i32
    %dma_wait3A_45 = arith.constant 311 : i32
    %dma_wait3A_46 = arith.constant 1 : i32
    %dma_wait3A_47 = arith.constant 0 : i32
    %dma_wait3A_48 = arith.constant 0 : i32
    %dma_wait3A_49 = tpu.memref_slice %arg12[%dma_wait3A, %dma_wait3A_47, %dma_wait3A_48] : memref<2x64x96xf32, #tpu.memory_space<vmem>> -> memref<1x64x96xf32, #tpu.memory_space<vmem>>
    %dma_wait3A_50 = tpu.memref_squeeze %dma_wait3A_49 : memref<1x64x96xf32, #tpu.memory_space<vmem>> -> memref<64x96xf32, #tpu.memory_space<vmem>>
    %dma_wait3A_51 = arith.constant 0 : i32
    %dma_wait3A_52 = tpu.memref_slice %arg9[%dma_wait3A_45, %dma_wait3A_51] : memref<312x64xi32, #tpu.memory_space<vmem>> -> memref<1x64xi32, #tpu.memory_space<vmem>>
    %dma_wait3A_53 = tpu.memref_squeeze %dma_wait3A_52 : memref<1x64xi32, #tpu.memory_space<vmem>> -> memref<64xi32, #tpu.memory_space<vmem>>
    %dma_wait3A_54 = arith.constant 0 : i32
    %dma_wait3A_55 = arith.constant 0 : i32
    %dma_wait3A_56 = tpu.memref_slice %arg14[%dma_wait3A_54, %dma_wait3A_55] : memref<10112x96xf32, #tpu.memory_space<vmem_shared>> -> memref<10112x96xf32, #tpu.memory_space<vmem_shared>>
    %dma_wait3A_57 = tpu.memref_slice %arg16[%dma_wait3A_46] : memref<2x!tpu.dma_semaphore, #tpu.memory_space<semaphore_mem>> -> memref<1x!tpu.dma_semaphore, #tpu.memory_space<semaphore_mem>>
    %dma_wait3A_58 = tpu.memref_squeeze %dma_wait3A_57 : memref<1x!tpu.dma_semaphore, #tpu.memory_space<semaphore_mem>> -> memref<!tpu.dma_semaphore, #tpu.memory_space<semaphore_mem>>
    tpu.wait_indirect_dma semaphore(%dma_wait3A_58 : memref<!tpu.dma_semaphore, #tpu.memory_space<semaphore_mem>>) src(%dma_wait3A_50 : memref<64x96xf32, #tpu.memory_space<vmem>>) dst(%dma_wait3A_56 : memref<10112x96xf32, #tpu.memory_space<vmem_shared>>)
    %run_scoped3A = arith.constant 0 : i32
    %run_scoped3A_59 = arith.constant 0 : i32
    "tpu.region"() ({
      %run_scoped3A_67 = tpu.sem_alloc : memref<!tpu.dma_semaphore, #tpu.memory_space<semaphore_mem>>
      %dma_start3A_68 = arith.constant 0 : i32
      %dma_start3A_69 = arith.constant 0 : i32
      %dma_start3A_70 = tpu.memref_slice %arg12[%run_scoped3A_59, %dma_start3A_68, %dma_start3A_69] : memref<2x64x96xf32, #tpu.memory_space<vmem>> -> memref<1x32x96xf32, #tpu.memory_space<vmem>>
      %dma_start3A_71 = tpu.memref_squeeze %dma_start3A_70 : memref<1x32x96xf32, #tpu.memory_space<vmem>> -> memref<32x96xf32, #tpu.memory_space<vmem>>
      %dma_start3A_72 = arith.constant 0 : i32
      %dma_start3A_73 = tpu.memref_slice %arg10[%run_scoped3A, %dma_start3A_72] : memref<1x32xi32, #tpu.memory_space<vmem>> -> memref<1x32xi32, #tpu.memory_space<vmem>>
      %dma_start3A_74 = tpu.memref_squeeze %dma_start3A_73 : memref<1x32xi32, #tpu.memory_space<vmem>> -> memref<32xi32, #tpu.memory_space<vmem>>
      %dma_start3A_75 = arith.constant 0 : i32
      %dma_start3A_76 = arith.constant 0 : i32
      %dma_start3A_77 = tpu.memref_slice %arg2[%arg0, %dma_start3A_75, %dma_start3A_76] : memref<2x10000x96xf32, #tpu.memory_space<hbm>> -> memref<1x10000x96xf32, #tpu.memory_space<hbm>>
      %dma_start3A_78 = tpu.memref_squeeze %dma_start3A_77 : memref<1x10000x96xf32, #tpu.memory_space<hbm>> -> memref<10000x96xf32, #tpu.memory_space<hbm>>
      %dma_start3A_79 = arith.constant 0 : i32
      %dma_start3A_80 = arith.constant 0 : i32
      %dma_start3A_81 = tpu.memref_slice %dma_start3A_78[%dma_start3A_79, %dma_start3A_80] : memref<10000x96xf32, #tpu.memory_space<hbm>> -> memref<10000x96xf32, #tpu.memory_space<hbm>>
      tpu.enqueue_indirect_dma source(%dma_start3A_81 : memref<10000x96xf32, #tpu.memory_space<hbm>>) target(%dma_start3A_71 : memref<32x96xf32, #tpu.memory_space<vmem>>) offsets(%dma_start3A_74 : memref<32xi32, #tpu.memory_space<vmem>>) semaphore(%run_scoped3A_67 : memref<!tpu.dma_semaphore, #tpu.memory_space<semaphore_mem>>)
      %dma_wait3A_82 = arith.constant 0 : i32
      %dma_wait3A_83 = arith.constant 0 : i32
      %dma_wait3A_84 = tpu.memref_slice %arg12[%run_scoped3A_59, %dma_wait3A_82, %dma_wait3A_83] : memref<2x64x96xf32, #tpu.memory_space<vmem>> -> memref<1x32x96xf32, #tpu.memory_space<vmem>>
      %dma_wait3A_85 = tpu.memref_squeeze %dma_wait3A_84 : memref<1x32x96xf32, #tpu.memory_space<vmem>> -> memref<32x96xf32, #tpu.memory_space<vmem>>
      %dma_wait3A_86 = arith.constant 0 : i32
      %dma_wait3A_87 = tpu.memref_slice %arg10[%run_scoped3A, %dma_wait3A_86] : memref<1x32xi32, #tpu.memory_space<vmem>> -> memref<1x32xi32, #tpu.memory_space<vmem>>
      %dma_wait3A_88 = tpu.memref_squeeze %dma_wait3A_87 : memref<1x32xi32, #tpu.memory_space<vmem>> -> memref<32xi32, #tpu.memory_space<vmem>>
      %dma_wait3A_89 = arith.constant 0 : i32
      %dma_wait3A_90 = arith.constant 0 : i32
      %dma_wait3A_91 = tpu.memref_slice %arg2[%arg0, %dma_wait3A_89, %dma_wait3A_90] : memref<2x10000x96xf32, #tpu.memory_space<hbm>> -> memref<1x10000x96xf32, #tpu.memory_space<hbm>>
      %dma_wait3A_92 = tpu.memref_squeeze %dma_wait3A_91 : memref<1x10000x96xf32, #tpu.memory_space<hbm>> -> memref<10000x96xf32, #tpu.memory_space<hbm>>
      %dma_wait3A_93 = arith.constant 0 : i32
      %dma_wait3A_94 = arith.constant 0 : i32
      %dma_wait3A_95 = tpu.memref_slice %dma_wait3A_92[%dma_wait3A_93, %dma_wait3A_94] : memref<10000x96xf32, #tpu.memory_space<hbm>> -> memref<10000x96xf32, #tpu.memory_space<hbm>>
      tpu.wait_indirect_dma semaphore(%run_scoped3A_67 : memref<!tpu.dma_semaphore, #tpu.memory_space<semaphore_mem>>) src(%dma_wait3A_95 : memref<10000x96xf32, #tpu.memory_space<hbm>>) dst(%dma_wait3A_85 : memref<32x96xf32, #tpu.memory_space<vmem>>)
      tpu.yield
    }) : () -> ()
    %run_scoped3A_60 = arith.constant 0 : i32
    %run_scoped3A_61 = arith.constant 0 : i32
    "tpu.region"() ({
      %run_scoped3A_67 = tpu.sem_alloc : memref<!tpu.dma_semaphore, #tpu.memory_space<semaphore_mem>>
      %dma_start3A_68 = arith.constant 0 : i32
      %dma_start3A_69 = arith.constant 0 : i32
      %dma_start3A_70 = tpu.memref_slice %arg12[%run_scoped3A_60, %dma_start3A_68, %dma_start3A_69] : memref<2x64x96xf32, #tpu.memory_space<vmem>> -> memref<1x32x96xf32, #tpu.memory_space<vmem>>
      %dma_start3A_71 = tpu.memref_squeeze %dma_start3A_70 : memref<1x32x96xf32, #tpu.memory_space<vmem>> -> memref<32x96xf32, #tpu.memory_space<vmem>>
      %dma_start3A_72 = arith.constant 0 : i32
      %dma_start3A_73 = tpu.memref_slice %arg11[%run_scoped3A_61, %dma_start3A_72] : memref<1x32xi32, #tpu.memory_space<vmem>> -> memref<1x32xi32, #tpu.memory_space<vmem>>
      %dma_start3A_74 = tpu.memref_squeeze %dma_start3A_73 : memref<1x32xi32, #tpu.memory_space<vmem>> -> memref<32xi32, #tpu.memory_space<vmem>>
      %dma_start3A_75 = arith.constant 0 : i32
      %dma_start3A_76 = arith.constant 0 : i32
      %dma_start3A_77 = tpu.memref_slice %arg14[%dma_start3A_75, %dma_start3A_76] : memref<10112x96xf32, #tpu.memory_space<vmem_shared>> -> memref<10112x96xf32, #tpu.memory_space<vmem_shared>>
      tpu.enqueue_indirect_dma source(%dma_start3A_71 : memref<32x96xf32, #tpu.memory_space<vmem>>) target(%dma_start3A_77 : memref<10112x96xf32, #tpu.memory_space<vmem_shared>>) offsets(%dma_start3A_74 : memref<32xi32, #tpu.memory_space<vmem>>) semaphore(%run_scoped3A_67 : memref<!tpu.dma_semaphore, #tpu.memory_space<semaphore_mem>>) {add = true}
      %dma_wait3A_78 = arith.constant 0 : i32
      %dma_wait3A_79 = arith.constant 0 : i32
      %dma_wait3A_80 = tpu.memref_slice %arg12[%run_scoped3A_60, %dma_wait3A_78, %dma_wait3A_79] : memref<2x64x96xf32, #tpu.memory_space<vmem>> -> memref<1x32x96xf32, #tpu.memory_space<vmem>>
      %dma_wait3A_81 = tpu.memref_squeeze %dma_wait3A_80 : memref<1x32x96xf32, #tpu.memory_space<vmem>> -> memref<32x96xf32, #tpu.memory_space<vmem>>
      %dma_wait3A_82 = arith.constant 0 : i32
      %dma_wait3A_83 = tpu.memref_slice %arg11[%run_scoped3A_61, %dma_wait3A_82] : memref<1x32xi32, #tpu.memory_space<vmem>> -> memref<1x32xi32, #tpu.memory_space<vmem>>
      %dma_wait3A_84 = tpu.memref_squeeze %dma_wait3A_83 : memref<1x32xi32, #tpu.memory_space<vmem>> -> memref<32xi32, #tpu.memory_space<vmem>>
      %dma_wait3A_85 = arith.constant 0 : i32
      %dma_wait3A_86 = arith.constant 0 : i32
      %dma_wait3A_87 = tpu.memref_slice %arg14[%dma_wait3A_85, %dma_wait3A_86] : memref<10112x96xf32, #tpu.memory_space<vmem_shared>> -> memref<10112x96xf32, #tpu.memory_space<vmem_shared>>
      tpu.wait_indirect_dma semaphore(%run_scoped3A_67 : memref<!tpu.dma_semaphore, #tpu.memory_space<semaphore_mem>>) src(%dma_wait3A_81 : memref<32x96xf32, #tpu.memory_space<vmem>>) dst(%dma_wait3A_87 : memref<10112x96xf32, #tpu.memory_space<vmem_shared>>)
      tpu.yield
    }) : () -> ()
    %barrier3A_62 = arith.constant 0 : index
    tpu.barrier barrier_id(%barrier3A_62)
    %mul3A_63 = arith.constant 632 : i32
    %mul3A_64 = arith.muli %arg1, %mul3A_63 : i32
    %mul3A_65 = arith.constant 632 : i32
    %mul3A_66 = arith.muli %arg1, %mul3A_65 : i32
    "tpu.region"() ({
      %run_scoped3A_67 = tpu.sem_alloc : memref<!tpu.dma_semaphore, #tpu.memory_space<semaphore_mem>>
      %dma_start3A_68 = arith.constant 0 : i32
      %dma_start3A_69 = tpu.memref_slice %arg7[%arg0, %mul3A_66, %dma_start3A_68] : memref<2x10112x96xf32, #tpu.memory_space<hbm>> -> memref<1x632x96xf32, #tpu.memory_space<hbm>>
      %dma_start3A_70 = tpu.memref_squeeze %dma_start3A_69 : memref<1x632x96xf32, #tpu.memory_space<hbm>> -> memref<632x96xf32, #tpu.memory_space<hbm>>
      %dma_start3A_71 = arith.constant 0 : i32
      %dma_start3A_72 = tpu.memref_slice %arg14[%mul3A_64, %dma_start3A_71] : memref<10112x96xf32, #tpu.memory_space<vmem_shared>> -> memref<632x96xf32, #tpu.memory_space<vmem_shared>>
      tpu.enqueue_dma source(%dma_start3A_72 : memref<632x96xf32, #tpu.memory_space<vmem_shared>>) target(%dma_start3A_70 : memref<632x96xf32, #tpu.memory_space<hbm>>) target_semaphore(%run_scoped3A_67 : memref<!tpu.dma_semaphore, #tpu.memory_space<semaphore_mem>>)
      %dma_wait3A_73 = arith.constant 0 : i32
      %dma_wait3A_74 = tpu.memref_slice %arg7[%arg0, %mul3A_66, %dma_wait3A_73] : memref<2x10112x96xf32, #tpu.memory_space<hbm>> -> memref<1x632x96xf32, #tpu.memory_space<hbm>>
      %dma_wait3A_75 = tpu.memref_squeeze %dma_wait3A_74 : memref<1x632x96xf32, #tpu.memory_space<hbm>> -> memref<632x96xf32, #tpu.memory_space<hbm>>
      %dma_wait3A_76 = arith.constant 0 : i32
      %dma_wait3A_77 = tpu.memref_slice %arg14[%mul3A_64, %dma_wait3A_76] : memref<10112x96xf32, #tpu.memory_space<vmem_shared>> -> memref<632x96xf32, #tpu.memory_space<vmem_shared>>
      tpu.wait_dma2 semaphore(%run_scoped3A_67 : memref<!tpu.dma_semaphore, #tpu.memory_space<semaphore_mem>>) src(%dma_wait3A_77 : memref<632x96xf32, #tpu.memory_space<vmem_shared>>) dst(%dma_wait3A_75 : memref<632x96xf32, #tpu.memory_space<hbm>>)
      tpu.yield
    }) : () -> ()
    return
  }
}

#map = affine_map<(d0, d1) -> (0, 0, 0)>
module attributes {stable_mosaic.version = 14 : i64} {
  func.func @body(%arg0: i32, %arg1: i32, %arg2: memref<2x10000x96xf32, #tpu.memory_space<hbm>>, %arg3: memref<16x312x64xi32, #tpu.memory_space<hbm>>, %arg4: memref<16x312x64xi32, #tpu.memory_space<hbm>>, %arg5: memref<16x1x32xi32, #tpu.memory_space<hbm>>, %arg6: memref<16x1x32xi32, #tpu.memory_space<hbm>>, %arg7: memref<2x10112x96xf32, #tpu.memory_space<hbm>>, %arg8: memref<312x64xi32, #tpu.memory_space<vmem>>, %arg9: memref<312x64xi32, #tpu.memory_space<vmem>>, %arg10: memref<1x32xi32, #tpu.memory_space<vmem>>, %arg11: memref<1x32xi32, #tpu.memory_space<vmem>>, %arg12: memref<2x64x96xf32, #tpu.memory_space<vmem>>, %arg13: memref<160x96xf32, #tpu.memory_space<vmem>>, %arg14: memref<10112x96xf32, #tpu.memory_space<vmem_shared>>, %arg15: memref<2x!tpu.dma_semaphore, #tpu.memory_space<semaphore_mem>>, %arg16: memref<2x!tpu.dma_semaphore, #tpu.memory_space<semaphore_mem>>) attributes {dimension_semantics = [#tpu.dimension_semantics<core_parallel>, #tpu.dimension_semantics<subcore_parallel>], iteration_bounds = array<i64: 2, 16>, scalar_prefetch = 0 : i64, scratch_operands = 9 : i64, tpu.core_type = #tpu.core_type<sc_vector_subcore>, window_params = [{transform_indices = #map}, {transform_indices = #map}, {transform_indices = #map}, {transform_indices = #map}, {transform_indices = #map}, {transform_indices = #map}]} {
    %scan3A = arith.constant 0 : i32
    %scan3A_0 = arith.constant 0 : i32
    %scan3A_1 = arith.constant 160 : i32
    %scan3A_2 = arith.addi %scan3A_0, %scan3A_1 : i32
    %scan3A_3 = arith.constant 1 : i32
    %scan3A_4 = scf.for %scan3A_67 = %scan3A_0 to %scan3A_2 step %scan3A_3 iter_args(%scan3A_68 = %scan3A) -> (i32)  : i32 {
      %broadcast_in_dim3A = arith.constant 0.000000e+00 : f32
      %broadcast_in_dim3A_69 = vector.broadcast %broadcast_in_dim3A : f32 to vector<16xf32>
      %swap3A = arith.index_cast %scan3A_67 : i32 to index
      %swap3A_70 = arith.constant 0 : index
      %swap3A_71 = tpu.vector_load %arg13[%swap3A, %swap3A_70] {strides = array<i32>} : memref<160x96xf32, #tpu.memory_space<vmem>>, vector<1x16xf32>,
      %swap3A_72 = vector.shape_cast %swap3A_71 : vector<1x16xf32> to vector<16xf32>
      %swap3A_73 = vector.shape_cast %broadcast_in_dim3A_69 : vector<16xf32> to vector<1x16xf32>
      tpu.vector_store %arg13[%swap3A, %swap3A_70], %swap3A_73 {strides = array<i32>} : memref<160x96xf32, #tpu.memory_space<vmem>>, vector<1x16xf32>,
      %broadcast_in_dim3A_74 = arith.constant 0.000000e+00 : f32
      %broadcast_in_dim3A_75 = vector.broadcast %broadcast_in_dim3A_74 : f32 to vector<16xf32>
      %swap3A_76 = arith.index_cast %scan3A_67 : i32 to index
      %swap3A_77 = arith.constant 16 : index
      %swap3A_78 = tpu.vector_load %arg13[%swap3A_76, %swap3A_77] {strides = array<i32>} : memref<160x96xf32, #tpu.memory_space<vmem>>, vector<1x16xf32>,
      %swap3A_79 = vector.shape_cast %swap3A_78 : vector<1x16xf32> to vector<16xf32>
      %swap3A_80 = vector.shape_cast %broadcast_in_dim3A_75 : vector<16xf32> to vector<1x16xf32>
      tpu.vector_store %arg13[%swap3A_76, %swap3A_77], %swap3A_80 {strides = array<i32>} : memref<160x96xf32, #tpu.memory_space<vmem>>, vector<1x16xf32>,
      %broadcast_in_dim3A_81 = arith.constant 0.000000e+00 : f32
      %broadcast_in_dim3A_82 = vector.broadcast %broadcast_in_dim3A_81 : f32 to vector<16xf32>
      %swap3A_83 = arith.index_cast %scan3A_67 : i32 to index
      %swap3A_84 = arith.constant 32 : index
      %swap3A_85 = tpu.vector_load %arg13[%swap3A_83, %swap3A_84] {strides = array<i32>} : memref<160x96xf32, #tpu.memory_space<vmem>>, vector<1x16xf32>,
      %swap3A_86 = vector.shape_cast %swap3A_85 : vector<1x16xf32> to vector<16xf32>
      %swap3A_87 = vector.shape_cast %broadcast_in_dim3A_82 : vector<16xf32> to vector<1x16xf32>
      tpu.vector_store %arg13[%swap3A_83, %swap3A_84], %swap3A_87 {strides = array<i32>} : memref<160x96xf32, #tpu.memory_space<vmem>>, vector<1x16xf32>,
      %broadcast_in_dim3A_88 = arith.constant 0.000000e+00 : f32
      %broadcast_in_dim3A_89 = vector.broadcast %broadcast_in_dim3A_88 : f32 to vector<16xf32>
      %swap3A_90 = arith.index_cast %scan3A_67 : i32 to index
      %swap3A_91 = arith.constant 48 : index
      %swap3A_92 = tpu.vector_load %arg13[%swap3A_90, %swap3A_91] {strides = array<i32>} : memref<160x96xf32, #tpu.memory_space<vmem>>, vector<1x16xf32>,
      %swap3A_93 = vector.shape_cast %swap3A_92 : vector<1x16xf32> to vector<16xf32>
      %swap3A_94 = vector.shape_cast %broadcast_in_dim3A_89 : vector<16xf32> to vector<1x16xf32>
      tpu.vector_store %arg13[%swap3A_90, %swap3A_91], %swap3A_94 {strides = array<i32>} : memref<160x96xf32, #tpu.memory_space<vmem>>, vector<1x16xf32>,
      %broadcast_in_dim3A_95 = arith.constant 0.000000e+00 : f32
      %broadcast_in_dim3A_96 = vector.broadcast %broadcast_in_dim3A_95 : f32 to vector<16xf32>
      %swap3A_97 = arith.index_cast %scan3A_67 : i32 to index
      %swap3A_98 = arith.constant 64 : index
      %swap3A_99 = tpu.vector_load %arg13[%swap3A_97, %swap3A_98] {strides = array<i32>} : memref<160x96xf32, #tpu.memory_space<vmem>>, vector<1x16xf32>,
      %swap3A_100 = vector.shape_cast %swap3A_99 : vector<1x16xf32> to vector<16xf32>
      %swap3A_101 = vector.shape_cast %broadcast_in_dim3A_96 : vector<16xf32> to vector<1x16xf32>
      tpu.vector_store %arg13[%swap3A_97, %swap3A_98], %swap3A_101 {strides = array<i32>} : memref<160x96xf32, #tpu.memory_space<vmem>>, vector<1x16xf32>,
      %broadcast_in_dim3A_102 = arith.constant 0.000000e+00 : f32
      %broadcast_in_dim3A_103 = vector.broadcast %broadcast_in_dim3A_102 : f32 to vector<16xf32>
      %swap3A_104 = arith.index_cast %scan3A_67 : i32 to index
      %swap3A_105 = arith.constant 80 : index
      %swap3A_106 = tpu.vector_load %arg13[%swap3A_104, %swap3A_105] {strides = array<i32>} : memref<160x96xf32, #tpu.memory_space<vmem>>, vector<1x16xf32>,
      %swap3A_107 = vector.shape_cast %swap3A_106 : vector<1x16xf32> to vector<16xf32>
      %swap3A_108 = vector.shape_cast %broadcast_in_dim3A_103 : vector<16xf32> to vector<1x16xf32>
      tpu.vector_store %arg13[%swap3A_104, %swap3A_105], %swap3A_108 {strides = array<i32>} : memref<160x96xf32, #tpu.memory_space<vmem>>, vector<1x16xf32>,
      %scan3A_109 = arith.constant 0 : i32
      scf.yield %scan3A_109 : i32
    }
    %scan3A_5 = arith.constant 160 : i32
    %mul3A = arith.constant 632 : i32
    %mul3A_6 = arith.muli %arg1, %mul3A : i32
    %add3A = arith.constant 0 : i32
    %add3A_7 = arith.addi %mul3A_6, %add3A : i32
    "tpu.region"() ({
      %run_scoped3A_67 = tpu.sem_alloc : memref<!tpu.dma_semaphore, #tpu.memory_space<semaphore_mem>>
      %dma_start3A_68 = arith.constant 0 : i32
      %dma_start3A_69 = arith.constant 0 : i32
      %dma_start3A_70 = tpu.memref_slice %arg13[%dma_start3A_68, %dma_start3A_69] : memref<160x96xf32, #tpu.memory_space<vmem>> -> memref<160x96xf32, #tpu.memory_space<vmem>>
      %dma_start3A_71 = arith.constant 0 : i32
      %dma_start3A_72 = tpu.memref_slice %arg14[%add3A_7, %dma_start3A_71] : memref<10112x96xf32, #tpu.memory_space<vmem_shared>> -> memref<160x96xf32, #tpu.memory_space<vmem_shared>>
      %dma_start3A_73 = arith.constant 0 : i32
      %dma_start3A_74 = tpu.memref_slice %arg14[%add3A_7, %dma_start3A_73] : memref<10112x96xf32, #tpu.memory_space<vmem_shared>> -> memref<160x96xf32, #tpu.memory_space<vmem_shared>>
      %dma_start3A_75 = arith.constant 0 : i32
      %dma_start3A_76 = arith.constant 0 : i32
      %dma_start3A_77 = tpu.memref_slice %arg13[%dma_start3A_75, %dma_start3A_76] : memref<160x96xf32, #tpu.memory_space<vmem>> -> memref<160x96xf32, #tpu.memory_space<vmem>>
      tpu.enqueue_dma source(%dma_start3A_77 : memref<160x96xf32, #tpu.memory_space<vmem>>) target(%dma_start3A_74 : memref<160x96xf32, #tpu.memory_space<vmem_shared>>) target_semaphore(%run_scoped3A_67 : memref<!tpu.dma_semaphore, #tpu.memory_space<semaphore_mem>>)
      %dma_wait3A_78 = arith.constant 0 : i32
      %dma_wait3A_79 = arith.constant 0 : i32
      %dma_wait3A_80 = tpu.memref_slice %arg13[%dma_wait3A_78, %dma_wait3A_79] : memref<160x96xf32, #tpu.memory_space<vmem>> -> memref<160x96xf32, #tpu.memory_space<vmem>>
      %dma_wait3A_81 = arith.constant 0 : i32
      %dma_wait3A_82 = tpu.memref_slice %arg14[%add3A_7, %dma_wait3A_81] : memref<10112x96xf32, #tpu.memory_space<vmem_shared>> -> memref<160x96xf32, #tpu.memory_space<vmem_shared>>
      %dma_wait3A_83 = arith.constant 0 : i32
      %dma_wait3A_84 = tpu.memref_slice %arg14[%add3A_7, %dma_wait3A_83] : memref<10112x96xf32, #tpu.memory_space<vmem_shared>> -> memref<160x96xf32, #tpu.memory_space<vmem_shared>>
      %dma_wait3A_85 = arith.constant 0 : i32
      %dma_wait3A_86 = arith.constant 0 : i32
      %dma_wait3A_87 = tpu.memref_slice %arg13[%dma_wait3A_85, %dma_wait3A_86] : memref<160x96xf32, #tpu.memory_space<vmem>> -> memref<160x96xf32, #tpu.memory_space<vmem>>
      tpu.wait_dma2 semaphore(%run_scoped3A_67 : memref<!tpu.dma_semaphore, #tpu.memory_space<semaphore_mem>>) src(%dma_wait3A_87 : memref<160x96xf32, #tpu.memory_space<vmem>>) dst(%dma_wait3A_84 : memref<160x96xf32, #tpu.memory_space<vmem_shared>>)
      tpu.yield
    }) : () -> ()
    %mul3A_8 = arith.constant 632 : i32
    %mul3A_9 = arith.muli %arg1, %mul3A_8 : i32
    %add3A_10 = arith.constant 160 : i32
    %add3A_11 = arith.addi %mul3A_9, %add3A_10 : i32
    "tpu.region"() ({
      %run_scoped3A_67 = tpu.sem_alloc : memref<!tpu.dma_semaphore, #tpu.memory_space<semaphore_mem>>
      %dma_start3A_68 = arith.constant 0 : i32
      %dma_start3A_69 = arith.constant 0 : i32
      %dma_start3A_70 = tpu.memref_slice %arg13[%dma_start3A_68, %dma_start3A_69] : memref<160x96xf32, #tpu.memory_space<vmem>> -> memref<160x96xf32, #tpu.memory_space<vmem>>
      %dma_start3A_71 = arith.constant 0 : i32
      %dma_start3A_72 = tpu.memref_slice %arg14[%add3A_11, %dma_start3A_71] : memref<10112x96xf32, #tpu.memory_space<vmem_shared>> -> memref<160x96xf32, #tpu.memory_space<vmem_shared>>
      %dma_start3A_73 = arith.constant 0 : i32
      %dma_start3A_74 = tpu.memref_slice %arg14[%add3A_11, %dma_start3A_73] : memref<10112x96xf32, #tpu.memory_space<vmem_shared>> -> memref<160x96xf32, #tpu.memory_space<vmem_shared>>
      %dma_start3A_75 = arith.constant 0 : i32
      %dma_start3A_76 = arith.constant 0 : i32
      %dma_start3A_77 = tpu.memref_slice %arg13[%dma_start3A_75, %dma_start3A_76] : memref<160x96xf32, #tpu.memory_space<vmem>> -> memref<160x96xf32, #tpu.memory_space<vmem>>
      tpu.enqueue_dma source(%dma_start3A_77 : memref<160x96xf32, #tpu.memory_space<vmem>>) target(%dma_start3A_74 : memref<160x96xf32, #tpu.memory_space<vmem_shared>>) target_semaphore(%run_scoped3A_67 : memref<!tpu.dma_semaphore, #tpu.memory_space<semaphore_mem>>)
      %dma_wait3A_78 = arith.constant 0 : i32
      %dma_wait3A_79 = arith.constant 0 : i32
      %dma_wait3A_80 = tpu.memref_slice %arg13[%dma_wait3A_78, %dma_wait3A_79] : memref<160x96xf32, #tpu.memory_space<vmem>> -> memref<160x96xf32, #tpu.memory_space<vmem>>
      %dma_wait3A_81 = arith.constant 0 : i32
      %dma_wait3A_82 = tpu.memref_slice %arg14[%add3A_11, %dma_wait3A_81] : memref<10112x96xf32, #tpu.memory_space<vmem_shared>> -> memref<160x96xf32, #tpu.memory_space<vmem_shared>>
      %dma_wait3A_83 = arith.constant 0 : i32
      %dma_wait3A_84 = tpu.memref_slice %arg14[%add3A_11, %dma_wait3A_83] : memref<10112x96xf32, #tpu.memory_space<vmem_shared>> -> memref<160x96xf32, #tpu.memory_space<vmem_shared>>
      %dma_wait3A_85 = arith.constant 0 : i32
      %dma_wait3A_86 = arith.constant 0 : i32
      %dma_wait3A_87 = tpu.memref_slice %arg13[%dma_wait3A_85, %dma_wait3A_86] : memref<160x96xf32, #tpu.memory_space<vmem>> -> memref<160x96xf32, #tpu.memory_space<vmem>>
      tpu.wait_dma2 semaphore(%run_scoped3A_67 : memref<!tpu.dma_semaphore, #tpu.memory_space<semaphore_mem>>) src(%dma_wait3A_87 : memref<160x96xf32, #tpu.memory_space<vmem>>) dst(%dma_wait3A_84 : memref<160x96xf32, #tpu.memory_space<vmem_shared>>)
      tpu.yield
    }) : () -> ()
    %mul3A_12 = arith.constant 632 : i32
    %mul3A_13 = arith.muli %arg1, %mul3A_12 : i32
    %add3A_14 = arith.constant 320 : i32
    %add3A_15 = arith.addi %mul3A_13, %add3A_14 : i32
    "tpu.region"() ({
      %run_scoped3A_67 = tpu.sem_alloc : memref<!tpu.dma_semaphore, #tpu.memory_space<semaphore_mem>>
      %dma_start3A_68 = arith.constant 0 : i32
      %dma_start3A_69 = arith.constant 0 : i32
      %dma_start3A_70 = tpu.memref_slice %arg13[%dma_start3A_68, %dma_start3A_69] : memref<160x96xf32, #tpu.memory_space<vmem>> -> memref<160x96xf32, #tpu.memory_space<vmem>>
      %dma_start3A_71 = arith.constant 0 : i32
      %dma_start3A_72 = tpu.memref_slice %arg14[%add3A_15, %dma_start3A_71] : memref<10112x96xf32, #tpu.memory_space<vmem_shared>> -> memref<160x96xf32, #tpu.memory_space<vmem_shared>>
      %dma_start3A_73 = arith.constant 0 : i32
      %dma_start3A_74 = tpu.memref_slice %arg14[%add3A_15, %dma_start3A_73] : memref<10112x96xf32, #tpu.memory_space<vmem_shared>> -> memref<160x96xf32, #tpu.memory_space<vmem_shared>>
      %dma_start3A_75 = arith.constant 0 : i32
      %dma_start3A_76 = arith.constant 0 : i32
      %dma_start3A_77 = tpu.memref_slice %arg13[%dma_start3A_75, %dma_start3A_76] : memref<160x96xf32, #tpu.memory_space<vmem>> -> memref<160x96xf32, #tpu.memory_space<vmem>>
      tpu.enqueue_dma source(%dma_start3A_77 : memref<160x96xf32, #tpu.memory_space<vmem>>) target(%dma_start3A_74 : memref<160x96xf32, #tpu.memory_space<vmem_shared>>) target_semaphore(%run_scoped3A_67 : memref<!tpu.dma_semaphore, #tpu.memory_space<semaphore_mem>>)
      %dma_wait3A_78 = arith.constant 0 : i32
      %dma_wait3A_79 = arith.constant 0 : i32
      %dma_wait3A_80 = tpu.memref_slice %arg13[%dma_wait3A_78, %dma_wait3A_79] : memref<160x96xf32, #tpu.memory_space<vmem>> -> memref<160x96xf32, #tpu.memory_space<vmem>>
      %dma_wait3A_81 = arith.constant 0 : i32
      %dma_wait3A_82 = tpu.memref_slice %arg14[%add3A_15, %dma_wait3A_81] : memref<10112x96xf32, #tpu.memory_space<vmem_shared>> -> memref<160x96xf32, #tpu.memory_space<vmem_shared>>
      %dma_wait3A_83 = arith.constant 0 : i32
      %dma_wait3A_84 = tpu.memref_slice %arg14[%add3A_15, %dma_wait3A_83] : memref<10112x96xf32, #tpu.memory_space<vmem_shared>> -> memref<160x96xf32, #tpu.memory_space<vmem_shared>>
      %dma_wait3A_85 = arith.constant 0 : i32
      %dma_wait3A_86 = arith.constant 0 : i32
      %dma_wait3A_87 = tpu.memref_slice %arg13[%dma_wait3A_85, %dma_wait3A_86] : memref<160x96xf32, #tpu.memory_space<vmem>> -> memref<160x96xf32, #tpu.memory_space<vmem>>
      tpu.wait_dma2 semaphore(%run_scoped3A_67 : memref<!tpu.dma_semaphore, #tpu.memory_space<semaphore_mem>>) src(%dma_wait3A_87 : memref<160x96xf32, #tpu.memory_space<vmem>>) dst(%dma_wait3A_84 : memref<160x96xf32, #tpu.memory_space<vmem_shared>>)
      tpu.yield
    }) : () -> ()
    %mul3A_16 = arith.constant 632 : i32
    %mul3A_17 = arith.muli %arg1, %mul3A_16 : i32
    %add3A_18 = arith.constant 480 : i32
    %add3A_19 = arith.addi %mul3A_17, %add3A_18 : i32
    "tpu.region"() ({
      %run_scoped3A_67 = tpu.sem_alloc : memref<!tpu.dma_semaphore, #tpu.memory_space<semaphore_mem>>
      %dma_start3A_68 = arith.constant 0 : i32
      %dma_start3A_69 = arith.constant 0 : i32
      %dma_start3A_70 = tpu.memref_slice %arg13[%dma_start3A_68, %dma_start3A_69] : memref<160x96xf32, #tpu.memory_space<vmem>> -> memref<152x96xf32, #tpu.memory_space<vmem>>
      %dma_start3A_71 = arith.constant 0 : i32
      %dma_start3A_72 = tpu.memref_slice %arg14[%add3A_19, %dma_start3A_71] : memref<10112x96xf32, #tpu.memory_space<vmem_shared>> -> memref<152x96xf32, #tpu.memory_space<vmem_shared>>
      %dma_start3A_73 = arith.constant 0 : i32
      %dma_start3A_74 = tpu.memref_slice %arg14[%add3A_19, %dma_start3A_73] : memref<10112x96xf32, #tpu.memory_space<vmem_shared>> -> memref<152x96xf32, #tpu.memory_space<vmem_shared>>
      %dma_start3A_75 = arith.constant 0 : i32
      %dma_start3A_76 = arith.constant 0 : i32
      %dma_start3A_77 = tpu.memref_slice %arg13[%dma_start3A_75, %dma_start3A_76] : memref<160x96xf32, #tpu.memory_space<vmem>> -> memref<152x96xf32, #tpu.memory_space<vmem>>
      tpu.enqueue_dma source(%dma_start3A_77 : memref<152x96xf32, #tpu.memory_space<vmem>>) target(%dma_start3A_74 : memref<152x96xf32, #tpu.memory_space<vmem_shared>>) target_semaphore(%run_scoped3A_67 : memref<!tpu.dma_semaphore, #tpu.memory_space<semaphore_mem>>)
      %dma_wait3A_78 = arith.constant 0 : i32
      %dma_wait3A_79 = arith.constant 0 : i32
      %dma_wait3A_80 = tpu.memref_slice %arg13[%dma_wait3A_78, %dma_wait3A_79] : memref<160x96xf32, #tpu.memory_space<vmem>> -> memref<152x96xf32, #tpu.memory_space<vmem>>
      %dma_wait3A_81 = arith.constant 0 : i32
      %dma_wait3A_82 = tpu.memref_slice %arg14[%add3A_19, %dma_wait3A_81] : memref<10112x96xf32, #tpu.memory_space<vmem_shared>> -> memref<152x96xf32, #tpu.memory_space<vmem_shared>>
      %dma_wait3A_83 = arith.constant 0 : i32
      %dma_wait3A_84 = tpu.memref_slice %arg14[%add3A_19, %dma_wait3A_83] : memref<10112x96xf32, #tpu.memory_space<vmem_shared>> -> memref<152x96xf32, #tpu.memory_space<vmem_shared>>
      %dma_wait3A_85 = arith.constant 0 : i32
      %dma_wait3A_86 = arith.constant 0 : i32
      %dma_wait3A_87 = tpu.memref_slice %arg13[%dma_wait3A_85, %dma_wait3A_86] : memref<160x96xf32, #tpu.memory_space<vmem>> -> memref<152x96xf32, #tpu.memory_space<vmem>>
      tpu.wait_dma2 semaphore(%run_scoped3A_67 : memref<!tpu.dma_semaphore, #tpu.memory_space<semaphore_mem>>) src(%dma_wait3A_87 : memref<152x96xf32, #tpu.memory_space<vmem>>) dst(%dma_wait3A_84 : memref<152x96xf32, #tpu.memory_space<vmem_shared>>)
      tpu.yield
    }) : () -> ()
    %barrier3A = arith.constant 0 : index
    tpu.barrier barrier_id(%barrier3A)
    "tpu.region"() ({
      %run_scoped3A_67 = tpu.sem_alloc : memref<!tpu.dma_semaphore, #tpu.memory_space<semaphore_mem>>
      %dma_start3A_68 = arith.constant 0 : i32
      %dma_start3A_69 = arith.constant 0 : i32
      %dma_start3A_70 = tpu.memref_slice %arg3[%arg1, %dma_start3A_68, %dma_start3A_69] : memref<16x312x64xi32, #tpu.memory_space<hbm>> -> memref<1x312x64xi32, #tpu.memory_space<hbm>>
      %dma_start3A_71 = tpu.memref_squeeze %dma_start3A_70 : memref<1x312x64xi32, #tpu.memory_space<hbm>> -> memref<312x64xi32, #tpu.memory_space<hbm>>
      %dma_start3A_72 = arith.constant 0 : i32
      %dma_start3A_73 = arith.constant 0 : i32
      %dma_start3A_74 = tpu.memref_slice %arg3[%arg1, %dma_start3A_72, %dma_start3A_73] : memref<16x312x64xi32, #tpu.memory_space<hbm>> -> memref<1x312x64xi32, #tpu.memory_space<hbm>>
      %dma_start3A_75 = tpu.memref_squeeze %dma_start3A_74 : memref<1x312x64xi32, #tpu.memory_space<hbm>> -> memref<312x64xi32, #tpu.memory_space<hbm>>
      tpu.enqueue_dma source(%dma_start3A_75 : memref<312x64xi32, #tpu.memory_space<hbm>>) target(%arg8 : memref<312x64xi32, #tpu.memory_space<vmem>>) target_semaphore(%run_scoped3A_67 : memref<!tpu.dma_semaphore, #tpu.memory_space<semaphore_mem>>)
      %dma_wait3A_76 = arith.constant 0 : i32
      %dma_wait3A_77 = arith.constant 0 : i32
      %dma_wait3A_78 = tpu.memref_slice %arg3[%arg1, %dma_wait3A_76, %dma_wait3A_77] : memref<16x312x64xi32, #tpu.memory_space<hbm>> -> memref<1x312x64xi32, #tpu.memory_space<hbm>>
      %dma_wait3A_79 = tpu.memref_squeeze %dma_wait3A_78 : memref<1x312x64xi32, #tpu.memory_space<hbm>> -> memref<312x64xi32, #tpu.memory_space<hbm>>
      %dma_wait3A_80 = arith.constant 0 : i32
      %dma_wait3A_81 = arith.constant 0 : i32
      %dma_wait3A_82 = tpu.memref_slice %arg3[%arg1, %dma_wait3A_80, %dma_wait3A_81] : memref<16x312x64xi32, #tpu.memory_space<hbm>> -> memref<1x312x64xi32, #tpu.memory_space<hbm>>
      %dma_wait3A_83 = tpu.memref_squeeze %dma_wait3A_82 : memref<1x312x64xi32, #tpu.memory_space<hbm>> -> memref<312x64xi32, #tpu.memory_space<hbm>>
      tpu.wait_dma2 semaphore(%run_scoped3A_67 : memref<!tpu.dma_semaphore, #tpu.memory_space<semaphore_mem>>) src(%dma_wait3A_83 : memref<312x64xi32, #tpu.memory_space<hbm>>) dst(%arg8 : memref<312x64xi32, #tpu.memory_space<vmem>>)
      tpu.yield
    }) : () -> ()
    "tpu.region"() ({
      %run_scoped3A_67 = tpu.sem_alloc : memref<!tpu.dma_semaphore, #tpu.memory_space<semaphore_mem>>
      %dma_start3A_68 = arith.constant 0 : i32
      %dma_start3A_69 = arith.constant 0 : i32
      %dma_start3A_70 = tpu.memref_slice %arg4[%arg1, %dma_start3A_68, %dma_start3A_69] : memref<16x312x64xi32, #tpu.memory_space<hbm>> -> memref<1x312x64xi32, #tpu.memory_space<hbm>>
      %dma_start3A_71 = tpu.memref_squeeze %dma_start3A_70 : memref<1x312x64xi32, #tpu.memory_space<hbm>> -> memref<312x64xi32, #tpu.memory_space<hbm>>
      %dma_start3A_72 = arith.constant 0 : i32
      %dma_start3A_73 = arith.constant 0 : i32
      %dma_start3A_74 = tpu.memref_slice %arg4[%arg1, %dma_start3A_72, %dma_start3A_73] : memref<16x312x64xi32, #tpu.memory_space<hbm>> -> memref<1x312x64xi32, #tpu.memory_space<hbm>>
      %dma_start3A_75 = tpu.memref_squeeze %dma_start3A_74 : memref<1x312x64xi32, #tpu.memory_space<hbm>> -> memref<312x64xi32, #tpu.memory_space<hbm>>
      tpu.enqueue_dma source(%dma_start3A_75 : memref<312x64xi32, #tpu.memory_space<hbm>>) target(%arg9 : memref<312x64xi32, #tpu.memory_space<vmem>>) target_semaphore(%run_scoped3A_67 : memref<!tpu.dma_semaphore, #tpu.memory_space<semaphore_mem>>)
      %dma_wait3A_76 = arith.constant 0 : i32
      %dma_wait3A_77 = arith.constant 0 : i32
      %dma_wait3A_78 = tpu.memref_slice %arg4[%arg1, %dma_wait3A_76, %dma_wait3A_77] : memref<16x312x64xi32, #tpu.memory_space<hbm>> -> memref<1x312x64xi32, #tpu.memory_space<hbm>>
      %dma_wait3A_79 = tpu.memref_squeeze %dma_wait3A_78 : memref<1x312x64xi32, #tpu.memory_space<hbm>> -> memref<312x64xi32, #tpu.memory_space<hbm>>
      %dma_wait3A_80 = arith.constant 0 : i32
      %dma_wait3A_81 = arith.constant 0 : i32
      %dma_wait3A_82 = tpu.memref_slice %arg4[%arg1, %dma_wait3A_80, %dma_wait3A_81] : memref<16x312x64xi32, #tpu.memory_space<hbm>> -> memref<1x312x64xi32, #tpu.memory_space<hbm>>
      %dma_wait3A_83 = tpu.memref_squeeze %dma_wait3A_82 : memref<1x312x64xi32, #tpu.memory_space<hbm>> -> memref<312x64xi32, #tpu.memory_space<hbm>>
      tpu.wait_dma2 semaphore(%run_scoped3A_67 : memref<!tpu.dma_semaphore, #tpu.memory_space<semaphore_mem>>) src(%dma_wait3A_83 : memref<312x64xi32, #tpu.memory_space<hbm>>) dst(%arg9 : memref<312x64xi32, #tpu.memory_space<vmem>>)
      tpu.yield
    }) : () -> ()
    "tpu.region"() ({
      %run_scoped3A_67 = tpu.sem_alloc : memref<!tpu.dma_semaphore, #tpu.memory_space<semaphore_mem>>
      %dma_start3A_68 = arith.constant 0 : i32
      %dma_start3A_69 = arith.constant 0 : i32
      %dma_start3A_70 = tpu.memref_slice %arg5[%arg1, %dma_start3A_68, %dma_start3A_69] : memref<16x1x32xi32, #tpu.memory_space<hbm>> -> memref<1x1x32xi32, #tpu.memory_space<hbm>>
      %dma_start3A_71 = tpu.memref_squeeze %dma_start3A_70 : memref<1x1x32xi32, #tpu.memory_space<hbm>> -> memref<1x32xi32, #tpu.memory_space<hbm>>
      %dma_start3A_72 = arith.constant 0 : i32
      %dma_start3A_73 = arith.constant 0 : i32
      %dma_start3A_74 = tpu.memref_slice %arg5[%arg1, %dma_start3A_72, %dma_start3A_73] : memref<16x1x32xi32, #tpu.memory_space<hbm>> -> memref<1x1x32xi32, #tpu.memory_space<hbm>>
      %dma_start3A_75 = tpu.memref_squeeze %dma_start3A_74 : memref<1x1x32xi32, #tpu.memory_space<hbm>> -> memref<1x32xi32, #tpu.memory_space<hbm>>
      tpu.enqueue_dma source(%dma_start3A_75 : memref<1x32xi32, #tpu.memory_space<hbm>>) target(%arg10 : memref<1x32xi32, #tpu.memory_space<vmem>>) target_semaphore(%run_scoped3A_67 : memref<!tpu.dma_semaphore, #tpu.memory_space<semaphore_mem>>)
      %dma_wait3A_76 = arith.constant 0 : i32
      %dma_wait3A_77 = arith.constant 0 : i32
      %dma_wait3A_78 = tpu.memref_slice %arg5[%arg1, %dma_wait3A_76, %dma_wait3A_77] : memref<16x1x32xi32, #tpu.memory_space<hbm>> -> memref<1x1x32xi32, #tpu.memory_space<hbm>>
      %dma_wait3A_79 = tpu.memref_squeeze %dma_wait3A_78 : memref<1x1x32xi32, #tpu.memory_space<hbm>> -> memref<1x32xi32, #tpu.memory_space<hbm>>
      %dma_wait3A_80 = arith.constant 0 : i32
      %dma_wait3A_81 = arith.constant 0 : i32
      %dma_wait3A_82 = tpu.memref_slice %arg5[%arg1, %dma_wait3A_80, %dma_wait3A_81] : memref<16x1x32xi32, #tpu.memory_space<hbm>> -> memref<1x1x32xi32, #tpu.memory_space<hbm>>
      %dma_wait3A_83 = tpu.memref_squeeze %dma_wait3A_82 : memref<1x1x32xi32, #tpu.memory_space<hbm>> -> memref<1x32xi32, #tpu.memory_space<hbm>>
      tpu.wait_dma2 semaphore(%run_scoped3A_67 : memref<!tpu.dma_semaphore, #tpu.memory_space<semaphore_mem>>) src(%dma_wait3A_83 : memref<1x32xi32, #tpu.memory_space<hbm>>) dst(%arg10 : memref<1x32xi32, #tpu.memory_space<vmem>>)
      tpu.yield
    }) : () -> ()
    "tpu.region"() ({
      %run_scoped3A_67 = tpu.sem_alloc : memref<!tpu.dma_semaphore, #tpu.memory_space<semaphore_mem>>
      %dma_start3A_68 = arith.constant 0 : i32
      %dma_start3A_69 = arith.constant 0 : i32
      %dma_start3A_70 = tpu.memref_slice %arg6[%arg1, %dma_start3A_68, %dma_start3A_69] : memref<16x1x32xi32, #tpu.memory_space<hbm>> -> memref<1x1x32xi32, #tpu.memory_space<hbm>>
      %dma_start3A_71 = tpu.memref_squeeze %dma_start3A_70 : memref<1x1x32xi32, #tpu.memory_space<hbm>> -> memref<1x32xi32, #tpu.memory_space<hbm>>
      %dma_start3A_72 = arith.constant 0 : i32
      %dma_start3A_73 = arith.constant 0 : i32
      %dma_start3A_74 = tpu.memref_slice %arg6[%arg1, %dma_start3A_72, %dma_start3A_73] : memref<16x1x32xi32, #tpu.memory_space<hbm>> -> memref<1x1x32xi32, #tpu.memory_space<hbm>>
      %dma_start3A_75 = tpu.memref_squeeze %dma_start3A_74 : memref<1x1x32xi32, #tpu.memory_space<hbm>> -> memref<1x32xi32, #tpu.memory_space<hbm>>
      tpu.enqueue_dma source(%dma_start3A_75 : memref<1x32xi32, #tpu.memory_space<hbm>>) target(%arg11 : memref<1x32xi32, #tpu.memory_space<vmem>>) target_semaphore(%run_scoped3A_67 : memref<!tpu.dma_semaphore, #tpu.memory_space<semaphore_mem>>)
      %dma_wait3A_76 = arith.constant 0 : i32
      %dma_wait3A_77 = arith.constant 0 : i32
      %dma_wait3A_78 = tpu.memref_slice %arg6[%arg1, %dma_wait3A_76, %dma_wait3A_77] : memref<16x1x32xi32, #tpu.memory_space<hbm>> -> memref<1x1x32xi32, #tpu.memory_space<hbm>>
      %dma_wait3A_79 = tpu.memref_squeeze %dma_wait3A_78 : memref<1x1x32xi32, #tpu.memory_space<hbm>> -> memref<1x32xi32, #tpu.memory_space<hbm>>
      %dma_wait3A_80 = arith.constant 0 : i32
      %dma_wait3A_81 = arith.constant 0 : i32
      %dma_wait3A_82 = tpu.memref_slice %arg6[%arg1, %dma_wait3A_80, %dma_wait3A_81] : memref<16x1x32xi32, #tpu.memory_space<hbm>> -> memref<1x1x32xi32, #tpu.memory_space<hbm>>
      %dma_wait3A_83 = tpu.memref_squeeze %dma_wait3A_82 : memref<1x1x32xi32, #tpu.memory_space<hbm>> -> memref<1x32xi32, #tpu.memory_space<hbm>>
      tpu.wait_dma2 semaphore(%run_scoped3A_67 : memref<!tpu.dma_semaphore, #tpu.memory_space<semaphore_mem>>) src(%dma_wait3A_83 : memref<1x32xi32, #tpu.memory_space<hbm>>) dst(%arg11 : memref<1x32xi32, #tpu.memory_space<vmem>>)
      tpu.yield
    }) : () -> ()
    %dma_start3A = arith.constant 0 : i32
    %dma_start3A_20 = arith.constant 0 : i32
    %dma_start3A_21 = arith.constant 0 : i32
    %dma_start3A_22 = arith.constant 0 : i32
    %dma_start3A_23 = arith.constant 0 : i32
    %dma_start3A_24 = tpu.memref_slice %arg12[%dma_start3A_20, %dma_start3A_22, %dma_start3A_23] : memref<2x64x96xf32, #tpu.memory_space<vmem>> -> memref<1x64x96xf32, #tpu.memory_space<vmem>>
    %dma_start3A_25 = tpu.memref_squeeze %dma_start3A_24 : memref<1x64x96xf32, #tpu.memory_space<vmem>> -> memref<64x96xf32, #tpu.memory_space<vmem>>
    %dma_start3A_26 = arith.constant 0 : i32
    %dma_start3A_27 = tpu.memref_slice %arg8[%dma_start3A, %dma_start3A_26] : memref<312x64xi32, #tpu.memory_space<vmem>> -> memref<1x64xi32, #tpu.memory_space<vmem>>
    %dma_start3A_28 = tpu.memref_squeeze %dma_start3A_27 : memref<1x64xi32, #tpu.memory_space<vmem>> -> memref<64xi32, #tpu.memory_space<vmem>>
    %dma_start3A_29 = arith.constant 0 : i32
    %dma_start3A_30 = arith.constant 0 : i32
    %dma_start3A_31 = tpu.memref_slice %arg2[%arg0, %dma_start3A_29, %dma_start3A_30] : memref<2x10000x96xf32, #tpu.memory_space<hbm>> -> memref<1x10000x96xf32, #tpu.memory_space<hbm>>
    %dma_start3A_32 = tpu.memref_squeeze %dma_start3A_31 : memref<1x10000x96xf32, #tpu.memory_space<hbm>> -> memref<10000x96xf32, #tpu.memory_space<hbm>>
    %dma_start3A_33 = arith.constant 0 : i32
    %dma_start3A_34 = arith.constant 0 : i32
    %dma_start3A_35 = tpu.memref_slice %dma_start3A_32[%dma_start3A_33, %dma_start3A_34] : memref<10000x96xf32, #tpu.memory_space<hbm>> -> memref<10000x96xf32, #tpu.memory_space<hbm>>
    %dma_start3A_36 = tpu.memref_slice %arg15[%dma_start3A_21] : memref<2x!tpu.dma_semaphore, #tpu.memory_space<semaphore_mem>> -> memref<1x!tpu.dma_semaphore, #tpu.memory_space<semaphore_mem>>
    %dma_start3A_37 = tpu.memref_squeeze %dma_start3A_36 : memref<1x!tpu.dma_semaphore, #tpu.memory_space<semaphore_mem>> -> memref<!tpu.dma_semaphore, #tpu.memory_space<semaphore_mem>>
    tpu.enqueue_indirect_dma source(%dma_start3A_35 : memref<10000x96xf32, #tpu.memory_space<hbm>>) target(%dma_start3A_25 : memref<64x96xf32, #tpu.memory_space<vmem>>) offsets(%dma_start3A_28 : memref<64xi32, #tpu.memory_space<vmem>>) semaphore(%dma_start3A_37 : memref<!tpu.dma_semaphore, #tpu.memory_space<semaphore_mem>>)
    %scan3A_38 = arith.constant 0 : i32
    %scan3A_39 = arith.constant 0 : i32
    %scan3A_40 = arith.constant 312 : i32
    %scan3A_41 = arith.addi %scan3A_39, %scan3A_40 : i32
    %scan3A_42 = arith.constant 1 : i32
    %scan3A_43 = scf.for %scan3A_67 = %scan3A_39 to %scan3A_41 step %scan3A_42 iter_args(%scan3A_68 = %scan3A_38) -> (i32)  : i32 {
      %jit3A = arith.constant 2 : i32
      %eq3A = arith.constant 0 : i32
      %eq3A_69 = arith.cmpi eq, %jit3A, %eq3A : i32
      %jit3A_70 = arith.constant 1 : i32
      %select_n3A = arith.select %eq3A_69, %jit3A_70, %jit3A : i32
      %rem3A = arith.remsi %scan3A_67, %select_n3A : i32
      %ne3A = arith.constant 0 : i32
      %ne3A_71 = arith.cmpi ne, %rem3A, %ne3A : i32
      %lt3A = arith.constant 0 : i32
      %lt3A_72 = arith.cmpi slt, %rem3A, %lt3A : i32
      %lt3A_73 = arith.constant 0 : i32
      %lt3A_74 = arith.cmpi slt, %select_n3A, %lt3A_73 : i32
      %ne3A_75 = arith.xori %lt3A_72, %lt3A_74 : i1
      %and3A = arith.andi %ne3A_75, %ne3A_71 : i1
      %add3A_76 = arith.addi %rem3A, %select_n3A : i32
      %select_n3A_77 = arith.select %and3A, %add3A_76, %rem3A : i32
      %dma_wait3A_78 = arith.constant 0 : i32
      %dma_wait3A_79 = arith.constant 0 : i32
      %dma_wait3A_80 = tpu.memref_slice %arg12[%select_n3A_77, %dma_wait3A_78, %dma_wait3A_79] : memref<2x64x96xf32, #tpu.memory_space<vmem>> -> memref<1x64x96xf32, #tpu.memory_space<vmem>>
      %dma_wait3A_81 = tpu.memref_squeeze %dma_wait3A_80 : memref<1x64x96xf32, #tpu.memory_space<vmem>> -> memref<64x96xf32, #tpu.memory_space<vmem>>
      %dma_wait3A_82 = arith.constant 0 : i32
      %dma_wait3A_83 = tpu.memref_slice %arg8[%scan3A_67, %dma_wait3A_82] : memref<312x64xi32, #tpu.memory_space<vmem>> -> memref<1x64xi32, #tpu.memory_space<vmem>>
      %dma_wait3A_84 = tpu.memref_squeeze %dma_wait3A_83 : memref<1x64xi32, #tpu.memory_space<vmem>> -> memref<64xi32, #tpu.memory_space<vmem>>
      %dma_wait3A_85 = arith.constant 0 : i32
      %dma_wait3A_86 = arith.constant 0 : i32
      %dma_wait3A_87 = tpu.memref_slice %arg2[%arg0, %dma_wait3A_85, %dma_wait3A_86] : memref<2x10000x96xf32, #tpu.memory_space<hbm>> -> memref<1x10000x96xf32, #tpu.memory_space<hbm>>
      %dma_wait3A_88 = tpu.memref_squeeze %dma_wait3A_87 : memref<1x10000x96xf32, #tpu.memory_space<hbm>> -> memref<10000x96xf32, #tpu.memory_space<hbm>>
      %dma_wait3A_89 = arith.constant 0 : i32
      %dma_wait3A_90 = arith.constant 0 : i32
      %dma_wait3A_91 = tpu.memref_slice %dma_wait3A_88[%dma_wait3A_89, %dma_wait3A_90] : memref<10000x96xf32, #tpu.memory_space<hbm>> -> memref<10000x96xf32, #tpu.memory_space<hbm>>
      %dma_wait3A_92 = tpu.memref_slice %arg15[%select_n3A_77] : memref<2x!tpu.dma_semaphore, #tpu.memory_space<semaphore_mem>> -> memref<1x!tpu.dma_semaphore, #tpu.memory_space<semaphore_mem>>
      %dma_wait3A_93 = tpu.memref_squeeze %dma_wait3A_92 : memref<1x!tpu.dma_semaphore, #tpu.memory_space<semaphore_mem>> -> memref<!tpu.dma_semaphore, #tpu.memory_space<semaphore_mem>>
      tpu.wait_indirect_dma semaphore(%dma_wait3A_93 : memref<!tpu.dma_semaphore, #tpu.memory_space<semaphore_mem>>) src(%dma_wait3A_91 : memref<10000x96xf32, #tpu.memory_space<hbm>>) dst(%dma_wait3A_81 : memref<64x96xf32, #tpu.memory_space<vmem>>)
      %dma_start3A_94 = arith.constant 0 : i32
      %dma_start3A_95 = arith.constant 0 : i32
      %dma_start3A_96 = tpu.memref_slice %arg12[%select_n3A_77, %dma_start3A_94, %dma_start3A_95] : memref<2x64x96xf32, #tpu.memory_space<vmem>> -> memref<1x64x96xf32, #tpu.memory_space<vmem>>
      %dma_start3A_97 = tpu.memref_squeeze %dma_start3A_96 : memref<1x64x96xf32, #tpu.memory_space<vmem>> -> memref<64x96xf32, #tpu.memory_space<vmem>>
      %dma_start3A_98 = arith.constant 0 : i32
      %dma_start3A_99 = tpu.memref_slice %arg9[%scan3A_67, %dma_start3A_98] : memref<312x64xi32, #tpu.memory_space<vmem>> -> memref<1x64xi32, #tpu.memory_space<vmem>>
      %dma_start3A_100 = tpu.memref_squeeze %dma_start3A_99 : memref<1x64xi32, #tpu.memory_space<vmem>> -> memref<64xi32, #tpu.memory_space<vmem>>
      %dma_start3A_101 = arith.constant 0 : i32
      %dma_start3A_102 = arith.constant 0 : i32
      %dma_start3A_103 = tpu.memref_slice %arg14[%dma_start3A_101, %dma_start3A_102] : memref<10112x96xf32, #tpu.memory_space<vmem_shared>> -> memref<10112x96xf32, #tpu.memory_space<vmem_shared>>
      %dma_start3A_104 = tpu.memref_slice %arg16[%select_n3A_77] : memref<2x!tpu.dma_semaphore, #tpu.memory_space<semaphore_mem>> -> memref<1x!tpu.dma_semaphore, #tpu.memory_space<semaphore_mem>>
      %dma_start3A_105 = tpu.memref_squeeze %dma_start3A_104 : memref<1x!tpu.dma_semaphore, #tpu.memory_space<semaphore_mem>> -> memref<!tpu.dma_semaphore, #tpu.memory_space<semaphore_mem>>
      tpu.enqueue_indirect_dma source(%dma_start3A_97 : memref<64x96xf32, #tpu.memory_space<vmem>>) target(%dma_start3A_103 : memref<10112x96xf32, #tpu.memory_space<vmem_shared>>) offsets(%dma_start3A_100 : memref<64xi32, #tpu.memory_space<vmem>>) semaphore(%dma_start3A_105 : memref<!tpu.dma_semaphore, #tpu.memory_space<semaphore_mem>>) {add = true}
      %ge3A = arith.constant 1 : i32
      %ge3A_106 = arith.cmpi sge, %scan3A_67, %ge3A : i32
      %convert_element_type3A = arith.extui %ge3A_106 : i1 to i32
      %cond3A = arith.constant 0 : i32
      %cond3A_107 = arith.cmpi ne, %convert_element_type3A, %cond3A : i32
      scf.if %cond3A_107 {
        %sub3A = arith.constant 1 : i32
        %sub3A_116 = arith.subi %scan3A_67, %sub3A : i32
        %sub3A_117 = arith.constant 1 : i32
        %sub3A_118 = arith.subi %sub3A_117, %select_n3A_77 : i32
        %dma_wait3A_119 = arith.constant 0 : i32
        %dma_wait3A_120 = arith.constant 0 : i32
        %dma_wait3A_121 = tpu.memref_slice %arg12[%sub3A_118, %dma_wait3A_119, %dma_wait3A_120] : memref<2x64x96xf32, #tpu.memory_space<vmem>> -> memref<1x64x96xf32, #tpu.memory_space<vmem>>
        %dma_wait3A_122 = tpu.memref_squeeze %dma_wait3A_121 : memref<1x64x96xf32, #tpu.memory_space<vmem>> -> memref<64x96xf32, #tpu.memory_space<vmem>>
        %dma_wait3A_123 = arith.constant 0 : i32
        %dma_wait3A_124 = tpu.memref_slice %arg9[%sub3A_116, %dma_wait3A_123] : memref<312x64xi32, #tpu.memory_space<vmem>> -> memref<1x64xi32, #tpu.memory_space<vmem>>
        %dma_wait3A_125 = tpu.memref_squeeze %dma_wait3A_124 : memref<1x64xi32, #tpu.memory_space<vmem>> -> memref<64xi32, #tpu.memory_space<vmem>>
        %dma_wait3A_126 = arith.constant 0 : i32
        %dma_wait3A_127 = arith.constant 0 : i32
        %dma_wait3A_128 = tpu.memref_slice %arg14[%dma_wait3A_126, %dma_wait3A_127] : memref<10112x96xf32, #tpu.memory_space<vmem_shared>> -> memref<10112x96xf32, #tpu.memory_space<vmem_shared>>
        %dma_wait3A_129 = tpu.memref_slice %arg16[%sub3A_118] : memref<2x!tpu.dma_semaphore, #tpu.memory_space<semaphore_mem>> -> memref<1x!tpu.dma_semaphore, #tpu.memory_space<semaphore_mem>>
        %dma_wait3A_130 = tpu.memref_squeeze %dma_wait3A_129 : memref<1x!tpu.dma_semaphore, #tpu.memory_space<semaphore_mem>> -> memref<!tpu.dma_semaphore, #tpu.memory_space<semaphore_mem>>
        tpu.wait_indirect_dma semaphore(%dma_wait3A_130 : memref<!tpu.dma_semaphore, #tpu.memory_space<semaphore_mem>>) src(%dma_wait3A_122 : memref<64x96xf32, #tpu.memory_space<vmem>>) dst(%dma_wait3A_128 : memref<10112x96xf32, #tpu.memory_space<vmem_shared>>)
      } else {
      }
      %add3A_108 = arith.constant 1 : i32
      %add3A_109 = arith.addi %scan3A_67, %add3A_108 : i32
      %lt3A_110 = arith.constant 312 : i32
      %lt3A_111 = arith.cmpi slt, %add3A_109, %lt3A_110 : i32
      %convert_element_type3A_112 = arith.extui %lt3A_111 : i1 to i32
      %cond3A_113 = arith.constant 0 : i32
      %cond3A_114 = arith.cmpi ne, %convert_element_type3A_112, %cond3A_113 : i32
      scf.if %cond3A_114 {
        %add3A_116 = arith.constant 1 : i32
        %add3A_117 = arith.addi %scan3A_67, %add3A_116 : i32
        %sub3A = arith.constant 1 : i32
        %sub3A_118 = arith.subi %sub3A, %select_n3A_77 : i32
        %dma_start3A_119 = arith.constant 0 : i32
        %dma_start3A_120 = arith.constant 0 : i32
        %dma_start3A_121 = tpu.memref_slice %arg12[%sub3A_118, %dma_start3A_119, %dma_start3A_120] : memref<2x64x96xf32, #tpu.memory_space<vmem>> -> memref<1x64x96xf32, #tpu.memory_space<vmem>>
        %dma_start3A_122 = tpu.memref_squeeze %dma_start3A_121 : memref<1x64x96xf32, #tpu.memory_space<vmem>> -> memref<64x96xf32, #tpu.memory_space<vmem>>
        %dma_start3A_123 = arith.constant 0 : i32
        %dma_start3A_124 = tpu.memref_slice %arg8[%add3A_117, %dma_start3A_123] : memref<312x64xi32, #tpu.memory_space<vmem>> -> memref<1x64xi32, #tpu.memory_space<vmem>>
        %dma_start3A_125 = tpu.memref_squeeze %dma_start3A_124 : memref<1x64xi32, #tpu.memory_space<vmem>> -> memref<64xi32, #tpu.memory_space<vmem>>
        %dma_start3A_126 = arith.constant 0 : i32
        %dma_start3A_127 = arith.constant 0 : i32
        %dma_start3A_128 = tpu.memref_slice %arg2[%arg0, %dma_start3A_126, %dma_start3A_127] : memref<2x10000x96xf32, #tpu.memory_space<hbm>> -> memref<1x10000x96xf32, #tpu.memory_space<hbm>>
        %dma_start3A_129 = tpu.memref_squeeze %dma_start3A_128 : memref<1x10000x96xf32, #tpu.memory_space<hbm>> -> memref<10000x96xf32, #tpu.memory_space<hbm>>
        %dma_start3A_130 = arith.constant 0 : i32
        %dma_start3A_131 = arith.constant 0 : i32
        %dma_start3A_132 = tpu.memref_slice %dma_start3A_129[%dma_start3A_130, %dma_start3A_131] : memref<10000x96xf32, #tpu.memory_space<hbm>> -> memref<10000x96xf32, #tpu.memory_space<hbm>>
        %dma_start3A_133 = tpu.memref_slice %arg15[%sub3A_118] : memref<2x!tpu.dma_semaphore, #tpu.memory_space<semaphore_mem>> -> memref<1x!tpu.dma_semaphore, #tpu.memory_space<semaphore_mem>>
        %dma_start3A_134 = tpu.memref_squeeze %dma_start3A_133 : memref<1x!tpu.dma_semaphore, #tpu.memory_space<semaphore_mem>> -> memref<!tpu.dma_semaphore, #tpu.memory_space<semaphore_mem>>
        tpu.enqueue_indirect_dma source(%dma_start3A_132 : memref<10000x96xf32, #tpu.memory_space<hbm>>) target(%dma_start3A_122 : memref<64x96xf32, #tpu.memory_space<vmem>>) offsets(%dma_start3A_125 : memref<64xi32, #tpu.memory_space<vmem>>) semaphore(%dma_start3A_134 : memref<!tpu.dma_semaphore, #tpu.memory_space<semaphore_mem>>)
      } else {
      }
      %scan3A_115 = arith.constant 0 : i32
      scf.yield %scan3A_115 : i32
    }
    %scan3A_44 = arith.constant 312 : i32
    %dma_wait3A = arith.constant 1 : i32
    %dma_wait3A_45 = arith.constant 311 : i32
    %dma_wait3A_46 = arith.constant 1 : i32
    %dma_wait3A_47 = arith.constant 0 : i32
    %dma_wait3A_48 = arith.constant 0 : i32
    %dma_wait3A_49 = tpu.memref_slice %arg12[%dma_wait3A, %dma_wait3A_47, %dma_wait3A_48] : memref<2x64x96xf32, #tpu.memory_space<vmem>> -> memref<1x64x96xf32, #tpu.memory_space<vmem>>
    %dma_wait3A_50 = tpu.memref_squeeze %dma_wait3A_49 : memref<1x64x96xf32, #tpu.memory_space<vmem>> -> memref<64x96xf32, #tpu.memory_space<vmem>>
    %dma_wait3A_51 = arith.constant 0 : i32
    %dma_wait3A_52 = tpu.memref_slice %arg9[%dma_wait3A_45, %dma_wait3A_51] : memref<312x64xi32, #tpu.memory_space<vmem>> -> memref<1x64xi32, #tpu.memory_space<vmem>>
    %dma_wait3A_53 = tpu.memref_squeeze %dma_wait3A_52 : memref<1x64xi32, #tpu.memory_space<vmem>> -> memref<64xi32, #tpu.memory_space<vmem>>
    %dma_wait3A_54 = arith.constant 0 : i32
    %dma_wait3A_55 = arith.constant 0 : i32
    %dma_wait3A_56 = tpu.memref_slice %arg14[%dma_wait3A_54, %dma_wait3A_55] : memref<10112x96xf32, #tpu.memory_space<vmem_shared>> -> memref<10112x96xf32, #tpu.memory_space<vmem_shared>>
    %dma_wait3A_57 = tpu.memref_slice %arg16[%dma_wait3A_46] : memref<2x!tpu.dma_semaphore, #tpu.memory_space<semaphore_mem>> -> memref<1x!tpu.dma_semaphore, #tpu.memory_space<semaphore_mem>>
    %dma_wait3A_58 = tpu.memref_squeeze %dma_wait3A_57 : memref<1x!tpu.dma_semaphore, #tpu.memory_space<semaphore_mem>> -> memref<!tpu.dma_semaphore, #tpu.memory_space<semaphore_mem>>
    tpu.wait_indirect_dma semaphore(%dma_wait3A_58 : memref<!tpu.dma_semaphore, #tpu.memory_space<semaphore_mem>>) src(%dma_wait3A_50 : memref<64x96xf32, #tpu.memory_space<vmem>>) dst(%dma_wait3A_56 : memref<10112x96xf32, #tpu.memory_space<vmem_shared>>)
    %run_scoped3A = arith.constant 0 : i32
    %run_scoped3A_59 = arith.constant 0 : i32
    "tpu.region"() ({
      %run_scoped3A_67 = tpu.sem_alloc : memref<!tpu.dma_semaphore, #tpu.memory_space<semaphore_mem>>
      %dma_start3A_68 = arith.constant 0 : i32
      %dma_start3A_69 = arith.constant 0 : i32
      %dma_start3A_70 = tpu.memref_slice %arg12[%run_scoped3A_59, %dma_start3A_68, %dma_start3A_69] : memref<2x64x96xf32, #tpu.memory_space<vmem>> -> memref<1x32x96xf32, #tpu.memory_space<vmem>>
      %dma_start3A_71 = tpu.memref_squeeze %dma_start3A_70 : memref<1x32x96xf32, #tpu.memory_space<vmem>> -> memref<32x96xf32, #tpu.memory_space<vmem>>
      %dma_start3A_72 = arith.constant 0 : i32
      %dma_start3A_73 = tpu.memref_slice %arg10[%run_scoped3A, %dma_start3A_72] : memref<1x32xi32, #tpu.memory_space<vmem>> -> memref<1x32xi32, #tpu.memory_space<vmem>>
      %dma_start3A_74 = tpu.memref_squeeze %dma_start3A_73 : memref<1x32xi32, #tpu.memory_space<vmem>> -> memref<32xi32, #tpu.memory_space<vmem>>
      %dma_start3A_75 = arith.constant 0 : i32
      %dma_start3A_76 = arith.constant 0 : i32
      %dma_start3A_77 = tpu.memref_slice %arg2[%arg0, %dma_start3A_75, %dma_start3A_76] : memref<2x10000x96xf32, #tpu.memory_space<hbm>> -> memref<1x10000x96xf32, #tpu.memory_space<hbm>>
      %dma_start3A_78 = tpu.memref_squeeze %dma_start3A_77 : memref<1x10000x96xf32, #tpu.memory_space<hbm>> -> memref<10000x96xf32, #tpu.memory_space<hbm>>
      %dma_start3A_79 = arith.constant 0 : i32
      %dma_start3A_80 = arith.constant 0 : i32
      %dma_start3A_81 = tpu.memref_slice %dma_start3A_78[%dma_start3A_79, %dma_start3A_80] : memref<10000x96xf32, #tpu.memory_space<hbm>> -> memref<10000x96xf32, #tpu.memory_space<hbm>>
      tpu.enqueue_indirect_dma source(%dma_start3A_81 : memref<10000x96xf32, #tpu.memory_space<hbm>>) target(%dma_start3A_71 : memref<32x96xf32, #tpu.memory_space<vmem>>) offsets(%dma_start3A_74 : memref<32xi32, #tpu.memory_space<vmem>>) semaphore(%run_scoped3A_67 : memref<!tpu.dma_semaphore, #tpu.memory_space<semaphore_mem>>)
      %dma_wait3A_82 = arith.constant 0 : i32
      %dma_wait3A_83 = arith.constant 0 : i32
      %dma_wait3A_84 = tpu.memref_slice %arg12[%run_scoped3A_59, %dma_wait3A_82, %dma_wait3A_83] : memref<2x64x96xf32, #tpu.memory_space<vmem>> -> memref<1x32x96xf32, #tpu.memory_space<vmem>>
      %dma_wait3A_85 = tpu.memref_squeeze %dma_wait3A_84 : memref<1x32x96xf32, #tpu.memory_space<vmem>> -> memref<32x96xf32, #tpu.memory_space<vmem>>
      %dma_wait3A_86 = arith.constant 0 : i32
      %dma_wait3A_87 = tpu.memref_slice %arg10[%run_scoped3A, %dma_wait3A_86] : memref<1x32xi32, #tpu.memory_space<vmem>> -> memref<1x32xi32, #tpu.memory_space<vmem>>
      %dma_wait3A_88 = tpu.memref_squeeze %dma_wait3A_87 : memref<1x32xi32, #tpu.memory_space<vmem>> -> memref<32xi32, #tpu.memory_space<vmem>>
      %dma_wait3A_89 = arith.constant 0 : i32
      %dma_wait3A_90 = arith.constant 0 : i32
      %dma_wait3A_91 = tpu.memref_slice %arg2[%arg0, %dma_wait3A_89, %dma_wait3A_90] : memref<2x10000x96xf32, #tpu.memory_space<hbm>> -> memref<1x10000x96xf32, #tpu.memory_space<hbm>>
      %dma_wait3A_92 = tpu.memref_squeeze %dma_wait3A_91 : memref<1x10000x96xf32, #tpu.memory_space<hbm>> -> memref<10000x96xf32, #tpu.memory_space<hbm>>
      %dma_wait3A_93 = arith.constant 0 : i32
      %dma_wait3A_94 = arith.constant 0 : i32
      %dma_wait3A_95 = tpu.memref_slice %dma_wait3A_92[%dma_wait3A_93, %dma_wait3A_94] : memref<10000x96xf32, #tpu.memory_space<hbm>> -> memref<10000x96xf32, #tpu.memory_space<hbm>>
      tpu.wait_indirect_dma semaphore(%run_scoped3A_67 : memref<!tpu.dma_semaphore, #tpu.memory_space<semaphore_mem>>) src(%dma_wait3A_95 : memref<10000x96xf32, #tpu.memory_space<hbm>>) dst(%dma_wait3A_85 : memref<32x96xf32, #tpu.memory_space<vmem>>)
      tpu.yield
    }) : () -> ()
    %run_scoped3A_60 = arith.constant 0 : i32
    %run_scoped3A_61 = arith.constant 0 : i32
    "tpu.region"() ({
      %run_scoped3A_67 = tpu.sem_alloc : memref<!tpu.dma_semaphore, #tpu.memory_space<semaphore_mem>>
      %dma_start3A_68 = arith.constant 0 : i32
      %dma_start3A_69 = arith.constant 0 : i32
      %dma_start3A_70 = tpu.memref_slice %arg12[%run_scoped3A_60, %dma_start3A_68, %dma_start3A_69] : memref<2x64x96xf32, #tpu.memory_space<vmem>> -> memref<1x32x96xf32, #tpu.memory_space<vmem>>
      %dma_start3A_71 = tpu.memref_squeeze %dma_start3A_70 : memref<1x32x96xf32, #tpu.memory_space<vmem>> -> memref<32x96xf32, #tpu.memory_space<vmem>>
      %dma_start3A_72 = arith.constant 0 : i32
      %dma_start3A_73 = tpu.memref_slice %arg11[%run_scoped3A_61, %dma_start3A_72] : memref<1x32xi32, #tpu.memory_space<vmem>> -> memref<1x32xi32, #tpu.memory_space<vmem>>
      %dma_start3A_74 = tpu.memref_squeeze %dma_start3A_73 : memref<1x32xi32, #tpu.memory_space<vmem>> -> memref<32xi32, #tpu.memory_space<vmem>>
      %dma_start3A_75 = arith.constant 0 : i32
      %dma_start3A_76 = arith.constant 0 : i32
      %dma_start3A_77 = tpu.memref_slice %arg14[%dma_start3A_75, %dma_start3A_76] : memref<10112x96xf32, #tpu.memory_space<vmem_shared>> -> memref<10112x96xf32, #tpu.memory_space<vmem_shared>>
      tpu.enqueue_indirect_dma source(%dma_start3A_71 : memref<32x96xf32, #tpu.memory_space<vmem>>) target(%dma_start3A_77 : memref<10112x96xf32, #tpu.memory_space<vmem_shared>>) offsets(%dma_start3A_74 : memref<32xi32, #tpu.memory_space<vmem>>) semaphore(%run_scoped3A_67 : memref<!tpu.dma_semaphore, #tpu.memory_space<semaphore_mem>>) {add = true}
      %dma_wait3A_78 = arith.constant 0 : i32
      %dma_wait3A_79 = arith.constant 0 : i32
      %dma_wait3A_80 = tpu.memref_slice %arg12[%run_scoped3A_60, %dma_wait3A_78, %dma_wait3A_79] : memref<2x64x96xf32, #tpu.memory_space<vmem>> -> memref<1x32x96xf32, #tpu.memory_space<vmem>>
      %dma_wait3A_81 = tpu.memref_squeeze %dma_wait3A_80 : memref<1x32x96xf32, #tpu.memory_space<vmem>> -> memref<32x96xf32, #tpu.memory_space<vmem>>
      %dma_wait3A_82 = arith.constant 0 : i32
      %dma_wait3A_83 = tpu.memref_slice %arg11[%run_scoped3A_61, %dma_wait3A_82] : memref<1x32xi32, #tpu.memory_space<vmem>> -> memref<1x32xi32, #tpu.memory_space<vmem>>
      %dma_wait3A_84 = tpu.memref_squeeze %dma_wait3A_83 : memref<1x32xi32, #tpu.memory_space<vmem>> -> memref<32xi32, #tpu.memory_space<vmem>>
      %dma_wait3A_85 = arith.constant 0 : i32
      %dma_wait3A_86 = arith.constant 0 : i32
      %dma_wait3A_87 = tpu.memref_slice %arg14[%dma_wait3A_85, %dma_wait3A_86] : memref<10112x96xf32, #tpu.memory_space<vmem_shared>> -> memref<10112x96xf32, #tpu.memory_space<vmem_shared>>
      tpu.wait_indirect_dma semaphore(%run_scoped3A_67 : memref<!tpu.dma_semaphore, #tpu.memory_space<semaphore_mem>>) src(%dma_wait3A_81 : memref<32x96xf32, #tpu.memory_space<vmem>>) dst(%dma_wait3A_87 : memref<10112x96xf32, #tpu.memory_space<vmem_shared>>)
      tpu.yield
    }) : () -> ()
    %barrier3A_62 = arith.constant 0 : index
    tpu.barrier barrier_id(%barrier3A_62)
    %mul3A_63 = arith.constant 632 : i32
    %mul3A_64 = arith.muli %arg1, %mul3A_63 : i32
    %mul3A_65 = arith.constant 632 : i32
    %mul3A_66 = arith.muli %arg1, %mul3A_65 : i32
    "tpu.region"() ({
      %run_scoped3A_67 = tpu.sem_alloc : memref<!tpu.dma_semaphore, #tpu.memory_space<semaphore_mem>>
      %dma_start3A_68 = arith.constant 0 : i32
      %dma_start3A_69 = tpu.memref_slice %arg7[%arg0, %mul3A_66, %dma_start3A_68] : memref<2x10112x96xf32, #tpu.memory_space<hbm>> -> memref<1x632x96xf32, #tpu.memory_space<hbm>>
      %dma_start3A_70 = tpu.memref_squeeze %dma_start3A_69 : memref<1x632x96xf32, #tpu.memory_space<hbm>> -> memref<632x96xf32, #tpu.memory_space<hbm>>
      %dma_start3A_71 = arith.constant 0 : i32
      %dma_start3A_72 = tpu.memref_slice %arg14[%mul3A_64, %dma_start3A_71] : memref<10112x96xf32, #tpu.memory_space<vmem_shared>> -> memref<632x96xf32, #tpu.memory_space<vmem_shared>>
      tpu.enqueue_dma source(%dma_start3A_72 : memref<632x96xf32, #tpu.memory_space<vmem_shared>>) target(%dma_start3A_70 : memref<632x96xf32, #tpu.memory_space<hbm>>) target_semaphore(%run_scoped3A_67 : memref<!tpu.dma_semaphore, #tpu.memory_space<semaphore_mem>>)
      %dma_wait3A_73 = arith.constant 0 : i32
      %dma_wait3A_74 = tpu.memref_slice %arg7[%arg0, %mul3A_66, %dma_wait3A_73] : memref<2x10112x96xf32, #tpu.memory_space<hbm>> -> memref<1x632x96xf32, #tpu.memory_space<hbm>>
      %dma_wait3A_75 = tpu.memref_squeeze %dma_wait3A_74 : memref<1x632x96xf32, #tpu.memory_space<hbm>> -> memref<632x96xf32, #tpu.memory_space<hbm>>
      %dma_wait3A_76 = arith.constant 0 : i32
      %dma_wait3A_77 = tpu.memref_slice %arg14[%mul3A_64, %dma_wait3A_76] : memref<10112x96xf32, #tpu.memory_space<vmem_shared>> -> memref<632x96xf32, #tpu.memory_space<vmem_shared>>
      tpu.wait_dma2 semaphore(%run_scoped3A_67 : memref<!tpu.dma_semaphore, #tpu.memory_space<semaphore_mem>>) src(%dma_wait3A_77 : memref<632x96xf32, #tpu.memory_space<vmem_shared>>) dst(%dma_wait3A_75 : memref<632x96xf32, #tpu.memory_space<hbm>>)
      tpu.yield
    }) : () -> ()
    return
  }
}

module attributes {stable_mosaic.version = 14 : i64} {
  func.func @_k0_body(%arg0: i32, %arg1: memref<1000x128xf32, #tpu.memory_space<vmem>>, %arg2: memref<128x192xf32, #tpu.memory_space<vmem>>, %arg3: memref<1x192xf32, #tpu.memory_space<vmem>>, %arg4: memref<2x1000x16xf32, #tpu.memory_space<vmem>>, %arg5: memref<192x192xf32, #tpu.memory_space<vmem>>, %arg6: memref<1000x192xf32, #tpu.memory_space<vmem>>, %arg7: memref<2x1000x96xf32, #tpu.memory_space<vmem>>, %arg8: memref<1000x1xf32, #tpu.memory_space<vmem>>) attributes {dimension_semantics = [#tpu.dimension_semantics<arbitrary>], iteration_bounds = array<i64: 10>, scalar_prefetch = 0 : i64, scratch_operands = 0 : i64, tpu.core_type = #tpu.core_type<tc>, window_params = [{transform_indices = @transform_0, window_bounds = array<i64: 1000, 128>}, {pipeline_mode = #tpu.pipeline_mode<synchronous>, transform_indices = @transform_1, window_bounds = array<i64: 128, 192>}, {pipeline_mode = #tpu.pipeline_mode<synchronous>, transform_indices = @transform_2, window_bounds = array<i64: 1, 192>}, {transform_indices = @transform_3, window_bounds = array<i64: 2, 1000, 16>}, {pipeline_mode = #tpu.pipeline_mode<synchronous>, transform_indices = @transform_4, window_bounds = array<i64: 192, 192>}, {transform_indices = @transform_5, window_bounds = array<i64: 1000, 192>}, {transform_indices = @transform_6, window_bounds = array<i64: 2, 1000, 96>}, {transform_indices = @transform_7, window_bounds = array<i64: 1000, 1>}]} {
    %get3A = arith.constant 0 : index
    %get3A_0 = arith.constant 0 : index
    %get3A_1 = vector.load %arg1[%get3A, %get3A_0] : memref<1000x128xf32, #tpu.memory_space<vmem>>, vector<1000x128xf32>
    %get3A_2 = arith.constant 0 : index
    %get3A_3 = arith.constant 0 : index
    %get3A_4 = vector.load %arg2[%get3A_2, %get3A_3] : memref<128x192xf32, #tpu.memory_space<vmem>>, vector<128x192xf32>
    %dot_general3A = arith.constant dense<0.000000e+00> : vector<1000x192xf32>
    %dot_general3A_5 = tpu.matmul %get3A_1, %get3A_4, %dot_general3A {dimension_numbers = #tpu.dot_dimension_numbers<[1], [0], [0], [1], [0, 0, 1, 1], [], []>, transpose_lhs_hint = false} : vector<1000x128xf32>, vector<128x192xf32>, vector<1000x192xf32> -> vector<1000x192xf32>
    %get3A_6 = arith.constant 0 : index
    %get3A_7 = arith.constant 0 : index
    %get3A_8 = vector.load %arg3[%get3A_6, %get3A_7] : memref<1x192xf32, #tpu.memory_space<vmem>>, vector<1x192xf32>
    %add3A = vector.broadcast %get3A_8 : vector<1x192xf32> to vector<1000x192xf32>
    %add3A_9 = arith.addf %dot_general3A_5, %add3A : vector<1000x192xf32>
    %get3A_10 = arith.constant 0 : index
    %get3A_11 = arith.constant 0 : index
    %get3A_12 = arith.constant 0 : index
    %get3A_13 = vector.load %arg4[%get3A_10, %get3A_11, %get3A_12] : memref<2x1000x16xf32, #tpu.memory_space<vmem>>, vector<1x1000x1xf32>
    %get3A_14 = vector.shape_cast %get3A_13 : vector<1x1000x1xf32> to vector<1000x1xf32>
    %get3A_15 = arith.constant 1 : index
    %get3A_16 = arith.constant 0 : index
    %get3A_17 = arith.constant 0 : index
    %get3A_18 = vector.load %arg4[%get3A_15, %get3A_16, %get3A_17] : memref<2x1000x16xf32, #tpu.memory_space<vmem>>, vector<1x1000x1xf32>
    %get3A_19 = vector.shape_cast %get3A_18 : vector<1x1000x1xf32> to vector<1000x1xf32>
    %add3A_20 = arith.addf %get3A_14, %get3A_19 : vector<1000x1xf32>
    %add3A_21 = arith.constant 1.000000e+00 : f32
    %add3A_22 = vector.broadcast %add3A_21 : f32 to vector<1000x1xf32>
    %add3A_23 = arith.addf %add3A_20, %add3A_22 : vector<1000x1xf32>
    %rsqrt3A = math.rsqrt %add3A_23 : vector<1000x1xf32>
    %swap3A = arith.constant 0 : index
    %swap3A_24 = arith.constant 0 : index
    %swap3A_25 = vector.load %arg6[%swap3A, %swap3A_24] : memref<1000x192xf32, #tpu.memory_space<vmem>>, vector<1000x192xf32>
    tpu.vector_store %arg6[%swap3A, %swap3A_24], %add3A_9 {strides = array<i32>} : memref<1000x192xf32, #tpu.memory_space<vmem>>, vector<1000x192xf32>,
    %swap3A_26 = arith.constant 0 : index
    %swap3A_27 = arith.constant 0 : index
    %swap3A_28 = vector.load %arg8[%swap3A_26, %swap3A_27] : memref<1000x1xf32, #tpu.memory_space<vmem>>, vector<1000x1xf32>
    tpu.vector_store %arg8[%swap3A_26, %swap3A_27], %add3A_23 {strides = array<i32>} : memref<1000x1xf32, #tpu.memory_space<vmem>>, vector<1000x1xf32>,
    %get3A_29 = arith.constant 0 : index
    %get3A_30 = arith.constant 0 : index
    %get3A_31 = vector.load %arg5[%get3A_29, %get3A_30] : memref<192x192xf32, #tpu.memory_space<vmem>>, vector<192x192xf32>
    %dot_general3A_32 = arith.constant dense<0.000000e+00> : vector<1000x192xf32>
    %dot_general3A_33 = tpu.matmul %add3A_9, %get3A_31, %dot_general3A_32 {dimension_numbers = #tpu.dot_dimension_numbers<[1], [0], [0], [1], [0, 0, 1, 1], [], []>, transpose_lhs_hint = false} : vector<1000x192xf32>, vector<192x192xf32>, vector<1000x192xf32> -> vector<1000x192xf32>
    %mul3A = vector.broadcast %rsqrt3A : vector<1000x1xf32> to vector<1000x192xf32>
    %mul3A_34 = arith.mulf %mul3A, %dot_general3A_33 : vector<1000x192xf32>
    %slice3A = vector.extract_strided_slice %mul3A_34 {offsets = [0, 0], sizes = [1000, 96], strides = [1, 1]} : vector<1000x192xf32> to vector<1000x96xf32>
    %swap3A_35 = arith.constant 0 : index
    %swap3A_36 = arith.constant 0 : index
    %swap3A_37 = arith.constant 0 : index
    %swap3A_38 = vector.load %arg7[%swap3A_35, %swap3A_36, %swap3A_37] : memref<2x1000x96xf32, #tpu.memory_space<vmem>>, vector<1x1000x96xf32>
    %swap3A_39 = vector.shape_cast %swap3A_38 : vector<1x1000x96xf32> to vector<1000x96xf32>
    %swap3A_40 = vector.shape_cast %slice3A : vector<1000x96xf32> to vector<1x1000x96xf32>
    tpu.vector_store %arg7[%swap3A_35, %swap3A_36, %swap3A_37], %swap3A_40 {strides = array<i32>} : memref<2x1000x96xf32, #tpu.memory_space<vmem>>, vector<1x1000x96xf32>,
    %slice3A_41 = vector.extract_strided_slice %mul3A_34 {offsets = [0, 96], sizes = [1000, 96], strides = [1, 1]} : vector<1000x192xf32> to vector<1000x96xf32>
    %swap3A_42 = arith.constant 1 : index
    %swap3A_43 = arith.constant 0 : index
    %swap3A_44 = arith.constant 0 : index
    %swap3A_45 = vector.load %arg7[%swap3A_42, %swap3A_43, %swap3A_44] : memref<2x1000x96xf32, #tpu.memory_space<vmem>>, vector<1x1000x96xf32>
    %swap3A_46 = vector.shape_cast %swap3A_45 : vector<1x1000x96xf32> to vector<1000x96xf32>
    %swap3A_47 = vector.shape_cast %slice3A_41 : vector<1000x96xf32> to vector<1x1000x96xf32>
    tpu.vector_store %arg7[%swap3A_42, %swap3A_43, %swap3A_44], %swap3A_47 {strides = array<i32>} : memref<2x1000x96xf32, #tpu.memory_space<vmem>>, vector<1x1000x96xf32>,
    return
  }
  func.func @transform_0(%arg0: i32) -> (i32, i32) {
    %c0_i32 = arith.constant 0 : i32
    %c0_i32_0 = arith.constant 0 : i32
    return %arg0, %c0_i32 : i32, i32
  }
  func.func @transform_1(%arg0: i32) -> (i32, i32) {
    %c0_i32 = arith.constant 0 : i32
    %c0_i32_0 = arith.constant 0 : i32
    %c0_i32_1 = arith.constant 0 : i32
    return %c0_i32, %c0_i32_0 : i32, i32
  }
  func.func @transform_2(%arg0: i32) -> (i32, i32) {
    %c0_i32 = arith.constant 0 : i32
    %c0_i32_0 = arith.constant 0 : i32
    %c0_i32_1 = arith.constant 0 : i32
    return %c0_i32, %c0_i32_0 : i32, i32
  }
  func.func @transform_3(%arg0: i32) -> (i32, i32, i32) {
    %c0_i32 = arith.constant 0 : i32
    %c0_i32_0 = arith.constant 0 : i32
    %c0_i32_1 = arith.constant 0 : i32
    return %c0_i32, %arg0, %c0_i32_0 : i32, i32, i32
  }
  func.func @transform_4(%arg0: i32) -> (i32, i32) {
    %c0_i32 = arith.constant 0 : i32
    %c0_i32_0 = arith.constant 0 : i32
    %c0_i32_1 = arith.constant 0 : i32
    return %c0_i32, %c0_i32_0 : i32, i32
  }
  func.func @transform_5(%arg0: i32) -> (i32, i32) {
    %c0_i32 = arith.constant 0 : i32
    %c0_i32_0 = arith.constant 0 : i32
    return %arg0, %c0_i32 : i32, i32
  }
  func.func @transform_6(%arg0: i32) -> (i32, i32, i32) {
    %c0_i32 = arith.constant 0 : i32
    %c0_i32_0 = arith.constant 0 : i32
    %c0_i32_1 = arith.constant 0 : i32
    return %c0_i32, %arg0, %c0_i32_0 : i32, i32, i32
  }
  func.func @transform_7(%arg0: i32) -> (i32, i32) {
    %c0_i32 = arith.constant 0 : i32
    %c0_i32_0 = arith.constant 0 : i32
    return %arg0, %c0_i32 : i32, i32
  }
}

module attributes {stable_mosaic.version = 14 : i64} {
  func.func @_layer_body(%arg0: i32, %arg1: memref<1000x192xf32, #tpu.memory_space<vmem>>, %arg2: memref<2x1000x96xf32, #tpu.memory_space<vmem>>, %arg3: memref<2x1000x96xf32, #tpu.memory_space<vmem>>, %arg4: memref<2x1x96xf32, #tpu.memory_space<vmem>>, %arg5: memref<1000x1xf32, #tpu.memory_space<vmem>>, %arg6: memref<2x96x192xf32, #tpu.memory_space<vmem>>, %arg7: memref<1000x192xf32, #tpu.memory_space<vmem>>, %arg8: memref<2x1000x96xf32, #tpu.memory_space<vmem>>) attributes {dimension_semantics = [#tpu.dimension_semantics<arbitrary>], iteration_bounds = array<i64: 10>, scalar_prefetch = 0 : i64, scratch_operands = 0 : i64, tpu.core_type = #tpu.core_type<tc>, window_params = [{transform_indices = @transform_0, window_bounds = array<i64: 1000, 192>}, {transform_indices = @transform_1, window_bounds = array<i64: 2, 1000, 96>}, {transform_indices = @transform_2, window_bounds = array<i64: 2, 1000, 96>}, {pipeline_mode = #tpu.pipeline_mode<synchronous>, transform_indices = @transform_3, window_bounds = array<i64: 2, 1, 96>}, {transform_indices = @transform_4, window_bounds = array<i64: 1000, 1>}, {pipeline_mode = #tpu.pipeline_mode<synchronous>, transform_indices = @transform_5, window_bounds = array<i64: 2, 96, 192>}, {transform_indices = @transform_6, window_bounds = array<i64: 1000, 192>}, {transform_indices = @transform_7, window_bounds = array<i64: 2, 1000, 96>}]} {
    %get3A = arith.constant 0 : index
    %get3A_0 = arith.constant 0 : index
    %get3A_1 = vector.load %arg5[%get3A, %get3A_0] : memref<1000x1xf32, #tpu.memory_space<vmem>>, vector<1000x1xf32>
    %rsqrt3A = math.rsqrt %get3A_1 : vector<1000x1xf32>
    %get3A_2 = arith.constant 0 : index
    %get3A_3 = arith.constant 0 : index
    %get3A_4 = arith.constant 0 : index
    %get3A_5 = vector.load %arg3[%get3A_2, %get3A_3, %get3A_4] : memref<2x1000x96xf32, #tpu.memory_space<vmem>>, vector<1x1000x96xf32>
    %get3A_6 = vector.shape_cast %get3A_5 : vector<1x1000x96xf32> to vector<1000x96xf32>
    %get3A_7 = arith.constant 0 : index
    %get3A_8 = arith.constant 0 : index
    %get3A_9 = arith.constant 0 : index
    %get3A_10 = vector.load %arg2[%get3A_7, %get3A_8, %get3A_9] : memref<2x1000x96xf32, #tpu.memory_space<vmem>>, vector<1x1000x96xf32>
    %get3A_11 = vector.shape_cast %get3A_10 : vector<1x1000x96xf32> to vector<1000x96xf32>
    %add3A = arith.addf %get3A_6, %get3A_11 : vector<1000x96xf32>
    %mul3A = vector.broadcast %rsqrt3A : vector<1000x1xf32> to vector<1000x96xf32>
    %mul3A_12 = arith.mulf %mul3A, %add3A : vector<1000x96xf32>
    %get3A_13 = arith.constant 0 : index
    %get3A_14 = arith.constant 0 : index
    %get3A_15 = arith.constant 0 : index
    %get3A_16 = vector.load %arg4[%get3A_13, %get3A_14, %get3A_15] : memref<2x1x96xf32, #tpu.memory_space<vmem>>, vector<1x1x96xf32>
    %get3A_17 = vector.shape_cast %get3A_16 : vector<1x1x96xf32> to vector<1x96xf32>
    %add3A_18 = vector.broadcast %get3A_17 : vector<1x96xf32> to vector<1000x96xf32>
    %add3A_19 = arith.addf %mul3A_12, %add3A_18 : vector<1000x96xf32>
    %get3A_20 = arith.constant 1 : index
    %get3A_21 = arith.constant 0 : index
    %get3A_22 = arith.constant 0 : index
    %get3A_23 = vector.load %arg3[%get3A_20, %get3A_21, %get3A_22] : memref<2x1000x96xf32, #tpu.memory_space<vmem>>, vector<1x1000x96xf32>
    %get3A_24 = vector.shape_cast %get3A_23 : vector<1x1000x96xf32> to vector<1000x96xf32>
    %get3A_25 = arith.constant 1 : index
    %get3A_26 = arith.constant 0 : index
    %get3A_27 = arith.constant 0 : index
    %get3A_28 = vector.load %arg2[%get3A_25, %get3A_26, %get3A_27] : memref<2x1000x96xf32, #tpu.memory_space<vmem>>, vector<1x1000x96xf32>
    %get3A_29 = vector.shape_cast %get3A_28 : vector<1x1000x96xf32> to vector<1000x96xf32>
    %add3A_30 = arith.addf %get3A_24, %get3A_29 : vector<1000x96xf32>
    %mul3A_31 = vector.broadcast %rsqrt3A : vector<1000x1xf32> to vector<1000x96xf32>
    %mul3A_32 = arith.mulf %mul3A_31, %add3A_30 : vector<1000x96xf32>
    %get3A_33 = arith.constant 1 : index
    %get3A_34 = arith.constant 0 : index
    %get3A_35 = arith.constant 0 : index
    %get3A_36 = vector.load %arg4[%get3A_33, %get3A_34, %get3A_35] : memref<2x1x96xf32, #tpu.memory_space<vmem>>, vector<1x1x96xf32>
    %get3A_37 = vector.shape_cast %get3A_36 : vector<1x1x96xf32> to vector<1x96xf32>
    %add3A_38 = vector.broadcast %get3A_37 : vector<1x96xf32> to vector<1000x96xf32>
    %add3A_39 = arith.addf %mul3A_32, %add3A_38 : vector<1000x96xf32>
    %get3A_40 = arith.constant 0 : index
    %get3A_41 = arith.constant 0 : index
    %get3A_42 = vector.load %arg1[%get3A_40, %get3A_41] : memref<1000x192xf32, #tpu.memory_space<vmem>>, vector<1000x192xf32>
    %slice3A = vector.extract_strided_slice %get3A_42 {offsets = [0, 0], sizes = [1000, 96], strides = [1, 1]} : vector<1000x192xf32> to vector<1000x96xf32>
    %max3A = arith.constant 0.000000e+00 : f32
    %max3A_43 = vector.broadcast %max3A : f32 to vector<1000x96xf32>
    %max3A_44 = arith.maximumf %add3A_19, %max3A_43 : vector<1000x96xf32>
    %add3A_45 = arith.addf %slice3A, %max3A_44 : vector<1000x96xf32>
    %slice3A_46 = vector.extract_strided_slice %get3A_42 {offsets = [0, 96], sizes = [1000, 96], strides = [1, 1]} : vector<1000x192xf32> to vector<1000x96xf32>
    %max3A_47 = arith.constant 0.000000e+00 : f32
    %max3A_48 = vector.broadcast %max3A_47 : f32 to vector<1000x96xf32>
    %max3A_49 = arith.maximumf %add3A_39, %max3A_48 : vector<1000x96xf32>
    %add3A_50 = arith.addf %slice3A_46, %max3A_49 : vector<1000x96xf32>
    %swap3A = arith.constant 0 : index
    %swap3A_51 = arith.constant 0 : index
    %swap3A_52 = vector.load %arg7[%swap3A, %swap3A_51] : memref<1000x192xf32, #tpu.memory_space<vmem>>, vector<1000x96xf32>
    tpu.vector_store %arg7[%swap3A, %swap3A_51], %add3A_45 {strides = array<i32>} : memref<1000x192xf32, #tpu.memory_space<vmem>>, vector<1000x96xf32>,
    %swap3A_53 = arith.constant 0 : index
    %swap3A_54 = arith.constant 96 : index
    %swap3A_55 = vector.load %arg7[%swap3A_53, %swap3A_54] : memref<1000x192xf32, #tpu.memory_space<vmem>>, vector<1000x96xf32>
    tpu.vector_store %arg7[%swap3A_53, %swap3A_54], %add3A_50 {strides = array<i32>} : memref<1000x192xf32, #tpu.memory_space<vmem>>, vector<1000x96xf32>,
    %get3A_56 = arith.constant 0 : index
    %get3A_57 = arith.constant 0 : index
    %get3A_58 = arith.constant 0 : index
    %get3A_59 = vector.load %arg6[%get3A_56, %get3A_57, %get3A_58] : memref<2x96x192xf32, #tpu.memory_space<vmem>>, vector<1x96x192xf32>
    %get3A_60 = vector.shape_cast %get3A_59 : vector<1x96x192xf32> to vector<96x192xf32>
    %dot_general3A = arith.constant dense<0.000000e+00> : vector<1000x192xf32>
    %dot_general3A_61 = tpu.matmul %add3A_45, %get3A_60, %dot_general3A {dimension_numbers = #tpu.dot_dimension_numbers<[1], [0], [0], [1], [0, 0, 1, 1], [], []>, transpose_lhs_hint = false} : vector<1000x96xf32>, vector<96x192xf32>, vector<1000x192xf32> -> vector<1000x192xf32>
    %get3A_62 = arith.constant 1 : index
    %get3A_63 = arith.constant 0 : index
    %get3A_64 = arith.constant 0 : index
    %get3A_65 = vector.load %arg6[%get3A_62, %get3A_63, %get3A_64] : memref<2x96x192xf32, #tpu.memory_space<vmem>>, vector<1x96x192xf32>
    %get3A_66 = vector.shape_cast %get3A_65 : vector<1x96x192xf32> to vector<96x192xf32>
    %dot_general3A_67 = arith.constant dense<0.000000e+00> : vector<1000x192xf32>
    %dot_general3A_68 = tpu.matmul %add3A_50, %get3A_66, %dot_general3A_67 {dimension_numbers = #tpu.dot_dimension_numbers<[1], [0], [0], [1], [0, 0, 1, 1], [], []>, transpose_lhs_hint = false} : vector<1000x96xf32>, vector<96x192xf32>, vector<1000x192xf32> -> vector<1000x192xf32>
    %add3A_69 = arith.addf %dot_general3A_61, %dot_general3A_68 : vector<1000x192xf32>
    %mul3A_70 = vector.broadcast %rsqrt3A : vector<1000x1xf32> to vector<1000x192xf32>
    %mul3A_71 = arith.mulf %mul3A_70, %add3A_69 : vector<1000x192xf32>
    %slice3A_72 = vector.extract_strided_slice %mul3A_71 {offsets = [0, 0], sizes = [1000, 96], strides = [1, 1]} : vector<1000x192xf32> to vector<1000x96xf32>
    %swap3A_73 = arith.constant 0 : index
    %swap3A_74 = arith.constant 0 : index
    %swap3A_75 = arith.constant 0 : index
    %swap3A_76 = vector.load %arg8[%swap3A_73, %swap3A_74, %swap3A_75] : memref<2x1000x96xf32, #tpu.memory_space<vmem>>, vector<1x1000x96xf32>
    %swap3A_77 = vector.shape_cast %swap3A_76 : vector<1x1000x96xf32> to vector<1000x96xf32>
    %swap3A_78 = vector.shape_cast %slice3A_72 : vector<1000x96xf32> to vector<1x1000x96xf32>
    tpu.vector_store %arg8[%swap3A_73, %swap3A_74, %swap3A_75], %swap3A_78 {strides = array<i32>} : memref<2x1000x96xf32, #tpu.memory_space<vmem>>, vector<1x1000x96xf32>,
    %slice3A_79 = vector.extract_strided_slice %mul3A_71 {offsets = [0, 96], sizes = [1000, 96], strides = [1, 1]} : vector<1000x192xf32> to vector<1000x96xf32>
    %swap3A_80 = arith.constant 1 : index
    %swap3A_81 = arith.constant 0 : index
    %swap3A_82 = arith.constant 0 : index
    %swap3A_83 = vector.load %arg8[%swap3A_80, %swap3A_81, %swap3A_82] : memref<2x1000x96xf32, #tpu.memory_space<vmem>>, vector<1x1000x96xf32>
    %swap3A_84 = vector.shape_cast %swap3A_83 : vector<1x1000x96xf32> to vector<1000x96xf32>
    %swap3A_85 = vector.shape_cast %slice3A_79 : vector<1000x96xf32> to vector<1x1000x96xf32>
    tpu.vector_store %arg8[%swap3A_80, %swap3A_81, %swap3A_82], %swap3A_85 {strides = array<i32>} : memref<2x1000x96xf32, #tpu.memory_space<vmem>>, vector<1x1000x96xf32>,
    return
  }
  func.func @transform_0(%arg0: i32) -> (i32, i32) {
    %c0_i32 = arith.constant 0 : i32
    %c0_i32_0 = arith.constant 0 : i32
    return %arg0, %c0_i32 : i32, i32
  }
  func.func @transform_1(%arg0: i32) -> (i32, i32, i32) {
    %c0_i32 = arith.constant 0 : i32
    %c0_i32_0 = arith.constant 0 : i32
    %c0_i32_1 = arith.constant 0 : i32
    return %c0_i32, %arg0, %c0_i32_0 : i32, i32, i32
  }
  func.func @transform_2(%arg0: i32) -> (i32, i32, i32) {
    %c0_i32 = arith.constant 0 : i32
    %c0_i32_0 = arith.constant 0 : i32
    %c0_i32_1 = arith.constant 0 : i32
    return %c0_i32, %arg0, %c0_i32_0 : i32, i32, i32
  }
  func.func @transform_3(%arg0: i32) -> (i32, i32, i32) {
    %c0_i32 = arith.constant 0 : i32
    %c0_i32_0 = arith.constant 0 : i32
    %c0_i32_1 = arith.constant 0 : i32
    %c0_i32_2 = arith.constant 0 : i32
    return %c0_i32, %c0_i32_0, %c0_i32_1 : i32, i32, i32
  }
  func.func @transform_4(%arg0: i32) -> (i32, i32) {
    %c0_i32 = arith.constant 0 : i32
    %c0_i32_0 = arith.constant 0 : i32
    return %arg0, %c0_i32 : i32, i32
  }
  func.func @transform_5(%arg0: i32) -> (i32, i32, i32) {
    %c0_i32 = arith.constant 0 : i32
    %c0_i32_0 = arith.constant 0 : i32
    %c0_i32_1 = arith.constant 0 : i32
    %c0_i32_2 = arith.constant 0 : i32
    return %c0_i32, %c0_i32_0, %c0_i32_1 : i32, i32, i32
  }
  func.func @transform_6(%arg0: i32) -> (i32, i32) {
    %c0_i32 = arith.constant 0 : i32
    %c0_i32_0 = arith.constant 0 : i32
    return %arg0, %c0_i32 : i32, i32
  }
  func.func @transform_7(%arg0: i32) -> (i32, i32, i32) {
    %c0_i32 = arith.constant 0 : i32
    %c0_i32_0 = arith.constant 0 : i32
    %c0_i32_1 = arith.constant 0 : i32
    return %c0_i32, %arg0, %c0_i32_0 : i32, i32, i32
  }
}

module attributes {stable_mosaic.version = 14 : i64} {
  func.func @_final_body(%arg0: i32, %arg1: memref<1000x192xf32, #tpu.memory_space<vmem>>, %arg2: memref<2x1000x96xf32, #tpu.memory_space<vmem>>, %arg3: memref<2x1000x96xf32, #tpu.memory_space<vmem>>, %arg4: memref<2x1x96xf32, #tpu.memory_space<vmem>>, %arg5: memref<1000x1xf32, #tpu.memory_space<vmem>>, %arg6: memref<2x96x192xf32, #tpu.memory_space<vmem>>, %arg7: memref<1x192xf32, #tpu.memory_space<vmem>>, %arg8: memref<192x96xf32, #tpu.memory_space<vmem>>, %arg9: memref<1x96xf32, #tpu.memory_space<vmem>>, %arg10: memref<96x2xf32, #tpu.memory_space<vmem>>, %arg11: memref<1x2xf32, #tpu.memory_space<vmem>>, %arg12: memref<2x96x96xf32, #tpu.memory_space<vmem>>, %arg13: memref<1x96xf32, #tpu.memory_space<vmem>>, %arg14: memref<96x1xf32, #tpu.memory_space<vmem>>, %arg15: memref<1x1xf32, #tpu.memory_space<vmem>>, %arg16: memref<1000x2xf32, #tpu.memory_space<vmem>>) attributes {dimension_semantics = [#tpu.dimension_semantics<arbitrary>], iteration_bounds = array<i64: 10>, scalar_prefetch = 0 : i64, scratch_operands = 0 : i64, tpu.core_type = #tpu.core_type<tc>, window_params = [{transform_indices = @transform_0, window_bounds = array<i64: 1000, 192>}, {transform_indices = @transform_1, window_bounds = array<i64: 2, 1000, 96>}, {transform_indices = @transform_2, window_bounds = array<i64: 2, 1000, 96>}, {pipeline_mode = #tpu.pipeline_mode<synchronous>, transform_indices = @transform_3, window_bounds = array<i64: 2, 1, 96>}, {transform_indices = @transform_4, window_bounds = array<i64: 1000, 1>}, {pipeline_mode = #tpu.pipeline_mode<synchronous>, transform_indices = @transform_5, window_bounds = array<i64: 2, 96, 192>}, {pipeline_mode = #tpu.pipeline_mode<synchronous>, transform_indices = @transform_6, window_bounds = array<i64: 1, 192>}, {pipeline_mode = #tpu.pipeline_mode<synchronous>, transform_indices = @transform_7, window_bounds = array<i64: 192, 96>}, {pipeline_mode = #tpu.pipeline_mode<synchronous>, transform_indices = @transform_8, window_bounds = array<i64: 1, 96>}, {pipeline_mode = #tpu.pipeline_mode<synchronous>, transform_indices = @transform_9, window_bounds = array<i64: 96, 2>}, {pipeline_mode = #tpu.pipeline_mode<synchronous>, transform_indices = @transform_10, window_bounds = array<i64: 1, 2>}, {pipeline_mode = #tpu.pipeline_mode<synchronous>, transform_indices = @transform_11, window_bounds = array<i64: 2, 96, 96>}, {pipeline_mode = #tpu.pipeline_mode<synchronous>, transform_indices = @transform_12, window_bounds = array<i64: 1, 96>}, {pipeline_mode = #tpu.pipeline_mode<synchronous>, transform_indices = @transform_13, window_bounds = array<i64: 96, 1>}, {pipeline_mode = #tpu.pipeline_mode<synchronous>, transform_indices = @transform_14, window_bounds = array<i64: 1, 1>}, {transform_indices = @transform_15, window_bounds = array<i64: 1000, 2>}]} {
    %get3A = arith.constant 0 : index
    %get3A_0 = arith.constant 0 : index
    %get3A_1 = vector.load %arg5[%get3A, %get3A_0] : memref<1000x1xf32, #tpu.memory_space<vmem>>, vector<1000x1xf32>
    %rsqrt3A = math.rsqrt %get3A_1 : vector<1000x1xf32>
    %get3A_2 = arith.constant 0 : index
    %get3A_3 = arith.constant 0 : index
    %get3A_4 = arith.constant 0 : index
    %get3A_5 = vector.load %arg3[%get3A_2, %get3A_3, %get3A_4] : memref<2x1000x96xf32, #tpu.memory_space<vmem>>, vector<1x1000x96xf32>
    %get3A_6 = vector.shape_cast %get3A_5 : vector<1x1000x96xf32> to vector<1000x96xf32>
    %get3A_7 = arith.constant 0 : index
    %get3A_8 = arith.constant 0 : index
    %get3A_9 = arith.constant 0 : index
    %get3A_10 = vector.load %arg2[%get3A_7, %get3A_8, %get3A_9] : memref<2x1000x96xf32, #tpu.memory_space<vmem>>, vector<1x1000x96xf32>
    %get3A_11 = vector.shape_cast %get3A_10 : vector<1x1000x96xf32> to vector<1000x96xf32>
    %add3A = arith.addf %get3A_6, %get3A_11 : vector<1000x96xf32>
    %mul3A = vector.broadcast %rsqrt3A : vector<1000x1xf32> to vector<1000x96xf32>
    %mul3A_12 = arith.mulf %mul3A, %add3A : vector<1000x96xf32>
    %get3A_13 = arith.constant 0 : index
    %get3A_14 = arith.constant 0 : index
    %get3A_15 = arith.constant 0 : index
    %get3A_16 = vector.load %arg4[%get3A_13, %get3A_14, %get3A_15] : memref<2x1x96xf32, #tpu.memory_space<vmem>>, vector<1x1x96xf32>
    %get3A_17 = vector.shape_cast %get3A_16 : vector<1x1x96xf32> to vector<1x96xf32>
    %add3A_18 = vector.broadcast %get3A_17 : vector<1x96xf32> to vector<1000x96xf32>
    %add3A_19 = arith.addf %mul3A_12, %add3A_18 : vector<1000x96xf32>
    %get3A_20 = arith.constant 1 : index
    %get3A_21 = arith.constant 0 : index
    %get3A_22 = arith.constant 0 : index
    %get3A_23 = vector.load %arg3[%get3A_20, %get3A_21, %get3A_22] : memref<2x1000x96xf32, #tpu.memory_space<vmem>>, vector<1x1000x96xf32>
    %get3A_24 = vector.shape_cast %get3A_23 : vector<1x1000x96xf32> to vector<1000x96xf32>
    %get3A_25 = arith.constant 1 : index
    %get3A_26 = arith.constant 0 : index
    %get3A_27 = arith.constant 0 : index
    %get3A_28 = vector.load %arg2[%get3A_25, %get3A_26, %get3A_27] : memref<2x1000x96xf32, #tpu.memory_space<vmem>>, vector<1x1000x96xf32>
    %get3A_29 = vector.shape_cast %get3A_28 : vector<1x1000x96xf32> to vector<1000x96xf32>
    %add3A_30 = arith.addf %get3A_24, %get3A_29 : vector<1000x96xf32>
    %mul3A_31 = vector.broadcast %rsqrt3A : vector<1000x1xf32> to vector<1000x96xf32>
    %mul3A_32 = arith.mulf %mul3A_31, %add3A_30 : vector<1000x96xf32>
    %get3A_33 = arith.constant 1 : index
    %get3A_34 = arith.constant 0 : index
    %get3A_35 = arith.constant 0 : index
    %get3A_36 = vector.load %arg4[%get3A_33, %get3A_34, %get3A_35] : memref<2x1x96xf32, #tpu.memory_space<vmem>>, vector<1x1x96xf32>
    %get3A_37 = vector.shape_cast %get3A_36 : vector<1x1x96xf32> to vector<1x96xf32>
    %add3A_38 = vector.broadcast %get3A_37 : vector<1x96xf32> to vector<1000x96xf32>
    %add3A_39 = arith.addf %mul3A_32, %add3A_38 : vector<1000x96xf32>
    %get3A_40 = arith.constant 0 : index
    %get3A_41 = arith.constant 0 : index
    %get3A_42 = vector.load %arg1[%get3A_40, %get3A_41] : memref<1000x192xf32, #tpu.memory_space<vmem>>, vector<1000x192xf32>
    %slice3A = vector.extract_strided_slice %get3A_42 {offsets = [0, 0], sizes = [1000, 96], strides = [1, 1]} : vector<1000x192xf32> to vector<1000x96xf32>
    %max3A = arith.constant 0.000000e+00 : f32
    %max3A_43 = vector.broadcast %max3A : f32 to vector<1000x96xf32>
    %max3A_44 = arith.maximumf %add3A_19, %max3A_43 : vector<1000x96xf32>
    %add3A_45 = arith.addf %slice3A, %max3A_44 : vector<1000x96xf32>
    %slice3A_46 = vector.extract_strided_slice %get3A_42 {offsets = [0, 96], sizes = [1000, 96], strides = [1, 1]} : vector<1000x192xf32> to vector<1000x96xf32>
    %max3A_47 = arith.constant 0.000000e+00 : f32
    %max3A_48 = vector.broadcast %max3A_47 : f32 to vector<1000x96xf32>
    %max3A_49 = arith.maximumf %add3A_39, %max3A_48 : vector<1000x96xf32>
    %add3A_50 = arith.addf %slice3A_46, %max3A_49 : vector<1000x96xf32>
    %get3A_51 = arith.constant 0 : index
    %get3A_52 = arith.constant 0 : index
    %get3A_53 = arith.constant 0 : index
    %get3A_54 = vector.load %arg6[%get3A_51, %get3A_52, %get3A_53] : memref<2x96x192xf32, #tpu.memory_space<vmem>>, vector<1x96x192xf32>
    %get3A_55 = vector.shape_cast %get3A_54 : vector<1x96x192xf32> to vector<96x192xf32>
    %dot_general3A = arith.constant dense<0.000000e+00> : vector<1000x192xf32>
    %dot_general3A_56 = tpu.matmul %add3A_45, %get3A_55, %dot_general3A {dimension_numbers = #tpu.dot_dimension_numbers<[1], [0], [0], [1], [0, 0, 1, 1], [], []>, transpose_lhs_hint = false} : vector<1000x96xf32>, vector<96x192xf32>, vector<1000x192xf32> -> vector<1000x192xf32>
    %get3A_57 = arith.constant 1 : index
    %get3A_58 = arith.constant 0 : index
    %get3A_59 = arith.constant 0 : index
    %get3A_60 = vector.load %arg6[%get3A_57, %get3A_58, %get3A_59] : memref<2x96x192xf32, #tpu.memory_space<vmem>>, vector<1x96x192xf32>
    %get3A_61 = vector.shape_cast %get3A_60 : vector<1x96x192xf32> to vector<96x192xf32>
    %dot_general3A_62 = arith.constant dense<0.000000e+00> : vector<1000x192xf32>
    %dot_general3A_63 = tpu.matmul %add3A_50, %get3A_61, %dot_general3A_62 {dimension_numbers = #tpu.dot_dimension_numbers<[1], [0], [0], [1], [0, 0, 1, 1], [], []>, transpose_lhs_hint = false} : vector<1000x96xf32>, vector<96x192xf32>, vector<1000x192xf32> -> vector<1000x192xf32>
    %add3A_64 = arith.addf %dot_general3A_56, %dot_general3A_63 : vector<1000x192xf32>
    %get3A_65 = arith.constant 0 : index
    %get3A_66 = arith.constant 0 : index
    %get3A_67 = vector.load %arg7[%get3A_65, %get3A_66] : memref<1x192xf32, #tpu.memory_space<vmem>>, vector<1x192xf32>
    %add3A_68 = vector.broadcast %get3A_67 : vector<1x192xf32> to vector<1000x192xf32>
    %add3A_69 = arith.addf %add3A_64, %add3A_68 : vector<1000x192xf32>
    %max3A_70 = arith.constant 0.000000e+00 : f32
    %max3A_71 = vector.broadcast %max3A_70 : f32 to vector<1000x192xf32>
    %max3A_72 = arith.maximumf %add3A_69, %max3A_71 : vector<1000x192xf32>
    %get3A_73 = arith.constant 0 : index
    %get3A_74 = arith.constant 0 : index
    %get3A_75 = vector.load %arg8[%get3A_73, %get3A_74] : memref<192x96xf32, #tpu.memory_space<vmem>>, vector<192x96xf32>
    %dot_general3A_76 = arith.constant dense<0.000000e+00> : vector<1000x96xf32>
    %dot_general3A_77 = tpu.matmul %max3A_72, %get3A_75, %dot_general3A_76 {dimension_numbers = #tpu.dot_dimension_numbers<[1], [0], [0], [1], [0, 0, 1, 1], [], []>, transpose_lhs_hint = false} : vector<1000x192xf32>, vector<192x96xf32>, vector<1000x96xf32> -> vector<1000x96xf32>
    %get3A_78 = arith.constant 0 : index
    %get3A_79 = arith.constant 0 : index
    %get3A_80 = vector.load %arg9[%get3A_78, %get3A_79] : memref<1x96xf32, #tpu.memory_space<vmem>>, vector<1x96xf32>
    %add3A_81 = vector.broadcast %get3A_80 : vector<1x96xf32> to vector<1000x96xf32>
    %add3A_82 = arith.addf %dot_general3A_77, %add3A_81 : vector<1000x96xf32>
    %max3A_83 = arith.constant 0.000000e+00 : f32
    %max3A_84 = vector.broadcast %max3A_83 : f32 to vector<1000x96xf32>
    %max3A_85 = arith.maximumf %add3A_82, %max3A_84 : vector<1000x96xf32>
    %get3A_86 = arith.constant 0 : index
    %get3A_87 = arith.constant 0 : index
    %get3A_88 = vector.load %arg10[%get3A_86, %get3A_87] : memref<96x2xf32, #tpu.memory_space<vmem>>, vector<96x2xf32>
    %dot_general3A_89 = arith.constant dense<0.000000e+00> : vector<1000x2xf32>
    %dot_general3A_90 = tpu.matmul %max3A_85, %get3A_88, %dot_general3A_89 {dimension_numbers = #tpu.dot_dimension_numbers<[1], [0], [0], [1], [0, 0, 1, 1], [], []>, transpose_lhs_hint = false} : vector<1000x96xf32>, vector<96x2xf32>, vector<1000x2xf32> -> vector<1000x2xf32>
    %get3A_91 = arith.constant 0 : index
    %get3A_92 = arith.constant 0 : index
    %get3A_93 = vector.load %arg11[%get3A_91, %get3A_92] : memref<1x2xf32, #tpu.memory_space<vmem>>, vector<1x2xf32>
    %add3A_94 = vector.broadcast %get3A_93 : vector<1x2xf32> to vector<1000x2xf32>
    %add3A_95 = arith.addf %dot_general3A_90, %add3A_94 : vector<1000x2xf32>
    %get3A_96 = arith.constant 0 : index
    %get3A_97 = arith.constant 0 : index
    %get3A_98 = arith.constant 0 : index
    %get3A_99 = vector.load %arg12[%get3A_96, %get3A_97, %get3A_98] : memref<2x96x96xf32, #tpu.memory_space<vmem>>, vector<1x96x96xf32>
    %get3A_100 = vector.shape_cast %get3A_99 : vector<1x96x96xf32> to vector<96x96xf32>
    %dot_general3A_101 = arith.constant dense<0.000000e+00> : vector<1000x96xf32>
    %dot_general3A_102 = tpu.matmul %add3A_45, %get3A_100, %dot_general3A_101 {dimension_numbers = #tpu.dot_dimension_numbers<[1], [0], [0], [1], [0, 0, 1, 1], [], []>, transpose_lhs_hint = false} : vector<1000x96xf32>, vector<96x96xf32>, vector<1000x96xf32> -> vector<1000x96xf32>
    %get3A_103 = arith.constant 1 : index
    %get3A_104 = arith.constant 0 : index
    %get3A_105 = arith.constant 0 : index
    %get3A_106 = vector.load %arg12[%get3A_103, %get3A_104, %get3A_105] : memref<2x96x96xf32, #tpu.memory_space<vmem>>, vector<1x96x96xf32>
    %get3A_107 = vector.shape_cast %get3A_106 : vector<1x96x96xf32> to vector<96x96xf32>
    %dot_general3A_108 = arith.constant dense<0.000000e+00> : vector<1000x96xf32>
    %dot_general3A_109 = tpu.matmul %add3A_50, %get3A_107, %dot_general3A_108 {dimension_numbers = #tpu.dot_dimension_numbers<[1], [0], [0], [1], [0, 0, 1, 1], [], []>, transpose_lhs_hint = false} : vector<1000x96xf32>, vector<96x96xf32>, vector<1000x96xf32> -> vector<1000x96xf32>
    %add3A_110 = arith.addf %dot_general3A_102, %dot_general3A_109 : vector<1000x96xf32>
    %get3A_111 = arith.constant 0 : index
    %get3A_112 = arith.constant 0 : index
    %get3A_113 = vector.load %arg13[%get3A_111, %get3A_112] : memref<1x96xf32, #tpu.memory_space<vmem>>, vector<1x96xf32>
    %add3A_114 = vector.broadcast %get3A_113 : vector<1x96xf32> to vector<1000x96xf32>
    %add3A_115 = arith.addf %add3A_110, %add3A_114 : vector<1000x96xf32>
    %max3A_116 = arith.constant 0.000000e+00 : f32
    %max3A_117 = vector.broadcast %max3A_116 : f32 to vector<1000x96xf32>
    %max3A_118 = arith.maximumf %add3A_115, %max3A_117 : vector<1000x96xf32>
    %get3A_119 = arith.constant 0 : index
    %get3A_120 = arith.constant 0 : index
    %get3A_121 = vector.load %arg14[%get3A_119, %get3A_120] : memref<96x1xf32, #tpu.memory_space<vmem>>, vector<96x1xf32>
    %dot_general3A_122 = arith.constant dense<0.000000e+00> : vector<1000x1xf32>
    %dot_general3A_123 = tpu.matmul %max3A_118, %get3A_121, %dot_general3A_122 {dimension_numbers = #tpu.dot_dimension_numbers<[1], [0], [0], [1], [0, 0, 1, 1], [], []>, transpose_lhs_hint = false} : vector<1000x96xf32>, vector<96x1xf32>, vector<1000x1xf32> -> vector<1000x1xf32>
    %get3A_124 = arith.constant 0 : index
    %get3A_125 = arith.constant 0 : index
    %get3A_126 = vector.load %arg15[%get3A_124, %get3A_125] : memref<1x1xf32, #tpu.memory_space<vmem>>, vector<1x1xf32>
    %add3A_127 = vector.broadcast %get3A_126 : vector<1x1xf32> to vector<1000x1xf32>
    %add3A_128 = arith.addf %dot_general3A_123, %add3A_127 : vector<1000x1xf32>
    %logistic3A = arith.negf %add3A_128 : vector<1000x1xf32>
    %logistic3A_129 = math.exp %logistic3A : vector<1000x1xf32>
    %logistic3A_130 = arith.constant 1.000000e+00 : f32
    %logistic3A_131 = vector.broadcast %logistic3A_130 : f32 to vector<1000x1xf32>
    %logistic3A_132 = arith.addf %logistic3A_131, %logistic3A_129 : vector<1000x1xf32>
    %logistic3A_133 = arith.divf %logistic3A_131, %logistic3A_132 : vector<1000x1xf32>
    %mul3A_134 = arith.mulf %add3A_95, %add3A_95 : vector<1000x2xf32>
    %reduce_sum3A = arith.constant dense<0.000000e+00> : vector<1000xf32>
    %reduce_sum3A_135 = vector.multi_reduction <add>, %mul3A_134, %reduce_sum3A [1] : vector<1000x2xf32> to vector<1000xf32>
    %broadcast_in_dim3A = vector.shape_cast %reduce_sum3A_135 : vector<1000xf32> to vector<1000x1xf32>
    %sqrt3A = math.sqrt %broadcast_in_dim3A : vector<1000x1xf32>
    %add3A_136 = arith.constant 9.99999993E-9 : f32
    %add3A_137 = vector.broadcast %add3A_136 : f32 to vector<1000x1xf32>
    %add3A_138 = arith.addf %sqrt3A, %add3A_137 : vector<1000x1xf32>
    %div3A = vector.broadcast %add3A_138 : vector<1000x1xf32> to vector<1000x2xf32>
    %div3A_139 = arith.divf %add3A_95, %div3A : vector<1000x2xf32>
    %mul3A_140 = vector.broadcast %logistic3A_133 : vector<1000x1xf32> to vector<1000x2xf32>
    %mul3A_141 = arith.mulf %div3A_139, %mul3A_140 : vector<1000x2xf32>
    %swap3A = arith.constant 0 : index
    %swap3A_142 = arith.constant 0 : index
    %swap3A_143 = vector.load %arg16[%swap3A, %swap3A_142] : memref<1000x2xf32, #tpu.memory_space<vmem>>, vector<1000x2xf32>
    tpu.vector_store %arg16[%swap3A, %swap3A_142], %mul3A_141 {strides = array<i32>} : memref<1000x2xf32, #tpu.memory_space<vmem>>, vector<1000x2xf32>,
    return
  }
  func.func @transform_0(%arg0: i32) -> (i32, i32) {
    %c0_i32 = arith.constant 0 : i32
    %c0_i32_0 = arith.constant 0 : i32
    return %arg0, %c0_i32 : i32, i32
  }
  func.func @transform_1(%arg0: i32) -> (i32, i32, i32) {
    %c0_i32 = arith.constant 0 : i32
    %c0_i32_0 = arith.constant 0 : i32
    %c0_i32_1 = arith.constant 0 : i32
    return %c0_i32, %arg0, %c0_i32_0 : i32, i32, i32
  }
  func.func @transform_2(%arg0: i32) -> (i32, i32, i32) {
    %c0_i32 = arith.constant 0 : i32
    %c0_i32_0 = arith.constant 0 : i32
    %c0_i32_1 = arith.constant 0 : i32
    return %c0_i32, %arg0, %c0_i32_0 : i32, i32, i32
  }
  func.func @transform_3(%arg0: i32) -> (i32, i32, i32) {
    %c0_i32 = arith.constant 0 : i32
    %c0_i32_0 = arith.constant 0 : i32
    %c0_i32_1 = arith.constant 0 : i32
    %c0_i32_2 = arith.constant 0 : i32
    return %c0_i32, %c0_i32_0, %c0_i32_1 : i32, i32, i32
  }
  func.func @transform_4(%arg0: i32) -> (i32, i32) {
    %c0_i32 = arith.constant 0 : i32
    %c0_i32_0 = arith.constant 0 : i32
    return %arg0, %c0_i32 : i32, i32
  }
  func.func @transform_5(%arg0: i32) -> (i32, i32, i32) {
    %c0_i32 = arith.constant 0 : i32
    %c0_i32_0 = arith.constant 0 : i32
    %c0_i32_1 = arith.constant 0 : i32
    %c0_i32_2 = arith.constant 0 : i32
    return %c0_i32, %c0_i32_0, %c0_i32_1 : i32, i32, i32
  }
  func.func @transform_6(%arg0: i32) -> (i32, i32) {
    %c0_i32 = arith.constant 0 : i32
    %c0_i32_0 = arith.constant 0 : i32
    %c0_i32_1 = arith.constant 0 : i32
    return %c0_i32, %c0_i32_0 : i32, i32
  }
  func.func @transform_7(%arg0: i32) -> (i32, i32) {
    %c0_i32 = arith.constant 0 : i32
    %c0_i32_0 = arith.constant 0 : i32
    %c0_i32_1 = arith.constant 0 : i32
    return %c0_i32, %c0_i32_0 : i32, i32
  }
  func.func @transform_8(%arg0: i32) -> (i32, i32) {
    %c0_i32 = arith.constant 0 : i32
    %c0_i32_0 = arith.constant 0 : i32
    %c0_i32_1 = arith.constant 0 : i32
    return %c0_i32, %c0_i32_0 : i32, i32
  }
  func.func @transform_9(%arg0: i32) -> (i32, i32) {
    %c0_i32 = arith.constant 0 : i32
    %c0_i32_0 = arith.constant 0 : i32
    %c0_i32_1 = arith.constant 0 : i32
    return %c0_i32, %c0_i32_0 : i32, i32
  }
  func.func @transform_10(%arg0: i32) -> (i32, i32) {
    %c0_i32 = arith.constant 0 : i32
    %c0_i32_0 = arith.constant 0 : i32
    %c0_i32_1 = arith.constant 0 : i32
    return %c0_i32, %c0_i32_0 : i32, i32
  }
  func.func @transform_11(%arg0: i32) -> (i32, i32, i32) {
    %c0_i32 = arith.constant 0 : i32
    %c0_i32_0 = arith.constant 0 : i32
    %c0_i32_1 = arith.constant 0 : i32
    %c0_i32_2 = arith.constant 0 : i32
    return %c0_i32, %c0_i32_0, %c0_i32_1 : i32, i32, i32
  }
  func.func @transform_12(%arg0: i32) -> (i32, i32) {
    %c0_i32 = arith.constant 0 : i32
    %c0_i32_0 = arith.constant 0 : i32
    %c0_i32_1 = arith.constant 0 : i32
    return %c0_i32, %c0_i32_0 : i32, i32
  }
  func.func @transform_13(%arg0: i32) -> (i32, i32) {
    %c0_i32 = arith.constant 0 : i32
    %c0_i32_0 = arith.constant 0 : i32
    %c0_i32_1 = arith.constant 0 : i32
    return %c0_i32, %c0_i32_0 : i32, i32
  }
  func.func @transform_14(%arg0: i32) -> (i32, i32) {
    %c0_i32 = arith.constant 0 : i32
    %c0_i32_0 = arith.constant 0 : i32
    %c0_i32_1 = arith.constant 0 : i32
    return %c0_i32, %c0_i32_0 : i32, i32
  }
  func.func @transform_15(%arg0: i32) -> (i32, i32) {
    %c0_i32 = arith.constant 0 : i32
    %c0_i32_0 = arith.constant 0 : i32
    return %arg0, %c0_i32 : i32, i32
  }
}

</mosaic_0001>

<sc_bundles>
// kernel: kernel.12.cloned.1.call-start
scs
__scs_entry_jumppad:
0x0: {  	(pc) =	sbr.rel $0x88, $3  }
0x1: {  	(tag) =	ssettag $0x0;
	lr =	simm.s32 $0x1  }
0x2: {  	[smem:$0x3F8B] =	sst lr;
	_ =	strace $0xD0000000  }
0x3: {  	_ = 	snop  }
0x4: {  	_ = 	snop  }
0x5: {  	_ = 	snop  }
0x6: {  	_ = 	snop  }
0x7: {  	_ = 	snop  }
__scs_overlays_trampoline_lowered:
0x8: {  	[smem:$0x3F9A] =	sst s0  }
0x9: {  	[smem:$0x3F9B] =	sst s1  }
0xa: {  	[smem:$0x3F9C] =	sst s2  }
0xb: {  	[smem:$0x3F9D] =	sst s3  }
0xc: {  	[smem:$0x3F9E] =	sst s4  }
0xd: {  	[smem:$0x3F9F] =	sst s5  }
0xe: {  	[smem:$0x3FA0] =	sst s6  }
0xf: {  	[smem:$0x3FA1] =	sst s7  }
0x10: {  	[smem:$0x3FA2] =	sst s8  }
0x11: {  	[smem:$0x3FA3] =	sst s9;
	s0 =	simm.s32 @!p0 $0x0  }
0x12: {  	s1 =	sld [smem:$0x3F89];
	s0 =	simm.s32 @p0 $0x1  }
0x13: {  	[smem:$0x3FA4] =	sst s0;
	s0 =	simm.s32 @!p1 $0x0  }
0x14: {  	s2 =	sld [smem:$0x3F88];
	s0 =	simm.s32 @p1 $0x1  }
0x15: {  	[smem:$0x3FA5] =	sst s0;
	s0 =	simm.s32 @!p2 $0x0  }
0x16: {  	s3 =	sld [smem:$0x3FDB];
	s0 =	simm.s32 @p2 $0x1  }
0x17: {  	s4 =	simm.s32 $0x1BF5;
	[smem:$0x3FA7] =	sst s0  }
0x18: {  	s0 =	sld [smem:$0x3F8A];
	_ =	swait.ge [sflag:s4], $0x0  }
0x19: {  	s7 =	sld [smem:$0x3F8B]  }
0x1a: {  	s8 =	sadd.s32 $0xFFFFE003, lr  }
0x1b: {  	s9 =	sadd.s32 $0xFFFFFEF7, lr;
	s5 =	simm.s32 $0xFFFFFFFF;
	p2 =	slt.u32 s8, $0xFFFFF086  }
0x1c: {  	p1 =	slt.u32 s9, $0xF7A;
	s5 =	simm.s32 @!p2 $0x0  }
0x1d: {  	s5 =	simm.s32 @p1 $0x1;
	p0 =	seq.s32 s7, s2  }
0x1e: {  	s7 =	smul.u32 @!p0 $0xF7A, s2;
	p2 =	seq.s32 @!p0 s5, $0x0  }
0x1f: {  	s9 =	smul.u32 $0xF7A, s1;
	s8 =	simm.s32 @!p0 $0x1BF5;
	p2 =	por !p2, p0  }
0x20: {  	[sflag:s8] =	ssyncset.s32 @!p0 $0xFFFFF086;
	s6 =	sadd.s32 @!p0 s3, s7;
	s7 =	simm.s32 @!p0 $0x108  }
0x21: {  	s3 =	sadd.s32 s3, s9;
	s6 =	sadd.s32 @!p0 $0x88, s6;
	s7 =	simm.s32 @p2 $0x1082  }
0x22: {  	[simem:s7], [sflag:s8] =	dma.local @!p0 [hbm:s6], $0xF7A  }
0x23: {  	s9 =	sor.u32 $0xD0000000, s2;
	s6 =	simm.s32 $0x108;
	_ =	swait.ge @!p0 [sflag:s8], $0x0  }
0x24: {  	s3 =	sadd.s32 $0x88, s3;
	s6 =	simm.s32 @!p1 $0x1082;
	[sflag:s4] =	ssyncset.s32 $0xFFFFF086  }
0x25: {  	[simem:s6], [sflag:s4] =	dma.local [hbm:s3], $0xF7A  }
0x26: {  	[smem:$0x3F8B] =	sst s1;
	(tag) =	ssettag s2;
	_ =	strace s9  }
0x27: {  	s1 =	sld [smem:$0x3F9B]  }
0x28: {  	s2 =	sld [smem:$0x3F9C]  }
0x29: {  	s4 =	sld [smem:$0x3F9E]  }
0x2a: {  	p0 =	seq.s32 s5, $0x0;
	s5 =	sld [smem:$0x3F9F]  }
0x2b: {  	s6 =	sld [smem:$0x3FA0]  }
0x2c: {  	s7 =	sld [smem:$0x3FA1]  }
0x2d: {  	s3 =	simm.s32 $0x108;
	s8 =	sld [smem:$0x3FA2]  }
0x2e: {  	s3 =	simm.s32 @!p0 $0x1082;
	s9 =	sld [smem:$0x3FA3]  }
0x2f: {  	lr =	sadd.s32 s0, s3;
	s0 =	sld [smem:$0x3F9A]  }
0x30: {  	s3 =	sld [smem:$0x3F9D]  }
0x31: {  	[smem:$0x3FA6] =	sst s10  }
0x32: {  	s10 =	sld [smem:$0x3FA4];
	_ =	sdelay $0x3  }
0x33: {  	p0 =	seq.s32 s10, $0x1;
	s10 =	sld [smem:$0x3FA6];
	_ =	sdelay $0x3  }
0x34: {  	[smem:$0x3FA6] =	sst s10  }
0x35: {  	s10 =	sld [smem:$0x3FA5];
	_ =	sdelay $0x3  }
0x36: {  	p1 =	seq.s32 s10, $0x1;
	s10 =	sld [smem:$0x3FA6];
	_ =	sdelay $0x3  }
0x37: {  	[smem:$0x3FA6] =	sst s10  }
0x38: {  	s10 =	sld [smem:$0x3FA7]  }
0x39: {  	_ = 	snop;
	(pc) =	sbr.ind lr, $3  }
0x3a: {  	_ = 	snop  }
0x3b: {  	_ = 	snop  }
0x3c: {  	p2 =	seq.s32 s10, $0x1;
	s10 =	sld [smem:$0x3FA6]  }
0x3d: {  	_ =	shalt  }
0x3e: {  	_ =	shalt  }
0x3f: {  	_ =	shalt  }
0x40: {  	_ =	shalt  }
0x41: {  	_ =	shalt  }
0x42: {  	_ =	shalt  }
0x43: {  	_ =	shalt  }
0x44: {  	_ =	shalt  }
0x45: {  	_ =	shalt  }
0x46: {  	_ =	shalt  }
0x47: {  	_ =	shalt  }
0x48: {  	_ =	shalt  }
0x49: {  	_ =	shalt  }
0x4a: {  	_ =	shalt  }
0x4b: {  	_ =	shalt  }
0x4c: {  	_ =	shalt  }
0x4d: {  	_ =	shalt  }
0x4e: {  	_ =	shalt  }
0x4f: {  	_ =	shalt  }
0x50: {  	_ =	shalt  }
0x51: {  	_ =	shalt  }
0x52: {  	_ =	shalt  }
0x53: {  	_ =	shalt  }
0x54: {  	_ =	shalt  }
0x55: {  	_ =	shalt  }
0x56: {  	_ =	shalt  }
0x57: {  	_ =	shalt  }
0x58: {  	_ =	shalt  }
0x59: {  	_ =	shalt  }
0x5a: {  	_ =	shalt  }
0x5b: {  	_ =	shalt  }
0x5c: {  	_ =	shalt  }
0x5d: {  	_ =	shalt  }
0x5e: {  	_ =	shalt  }
0x5f: {  	_ =	shalt  }
0x60: {  	_ =	shalt  }
0x61: {  	_ =	shalt  }
0x62: {  	_ =	shalt  }
0x63: {  	_ =	shalt  }
0x64: {  	_ =	shalt  }
0x65: {  	_ =	shalt  }
0x66: {  	_ =	shalt  }
0x67: {  	_ =	shalt  }
0x68: {  	_ =	shalt  }
0x69: {  	_ =	shalt  }
0x6a: {  	_ =	shalt  }
0x6b: {  	_ =	shalt  }
0x6c: {  	_ =	shalt  }
0x6d: {  	_ =	shalt  }
0x6e: {  	_ =	shalt  }
0x6f: {  	_ =	shalt  }
0x70: {  	_ =	shalt  }
0x71: {  	_ =	shalt  }
0x72: {  	_ =	shalt  }
0x73: {  	_ =	shalt  }
0x74: {  	_ =	shalt  }
0x75: {  	_ =	shalt  }
0x76: {  	_ =	shalt  }
0x77: {  	_ =	shalt  }
0x78: {  	_ =	shalt  }
0x79: {  	_ =	shalt  }
0x7a: {  	_ =	shalt  }
0x7b: {  	_ =	shalt  }
0x7c: {  	_ =	shalt  }
0x7d: {  	_ =	shalt  }
0x7e: {  	_ =	shalt  }
0x7f: {  	_ =	shalt  }
0x80: {  	_ =	shalt  }
0x81: {  	_ =	shalt  }
0x82: {  	_ =	shalt  }
0x83: {  	_ =	shalt  }
0x84: {  	_ =	shalt  }
0x85: {  	_ =	shalt  }
0x86: {  	_ =	shalt  }
0x87: {  	_ =	shalt  }
.Lfunc_end0:
.L_simem_size_0:
called_computation_lowered:
.L_overlay_start_0:
0x88: {  	s2 =	sld [smem:$0x3FD9]  }
0x89: {  	s3 =	sld [smem:$0x3FFE];
	_ =	sdelay $0x1  }
0x8a: {  	s1 =	srdreg.scid  }
0x8b: {  	s0 =	sand.u32 $0x1, s1  }
0x8c: {  	s16 =	sshll.u32 s0, $0xA;
	s2 =	sadd.s32 s3, s2  }
0x8d: {  	s2 =	sadd.s32 s2, s16  }
0x8e: {  	[smem:$0x3FB2] =	sst s2  }
0x8f: {  	_ = 	snop  }
0x90: {  	(tm) =	ssettm $0x1  }
0x91: {  	s17 =	sld [smem:$0x3FFB];
	_ =	sdelay $0x3  }
0x92: {  	_ =	strace s17  }
0x93: {  	s2 =	sld [smem:$0x3FFC];
	_ =	sdelay $0x3  }
0x94: {  	_ =	strace s2  }
0x95: {  	s2 =	sld [smem:$0x3FFD];
	_ =	sdelay $0x3  }
0x96: {  	_ =	strace s2  }
0x97: {  	_ =	strace $0x8FFFFFFF  }
0x98: {  	s18 =	sld [smem:$0x3FDB];
	_ =	sdelay $0x1  }
0x99: {  	s19 =	simm.s32 $_scs_section_size  }
0x9a: {  	s4 =	simm.s32 $_size__tile_overlayer_lowered;
	s5 =	simm.s32 $_tile_overlayer_lowered  }
0x9b: {  	s22 =	simm.s32 $0x1BFF;
	s21 =	sshll.u32 s5, $0x1;
	s2 =	sadd.s32 s19, s18  }
0x9c: {  	s6 =	simm.s32 $0x0;
	s20 =	sshll.u32 s4, $0x1;
	s4 =	sadd.s32 s21, s2  }
0x9d: {  	[timem:s6], [sflag:s22] =	dma.local [hbm:s4], s20  }
0x9e: {  	_ =	swait.ge [sflag:s22], s20  }
0x9f: {  	s3 =	ssub.s32 $0x0, s20;
	[sflag:s22] =	ssyncset.done $0x0  }
0xa0: {  	[sflag:s22] =	ssyncadd.s32 s3;
	_ =	sdelay $0x1  }
0xa1: {  	s23 =	simm.s32 $0x1B8B  }
0xa2: {  	_ =	swait.ge [sflag:s23], $0x1  }
0xa3: {  	[sflag:s23] =	ssyncset.done $0x0  }
0xa4: {  	s25 =	simm.s32 $0x1B8E;
	s24 =	sld [smem:$0x3FFE];
	[sflag:s23] =	ssyncadd.s32 $0xFFFFFFFF  }
0xa5: {  	s26 =	simm.s32 $execute0_lowered;
	[smem:$0x3FD2] =	sst s25  }
0xa6: {  	s4 =	sshll.u32 s26, $0x1;
	_ =	strace $0x80000046;
	[dreg:$0x1] =	wrdreg $0xFFFFFFFF  }
0xa7: {  	s28 =	simm.s32 $_size_execute0_lowered;
	s2 =	sadd.s32 s2, s4;
	[dreg:$0x0] =	wrdreg $0x0  }
0xa8: {  	s4 =	sshll.u32 s28, $0x1;
	[dreg:$0x2] =	wrdreg s2  }
0xa9: {  	[dreg:$0x3] =	wrdreg s4  }
0xaa: {  	[dreg:$0x4] =	wrdreg $0xC0  }
0xab: {  	_ =	task [dreg:s6], $0x5FFFF  }
0xac: {  	[dreg:$0x1] =	wrdreg $0xFFFFFFFF  }
0xad: {  	[dreg:$0x0] =	wrdreg $0x60  }
0xae: {  	[dreg:$0x2] =	wrdreg s24  }
0xaf: {  	[dreg:$0x3] =	wrdreg $0x53900  }
0xb0: {  	[dreg:$0x4] =	wrdreg $0x9  }
0xb1: {  	_ =	task.clear_ibuf [dreg:s6], $0x5FFFF;
	_ =	strace $0x90000046  }
0xb2: {  	s29 =	simm.s32 $0x9;
	_ =	strace $0x80000048  }
0xb3: {  	_ =	swait.ge [sflag:s29], $0x1  }
0xb4: {  	[sflag:s29] =	ssyncadd.s32 $0xFFFFFFFF  }
0xb5: {  	_ =	strace $0x90000048  }
0xb6: {  	_ =	sfence  }
0xb7: {  	s30 =	sld [smem:$0x0];
	_ =	sdelay $0x2  }
0xb8: {  	s31 =	sshll.u32 s1, $0xD;
	s1 =	sshrl.u32 s1, $0x2  }
0xb9: {  	s3 =	sand.u32 $0x4000, s31;
	s1 =	sadd.s32 s1, s30  }
0xba: {  	s0 =	sor.u32 s3, s0;
	s1 =	sshll.u32 s1, $0x11  }
0xbb: {  	s0 =	sor.u32 s1, s0  }
0xbc: {  	s0 =	sadd.s32 $0x8F2B, s0  }
0xbd: {  	[sflag:s0] =	ssyncadd.remote.s32 $0x1  }
0xbe: {  	_ =	sfence.sel $0xFFFF  }
0xbf: {  	[dreg:$0x0] =	wrdreg $0xFFFFFFFF;
	(pc) =	sbr.abs _section_cstart, $3  }
0xc0: {  	[dreg:$0x1] =	wrdreg $0xFFFFFFFF  }
0xc1: {  	_ =	task.clear_ibuf [dreg:s6], $0x2FFFF;
	_ =	strace $0x9FFFFFFF  }
0xc2: {  	(tm) =	ssettm $0x7FFFFFFF  }
0xc3: {  	_ =	shalt  }
tec
execute0_lowered:
.L_overlay_start_1:
0x0: {  	(tag) =	ssettag $0x1  }
0x1: {  	s1 =	srdreg.scid;
	s4 =	rddreg [dreg:$0x0]  }
0x2: {  	s0 =	stileid.u32;
	s2 =	rddreg [dreg:$0x1];
	s3 =	simm.s32 $0x0  }
0x3: {  	s10 =	simm.s32 $0x50;
	s11 =	simm.s32 $0x2710;
	s5 =	sand.u32 $0x1, s1  }
0x4: {  	s6 =	smul.u32 $0x2780, s0;
	s7 =	sshll.u32 s0, $0x1;
	s1 =	rddreg [dreg:$0x2]  }
0x5: {  	[smem:$0x7FF] =	sst s3;
	s12 =	sshll.u32 s0, $0x6;
	s8 =	smul.u32 $0x27800, s5  }
0x6: {  	s7 =	sor.u32 s5, s7;
	_ =	strace $0x80000047;
	s5 =	ssub.s32 $0x2, s5  }
0x7: {  	s7 =	smul.u32 $0x4E2, s7;
	s31 =	sshrl.u32 s5, $0x1;
	s8 =	sadd.s32 s6, s8  }
0x8: {  	s12 =	sor.u32 $0x1C01, s12;
	s9 =	ssub.s32 s5, s31;
	s8 =	sshrl.u32 s8, $0x3  }
0x9: {  	s7 =	sadd.s32 s7, s4;
	s8 =	sadd.s32 s8, s4;
	s4 =	sadd.s32 s6, s2  }
0xa: {  	s5 =	sadd.s32 $0x4200, s7;
	s7 =	smax.u32 s9, $0x1;
	s9 =	simm.s32 $0x1  }
0xb: {  	v0 =	vimm.f32 $1.000000000e+00;
	v1 =	vimm.f32 $0.0e+00;
	s6 =	sadd.s32 $0xE000, s8;
	s8 =	simm.s32 $0x2C10;
	s13 =	sshrl.u32 s4, $0x3  }
.LBB2_1:
0xc: {  	s14 =	simm.s32 $0x0  }
.LBB2_2:
0xd: {  	p0 =	sne.s32 s14, $0x13C0  }
.Ltmp0:
0xe: {  	_ = 	snop;
	(pc) =	sbr.rel @p0 .LBB2_2-.Ltmp0, $3  }
0xf: {  	_ =	sdelay $0x1  }
0x10: {  	s15 =	sshra.s32 s14, $0x2  }
0x11: {  	s14 =	sadd.s32 $0x40, s14;
	[tilespmem:s15+$0x2710] =	vst v0  }
0x12: {  	s14 =	simm.s32 $0x40;
	s15 =	simm.s32 $0x0  }
.LBB2_4:
0x13: {  	p0 =	sne.s32 s14, $0x9DC0;
	[tilespmem:s15+$0x2C10] =	vst v1;
	s15 =	smov.u32 s14;
	s14 =	sadd.s32 $0x40, s14  }
.Ltmp1:
0x14: {  	(pc) =	sbr.rel @p0 .LBB2_4-.Ltmp1, $2  }
0x15: {  	_ =	sdelay $0x2  }
0x16: {  	s15 =	sshra.s32 s15, $0x2  }
0x17: {  	[tilespmem:s15+$0x2C10] =	vst v1  }
0x18: {  	[spmem:s4] =	stream.linear.scatter [tilespmem:s8], [sflag:$0x1], $0x2780, $0x38;
	[tilespmem:$0x7B10] =	vst v63  }
0x19: {  	_ =	swait.ge [sflag:s9], $0x2780  }
0x1a: {  	[sflag:s9] =	ssyncset.done $0x0  }
0x1b: {  	[sflag:s9] =	ssyncadd.s32 $0xFFFFD880  }
0x1c: {  	s14 =	simm.s32 $0x0;
	[bflag:$0x0] =	sbarrier.arrive $0xFFFF  }
0x1d: {  	[tilespmem:s14], [sflag:$0x1] =	stream.linear.gather [hbm4b:s5+s14], $0x2710, $0x38;
	[tilespmem:$0x7B10] =	vst v63  }
0x1e: {  	_ =	swait.ge [sflag:s9], $0x2710  }
0x1f: {  	[sflag:s9] =	ssyncset.done $0x0  }
0x20: {  	s31 =	simm.s32 $0x0;
	[sflag:s9] =	ssyncadd.s32 $0xFFFFD8F0  }
0x21: {  	[spmem:s2] =	stream.indirect.scatter.add.f32 [tilespmem:s11], [sflag:$0x1], $0x10, s31, s10, $0xb8;
	[tilespmem:$0x7B10] =	vst v63  }
0x22: {  	_ =	swait.ge [sflag:s9], $0x500  }
0x23: {  	s14 =	simm.s32 $0x140;
	[sflag:s9] =	ssyncset.done $0x0  }
.LBB2_6:
0x24: {  	s15 =	sshra.s32 s14, $0x2;
	[sflag:s9] =	ssyncadd.s32 $0xFFFFFB00;
	p0 =	sne.s32 s14, $0x9B00  }
0x25: {  	[spmem:s2] =	stream.indirect.scatter.add.f32 [tilespmem:s11], [sflag:$0x1], $0x10, s15, s10, $0xb8;
	[tilespmem:$0x7B10] =	vst v63  }
.Ltmp2:
0x26: {  	_ = 	snop;
	(pc) =	sbr.rel @p0 .LBB2_6-.Ltmp2, $4  }
0x27: {  	_ = 	snop  }
0x28: {  	s14 =	sadd.s32 $0x140, s14  }
0x29: {  	_ =	swait.ge [sflag:s9], $0x500  }
0x2a: {  	[sflag:s9] =	ssyncset.done $0x0  }
0x2b: {  	s3 =	sadd.s32 $0x1, s3  }
0x2c: {  	[sflag:s9] =	ssyncadd.s32 $0xFFFFFB00;
	p0 =	sne.s32 s3, s7  }
.Ltmp3:
0x2d: {  	[bflag:$0x0] =	sbarrier.arrive $0xFFFF;
	(pc) =	sbr.rel @p0 .LBB2_1-.Ltmp3, $4  }
0x2e: {  	[hbm:s6], [sflag:s12] =	dma.local [spmem:s13], $0x4F0  }
0x2f: {  	_ =	swait.ge [sflag:s9], $0x4F0  }
0x30: {  	[sflag:s9] =	ssyncset.done $0x0  }
0x31: {  	[sflag:s9] =	ssyncadd.s32 $0xFFFFFB10  }
0x32: {  	_ =	sfence.sel $0x180000  }
0x33: {  	[bflag:$0x0] =	sbarrier.arrive $0xFFFF  }
0x34: {  	p0 =	sne.s32 s0, $0x0;
	_ =	strace $0x90000047  }
0x35: {  	s0 =	sadd.s32 @!p0 $0x100000, s1;
	[bflag:$0x2] =	sbarrier.arrive $0xFFFF  }
0x36: {  	[sflag:s0] =	ssyncadd.tile.s32 @!p0 $0x1;
	_ =	shalt  }
.Lfunc_end2:
_tile_overlayer_lowered:
.L_overlay_start_2:
0x37: {  	(tag) =	ssettag $0x2  }
0x38: {  	s0 =	rddreg [dreg:$0x0];
	s2 =	stileid.u32  }
0x39: {  	s1 =	rddreg [dreg:$0x1];
	p0 =	sne.s32 s2, $0x0  }
0x3a: {  	s3 =	rddreg [dreg:$0x2];
	[bflag:$0x3] =	sbarrier.arrive $0xFFFF;
	s2 =	simm.s32 @!p0 $0x1C01  }
0x3b: {  	[timem:s3], [sflag:s2] =	dma.local @!p0 [hbm:s0], s1  }
0x3c: {  	s0 =	simm.s32 @!p0 $0x1  }
0x3d: {  	_ =	swait.ge @!p0 [sflag:s0], s1  }
0x3e: {  	s1 =	ssub.s32 @!p0 $0x0, s1;
	[sflag:s0] =	ssyncset.done @!p0 $0x0  }
0x3f: {  	[sflag:s0] =	ssyncadd.s32 @!p0 s1  }
0x40: {  	[bflag:$0x3] =	sbarrier.arrive $0xFFFF  }
0x41: {  	_ =	shalt  }

// kernel: kernel.15.cloned.1.call-start
scs
__scs_entry_jumppad:
0x0: {  	(pc) =	sbr.rel $0x88, $3  }
0x1: {  	(tag) =	ssettag $0x0;
	lr =	simm.s32 $0x1  }
0x2: {  	[smem:$0x3F8B] =	sst lr;
	_ =	strace $0xD0000000  }
0x3: {  	_ = 	snop  }
0x4: {  	_ = 	snop  }
0x5: {  	_ = 	snop  }
0x6: {  	_ = 	snop  }
0x7: {  	_ = 	snop  }
__scs_overlays_trampoline_lowered:
0x8: {  	[smem:$0x3F9A] =	sst s0  }
0x9: {  	[smem:$0x3F9B] =	sst s1  }
0xa: {  	[smem:$0x3F9C] =	sst s2  }
0xb: {  	[smem:$0x3F9D] =	sst s3  }
0xc: {  	[smem:$0x3F9E] =	sst s4  }
0xd: {  	[smem:$0x3F9F] =	sst s5  }
0xe: {  	[smem:$0x3FA0] =	sst s6  }
0xf: {  	[smem:$0x3FA1] =	sst s7  }
0x10: {  	[smem:$0x3FA2] =	sst s8  }
0x11: {  	[smem:$0x3FA3] =	sst s9;
	s0 =	simm.s32 @!p0 $0x0  }
0x12: {  	s1 =	sld [smem:$0x3F89];
	s0 =	simm.s32 @p0 $0x1  }
0x13: {  	[smem:$0x3FA4] =	sst s0;
	s0 =	simm.s32 @!p1 $0x0  }
0x14: {  	s2 =	sld [smem:$0x3F88];
	s0 =	simm.s32 @p1 $0x1  }
0x15: {  	[smem:$0x3FA5] =	sst s0;
	s0 =	simm.s32 @!p2 $0x0  }
0x16: {  	s3 =	sld [smem:$0x3FDB];
	s0 =	simm.s32 @p2 $0x1  }
0x17: {  	s4 =	simm.s32 $0x1BF5;
	[smem:$0x3FA7] =	sst s0  }
0x18: {  	s0 =	sld [smem:$0x3F8A];
	_ =	swait.ge [sflag:s4], $0x0  }
0x19: {  	s7 =	sld [smem:$0x3F8B]  }
0x1a: {  	s8 =	sadd.s32 $0xFFFFE003, lr  }
0x1b: {  	s9 =	sadd.s32 $0xFFFFFEF7, lr;
	s5 =	simm.s32 $0xFFFFFFFF;
	p2 =	slt.u32 s8, $0xFFFFF086  }
0x1c: {  	p1 =	slt.u32 s9, $0xF7A;
	s5 =	simm.s32 @!p2 $0x0  }
0x1d: {  	s5 =	simm.s32 @p1 $0x1;
	p0 =	seq.s32 s7, s2  }
0x1e: {  	s7 =	smul.u32 @!p0 $0xF7A, s2;
	p2 =	seq.s32 @!p0 s5, $0x0  }
0x1f: {  	s9 =	smul.u32 $0xF7A, s1;
	s8 =	simm.s32 @!p0 $0x1BF5;
	p2 =	por !p2, p0  }
0x20: {  	[sflag:s8] =	ssyncset.s32 @!p0 $0xFFFFF086;
	s6 =	sadd.s32 @!p0 s3, s7;
	s7 =	simm.s32 @!p0 $0x108  }
0x21: {  	s3 =	sadd.s32 s3, s9;
	s6 =	sadd.s32 @!p0 $0x88, s6;
	s7 =	simm.s32 @p2 $0x1082  }
0x22: {  	[simem:s7], [sflag:s8] =	dma.local @!p0 [hbm:s6], $0xF7A  }
0x23: {  	s9 =	sor.u32 $0xD0000000, s2;
	s6 =	simm.s32 $0x108;
	_ =	swait.ge @!p0 [sflag:s8], $0x0  }
0x24: {  	s3 =	sadd.s32 $0x88, s3;
	s6 =	simm.s32 @!p1 $0x1082;
	[sflag:s4] =	ssyncset.s32 $0xFFFFF086  }
0x25: {  	[simem:s6], [sflag:s4] =	dma.local [hbm:s3], $0xF7A  }
0x26: {  	[smem:$0x3F8B] =	sst s1;
	(tag) =	ssettag s2;
	_ =	strace s9  }
0x27: {  	s1 =	sld [smem:$0x3F9B]  }
0x28: {  	s2 =	sld [smem:$0x3F9C]  }
0x29: {  	s4 =	sld [smem:$0x3F9E]  }
0x2a: {  	p0 =	seq.s32 s5, $0x0;
	s5 =	sld [smem:$0x3F9F]  }
0x2b: {  	s6 =	sld [smem:$0x3FA0]  }
0x2c: {  	s7 =	sld [smem:$0x3FA1]  }
0x2d: {  	s3 =	simm.s32 $0x108;
	s8 =	sld [smem:$0x3FA2]  }
0x2e: {  	s3 =	simm.s32 @!p0 $0x1082;
	s9 =	sld [smem:$0x3FA3]  }
0x2f: {  	lr =	sadd.s32 s0, s3;
	s0 =	sld [smem:$0x3F9A]  }
0x30: {  	s3 =	sld [smem:$0x3F9D]  }
0x31: {  	[smem:$0x3FA6] =	sst s10  }
0x32: {  	s10 =	sld [smem:$0x3FA4];
	_ =	sdelay $0x3  }
0x33: {  	p0 =	seq.s32 s10, $0x1;
	s10 =	sld [smem:$0x3FA6];
	_ =	sdelay $0x3  }
0x34: {  	[smem:$0x3FA6] =	sst s10  }
0x35: {  	s10 =	sld [smem:$0x3FA5];
	_ =	sdelay $0x3  }
0x36: {  	p1 =	seq.s32 s10, $0x1;
	s10 =	sld [smem:$0x3FA6];
	_ =	sdelay $0x3  }
0x37: {  	[smem:$0x3FA6] =	sst s10  }
0x38: {  	s10 =	sld [smem:$0x3FA7]  }
0x39: {  	_ = 	snop;
	(pc) =	sbr.ind lr, $3  }
0x3a: {  	_ = 	snop  }
0x3b: {  	_ = 	snop  }
0x3c: {  	p2 =	seq.s32 s10, $0x1;
	s10 =	sld [smem:$0x3FA6]  }
0x3d: {  	_ =	shalt  }
0x3e: {  	_ =	shalt  }
0x3f: {  	_ =	shalt  }
0x40: {  	_ =	shalt  }
0x41: {  	_ =	shalt  }
0x42: {  	_ =	shalt  }
0x43: {  	_ =	shalt  }
0x44: {  	_ =	shalt  }
0x45: {  	_ =	shalt  }
0x46: {  	_ =	shalt  }
0x47: {  	_ =	shalt  }
0x48: {  	_ =	shalt  }
0x49: {  	_ =	shalt  }
0x4a: {  	_ =	shalt  }
0x4b: {  	_ =	shalt  }
0x4c: {  	_ =	shalt  }
0x4d: {  	_ =	shalt  }
0x4e: {  	_ =	shalt  }
0x4f: {  	_ =	shalt  }
0x50: {  	_ =	shalt  }
0x51: {  	_ =	shalt  }
0x52: {  	_ =	shalt  }
0x53: {  	_ =	shalt  }
0x54: {  	_ =	shalt  }
0x55: {  	_ =	shalt  }
0x56: {  	_ =	shalt  }
0x57: {  	_ =	shalt  }
0x58: {  	_ =	shalt  }
0x59: {  	_ =	shalt  }
0x5a: {  	_ =	shalt  }
0x5b: {  	_ =	shalt  }
0x5c: {  	_ =	shalt  }
0x5d: {  	_ =	shalt  }
0x5e: {  	_ =	shalt  }
0x5f: {  	_ =	shalt  }
0x60: {  	_ =	shalt  }
0x61: {  	_ =	shalt  }
0x62: {  	_ =	shalt  }
0x63: {  	_ =	shalt  }
0x64: {  	_ =	shalt  }
0x65: {  	_ =	shalt  }
0x66: {  	_ =	shalt  }
0x67: {  	_ =	shalt  }
0x68: {  	_ =	shalt  }
0x69: {  	_ =	shalt  }
0x6a: {  	_ =	shalt  }
0x6b: {  	_ =	shalt  }
0x6c: {  	_ =	shalt  }
0x6d: {  	_ =	shalt  }
0x6e: {  	_ =	shalt  }
0x6f: {  	_ =	shalt  }
0x70: {  	_ =	shalt  }
0x71: {  	_ =	shalt  }
0x72: {  	_ =	shalt  }
0x73: {  	_ =	shalt  }
0x74: {  	_ =	shalt  }
0x75: {  	_ =	shalt  }
0x76: {  	_ =	shalt  }
0x77: {  	_ =	shalt  }
0x78: {  	_ =	shalt  }
0x79: {  	_ =	shalt  }
0x7a: {  	_ =	shalt  }
0x7b: {  	_ =	shalt  }
0x7c: {  	_ =	shalt  }
0x7d: {  	_ =	shalt  }
0x7e: {  	_ =	shalt  }
0x7f: {  	_ =	shalt  }
0x80: {  	_ =	shalt  }
0x81: {  	_ =	shalt  }
0x82: {  	_ =	shalt  }
0x83: {  	_ =	shalt  }
0x84: {  	_ =	shalt  }
0x85: {  	_ =	shalt  }
0x86: {  	_ =	shalt  }
0x87: {  	_ =	shalt  }
.Lfunc_end0:
.L_simem_size_0:
called_computation.1_lowered:
.L_overlay_start_0:
0x88: {  	s2 =	sld [smem:$0x3FD9]  }
0x89: {  	s3 =	sld [smem:$0x3FFE];
	_ =	sdelay $0x1  }
0x8a: {  	s1 =	srdreg.scid  }
0x8b: {  	s0 =	sand.u32 $0x1, s1  }
0x8c: {  	s17 =	sshll.u32 s0, $0xA;
	s2 =	sadd.s32 s3, s2  }
0x8d: {  	s2 =	sadd.s32 s2, s17  }
0x8e: {  	[smem:$0x3FB2] =	sst s2  }
0x8f: {  	_ = 	snop  }
0x90: {  	s2 =	sld [smem:$0x3FD0];
	(tm) =	ssettm $0x1  }
0x91: {  	s18 =	sld [smem:$0x3FFB];
	_ =	sdelay $0x3  }
0x92: {  	_ =	strace s18  }
0x93: {  	s3 =	sld [smem:$0x3FFC];
	_ =	sdelay $0x3  }
0x94: {  	_ =	strace s3  }
0x95: {  	s3 =	sld [smem:$0x3FFD];
	_ =	sdelay $0x3  }
0x96: {  	_ =	strace s3  }
0x97: {  	_ =	strace $0x8FFFFFFF  }
0x98: {  	s19 =	sld [smem:$0x3FDB];
	_ =	sdelay $0x1  }
0x99: {  	s4 =	simm.s32 $_scs_section_size  }
0x9a: {  	s5 =	simm.s32 $_size__tile_overlayer_lowered;
	s6 =	simm.s32 $_tile_overlayer_lowered  }
0x9b: {  	s22 =	simm.s32 $0x1BFF;
	s21 =	sshll.u32 s6, $0x1;
	s3 =	sadd.s32 s4, s19  }
0x9c: {  	s7 =	simm.s32 $0x0;
	s20 =	sshll.u32 s5, $0x1;
	s5 =	sadd.s32 s21, s3  }
0x9d: {  	[timem:s7], [sflag:s22] =	dma.local [hbm:s5], s20  }
0x9e: {  	_ =	swait.ge [sflag:s22], s20  }
0x9f: {  	s4 =	ssub.s32 $0x0, s20;
	[sflag:s22] =	ssyncset.done $0x0  }
0xa0: {  	[sflag:s22] =	ssyncadd.s32 s4;
	_ =	sdelay $0x1  }
0xa1: {  	s23 =	simm.s32 $0x1B8B  }
0xa2: {  	_ =	swait.ge [sflag:s23], $0x1  }
0xa3: {  	[sflag:s23] =	ssyncset.done $0x0  }
0xa4: {  	s25 =	simm.s32 $0x1B8E;
	s24 =	sld [smem:$0x3FFE];
	[sflag:s23] =	ssyncadd.s32 $0xFFFFFFFF  }
0xa5: {  	s26 =	simm.s32 $execute0_lowered;
	[smem:$0x3FD2] =	sst s25  }
0xa6: {  	s5 =	sshll.u32 s26, $0x1;
	_ =	strace $0x80000049;
	[dreg:$0x1] =	wrdreg $0xFFFFFFFF  }
0xa7: {  	s28 =	simm.s32 $_size_execute0_lowered;
	s3 =	sadd.s32 s3, s5;
	[dreg:$0x0] =	wrdreg $0x0  }
0xa8: {  	s5 =	sshll.u32 s28, $0x1;
	[dreg:$0x2] =	wrdreg s3  }
0xa9: {  	[dreg:$0x3] =	wrdreg s5  }
0xaa: {  	[dreg:$0x4] =	wrdreg $0xC0  }
0xab: {  	_ =	task [dreg:s7], $0x5FFFF  }
0xac: {  	[dreg:$0x1] =	wrdreg $0xFFFFFFFF  }
0xad: {  	[dreg:$0x0] =	wrdreg $0x60  }
0xae: {  	[dreg:$0x2] =	wrdreg s24  }
0xaf: {  	[dreg:$0x3] =	wrdreg s2  }
0xb0: {  	[dreg:$0x4] =	wrdreg $0x108400  }
0xb1: {  	[dreg:$0x5] =	wrdreg $0x9  }
0xb2: {  	_ =	task.clear_ibuf [dreg:s7], $0x6FFFF;
	_ =	strace $0x90000049  }
0xb3: {  	s29 =	simm.s32 $0x9;
	_ =	strace $0x8000004B  }
0xb4: {  	_ =	swait.ge [sflag:s29], $0x1  }
0xb5: {  	[sflag:s29] =	ssyncadd.s32 $0xFFFFFFFF  }
0xb6: {  	_ =	strace $0x9000004B  }
0xb7: {  	_ =	sfence  }
0xb8: {  	s30 =	sld [smem:$0x0];
	_ =	sdelay $0x2  }
0xb9: {  	s31 =	sshll.u32 s1, $0xD;
	s1 =	sshrl.u32 s1, $0x2  }
0xba: {  	s3 =	sand.u32 $0x4000, s31;
	s1 =	sadd.s32 s1, s30  }
0xbb: {  	s0 =	sor.u32 s3, s0;
	s1 =	sshll.u32 s1, $0x11  }
0xbc: {  	s0 =	sor.u32 s1, s0  }
0xbd: {  	s0 =	sadd.s32 $0x8F2B, s0  }
0xbe: {  	[sflag:s0] =	ssyncadd.remote.s32 $0x1  }
0xbf: {  	_ =	sfence.sel $0xFFFF  }
0xc0: {  	[dreg:$0x0] =	wrdreg $0xFFFFFFFF;
	(pc) =	sbr.abs _section_cstart, $3  }
0xc1: {  	[dreg:$0x1] =	wrdreg $0xFFFFFFFF  }
0xc2: {  	_ =	task.clear_ibuf [dreg:s7], $0x2FFFF;
	_ =	strace $0x9FFFFFFF  }
0xc3: {  	(tm) =	ssettm $0x7FFFFFFF  }
tec
execute0_lowered:
.L_overlay_start_1:
0x0: {  	(tag) =	ssettag $0x1  }
0x1: {  	s4 =	rddreg [dreg:$0x0]  }
0x2: {  	s10 =	rddreg [dreg:$0x1]  }
0x3: {  	s2 =	rddreg [dreg:$0x2]  }
0x4: {  	s0 =	srdreg.scid;
	s1 =	rddreg [dreg:$0x3]  }
0x5: {  	s3 =	simm.s32 $0x0;
	s17 =	simm.s32 $0x9C00;
	s5 =	sand.u32 $0x1, s0  }
0x6: {  	s18 =	simm.s32 $0x9C20;
	s0 =	stileid.u32;
	s6 =	smul.u32 $0x1D4C0, s5  }
0x7: {  	s19 =	simm.s32 $0x9C40;
	s20 =	simm.s32 $0x40;
	s7 =	smul.u32 $0x9C0, s0  }
0x8: {  	s21 =	simm.s32 $0x4;
	[smem:$0x7FF] =	sst s3;
	s8 =	smul.u32 $0xED00, s0  }
0x9: {  	s22 =	simm.s32 $0x20;
	s9 =	smul.u32 $0xED000, s5;
	_ =	strace $0x8000004A  }
0xa: {  	s13 =	sshll.u32 s0, $0x2;
	s29 =	smul.u32 $0x3B400, s0;
	s5 =	ssub.s32 $0x2, s5  }
0xb: {  	s14 =	sadd.s32 s13, s4;
	s30 =	sshrl.u32 s5, $0x1;
	s10 =	sadd.s32 s10, s13  }
0xc: {  	s12 =	sadd.s32 s6, s4;
	s11 =	sadd.s32 s7, s4;
	s28 =	sadd.s32 s8, s9  }
0xd: {  	s31 =	sshrl.u32 s29, $0x2;
	s16 =	ssub.s32 s5, s30;
	s6 =	sshrl.u32 s28, $0x3  }
.Ltmp0:
0xe: {  	s7 =	sadd.s32 s31, s2;
	s9 =	sadd.s32 $0x18000, s11;
	(pc) =	sbr.rel .LBB2_1-.Ltmp0, $4  }
0xf: {  	s12 =	sadd.s32 $0xC8A00, s12;
	s15 =	sadd.s32 s6, s4;
	s4 =	sadd.s32 s8, s2  }
0x10: {  	s5 =	sadd.s32 $0x3C00, s7;
	s6 =	sadd.s32 $0x7800, s7;
	s7 =	sadd.s32 $0xB400, s7  }
0x11: {  	s8 =	sadd.s32 $0x21C00, s11;
	s11 =	sadd.s32 $0x17E00, s14;
	s14 =	smax.u32 s16, $0x1  }
0x12: {  	v0 =	vimm.f32 $0.0e+00;
	s16 =	simm.s32 $0x5;
	s13 =	sadd.s32 $0x103400, s15;
	s15 =	simm.s32 $0xCC40  }
.LBB2_6:
0x13: {  	_ =	swait.ge [sflag:s21], $0x1800  }
0x14: {  	[sflag:s21] =	ssyncset.done $0x0  }
0x15: {  	[sflag:s21] =	ssyncadd.s32 $0xFFFFE800  }
0x16: {  	[tilespmem:s19], [sflag:$0x5] =	stream.indirect.gather [hbm4b:s12+s22], $0x60, s17, s22, $0xb8;
	[tilespmem:$0x1F540] =	vst v63  }
0x17: {  	_ =	swait.ge [sflag:s16], $0xC00  }
0x18: {  	[sflag:s16] =	ssyncset.done $0x0  }
0x19: {  	[sflag:s16] =	ssyncadd.s32 $0xFFFFF400  }
0x1a: {  	[spmem:s2] =	stream.indirect.scatter.add.f32 [tilespmem:s19], [sflag:$0x5], $0x60, s18, s22, $0xb8;
	[tilespmem:$0x1F540] =	vst v63  }
0x1b: {  	_ =	swait.ge [sflag:s16], $0xC00  }
0x1c: {  	s23 =	sshll.u32 s0, $0x6;
	s3 =	sadd.s32 $0x1, s3;
	[sflag:s16] =	ssyncset.done $0x0  }
0x1d: {  	s24 =	sshrl.u32 s4, $0x3;
	p0 =	sne.s32 s3, s14;
	[sflag:s16] =	ssyncadd.s32 $0xFFFFF400  }
.Ltmp1:
0x1e: {  	s23 =	sor.u32 $0x1C05, s23;
	[bflag:$0x0] =	sbarrier.arrive $0xFFFF;
	(pc) =	sbr.rel @!p0 .LBB2_7-.Ltmp1, $4  }
0x1f: {  	[hbm:s13], [sflag:s23] =	dma.local [spmem:s24], $0x1DA0  }
0x20: {  	_ =	swait.ge [sflag:s16], $0x1DA0  }
0x21: {  	[sflag:s16] =	ssyncset.done $0x0  }
0x22: {  	[sflag:s16] =	ssyncadd.s32 $0xFFFFE260  }
.LBB2_1:
0x23: {  	s23 =	simm.s32 $0x0  }
0x24: {  	[tilespmem:s23+$0xCC90] =	vst v0  }
0x25: {  	[tilespmem:s23+$0xCC40] =	vst v0  }
0x26: {  	[tilespmem:s23+$0xCC50] =	vst v0  }
0x27: {  	[tilespmem:s23+$0xCC60] =	vst v0  }
0x28: {  	s24 =	simm.s32 $0x180;
	[tilespmem:s23+$0xCC70] =	vst v0  }
.LBB2_2:
0x29: {  	p0 =	sne.s32 s24, $0xEE80;
	[tilespmem:s23+$0xCC80] =	vst v0;
	s23 =	sshra.s32 s24, $0x2;
	s24 =	sadd.s32 $0x180, s24  }
.Ltmp2:
0x2a: {  	[tilespmem:s23+$0xCC90] =	vst v0;
	(pc) =	sbr.rel @p0 .LBB2_2-.Ltmp2, $4  }
0x2b: {  	[tilespmem:s23+$0xCC40] =	vst v0  }
0x2c: {  	[tilespmem:s23+$0xCC50] =	vst v0  }
0x2d: {  	[tilespmem:s23+$0xCC60] =	vst v0  }
0x2e: {  	[tilespmem:s23+$0xCC70] =	vst v0  }
0x2f: {  	[tilespmem:s23+$0xCC80] =	vst v0  }
0x30: {  	[spmem:s4] =	stream.linear.scatter [tilespmem:s15], [sflag:$0x5], $0x3C00, $0x38;
	[tilespmem:$0x1F540] =	vst v63  }
0x31: {  	_ =	swait.ge [sflag:s16], $0x3C00  }
0x32: {  	[sflag:s16] =	ssyncset.done $0x0  }
0x33: {  	[sflag:s16] =	ssyncadd.s32 $0xFFFFC400  }
0x34: {  	[spmem:s5] =	stream.linear.scatter [tilespmem:s15], [sflag:$0x5], $0x3C00, $0x38;
	[tilespmem:$0x1F540] =	vst v63  }
0x35: {  	_ =	swait.ge [sflag:s16], $0x3C00  }
0x36: {  	[sflag:s16] =	ssyncset.done $0x0  }
0x37: {  	[sflag:s16] =	ssyncadd.s32 $0xFFFFC400  }
0x38: {  	[spmem:s6] =	stream.linear.scatter [tilespmem:s15], [sflag:$0x5], $0x3C00, $0x38;
	[tilespmem:$0x1F540] =	vst v63  }
0x39: {  	_ =	swait.ge [sflag:s16], $0x3C00  }
0x3a: {  	[sflag:s16] =	ssyncset.done $0x0  }
0x3b: {  	[sflag:s16] =	ssyncadd.s32 $0xFFFFC400  }
0x3c: {  	[spmem:s7] =	stream.linear.scatter [tilespmem:s15], [sflag:$0x5], $0x3900, $0x38;
	[tilespmem:$0x1F540] =	vst v63  }
0x3d: {  	_ =	swait.ge [sflag:s16], $0x3900  }
0x3e: {  	[sflag:s16] =	ssyncset.done $0x0  }
0x3f: {  	[sflag:s16] =	ssyncadd.s32 $0xFFFFC700  }
0x40: {  	s23 =	simm.s32 $0x0;
	[bflag:$0x0] =	sbarrier.arrive $0xFFFF  }
0x41: {  	[tilespmem:s23], [sflag:$0x5] =	stream.linear.gather [hbm4b:s8+s23], $0x4E00, $0x38;
	[tilespmem:$0x1F540] =	vst v63  }
0x42: {  	_ =	swait.ge [sflag:s16], $0x4E00  }
0x43: {  	[sflag:s16] =	ssyncset.done $0x0  }
0x44: {  	s24 =	simm.s32 $0x4E00;
	[sflag:s16] =	ssyncadd.s32 $0xFFFFB200  }
0x45: {  	[tilespmem:s24], [sflag:$0x5] =	stream.linear.gather [hbm4b:s9+s23], $0x4E00, $0x38;
	[tilespmem:$0x1F540] =	vst v63  }
0x46: {  	_ =	swait.ge [sflag:s16], $0x4E00  }
0x47: {  	[sflag:s16] =	ssyncset.done $0x0  }
0x48: {  	[sflag:s16] =	ssyncadd.s32 $0xFFFFB200  }
0x49: {  	[tilespmem:s17], [sflag:$0x5] =	stream.linear.gather [hbm4b:s10+s23], $0x20, $0x38;
	[tilespmem:$0x1F540] =	vst v63  }
0x4a: {  	_ =	swait.ge [sflag:s16], $0x20  }
0x4b: {  	[sflag:s16] =	ssyncset.done $0x0  }
0x4c: {  	[sflag:s16] =	ssyncadd.s32 $0xFFFFFFE0  }
0x4d: {  	[tilespmem:s18], [sflag:$0x5] =	stream.linear.gather [hbm4b:s11+s23], $0x20, $0x38;
	[tilespmem:$0x1F540] =	vst v63  }
0x4e: {  	_ =	swait.ge [sflag:s16], $0x20  }
0x4f: {  	[sflag:s16] =	ssyncset.done $0x0  }
0x50: {  	s25 =	simm.s32 $0x40;
	[sflag:s16] =	ssyncadd.s32 $0xFFFFFFE0  }
0x51: {  	[tilespmem:s19], [sflag:$0x1] =	stream.indirect.gather [hbm4b:s12+s25], $0x60, s23, s25, $0xb8;
	[tilespmem:$0x1F540] =	vst v63  }
.LBB2_4:
0x52: {  	s26 =	sand.u32 $0x1, s23  }
0x53: {  	s28 =	smul.u32 $0x6000, s26;
	s29 =	sadd.s32 $0x1, s26  }
0x54: {  	p0 =	seq.s32 s23, $0x0;
	s31 =	sadd.s32 $0x3, s26;
	_ =	swait.ge [sflag:s29], $0x1800  }
0x55: {  	p1 =	seq.s32 @!p0 s23, $0x137;
	s28 =	sshrl.u32 s28, $0x2;
	[sflag:s29] =	ssyncset.done $0x0  }
0x56: {  	p1 =	por p0, !p1;
	s28 =	sadd.s32 $0x9C40, s28;
	[sflag:s29] =	ssyncadd.s32 $0xFFFFE800  }
0x57: {  	[spmem:s2] =	stream.indirect.scatter.add.f32 [tilespmem:s28], [sflag:s31], $0x60, s24, s20, $0xb8;
	[tilespmem:$0x1F540] =	vst v63  }
.Ltmp3:
0x58: {  	s26 =	sxor.u32 @!p0 $0x1, s26;
	(pc) =	sbr.rel @!p1 .LBB2_6-.Ltmp3, $4  }
0x59: {  	s28 =	sadd.s32 @!p0 $0x3, s26  }
0x5a: {  	_ =	swait.ge @!p0 [sflag:s28], $0x1800  }
0x5b: {  	[sflag:s28] =	ssyncset.done @!p0 $0x0  }
0x5c: {  	[sflag:s28] =	ssyncadd.s32 @!p0 $0xFFFFE800  }
0x5d: {  	s26 =	simm.s32 @p0 $0x1  }
0x5e: {  	s28 =	smul.u32 $0x6000, s26  }
.Ltmp4:
0x5f: {  	_ = 	snop;
	(pc) =	sbr.rel .LBB2_4-.Ltmp4, $4  }
0x60: {  	s28 =	sshrl.u32 s28, $0x2  }
0x61: {  	s26 =	sadd.s32 $0x1, s26;
	s28 =	sadd.s32 $0x9C40, s28  }
0x62: {  	[tilespmem:s28], [sflag:s26] =	stream.indirect.gather [hbm4b:s12+s20], $0x60, s25, s20, $0xb8;
	[tilespmem:$0x1F540] =	vst v63  }
0x63: {  	s23 =	sadd.s32 $0x1, s23;
	s24 =	sadd.s32 $0x40, s24;
	s25 =	sadd.s32 $0x40, s25  }
.LBB2_7:
0x64: {  	_ =	sfence.sel $0x180000  }
0x65: {  	[bflag:$0x0] =	sbarrier.arrive $0xFFFF  }
0x66: {  	p0 =	sne.s32 s0, $0x0;
	_ =	strace $0x9000004A  }
0x67: {  	s0 =	sadd.s32 @!p0 $0x100000, s1;
	[bflag:$0x2] =	sbarrier.arrive $0xFFFF  }
0x68: {  	[sflag:s0] =	ssyncadd.tile.s32 @!p0 $0x1;
	_ =	shalt  }
.Lfunc_end2:
_tile_overlayer_lowered:
.L_overlay_start_2:
0x69: {  	(tag) =	ssettag $0x2  }
0x6a: {  	s0 =	rddreg [dreg:$0x0];
	s2 =	stileid.u32  }
0x6b: {  	s1 =	rddreg [dreg:$0x1];
	p0 =	sne.s32 s2, $0x0  }
0x6c: {  	s3 =	rddreg [dreg:$0x2];
	[bflag:$0x3] =	sbarrier.arrive $0xFFFF;
	s2 =	simm.s32 @!p0 $0x1C05  }
0x6d: {  	[timem:s3], [sflag:s2] =	dma.local @!p0 [hbm:s0], s1  }
0x6e: {  	s0 =	simm.s32 @!p0 $0x5  }
0x6f: {  	_ =	swait.ge @!p0 [sflag:s0], s1  }
0x70: {  	s1 =	ssub.s32 @!p0 $0x0, s1;
	[sflag:s0] =	ssyncset.done @!p0 $0x0  }
0x71: {  	[sflag:s0] =	ssyncadd.s32 @!p0 s1  }
0x72: {  	[bflag:$0x3] =	sbarrier.arrive $0xFFFF  }
0x73: {  	_ =	shalt  }

// kernel: kernel.18.cloned.1.call-start
scs
__scs_entry_jumppad:
0x0: {  	(pc) =	sbr.rel $0x88, $3  }
0x1: {  	(tag) =	ssettag $0x0;
	lr =	simm.s32 $0x1  }
0x2: {  	[smem:$0x3F8B] =	sst lr;
	_ =	strace $0xD0000000  }
0x3: {  	_ = 	snop  }
0x4: {  	_ = 	snop  }
0x5: {  	_ = 	snop  }
0x6: {  	_ = 	snop  }
0x7: {  	_ = 	snop  }
__scs_overlays_trampoline_lowered:
0x8: {  	[smem:$0x3F9A] =	sst s0  }
0x9: {  	[smem:$0x3F9B] =	sst s1  }
0xa: {  	[smem:$0x3F9C] =	sst s2  }
0xb: {  	[smem:$0x3F9D] =	sst s3  }
0xc: {  	[smem:$0x3F9E] =	sst s4  }
0xd: {  	[smem:$0x3F9F] =	sst s5  }
0xe: {  	[smem:$0x3FA0] =	sst s6  }
0xf: {  	[smem:$0x3FA1] =	sst s7  }
0x10: {  	[smem:$0x3FA2] =	sst s8  }
0x11: {  	[smem:$0x3FA3] =	sst s9;
	s0 =	simm.s32 @!p0 $0x0  }
0x12: {  	s1 =	sld [smem:$0x3F89];
	s0 =	simm.s32 @p0 $0x1  }
0x13: {  	[smem:$0x3FA4] =	sst s0;
	s0 =	simm.s32 @!p1 $0x0  }
0x14: {  	s2 =	sld [smem:$0x3F88];
	s0 =	simm.s32 @p1 $0x1  }
0x15: {  	[smem:$0x3FA5] =	sst s0;
	s0 =	simm.s32 @!p2 $0x0  }
0x16: {  	s3 =	sld [smem:$0x3FDB];
	s0 =	simm.s32 @p2 $0x1  }
0x17: {  	s4 =	simm.s32 $0x1BF5;
	[smem:$0x3FA7] =	sst s0  }
0x18: {  	s0 =	sld [smem:$0x3F8A];
	_ =	swait.ge [sflag:s4], $0x0  }
0x19: {  	s7 =	sld [smem:$0x3F8B]  }
0x1a: {  	s8 =	sadd.s32 $0xFFFFE003, lr  }
0x1b: {  	s9 =	sadd.s32 $0xFFFFFEF7, lr;
	s5 =	simm.s32 $0xFFFFFFFF;
	p2 =	slt.u32 s8, $0xFFFFF086  }
0x1c: {  	p1 =	slt.u32 s9, $0xF7A;
	s5 =	simm.s32 @!p2 $0x0  }
0x1d: {  	s5 =	simm.s32 @p1 $0x1;
	p0 =	seq.s32 s7, s2  }
0x1e: {  	s7 =	smul.u32 @!p0 $0xF7A, s2;
	p2 =	seq.s32 @!p0 s5, $0x0  }
0x1f: {  	s9 =	smul.u32 $0xF7A, s1;
	s8 =	simm.s32 @!p0 $0x1BF5;
	p2 =	por !p2, p0  }
0x20: {  	[sflag:s8] =	ssyncset.s32 @!p0 $0xFFFFF086;
	s6 =	sadd.s32 @!p0 s3, s7;
	s7 =	simm.s32 @!p0 $0x108  }
0x21: {  	s3 =	sadd.s32 s3, s9;
	s6 =	sadd.s32 @!p0 $0x88, s6;
	s7 =	simm.s32 @p2 $0x1082  }
0x22: {  	[simem:s7], [sflag:s8] =	dma.local @!p0 [hbm:s6], $0xF7A  }
0x23: {  	s9 =	sor.u32 $0xD0000000, s2;
	s6 =	simm.s32 $0x108;
	_ =	swait.ge @!p0 [sflag:s8], $0x0  }
0x24: {  	s3 =	sadd.s32 $0x88, s3;
	s6 =	simm.s32 @!p1 $0x1082;
	[sflag:s4] =	ssyncset.s32 $0xFFFFF086  }
0x25: {  	[simem:s6], [sflag:s4] =	dma.local [hbm:s3], $0xF7A  }
0x26: {  	[smem:$0x3F8B] =	sst s1;
	(tag) =	ssettag s2;
	_ =	strace s9  }
0x27: {  	s1 =	sld [smem:$0x3F9B]  }
0x28: {  	s2 =	sld [smem:$0x3F9C]  }
0x29: {  	s4 =	sld [smem:$0x3F9E]  }
0x2a: {  	p0 =	seq.s32 s5, $0x0;
	s5 =	sld [smem:$0x3F9F]  }
0x2b: {  	s6 =	sld [smem:$0x3FA0]  }
0x2c: {  	s7 =	sld [smem:$0x3FA1]  }
0x2d: {  	s3 =	simm.s32 $0x108;
	s8 =	sld [smem:$0x3FA2]  }
0x2e: {  	s3 =	simm.s32 @!p0 $0x1082;
	s9 =	sld [smem:$0x3FA3]  }
0x2f: {  	lr =	sadd.s32 s0, s3;
	s0 =	sld [smem:$0x3F9A]  }
0x30: {  	s3 =	sld [smem:$0x3F9D]  }
0x31: {  	[smem:$0x3FA6] =	sst s10  }
0x32: {  	s10 =	sld [smem:$0x3FA4];
	_ =	sdelay $0x3  }
0x33: {  	p0 =	seq.s32 s10, $0x1;
	s10 =	sld [smem:$0x3FA6];
	_ =	sdelay $0x3  }
0x34: {  	[smem:$0x3FA6] =	sst s10  }
0x35: {  	s10 =	sld [smem:$0x3FA5];
	_ =	sdelay $0x3  }
0x36: {  	p1 =	seq.s32 s10, $0x1;
	s10 =	sld [smem:$0x3FA6];
	_ =	sdelay $0x3  }
0x37: {  	[smem:$0x3FA6] =	sst s10  }
0x38: {  	s10 =	sld [smem:$0x3FA7]  }
0x39: {  	_ = 	snop;
	(pc) =	sbr.ind lr, $3  }
0x3a: {  	_ = 	snop  }
0x3b: {  	_ = 	snop  }
0x3c: {  	p2 =	seq.s32 s10, $0x1;
	s10 =	sld [smem:$0x3FA6]  }
0x3d: {  	_ =	shalt  }
0x3e: {  	_ =	shalt  }
0x3f: {  	_ =	shalt  }
0x40: {  	_ =	shalt  }
0x41: {  	_ =	shalt  }
0x42: {  	_ =	shalt  }
0x43: {  	_ =	shalt  }
0x44: {  	_ =	shalt  }
0x45: {  	_ =	shalt  }
0x46: {  	_ =	shalt  }
0x47: {  	_ =	shalt  }
0x48: {  	_ =	shalt  }
0x49: {  	_ =	shalt  }
0x4a: {  	_ =	shalt  }
0x4b: {  	_ =	shalt  }
0x4c: {  	_ =	shalt  }
0x4d: {  	_ =	shalt  }
0x4e: {  	_ =	shalt  }
0x4f: {  	_ =	shalt  }
0x50: {  	_ =	shalt  }
0x51: {  	_ =	shalt  }
0x52: {  	_ =	shalt  }
0x53: {  	_ =	shalt  }
0x54: {  	_ =	shalt  }
0x55: {  	_ =	shalt  }
0x56: {  	_ =	shalt  }
0x57: {  	_ =	shalt  }
0x58: {  	_ =	shalt  }
0x59: {  	_ =	shalt  }
0x5a: {  	_ =	shalt  }
0x5b: {  	_ =	shalt  }
0x5c: {  	_ =	shalt  }
0x5d: {  	_ =	shalt  }
0x5e: {  	_ =	shalt  }
0x5f: {  	_ =	shalt  }
0x60: {  	_ =	shalt  }
0x61: {  	_ =	shalt  }
0x62: {  	_ =	shalt  }
0x63: {  	_ =	shalt  }
0x64: {  	_ =	shalt  }
0x65: {  	_ =	shalt  }
0x66: {  	_ =	shalt  }
0x67: {  	_ =	shalt  }
0x68: {  	_ =	shalt  }
0x69: {  	_ =	shalt  }
0x6a: {  	_ =	shalt  }
0x6b: {  	_ =	shalt  }
0x6c: {  	_ =	shalt  }
0x6d: {  	_ =	shalt  }
0x6e: {  	_ =	shalt  }
0x6f: {  	_ =	shalt  }
0x70: {  	_ =	shalt  }
0x71: {  	_ =	shalt  }
0x72: {  	_ =	shalt  }
0x73: {  	_ =	shalt  }
0x74: {  	_ =	shalt  }
0x75: {  	_ =	shalt  }
0x76: {  	_ =	shalt  }
0x77: {  	_ =	shalt  }
0x78: {  	_ =	shalt  }
0x79: {  	_ =	shalt  }
0x7a: {  	_ =	shalt  }
0x7b: {  	_ =	shalt  }
0x7c: {  	_ =	shalt  }
0x7d: {  	_ =	shalt  }
0x7e: {  	_ =	shalt  }
0x7f: {  	_ =	shalt  }
0x80: {  	_ =	shalt  }
0x81: {  	_ =	shalt  }
0x82: {  	_ =	shalt  }
0x83: {  	_ =	shalt  }
0x84: {  	_ =	shalt  }
0x85: {  	_ =	shalt  }
0x86: {  	_ =	shalt  }
0x87: {  	_ =	shalt  }
.Lfunc_end0:
.L_simem_size_0:
called_computation.2_lowered:
.L_overlay_start_0:
0x88: {  	s2 =	sld [smem:$0x3FD9]  }
0x89: {  	s3 =	sld [smem:$0x3FFE];
	_ =	sdelay $0x1  }
0x8a: {  	s1 =	srdreg.scid  }
0x8b: {  	s0 =	sand.u32 $0x1, s1  }
0x8c: {  	s17 =	sshll.u32 s0, $0xA;
	s2 =	sadd.s32 s3, s2  }
0x8d: {  	s2 =	sadd.s32 s2, s17  }
0x8e: {  	[smem:$0x3FB2] =	sst s2  }
0x8f: {  	_ = 	snop  }
0x90: {  	s2 =	sld [smem:$0x3FD0];
	(tm) =	ssettm $0x1  }
0x91: {  	s18 =	sld [smem:$0x3FFB];
	_ =	sdelay $0x3  }
0x92: {  	_ =	strace s18  }
0x93: {  	s3 =	sld [smem:$0x3FFC];
	_ =	sdelay $0x3  }
0x94: {  	_ =	strace s3  }
0x95: {  	s3 =	sld [smem:$0x3FFD];
	_ =	sdelay $0x3  }
0x96: {  	_ =	strace s3  }
0x97: {  	_ =	strace $0x8FFFFFFF  }
0x98: {  	s19 =	sld [smem:$0x3FDB];
	_ =	sdelay $0x1  }
0x99: {  	s4 =	simm.s32 $_scs_section_size  }
0x9a: {  	s5 =	simm.s32 $_size__tile_overlayer_lowered;
	s6 =	simm.s32 $_tile_overlayer_lowered  }
0x9b: {  	s22 =	simm.s32 $0x1BFF;
	s21 =	sshll.u32 s6, $0x1;
	s3 =	sadd.s32 s4, s19  }
0x9c: {  	s7 =	simm.s32 $0x0;
	s20 =	sshll.u32 s5, $0x1;
	s5 =	sadd.s32 s21, s3  }
0x9d: {  	[timem:s7], [sflag:s22] =	dma.local [hbm:s5], s20  }
0x9e: {  	_ =	swait.ge [sflag:s22], s20  }
0x9f: {  	s4 =	ssub.s32 $0x0, s20;
	[sflag:s22] =	ssyncset.done $0x0  }
0xa0: {  	[sflag:s22] =	ssyncadd.s32 s4;
	_ =	sdelay $0x1  }
0xa1: {  	s23 =	simm.s32 $0x1B8B  }
0xa2: {  	_ =	swait.ge [sflag:s23], $0x1  }
0xa3: {  	[sflag:s23] =	ssyncset.done $0x0  }
0xa4: {  	s25 =	simm.s32 $0x1B8E;
	s24 =	sld [smem:$0x3FFE];
	[sflag:s23] =	ssyncadd.s32 $0xFFFFFFFF  }
0xa5: {  	s26 =	simm.s32 $execute0_lowered;
	[smem:$0x3FD2] =	sst s25  }
0xa6: {  	s5 =	sshll.u32 s26, $0x1;
	_ =	strace $0x8000004C;
	[dreg:$0x1] =	wrdreg $0xFFFFFFFF  }
0xa7: {  	s28 =	simm.s32 $_size_execute0_lowered;
	s3 =	sadd.s32 s3, s5;
	[dreg:$0x0] =	wrdreg $0x0  }
0xa8: {  	s5 =	sshll.u32 s28, $0x1;
	[dreg:$0x2] =	wrdreg s3  }
0xa9: {  	[dreg:$0x3] =	wrdreg s5  }
0xaa: {  	[dreg:$0x4] =	wrdreg $0xC0  }
0xab: {  	_ =	task [dreg:s7], $0x5FFFF  }
0xac: {  	[dreg:$0x1] =	wrdreg $0xFFFFFFFF  }
0xad: {  	[dreg:$0x0] =	wrdreg $0x60  }
0xae: {  	[dreg:$0x2] =	wrdreg s24  }
0xaf: {  	[dreg:$0x3] =	wrdreg s2  }
0xb0: {  	[dreg:$0x4] =	wrdreg $0x108400  }
0xb1: {  	[dreg:$0x5] =	wrdreg $0x9  }
0xb2: {  	_ =	task.clear_ibuf [dreg:s7], $0x6FFFF;
	_ =	strace $0x9000004C  }
0xb3: {  	s29 =	simm.s32 $0x9;
	_ =	strace $0x8000004E  }
0xb4: {  	_ =	swait.ge [sflag:s29], $0x1  }
0xb5: {  	[sflag:s29] =	ssyncadd.s32 $0xFFFFFFFF  }
0xb6: {  	_ =	strace $0x9000004E  }
0xb7: {  	_ =	sfence  }
0xb8: {  	s30 =	sld [smem:$0x0];
	_ =	sdelay $0x2  }
0xb9: {  	s31 =	sshll.u32 s1, $0xD;
	s1 =	sshrl.u32 s1, $0x2  }
0xba: {  	s3 =	sand.u32 $0x4000, s31;
	s1 =	sadd.s32 s1, s30  }
0xbb: {  	s0 =	sor.u32 s3, s0;
	s1 =	sshll.u32 s1, $0x11  }
0xbc: {  	s0 =	sor.u32 s1, s0  }
0xbd: {  	s0 =	sadd.s32 $0x8F2B, s0  }
0xbe: {  	[sflag:s0] =	ssyncadd.remote.s32 $0x1  }
0xbf: {  	_ =	sfence.sel $0xFFFF  }
0xc0: {  	[dreg:$0x0] =	wrdreg $0xFFFFFFFF;
	(pc) =	sbr.abs _section_cstart, $3  }
0xc1: {  	[dreg:$0x1] =	wrdreg $0xFFFFFFFF  }
0xc2: {  	_ =	task.clear_ibuf [dreg:s7], $0x2FFFF;
	_ =	strace $0x9FFFFFFF  }
0xc3: {  	(tm) =	ssettm $0x7FFFFFFF  }
tec
execute0_lowered:
.L_overlay_start_1:
0x0: {  	(tag) =	ssettag $0x1  }
0x1: {  	s4 =	rddreg [dreg:$0x0]  }
0x2: {  	s10 =	rddreg [dreg:$0x1]  }
0x3: {  	s2 =	rddreg [dreg:$0x2]  }
0x4: {  	s0 =	srdreg.scid;
	s1 =	rddreg [dreg:$0x3]  }
0x5: {  	s3 =	simm.s32 $0x0;
	s17 =	simm.s32 $0x9C00;
	s5 =	sand.u32 $0x1, s0  }
0x6: {  	s18 =	simm.s32 $0x9C20;
	s0 =	stileid.u32;
	s6 =	smul.u32 $0x1D4C0, s5  }
0x7: {  	s19 =	simm.s32 $0x9C40;
	s20 =	simm.s32 $0x40;
	s7 =	smul.u32 $0x9C0, s0  }
0x8: {  	s21 =	simm.s32 $0x4;
	[smem:$0x7FF] =	sst s3;
	s8 =	smul.u32 $0xED00, s0  }
0x9: {  	s22 =	simm.s32 $0x20;
	s9 =	smul.u32 $0xED000, s5;
	_ =	strace $0x8000004D  }
0xa: {  	s13 =	sshll.u32 s0, $0x2;
	s29 =	smul.u32 $0x3B400, s0;
	s5 =	ssub.s32 $0x2, s5  }
0xb: {  	s14 =	sadd.s32 s13, s4;
	s30 =	sshrl.u32 s5, $0x1;
	s10 =	sadd.s32 s10, s13  }
0xc: {  	s12 =	sadd.s32 s6, s4;
	s11 =	sadd.s32 s7, s4;
	s28 =	sadd.s32 s8, s9  }
0xd: {  	s31 =	sshrl.u32 s29, $0x2;
	s16 =	ssub.s32 s5, s30;
	s6 =	sshrl.u32 s28, $0x3  }
.Ltmp0:
0xe: {  	s7 =	sadd.s32 s31, s2;
	s9 =	sadd.s32 $0x18000, s11;
	(pc) =	sbr.rel .LBB2_1-.Ltmp0, $4  }
0xf: {  	s12 =	sadd.s32 $0x79A00, s12;
	s15 =	sadd.s32 s6, s4;
	s4 =	sadd.s32 s8, s2  }
0x10: {  	s5 =	sadd.s32 $0x3C00, s7;
	s6 =	sadd.s32 $0x7800, s7;
	s7 =	sadd.s32 $0xB400, s7  }
0x11: {  	s8 =	sadd.s32 $0x21C00, s11;
	s11 =	sadd.s32 $0x17E00, s14;
	s14 =	smax.u32 s16, $0x1  }
0x12: {  	v0 =	vimm.f32 $0.0e+00;
	s16 =	simm.s32 $0x5;
	s13 =	sadd.s32 $0x116C00, s15;
	s15 =	simm.s32 $0xCC40  }
.LBB2_6:
0x13: {  	_ =	swait.ge [sflag:s21], $0x1800  }
0x14: {  	[sflag:s21] =	ssyncset.done $0x0  }
0x15: {  	[sflag:s21] =	ssyncadd.s32 $0xFFFFE800  }
0x16: {  	[tilespmem:s19], [sflag:$0x5] =	stream.indirect.gather [hbm4b:s12+s22], $0x60, s17, s22, $0xb8;
	[tilespmem:$0x1F540] =	vst v63  }
0x17: {  	_ =	swait.ge [sflag:s16], $0xC00  }
0x18: {  	[sflag:s16] =	ssyncset.done $0x0  }
0x19: {  	[sflag:s16] =	ssyncadd.s32 $0xFFFFF400  }
0x1a: {  	[spmem:s2] =	stream.indirect.scatter.add.f32 [tilespmem:s19], [sflag:$0x5], $0x60, s18, s22, $0xb8;
	[tilespmem:$0x1F540] =	vst v63  }
0x1b: {  	_ =	swait.ge [sflag:s16], $0xC00  }
0x1c: {  	s23 =	sshll.u32 s0, $0x6;
	s3 =	sadd.s32 $0x1, s3;
	[sflag:s16] =	ssyncset.done $0x0  }
0x1d: {  	s24 =	sshrl.u32 s4, $0x3;
	p0 =	sne.s32 s3, s14;
	[sflag:s16] =	ssyncadd.s32 $0xFFFFF400  }
.Ltmp1:
0x1e: {  	s23 =	sor.u32 $0x1C05, s23;
	[bflag:$0x0] =	sbarrier.arrive $0xFFFF;
	(pc) =	sbr.rel @!p0 .LBB2_7-.Ltmp1, $4  }
0x1f: {  	[hbm:s13], [sflag:s23] =	dma.local [spmem:s24], $0x1DA0  }
0x20: {  	_ =	swait.ge [sflag:s16], $0x1DA0  }
0x21: {  	[sflag:s16] =	ssyncset.done $0x0  }
0x22: {  	[sflag:s16] =	ssyncadd.s32 $0xFFFFE260  }
.LBB2_1:
0x23: {  	s23 =	simm.s32 $0x0  }
0x24: {  	[tilespmem:s23+$0xCC90] =	vst v0  }
0x25: {  	[tilespmem:s23+$0xCC40] =	vst v0  }
0x26: {  	[tilespmem:s23+$0xCC50] =	vst v0  }
0x27: {  	[tilespmem:s23+$0xCC60] =	vst v0  }
0x28: {  	s24 =	simm.s32 $0x180;
	[tilespmem:s23+$0xCC70] =	vst v0  }
.LBB2_2:
0x29: {  	p0 =	sne.s32 s24, $0xEE80;
	[tilespmem:s23+$0xCC80] =	vst v0;
	s23 =	sshra.s32 s24, $0x2;
	s24 =	sadd.s32 $0x180, s24  }
.Ltmp2:
0x2a: {  	[tilespmem:s23+$0xCC90] =	vst v0;
	(pc) =	sbr.rel @p0 .LBB2_2-.Ltmp2, $4  }
0x2b: {  	[tilespmem:s23+$0xCC40] =	vst v0  }
0x2c: {  	[tilespmem:s23+$0xCC50] =	vst v0  }
0x2d: {  	[tilespmem:s23+$0xCC60] =	vst v0  }
0x2e: {  	[tilespmem:s23+$0xCC70] =	vst v0  }
0x2f: {  	[tilespmem:s23+$0xCC80] =	vst v0  }
0x30: {  	[spmem:s4] =	stream.linear.scatter [tilespmem:s15], [sflag:$0x5], $0x3C00, $0x38;
	[tilespmem:$0x1F540] =	vst v63  }
0x31: {  	_ =	swait.ge [sflag:s16], $0x3C00  }
0x32: {  	[sflag:s16] =	ssyncset.done $0x0  }
0x33: {  	[sflag:s16] =	ssyncadd.s32 $0xFFFFC400  }
0x34: {  	[spmem:s5] =	stream.linear.scatter [tilespmem:s15], [sflag:$0x5], $0x3C00, $0x38;
	[tilespmem:$0x1F540] =	vst v63  }
0x35: {  	_ =	swait.ge [sflag:s16], $0x3C00  }
0x36: {  	[sflag:s16] =	ssyncset.done $0x0  }
0x37: {  	[sflag:s16] =	ssyncadd.s32 $0xFFFFC400  }
0x38: {  	[spmem:s6] =	stream.linear.scatter [tilespmem:s15], [sflag:$0x5], $0x3C00, $0x38;
	[tilespmem:$0x1F540] =	vst v63  }
0x39: {  	_ =	swait.ge [sflag:s16], $0x3C00  }
0x3a: {  	[sflag:s16] =	ssyncset.done $0x0  }
0x3b: {  	[sflag:s16] =	ssyncadd.s32 $0xFFFFC400  }
0x3c: {  	[spmem:s7] =	stream.linear.scatter [tilespmem:s15], [sflag:$0x5], $0x3900, $0x38;
	[tilespmem:$0x1F540] =	vst v63  }
0x3d: {  	_ =	swait.ge [sflag:s16], $0x3900  }
0x3e: {  	[sflag:s16] =	ssyncset.done $0x0  }
0x3f: {  	[sflag:s16] =	ssyncadd.s32 $0xFFFFC700  }
0x40: {  	s23 =	simm.s32 $0x0;
	[bflag:$0x0] =	sbarrier.arrive $0xFFFF  }
0x41: {  	[tilespmem:s23], [sflag:$0x5] =	stream.linear.gather [hbm4b:s8+s23], $0x4E00, $0x38;
	[tilespmem:$0x1F540] =	vst v63  }
0x42: {  	_ =	swait.ge [sflag:s16], $0x4E00  }
0x43: {  	[sflag:s16] =	ssyncset.done $0x0  }
0x44: {  	s24 =	simm.s32 $0x4E00;
	[sflag:s16] =	ssyncadd.s32 $0xFFFFB200  }
0x45: {  	[tilespmem:s24], [sflag:$0x5] =	stream.linear.gather [hbm4b:s9+s23], $0x4E00, $0x38;
	[tilespmem:$0x1F540] =	vst v63  }
0x46: {  	_ =	swait.ge [sflag:s16], $0x4E00  }
0x47: {  	[sflag:s16] =	ssyncset.done $0x0  }
0x48: {  	[sflag:s16] =	ssyncadd.s32 $0xFFFFB200  }
0x49: {  	[tilespmem:s17], [sflag:$0x5] =	stream.linear.gather [hbm4b:s10+s23], $0x20, $0x38;
	[tilespmem:$0x1F540] =	vst v63  }
0x4a: {  	_ =	swait.ge [sflag:s16], $0x20  }
0x4b: {  	[sflag:s16] =	ssyncset.done $0x0  }
0x4c: {  	[sflag:s16] =	ssyncadd.s32 $0xFFFFFFE0  }
0x4d: {  	[tilespmem:s18], [sflag:$0x5] =	stream.linear.gather [hbm4b:s11+s23], $0x20, $0x38;
	[tilespmem:$0x1F540] =	vst v63  }
0x4e: {  	_ =	swait.ge [sflag:s16], $0x20  }
0x4f: {  	[sflag:s16] =	ssyncset.done $0x0  }
0x50: {  	s25 =	simm.s32 $0x40;
	[sflag:s16] =	ssyncadd.s32 $0xFFFFFFE0  }
0x51: {  	[tilespmem:s19], [sflag:$0x1] =	stream.indirect.gather [hbm4b:s12+s25], $0x60, s23, s25, $0xb8;
	[tilespmem:$0x1F540] =	vst v63  }
.LBB2_4:
0x52: {  	s26 =	sand.u32 $0x1, s23  }
0x53: {  	s28 =	smul.u32 $0x6000, s26;
	s29 =	sadd.s32 $0x1, s26  }
0x54: {  	p0 =	seq.s32 s23, $0x0;
	s31 =	sadd.s32 $0x3, s26;
	_ =	swait.ge [sflag:s29], $0x1800  }
0x55: {  	p1 =	seq.s32 @!p0 s23, $0x137;
	s28 =	sshrl.u32 s28, $0x2;
	[sflag:s29] =	ssyncset.done $0x0  }
0x56: {  	p1 =	por p0, !p1;
	s28 =	sadd.s32 $0x9C40, s28;
	[sflag:s29] =	ssyncadd.s32 $0xFFFFE800  }
0x57: {  	[spmem:s2] =	stream.indirect.scatter.add.f32 [tilespmem:s28], [sflag:s31], $0x60, s24, s20, $0xb8;
	[tilespmem:$0x1F540] =	vst v63  }
.Ltmp3:
0x58: {  	s26 =	sxor.u32 @!p0 $0x1, s26;
	(pc) =	sbr.rel @!p1 .LBB2_6-.Ltmp3, $4  }
0x59: {  	s28 =	sadd.s32 @!p0 $0x3, s26  }
0x5a: {  	_ =	swait.ge @!p0 [sflag:s28], $0x1800  }
0x5b: {  	[sflag:s28] =	ssyncset.done @!p0 $0x0  }
0x5c: {  	[sflag:s28] =	ssyncadd.s32 @!p0 $0xFFFFE800  }
0x5d: {  	s26 =	simm.s32 @p0 $0x1  }
0x5e: {  	s28 =	smul.u32 $0x6000, s26  }
.Ltmp4:
0x5f: {  	_ = 	snop;
	(pc) =	sbr.rel .LBB2_4-.Ltmp4, $4  }
0x60: {  	s28 =	sshrl.u32 s28, $0x2  }
0x61: {  	s26 =	sadd.s32 $0x1, s26;
	s28 =	sadd.s32 $0x9C40, s28  }
0x62: {  	[tilespmem:s28], [sflag:s26] =	stream.indirect.gather [hbm4b:s12+s20], $0x60, s25, s20, $0xb8;
	[tilespmem:$0x1F540] =	vst v63  }
0x63: {  	s23 =	sadd.s32 $0x1, s23;
	s24 =	sadd.s32 $0x40, s24;
	s25 =	sadd.s32 $0x40, s25  }
.LBB2_7:
0x64: {  	_ =	sfence.sel $0x180000  }
0x65: {  	[bflag:$0x0] =	sbarrier.arrive $0xFFFF  }
0x66: {  	p0 =	sne.s32 s0, $0x0;
	_ =	strace $0x9000004D  }
0x67: {  	s0 =	sadd.s32 @!p0 $0x100000, s1;
	[bflag:$0x2] =	sbarrier.arrive $0xFFFF  }
0x68: {  	[sflag:s0] =	ssyncadd.tile.s32 @!p0 $0x1;
	_ =	shalt  }
.Lfunc_end2:
_tile_overlayer_lowered:
.L_overlay_start_2:
0x69: {  	(tag) =	ssettag $0x2  }
0x6a: {  	s0 =	rddreg [dreg:$0x0];
	s2 =	stileid.u32  }
0x6b: {  	s1 =	rddreg [dreg:$0x1];
	p0 =	sne.s32 s2, $0x0  }
0x6c: {  	s3 =	rddreg [dreg:$0x2];
	[bflag:$0x3] =	sbarrier.arrive $0xFFFF;
	s2 =	simm.s32 @!p0 $0x1C05  }
0x6d: {  	[timem:s3], [sflag:s2] =	dma.local @!p0 [hbm:s0], s1  }
0x6e: {  	s0 =	simm.s32 @!p0 $0x5  }
0x6f: {  	_ =	swait.ge @!p0 [sflag:s0], s1  }
0x70: {  	s1 =	ssub.s32 @!p0 $0x0, s1;
	[sflag:s0] =	ssyncset.done @!p0 $0x0  }
0x71: {  	[sflag:s0] =	ssyncadd.s32 @!p0 s1  }
0x72: {  	[bflag:$0x3] =	sbarrier.arrive $0xFFFF  }
0x73: {  	_ =	shalt  }

// kernel: kernel.21.cloned.1.call-start
scs
__scs_entry_jumppad:
0x0: {  	(pc) =	sbr.rel $0x88, $3  }
0x1: {  	(tag) =	ssettag $0x0;
	lr =	simm.s32 $0x1  }
0x2: {  	[smem:$0x3F8B] =	sst lr;
	_ =	strace $0xD0000000  }
0x3: {  	_ = 	snop  }
0x4: {  	_ = 	snop  }
0x5: {  	_ = 	snop  }
0x6: {  	_ = 	snop  }
0x7: {  	_ = 	snop  }
__scs_overlays_trampoline_lowered:
0x8: {  	[smem:$0x3F9A] =	sst s0  }
0x9: {  	[smem:$0x3F9B] =	sst s1  }
0xa: {  	[smem:$0x3F9C] =	sst s2  }
0xb: {  	[smem:$0x3F9D] =	sst s3  }
0xc: {  	[smem:$0x3F9E] =	sst s4  }
0xd: {  	[smem:$0x3F9F] =	sst s5  }
0xe: {  	[smem:$0x3FA0] =	sst s6  }
0xf: {  	[smem:$0x3FA1] =	sst s7  }
0x10: {  	[smem:$0x3FA2] =	sst s8  }
0x11: {  	[smem:$0x3FA3] =	sst s9;
	s0 =	simm.s32 @!p0 $0x0  }
0x12: {  	s1 =	sld [smem:$0x3F89];
	s0 =	simm.s32 @p0 $0x1  }
0x13: {  	[smem:$0x3FA4] =	sst s0;
	s0 =	simm.s32 @!p1 $0x0  }
0x14: {  	s2 =	sld [smem:$0x3F88];
	s0 =	simm.s32 @p1 $0x1  }
0x15: {  	[smem:$0x3FA5] =	sst s0;
	s0 =	simm.s32 @!p2 $0x0  }
0x16: {  	s3 =	sld [smem:$0x3FDB];
	s0 =	simm.s32 @p2 $0x1  }
0x17: {  	s4 =	simm.s32 $0x1BF5;
	[smem:$0x3FA7] =	sst s0  }
0x18: {  	s0 =	sld [smem:$0x3F8A];
	_ =	swait.ge [sflag:s4], $0x0  }
0x19: {  	s7 =	sld [smem:$0x3F8B]  }
0x1a: {  	s8 =	sadd.s32 $0xFFFFE003, lr  }
0x1b: {  	s9 =	sadd.s32 $0xFFFFFEF7, lr;
	s5 =	simm.s32 $0xFFFFFFFF;
	p2 =	slt.u32 s8, $0xFFFFF086  }
0x1c: {  	p1 =	slt.u32 s9, $0xF7A;
	s5 =	simm.s32 @!p2 $0x0  }
0x1d: {  	s5 =	simm.s32 @p1 $0x1;
	p0 =	seq.s32 s7, s2  }
0x1e: {  	s7 =	smul.u32 @!p0 $0xF7A, s2;
	p2 =	seq.s32 @!p0 s5, $0x0  }
0x1f: {  	s9 =	smul.u32 $0xF7A, s1;
	s8 =	simm.s32 @!p0 $0x1BF5;
	p2 =	por !p2, p0  }
0x20: {  	[sflag:s8] =	ssyncset.s32 @!p0 $0xFFFFF086;
	s6 =	sadd.s32 @!p0 s3, s7;
	s7 =	simm.s32 @!p0 $0x108  }
0x21: {  	s3 =	sadd.s32 s3, s9;
	s6 =	sadd.s32 @!p0 $0x88, s6;
	s7 =	simm.s32 @p2 $0x1082  }
0x22: {  	[simem:s7], [sflag:s8] =	dma.local @!p0 [hbm:s6], $0xF7A  }
0x23: {  	s9 =	sor.u32 $0xD0000000, s2;
	s6 =	simm.s32 $0x108;
	_ =	swait.ge @!p0 [sflag:s8], $0x0  }
0x24: {  	s3 =	sadd.s32 $0x88, s3;
	s6 =	simm.s32 @!p1 $0x1082;
	[sflag:s4] =	ssyncset.s32 $0xFFFFF086  }
0x25: {  	[simem:s6], [sflag:s4] =	dma.local [hbm:s3], $0xF7A  }
0x26: {  	[smem:$0x3F8B] =	sst s1;
	(tag) =	ssettag s2;
	_ =	strace s9  }
0x27: {  	s1 =	sld [smem:$0x3F9B]  }
0x28: {  	s2 =	sld [smem:$0x3F9C]  }
0x29: {  	s4 =	sld [smem:$0x3F9E]  }
0x2a: {  	p0 =	seq.s32 s5, $0x0;
	s5 =	sld [smem:$0x3F9F]  }
0x2b: {  	s6 =	sld [smem:$0x3FA0]  }
0x2c: {  	s7 =	sld [smem:$0x3FA1]  }
0x2d: {  	s3 =	simm.s32 $0x108;
	s8 =	sld [smem:$0x3FA2]  }
0x2e: {  	s3 =	simm.s32 @!p0 $0x1082;
	s9 =	sld [smem:$0x3FA3]  }
0x2f: {  	lr =	sadd.s32 s0, s3;
	s0 =	sld [smem:$0x3F9A]  }
0x30: {  	s3 =	sld [smem:$0x3F9D]  }
0x31: {  	[smem:$0x3FA6] =	sst s10  }
0x32: {  	s10 =	sld [smem:$0x3FA4];
	_ =	sdelay $0x3  }
0x33: {  	p0 =	seq.s32 s10, $0x1;
	s10 =	sld [smem:$0x3FA6];
	_ =	sdelay $0x3  }
0x34: {  	[smem:$0x3FA6] =	sst s10  }
0x35: {  	s10 =	sld [smem:$0x3FA5];
	_ =	sdelay $0x3  }
0x36: {  	p1 =	seq.s32 s10, $0x1;
	s10 =	sld [smem:$0x3FA6];
	_ =	sdelay $0x3  }
0x37: {  	[smem:$0x3FA6] =	sst s10  }
0x38: {  	s10 =	sld [smem:$0x3FA7]  }
0x39: {  	_ = 	snop;
	(pc) =	sbr.ind lr, $3  }
0x3a: {  	_ = 	snop  }
0x3b: {  	_ = 	snop  }
0x3c: {  	p2 =	seq.s32 s10, $0x1;
	s10 =	sld [smem:$0x3FA6]  }
0x3d: {  	_ =	shalt  }
0x3e: {  	_ =	shalt  }
0x3f: {  	_ =	shalt  }
0x40: {  	_ =	shalt  }
0x41: {  	_ =	shalt  }
0x42: {  	_ =	shalt  }
0x43: {  	_ =	shalt  }
0x44: {  	_ =	shalt  }
0x45: {  	_ =	shalt  }
0x46: {  	_ =	shalt  }
0x47: {  	_ =	shalt  }
0x48: {  	_ =	shalt  }
0x49: {  	_ =	shalt  }
0x4a: {  	_ =	shalt  }
0x4b: {  	_ =	shalt  }
0x4c: {  	_ =	shalt  }
0x4d: {  	_ =	shalt  }
0x4e: {  	_ =	shalt  }
0x4f: {  	_ =	shalt  }
0x50: {  	_ =	shalt  }
0x51: {  	_ =	shalt  }
0x52: {  	_ =	shalt  }
0x53: {  	_ =	shalt  }
0x54: {  	_ =	shalt  }
0x55: {  	_ =	shalt  }
0x56: {  	_ =	shalt  }
0x57: {  	_ =	shalt  }
0x58: {  	_ =	shalt  }
0x59: {  	_ =	shalt  }
0x5a: {  	_ =	shalt  }
0x5b: {  	_ =	shalt  }
0x5c: {  	_ =	shalt  }
0x5d: {  	_ =	shalt  }
0x5e: {  	_ =	shalt  }
0x5f: {  	_ =	shalt  }
0x60: {  	_ =	shalt  }
0x61: {  	_ =	shalt  }
0x62: {  	_ =	shalt  }
0x63: {  	_ =	shalt  }
0x64: {  	_ =	shalt  }
0x65: {  	_ =	shalt  }
0x66: {  	_ =	shalt  }
0x67: {  	_ =	shalt  }
0x68: {  	_ =	shalt  }
0x69: {  	_ =	shalt  }
0x6a: {  	_ =	shalt  }
0x6b: {  	_ =	shalt  }
0x6c: {  	_ =	shalt  }
0x6d: {  	_ =	shalt  }
0x6e: {  	_ =	shalt  }
0x6f: {  	_ =	shalt  }
0x70: {  	_ =	shalt  }
0x71: {  	_ =	shalt  }
0x72: {  	_ =	shalt  }
0x73: {  	_ =	shalt  }
0x74: {  	_ =	shalt  }
0x75: {  	_ =	shalt  }
0x76: {  	_ =	shalt  }
0x77: {  	_ =	shalt  }
0x78: {  	_ =	shalt  }
0x79: {  	_ =	shalt  }
0x7a: {  	_ =	shalt  }
0x7b: {  	_ =	shalt  }
0x7c: {  	_ =	shalt  }
0x7d: {  	_ =	shalt  }
0x7e: {  	_ =	shalt  }
0x7f: {  	_ =	shalt  }
0x80: {  	_ =	shalt  }
0x81: {  	_ =	shalt  }
0x82: {  	_ =	shalt  }
0x83: {  	_ =	shalt  }
0x84: {  	_ =	shalt  }
0x85: {  	_ =	shalt  }
0x86: {  	_ =	shalt  }
0x87: {  	_ =	shalt  }
.Lfunc_end0:
.L_simem_size_0:
called_computation.3_lowered:
.L_overlay_start_0:
0x88: {  	s2 =	sld [smem:$0x3FD9]  }
0x89: {  	s3 =	sld [smem:$0x3FFE];
	_ =	sdelay $0x1  }
0x8a: {  	s1 =	srdreg.scid  }
0x8b: {  	s0 =	sand.u32 $0x1, s1  }
0x8c: {  	s17 =	sshll.u32 s0, $0xA;
	s2 =	sadd.s32 s3, s2  }
0x8d: {  	s2 =	sadd.s32 s2, s17  }
0x8e: {  	[smem:$0x3FB2] =	sst s2  }
0x8f: {  	_ = 	snop  }
0x90: {  	s2 =	sld [smem:$0x3FD0];
	(tm) =	ssettm $0x1  }
0x91: {  	s18 =	sld [smem:$0x3FFB];
	_ =	sdelay $0x3  }
0x92: {  	_ =	strace s18  }
0x93: {  	s3 =	sld [smem:$0x3FFC];
	_ =	sdelay $0x3  }
0x94: {  	_ =	strace s3  }
0x95: {  	s3 =	sld [smem:$0x3FFD];
	_ =	sdelay $0x3  }
0x96: {  	_ =	strace s3  }
0x97: {  	_ =	strace $0x8FFFFFFF  }
0x98: {  	s19 =	sld [smem:$0x3FDB];
	_ =	sdelay $0x1  }
0x99: {  	s4 =	simm.s32 $_scs_section_size  }
0x9a: {  	s5 =	simm.s32 $_size__tile_overlayer_lowered;
	s6 =	simm.s32 $_tile_overlayer_lowered  }
0x9b: {  	s22 =	simm.s32 $0x1BFF;
	s21 =	sshll.u32 s6, $0x1;
	s3 =	sadd.s32 s4, s19  }
0x9c: {  	s7 =	simm.s32 $0x0;
	s20 =	sshll.u32 s5, $0x1;
	s5 =	sadd.s32 s21, s3  }
0x9d: {  	[timem:s7], [sflag:s22] =	dma.local [hbm:s5], s20  }
0x9e: {  	_ =	swait.ge [sflag:s22], s20  }
0x9f: {  	s4 =	ssub.s32 $0x0, s20;
	[sflag:s22] =	ssyncset.done $0x0  }
0xa0: {  	[sflag:s22] =	ssyncadd.s32 s4;
	_ =	sdelay $0x1  }
0xa1: {  	s23 =	simm.s32 $0x1B8B  }
0xa2: {  	_ =	swait.ge [sflag:s23], $0x1  }
0xa3: {  	[sflag:s23] =	ssyncset.done $0x0  }
0xa4: {  	s25 =	simm.s32 $0x1B8E;
	s24 =	sld [smem:$0x3FFE];
	[sflag:s23] =	ssyncadd.s32 $0xFFFFFFFF  }
0xa5: {  	s26 =	simm.s32 $execute0_lowered;
	[smem:$0x3FD2] =	sst s25  }
0xa6: {  	s5 =	sshll.u32 s26, $0x1;
	_ =	strace $0x8000004F;
	[dreg:$0x1] =	wrdreg $0xFFFFFFFF  }
0xa7: {  	s28 =	simm.s32 $_size_execute0_lowered;
	s3 =	sadd.s32 s3, s5;
	[dreg:$0x0] =	wrdreg $0x0  }
0xa8: {  	s5 =	sshll.u32 s28, $0x1;
	[dreg:$0x2] =	wrdreg s3  }
0xa9: {  	[dreg:$0x3] =	wrdreg s5  }
0xaa: {  	[dreg:$0x4] =	wrdreg $0xC0  }
0xab: {  	_ =	task [dreg:s7], $0x5FFFF  }
0xac: {  	[dreg:$0x1] =	wrdreg $0xFFFFFFFF  }
0xad: {  	[dreg:$0x0] =	wrdreg $0x60  }
0xae: {  	[dreg:$0x2] =	wrdreg s24  }
0xaf: {  	[dreg:$0x3] =	wrdreg s2  }
0xb0: {  	[dreg:$0x4] =	wrdreg $0x108400  }
0xb1: {  	[dreg:$0x5] =	wrdreg $0x9  }
0xb2: {  	_ =	task.clear_ibuf [dreg:s7], $0x6FFFF;
	_ =	strace $0x9000004F  }
0xb3: {  	s29 =	simm.s32 $0x9;
	_ =	strace $0x80000051  }
0xb4: {  	_ =	swait.ge [sflag:s29], $0x1  }
0xb5: {  	[sflag:s29] =	ssyncadd.s32 $0xFFFFFFFF  }
0xb6: {  	_ =	strace $0x90000051  }
0xb7: {  	_ =	sfence  }
0xb8: {  	s30 =	sld [smem:$0x0];
	_ =	sdelay $0x2  }
0xb9: {  	s31 =	sshll.u32 s1, $0xD;
	s1 =	sshrl.u32 s1, $0x2  }
0xba: {  	s3 =	sand.u32 $0x4000, s31;
	s1 =	sadd.s32 s1, s30  }
0xbb: {  	s0 =	sor.u32 s3, s0;
	s1 =	sshll.u32 s1, $0x11  }
0xbc: {  	s0 =	sor.u32 s1, s0  }
0xbd: {  	s0 =	sadd.s32 $0x8F2B, s0  }
0xbe: {  	[sflag:s0] =	ssyncadd.remote.s32 $0x1  }
0xbf: {  	_ =	sfence.sel $0xFFFF  }
0xc0: {  	[dreg:$0x0] =	wrdreg $0xFFFFFFFF;
	(pc) =	sbr.abs _section_cstart, $3  }
0xc1: {  	[dreg:$0x1] =	wrdreg $0xFFFFFFFF  }
0xc2: {  	_ =	task.clear_ibuf [dreg:s7], $0x2FFFF;
	_ =	strace $0x9FFFFFFF  }
0xc3: {  	(tm) =	ssettm $0x7FFFFFFF  }
tec
execute0_lowered:
.L_overlay_start_1:
0x0: {  	(tag) =	ssettag $0x1  }
0x1: {  	s4 =	rddreg [dreg:$0x0]  }
0x2: {  	s10 =	rddreg [dreg:$0x1]  }
0x3: {  	s2 =	rddreg [dreg:$0x2]  }
0x4: {  	s0 =	srdreg.scid;
	s1 =	rddreg [dreg:$0x3]  }
0x5: {  	s3 =	simm.s32 $0x0;
	s17 =	simm.s32 $0x9C00;
	s5 =	sand.u32 $0x1, s0  }
0x6: {  	s18 =	simm.s32 $0x9C20;
	s0 =	stileid.u32;
	s6 =	smul.u32 $0x1D4C0, s5  }
0x7: {  	s19 =	simm.s32 $0x9C40;
	s20 =	simm.s32 $0x40;
	s7 =	smul.u32 $0x9C0, s0  }
0x8: {  	s21 =	simm.s32 $0x4;
	[smem:$0x7FF] =	sst s3;
	s8 =	smul.u32 $0xED00, s0  }
0x9: {  	s22 =	simm.s32 $0x20;
	s9 =	smul.u32 $0xED000, s5;
	_ =	strace $0x80000050  }
0xa: {  	s13 =	sshll.u32 s0, $0x2;
	s29 =	smul.u32 $0x3B400, s0;
	s5 =	ssub.s32 $0x2, s5  }
0xb: {  	s14 =	sadd.s32 s13, s4;
	s30 =	sshrl.u32 s5, $0x1;
	s10 =	sadd.s32 s10, s13  }
0xc: {  	s12 =	sadd.s32 s6, s4;
	s11 =	sadd.s32 s7, s4;
	s28 =	sadd.s32 s8, s9  }
0xd: {  	s31 =	sshrl.u32 s29, $0x2;
	s16 =	ssub.s32 s5, s30;
	s6 =	sshrl.u32 s28, $0x3  }
.Ltmp0:
0xe: {  	s7 =	sadd.s32 s31, s2;
	s9 =	sadd.s32 $0x18000, s11;
	(pc) =	sbr.rel .LBB2_1-.Ltmp0, $4  }
0xf: {  	s12 =	sadd.s32 $0x79A00, s12;
	s15 =	sadd.s32 s6, s4;
	s4 =	sadd.s32 s8, s2  }
0x10: {  	s5 =	sadd.s32 $0x3C00, s7;
	s6 =	sadd.s32 $0x7800, s7;
	s7 =	sadd.s32 $0xB400, s7  }
0x11: {  	s8 =	sadd.s32 $0x21C00, s11;
	s11 =	sadd.s32 $0x17E00, s14;
	s14 =	smax.u32 s16, $0x1  }
0x12: {  	v0 =	vimm.f32 $0.0e+00;
	s16 =	simm.s32 $0x5;
	s13 =	sadd.s32 $0xB4400, s15;
	s15 =	simm.s32 $0xCC40  }
.LBB2_6:
0x13: {  	_ =	swait.ge [sflag:s21], $0x1800  }
0x14: {  	[sflag:s21] =	ssyncset.done $0x0  }
0x15: {  	[sflag:s21] =	ssyncadd.s32 $0xFFFFE800  }
0x16: {  	[tilespmem:s19], [sflag:$0x5] =	stream.indirect.gather [hbm4b:s12+s22], $0x60, s17, s22, $0xb8;
	[tilespmem:$0x1F540] =	vst v63  }
0x17: {  	_ =	swait.ge [sflag:s16], $0xC00  }
0x18: {  	[sflag:s16] =	ssyncset.done $0x0  }
0x19: {  	[sflag:s16] =	ssyncadd.s32 $0xFFFFF400  }
0x1a: {  	[spmem:s2] =	stream.indirect.scatter.add.f32 [tilespmem:s19], [sflag:$0x5], $0x60, s18, s22, $0xb8;
	[tilespmem:$0x1F540] =	vst v63  }
0x1b: {  	_ =	swait.ge [sflag:s16], $0xC00  }
0x1c: {  	s23 =	sshll.u32 s0, $0x6;
	s3 =	sadd.s32 $0x1, s3;
	[sflag:s16] =	ssyncset.done $0x0  }
0x1d: {  	s24 =	sshrl.u32 s4, $0x3;
	p0 =	sne.s32 s3, s14;
	[sflag:s16] =	ssyncadd.s32 $0xFFFFF400  }
.Ltmp1:
0x1e: {  	s23 =	sor.u32 $0x1C05, s23;
	[bflag:$0x0] =	sbarrier.arrive $0xFFFF;
	(pc) =	sbr.rel @!p0 .LBB2_7-.Ltmp1, $4  }
0x1f: {  	[hbm:s13], [sflag:s23] =	dma.local [spmem:s24], $0x1DA0  }
0x20: {  	_ =	swait.ge [sflag:s16], $0x1DA0  }
0x21: {  	[sflag:s16] =	ssyncset.done $0x0  }
0x22: {  	[sflag:s16] =	ssyncadd.s32 $0xFFFFE260  }
.LBB2_1:
0x23: {  	s23 =	simm.s32 $0x0  }
0x24: {  	[tilespmem:s23+$0xCC90] =	vst v0  }
0x25: {  	[tilespmem:s23+$0xCC40] =	vst v0  }
0x26: {  	[tilespmem:s23+$0xCC50] =	vst v0  }
0x27: {  	[tilespmem:s23+$0xCC60] =	vst v0  }
0x28: {  	s24 =	simm.s32 $0x180;
	[tilespmem:s23+$0xCC70] =	vst v0  }
.LBB2_2:
0x29: {  	p0 =	sne.s32 s24, $0xEE80;
	[tilespmem:s23+$0xCC80] =	vst v0;
	s23 =	sshra.s32 s24, $0x2;
	s24 =	sadd.s32 $0x180, s24  }
.Ltmp2:
0x2a: {  	[tilespmem:s23+$0xCC90] =	vst v0;
	(pc) =	sbr.rel @p0 .LBB2_2-.Ltmp2, $4  }
0x2b: {  	[tilespmem:s23+$0xCC40] =	vst v0  }
0x2c: {  	[tilespmem:s23+$0xCC50] =	vst v0  }
0x2d: {  	[tilespmem:s23+$0xCC60] =	vst v0  }
0x2e: {  	[tilespmem:s23+$0xCC70] =	vst v0  }
0x2f: {  	[tilespmem:s23+$0xCC80] =	vst v0  }
0x30: {  	[spmem:s4] =	stream.linear.scatter [tilespmem:s15], [sflag:$0x5], $0x3C00, $0x38;
	[tilespmem:$0x1F540] =	vst v63  }
0x31: {  	_ =	swait.ge [sflag:s16], $0x3C00  }
0x32: {  	[sflag:s16] =	ssyncset.done $0x0  }
0x33: {  	[sflag:s16] =	ssyncadd.s32 $0xFFFFC400  }
0x34: {  	[spmem:s5] =	stream.linear.scatter [tilespmem:s15], [sflag:$0x5], $0x3C00, $0x38;
	[tilespmem:$0x1F540] =	vst v63  }
0x35: {  	_ =	swait.ge [sflag:s16], $0x3C00  }
0x36: {  	[sflag:s16] =	ssyncset.done $0x0  }
0x37: {  	[sflag:s16] =	ssyncadd.s32 $0xFFFFC400  }
0x38: {  	[spmem:s6] =	stream.linear.scatter [tilespmem:s15], [sflag:$0x5], $0x3C00, $0x38;
	[tilespmem:$0x1F540] =	vst v63  }
0x39: {  	_ =	swait.ge [sflag:s16], $0x3C00  }
0x3a: {  	[sflag:s16] =	ssyncset.done $0x0  }
0x3b: {  	[sflag:s16] =	ssyncadd.s32 $0xFFFFC400  }
0x3c: {  	[spmem:s7] =	stream.linear.scatter [tilespmem:s15], [sflag:$0x5], $0x3900, $0x38;
	[tilespmem:$0x1F540] =	vst v63  }
0x3d: {  	_ =	swait.ge [sflag:s16], $0x3900  }
0x3e: {  	[sflag:s16] =	ssyncset.done $0x0  }
0x3f: {  	[sflag:s16] =	ssyncadd.s32 $0xFFFFC700  }
0x40: {  	s23 =	simm.s32 $0x0;
	[bflag:$0x0] =	sbarrier.arrive $0xFFFF  }
0x41: {  	[tilespmem:s23], [sflag:$0x5] =	stream.linear.gather [hbm4b:s8+s23], $0x4E00, $0x38;
	[tilespmem:$0x1F540] =	vst v63  }
0x42: {  	_ =	swait.ge [sflag:s16], $0x4E00  }
0x43: {  	[sflag:s16] =	ssyncset.done $0x0  }
0x44: {  	s24 =	simm.s32 $0x4E00;
	[sflag:s16] =	ssyncadd.s32 $0xFFFFB200  }
0x45: {  	[tilespmem:s24], [sflag:$0x5] =	stream.linear.gather [hbm4b:s9+s23], $0x4E00, $0x38;
	[tilespmem:$0x1F540] =	vst v63  }
0x46: {  	_ =	swait.ge [sflag:s16], $0x4E00  }
0x47: {  	[sflag:s16] =	ssyncset.done $0x0  }
0x48: {  	[sflag:s16] =	ssyncadd.s32 $0xFFFFB200  }
0x49: {  	[tilespmem:s17], [sflag:$0x5] =	stream.linear.gather [hbm4b:s10+s23], $0x20, $0x38;
	[tilespmem:$0x1F540] =	vst v63  }
0x4a: {  	_ =	swait.ge [sflag:s16], $0x20  }
0x4b: {  	[sflag:s16] =	ssyncset.done $0x0  }
0x4c: {  	[sflag:s16] =	ssyncadd.s32 $0xFFFFFFE0  }
0x4d: {  	[tilespmem:s18], [sflag:$0x5] =	stream.linear.gather [hbm4b:s11+s23], $0x20, $0x38;
	[tilespmem:$0x1F540] =	vst v63  }
0x4e: {  	_ =	swait.ge [sflag:s16], $0x20  }
0x4f: {  	[sflag:s16] =	ssyncset.done $0x0  }
0x50: {  	s25 =	simm.s32 $0x40;
	[sflag:s16] =	ssyncadd.s32 $0xFFFFFFE0  }
0x51: {  	[tilespmem:s19], [sflag:$0x1] =	stream.indirect.gather [hbm4b:s12+s25], $0x60, s23, s25, $0xb8;
	[tilespmem:$0x1F540] =	vst v63  }
.LBB2_4:
0x52: {  	s26 =	sand.u32 $0x1, s23  }
0x53: {  	s28 =	smul.u32 $0x6000, s26;
	s29 =	sadd.s32 $0x1, s26  }
0x54: {  	p0 =	seq.s32 s23, $0x0;
	s31 =	sadd.s32 $0x3, s26;
	_ =	swait.ge [sflag:s29], $0x1800  }
0x55: {  	p1 =	seq.s32 @!p0 s23, $0x137;
	s28 =	sshrl.u32 s28, $0x2;
	[sflag:s29] =	ssyncset.done $0x0  }
0x56: {  	p1 =	por p0, !p1;
	s28 =	sadd.s32 $0x9C40, s28;
	[sflag:s29] =	ssyncadd.s32 $0xFFFFE800  }
0x57: {  	[spmem:s2] =	stream.indirect.scatter.add.f32 [tilespmem:s28], [sflag:s31], $0x60, s24, s20, $0xb8;
	[tilespmem:$0x1F540] =	vst v63  }
.Ltmp3:
0x58: {  	s26 =	sxor.u32 @!p0 $0x1, s26;
	(pc) =	sbr.rel @!p1 .LBB2_6-.Ltmp3, $4  }
0x59: {  	s28 =	sadd.s32 @!p0 $0x3, s26  }
0x5a: {  	_ =	swait.ge @!p0 [sflag:s28], $0x1800  }
0x5b: {  	[sflag:s28] =	ssyncset.done @!p0 $0x0  }
0x5c: {  	[sflag:s28] =	ssyncadd.s32 @!p0 $0xFFFFE800  }
0x5d: {  	s26 =	simm.s32 @p0 $0x1  }
0x5e: {  	s28 =	smul.u32 $0x6000, s26  }
.Ltmp4:
0x5f: {  	_ = 	snop;
	(pc) =	sbr.rel .LBB2_4-.Ltmp4, $4  }
0x60: {  	s28 =	sshrl.u32 s28, $0x2  }
0x61: {  	s26 =	sadd.s32 $0x1, s26;
	s28 =	sadd.s32 $0x9C40, s28  }
0x62: {  	[tilespmem:s28], [sflag:s26] =	stream.indirect.gather [hbm4b:s12+s20], $0x60, s25, s20, $0xb8;
	[tilespmem:$0x1F540] =	vst v63  }
0x63: {  	s23 =	sadd.s32 $0x1, s23;
	s24 =	sadd.s32 $0x40, s24;
	s25 =	sadd.s32 $0x40, s25  }
.LBB2_7:
0x64: {  	_ =	sfence.sel $0x180000  }
0x65: {  	[bflag:$0x0] =	sbarrier.arrive $0xFFFF  }
0x66: {  	p0 =	sne.s32 s0, $0x0;
	_ =	strace $0x90000050  }
0x67: {  	s0 =	sadd.s32 @!p0 $0x100000, s1;
	[bflag:$0x2] =	sbarrier.arrive $0xFFFF  }
0x68: {  	[sflag:s0] =	ssyncadd.tile.s32 @!p0 $0x1;
	_ =	shalt  }
.Lfunc_end2:
_tile_overlayer_lowered:
.L_overlay_start_2:
0x69: {  	(tag) =	ssettag $0x2  }
0x6a: {  	s0 =	rddreg [dreg:$0x0];
	s2 =	stileid.u32  }
0x6b: {  	s1 =	rddreg [dreg:$0x1];
	p0 =	sne.s32 s2, $0x0  }
0x6c: {  	s3 =	rddreg [dreg:$0x2];
	[bflag:$0x3] =	sbarrier.arrive $0xFFFF;
	s2 =	simm.s32 @!p0 $0x1C05  }
0x6d: {  	[timem:s3], [sflag:s2] =	dma.local @!p0 [hbm:s0], s1  }
0x6e: {  	s0 =	simm.s32 @!p0 $0x5  }
0x6f: {  	_ =	swait.ge @!p0 [sflag:s0], s1  }
0x70: {  	s1 =	ssub.s32 @!p0 $0x0, s1;
	[sflag:s0] =	ssyncset.done @!p0 $0x0  }
0x71: {  	[sflag:s0] =	ssyncadd.s32 @!p0 s1  }
0x72: {  	[bflag:$0x3] =	sbarrier.arrive $0xFFFF  }
0x73: {  	_ =	shalt  }

// kernel: kernel.24.cloned.1.call-start
scs
__scs_entry_jumppad:
0x0: {  	(pc) =	sbr.rel $0x88, $3  }
0x1: {  	(tag) =	ssettag $0x0;
	lr =	simm.s32 $0x1  }
0x2: {  	[smem:$0x3F8B] =	sst lr;
	_ =	strace $0xD0000000  }
0x3: {  	_ = 	snop  }
0x4: {  	_ = 	snop  }
0x5: {  	_ = 	snop  }
0x6: {  	_ = 	snop  }
0x7: {  	_ = 	snop  }
__scs_overlays_trampoline_lowered:
0x8: {  	[smem:$0x3F9A] =	sst s0  }
0x9: {  	[smem:$0x3F9B] =	sst s1  }
0xa: {  	[smem:$0x3F9C] =	sst s2  }
0xb: {  	[smem:$0x3F9D] =	sst s3  }
0xc: {  	[smem:$0x3F9E] =	sst s4  }
0xd: {  	[smem:$0x3F9F] =	sst s5  }
0xe: {  	[smem:$0x3FA0] =	sst s6  }
0xf: {  	[smem:$0x3FA1] =	sst s7  }
0x10: {  	[smem:$0x3FA2] =	sst s8  }
0x11: {  	[smem:$0x3FA3] =	sst s9;
	s0 =	simm.s32 @!p0 $0x0  }
0x12: {  	s1 =	sld [smem:$0x3F89];
	s0 =	simm.s32 @p0 $0x1  }
0x13: {  	[smem:$0x3FA4] =	sst s0;
	s0 =	simm.s32 @!p1 $0x0  }
0x14: {  	s2 =	sld [smem:$0x3F88];
	s0 =	simm.s32 @p1 $0x1  }
0x15: {  	[smem:$0x3FA5] =	sst s0;
	s0 =	simm.s32 @!p2 $0x0  }
0x16: {  	s3 =	sld [smem:$0x3FDB];
	s0 =	simm.s32 @p2 $0x1  }
0x17: {  	s4 =	simm.s32 $0x1BF5;
	[smem:$0x3FA7] =	sst s0  }
0x18: {  	s0 =	sld [smem:$0x3F8A];
	_ =	swait.ge [sflag:s4], $0x0  }
0x19: {  	s7 =	sld [smem:$0x3F8B]  }
0x1a: {  	s8 =	sadd.s32 $0xFFFFE003, lr  }
0x1b: {  	s9 =	sadd.s32 $0xFFFFFEF7, lr;
	s5 =	simm.s32 $0xFFFFFFFF;
	p2 =	slt.u32 s8, $0xFFFFF086  }
0x1c: {  	p1 =	slt.u32 s9, $0xF7A;
	s5 =	simm.s32 @!p2 $0x0  }
0x1d: {  	s5 =	simm.s32 @p1 $0x1;
	p0 =	seq.s32 s7, s2  }
0x1e: {  	s7 =	smul.u32 @!p0 $0xF7A, s2;
	p2 =	seq.s32 @!p0 s5, $0x0  }
0x1f: {  	s9 =	smul.u32 $0xF7A, s1;
	s8 =	simm.s32 @!p0 $0x1BF5;
	p2 =	por !p2, p0  }
0x20: {  	[sflag:s8] =	ssyncset.s32 @!p0 $0xFFFFF086;
	s6 =	sadd.s32 @!p0 s3, s7;
	s7 =	simm.s32 @!p0 $0x108  }
0x21: {  	s3 =	sadd.s32 s3, s9;
	s6 =	sadd.s32 @!p0 $0x88, s6;
	s7 =	simm.s32 @p2 $0x1082  }
0x22: {  	[simem:s7], [sflag:s8] =	dma.local @!p0 [hbm:s6], $0xF7A  }
0x23: {  	s9 =	sor.u32 $0xD0000000, s2;
	s6 =	simm.s32 $0x108;
	_ =	swait.ge @!p0 [sflag:s8], $0x0  }
0x24: {  	s3 =	sadd.s32 $0x88, s3;
	s6 =	simm.s32 @!p1 $0x1082;
	[sflag:s4] =	ssyncset.s32 $0xFFFFF086  }
0x25: {  	[simem:s6], [sflag:s4] =	dma.local [hbm:s3], $0xF7A  }
0x26: {  	[smem:$0x3F8B] =	sst s1;
	(tag) =	ssettag s2;
	_ =	strace s9  }
0x27: {  	s1 =	sld [smem:$0x3F9B]  }
0x28: {  	s2 =	sld [smem:$0x3F9C]  }
0x29: {  	s4 =	sld [smem:$0x3F9E]  }
0x2a: {  	p0 =	seq.s32 s5, $0x0;
	s5 =	sld [smem:$0x3F9F]  }
0x2b: {  	s6 =	sld [smem:$0x3FA0]  }
0x2c: {  	s7 =	sld [smem:$0x3FA1]  }
0x2d: {  	s3 =	simm.s32 $0x108;
	s8 =	sld [smem:$0x3FA2]  }
0x2e: {  	s3 =	simm.s32 @!p0 $0x1082;
	s9 =	sld [smem:$0x3FA3]  }
0x2f: {  	lr =	sadd.s32 s0, s3;
	s0 =	sld [smem:$0x3F9A]  }
0x30: {  	s3 =	sld [smem:$0x3F9D]  }
0x31: {  	[smem:$0x3FA6] =	sst s10  }
0x32: {  	s10 =	sld [smem:$0x3FA4];
	_ =	sdelay $0x3  }
0x33: {  	p0 =	seq.s32 s10, $0x1;
	s10 =	sld [smem:$0x3FA6];
	_ =	sdelay $0x3  }
0x34: {  	[smem:$0x3FA6] =	sst s10  }
0x35: {  	s10 =	sld [smem:$0x3FA5];
	_ =	sdelay $0x3  }
0x36: {  	p1 =	seq.s32 s10, $0x1;
	s10 =	sld [smem:$0x3FA6];
	_ =	sdelay $0x3  }
0x37: {  	[smem:$0x3FA6] =	sst s10  }
0x38: {  	s10 =	sld [smem:$0x3FA7]  }
0x39: {  	_ = 	snop;
	(pc) =	sbr.ind lr, $3  }
0x3a: {  	_ = 	snop  }
0x3b: {  	_ = 	snop  }
0x3c: {  	p2 =	seq.s32 s10, $0x1;
	s10 =	sld [smem:$0x3FA6]  }
0x3d: {  	_ =	shalt  }
0x3e: {  	_ =	shalt  }
0x3f: {  	_ =	shalt  }
0x40: {  	_ =	shalt  }
0x41: {  	_ =	shalt  }
0x42: {  	_ =	shalt  }
0x43: {  	_ =	shalt  }
0x44: {  	_ =	shalt  }
0x45: {  	_ =	shalt  }
0x46: {  	_ =	shalt  }
0x47: {  	_ =	shalt  }
0x48: {  	_ =	shalt  }
0x49: {  	_ =	shalt  }
0x4a: {  	_ =	shalt  }
0x4b: {  	_ =	shalt  }
0x4c: {  	_ =	shalt  }
0x4d: {  	_ =	shalt  }
0x4e: {  	_ =	shalt  }
0x4f: {  	_ =	shalt  }
0x50: {  	_ =	shalt  }
0x51: {  	_ =	shalt  }
0x52: {  	_ =	shalt  }
0x53: {  	_ =	shalt  }
0x54: {  	_ =	shalt  }
0x55: {  	_ =	shalt  }
0x56: {  	_ =	shalt  }
0x57: {  	_ =	shalt  }
0x58: {  	_ =	shalt  }
0x59: {  	_ =	shalt  }
0x5a: {  	_ =	shalt  }
0x5b: {  	_ =	shalt  }
0x5c: {  	_ =	shalt  }
0x5d: {  	_ =	shalt  }
0x5e: {  	_ =	shalt  }
0x5f: {  	_ =	shalt  }
0x60: {  	_ =	shalt  }
0x61: {  	_ =	shalt  }
0x62: {  	_ =	shalt  }
0x63: {  	_ =	shalt  }
0x64: {  	_ =	shalt  }
0x65: {  	_ =	shalt  }
0x66: {  	_ =	shalt  }
0x67: {  	_ =	shalt  }
0x68: {  	_ =	shalt  }
0x69: {  	_ =	shalt  }
0x6a: {  	_ =	shalt  }
0x6b: {  	_ =	shalt  }
0x6c: {  	_ =	shalt  }
0x6d: {  	_ =	shalt  }
0x6e: {  	_ =	shalt  }
0x6f: {  	_ =	shalt  }
0x70: {  	_ =	shalt  }
0x71: {  	_ =	shalt  }
0x72: {  	_ =	shalt  }
0x73: {  	_ =	shalt  }
0x74: {  	_ =	shalt  }
0x75: {  	_ =	shalt  }
0x76: {  	_ =	shalt  }
0x77: {  	_ =	shalt  }
0x78: {  	_ =	shalt  }
0x79: {  	_ =	shalt  }
0x7a: {  	_ =	shalt  }
0x7b: {  	_ =	shalt  }
0x7c: {  	_ =	shalt  }
0x7d: {  	_ =	shalt  }
0x7e: {  	_ =	shalt  }
0x7f: {  	_ =	shalt  }
0x80: {  	_ =	shalt  }
0x81: {  	_ =	shalt  }
0x82: {  	_ =	shalt  }
0x83: {  	_ =	shalt  }
0x84: {  	_ =	shalt  }
0x85: {  	_ =	shalt  }
0x86: {  	_ =	shalt  }
0x87: {  	_ =	shalt  }
.Lfunc_end0:
.L_simem_size_0:
called_computation.4_lowered:
.L_overlay_start_0:
0x88: {  	s2 =	sld [smem:$0x3FD9]  }
0x89: {  	s3 =	sld [smem:$0x3FFE];
	_ =	sdelay $0x1  }
0x8a: {  	s1 =	srdreg.scid  }
0x8b: {  	s0 =	sand.u32 $0x1, s1  }
0x8c: {  	s17 =	sshll.u32 s0, $0xA;
	s2 =	sadd.s32 s3, s2  }
0x8d: {  	s2 =	sadd.s32 s2, s17  }
0x8e: {  	[smem:$0x3FB2] =	sst s2  }
0x8f: {  	_ = 	snop  }
0x90: {  	s2 =	sld [smem:$0x3FD0];
	(tm) =	ssettm $0x1  }
0x91: {  	s18 =	sld [smem:$0x3FFB];
	_ =	sdelay $0x3  }
0x92: {  	_ =	strace s18  }
0x93: {  	s3 =	sld [smem:$0x3FFC];
	_ =	sdelay $0x3  }
0x94: {  	_ =	strace s3  }
0x95: {  	s3 =	sld [smem:$0x3FFD];
	_ =	sdelay $0x3  }
0x96: {  	_ =	strace s3  }
0x97: {  	_ =	strace $0x8FFFFFFF  }
0x98: {  	s19 =	sld [smem:$0x3FDB];
	_ =	sdelay $0x1  }
0x99: {  	s4 =	simm.s32 $_scs_section_size  }
0x9a: {  	s5 =	simm.s32 $_size__tile_overlayer_lowered;
	s6 =	simm.s32 $_tile_overlayer_lowered  }
0x9b: {  	s22 =	simm.s32 $0x1BFF;
	s21 =	sshll.u32 s6, $0x1;
	s3 =	sadd.s32 s4, s19  }
0x9c: {  	s7 =	simm.s32 $0x0;
	s20 =	sshll.u32 s5, $0x1;
	s5 =	sadd.s32 s21, s3  }
0x9d: {  	[timem:s7], [sflag:s22] =	dma.local [hbm:s5], s20  }
0x9e: {  	_ =	swait.ge [sflag:s22], s20  }
0x9f: {  	s4 =	ssub.s32 $0x0, s20;
	[sflag:s22] =	ssyncset.done $0x0  }
0xa0: {  	[sflag:s22] =	ssyncadd.s32 s4;
	_ =	sdelay $0x1  }
0xa1: {  	s23 =	simm.s32 $0x1B8B  }
0xa2: {  	_ =	swait.ge [sflag:s23], $0x1  }
0xa3: {  	[sflag:s23] =	ssyncset.done $0x0  }
0xa4: {  	s25 =	simm.s32 $0x1B8E;
	s24 =	sld [smem:$0x3FFE];
	[sflag:s23] =	ssyncadd.s32 $0xFFFFFFFF  }
0xa5: {  	s26 =	simm.s32 $execute0_lowered;
	[smem:$0x3FD2] =	sst s25  }
0xa6: {  	s5 =	sshll.u32 s26, $0x1;
	_ =	strace $0x80000052;
	[dreg:$0x1] =	wrdreg $0xFFFFFFFF  }
0xa7: {  	s28 =	simm.s32 $_size_execute0_lowered;
	s3 =	sadd.s32 s3, s5;
	[dreg:$0x0] =	wrdreg $0x0  }
0xa8: {  	s5 =	sshll.u32 s28, $0x1;
	[dreg:$0x2] =	wrdreg s3  }
0xa9: {  	[dreg:$0x3] =	wrdreg s5  }
0xaa: {  	[dreg:$0x4] =	wrdreg $0xC0  }
0xab: {  	_ =	task [dreg:s7], $0x5FFFF  }
0xac: {  	[dreg:$0x1] =	wrdreg $0xFFFFFFFF  }
0xad: {  	[dreg:$0x0] =	wrdreg $0x60  }
0xae: {  	[dreg:$0x2] =	wrdreg s24  }
0xaf: {  	[dreg:$0x3] =	wrdreg s2  }
0xb0: {  	[dreg:$0x4] =	wrdreg $0x108400  }
0xb1: {  	[dreg:$0x5] =	wrdreg $0x9  }
0xb2: {  	_ =	task.clear_ibuf [dreg:s7], $0x6FFFF;
	_ =	strace $0x90000052  }
0xb3: {  	s29 =	simm.s32 $0x9;
	_ =	strace $0x80000054  }
0xb4: {  	_ =	swait.ge [sflag:s29], $0x1  }
0xb5: {  	[sflag:s29] =	ssyncadd.s32 $0xFFFFFFFF  }
0xb6: {  	_ =	strace $0x90000054  }
0xb7: {  	_ =	sfence  }
0xb8: {  	s30 =	sld [smem:$0x0];
	_ =	sdelay $0x2  }
0xb9: {  	s31 =	sshll.u32 s1, $0xD;
	s1 =	sshrl.u32 s1, $0x2  }
0xba: {  	s3 =	sand.u32 $0x4000, s31;
	s1 =	sadd.s32 s1, s30  }
0xbb: {  	s0 =	sor.u32 s3, s0;
	s1 =	sshll.u32 s1, $0x11  }
0xbc: {  	s0 =	sor.u32 s1, s0  }
0xbd: {  	s0 =	sadd.s32 $0x8F2B, s0  }
0xbe: {  	[sflag:s0] =	ssyncadd.remote.s32 $0x1  }
0xbf: {  	_ =	sfence.sel $0xFFFF  }
0xc0: {  	[dreg:$0x0] =	wrdreg $0xFFFFFFFF;
	(pc) =	sbr.abs _section_cstart, $3  }
0xc1: {  	[dreg:$0x1] =	wrdreg $0xFFFFFFFF  }
0xc2: {  	_ =	task.clear_ibuf [dreg:s7], $0x2FFFF;
	_ =	strace $0x9FFFFFFF  }
0xc3: {  	(tm) =	ssettm $0x7FFFFFFF  }
tec
execute0_lowered:
.L_overlay_start_1:
0x0: {  	(tag) =	ssettag $0x1  }
0x1: {  	s4 =	rddreg [dreg:$0x0]  }
0x2: {  	s10 =	rddreg [dreg:$0x1]  }
0x3: {  	s2 =	rddreg [dreg:$0x2]  }
0x4: {  	s0 =	srdreg.scid;
	s1 =	rddreg [dreg:$0x3]  }
0x5: {  	s3 =	simm.s32 $0x0;
	s17 =	simm.s32 $0x9C00;
	s5 =	sand.u32 $0x1, s0  }
0x6: {  	s18 =	simm.s32 $0x9C20;
	s0 =	stileid.u32;
	s6 =	smul.u32 $0x1D4C0, s5  }
0x7: {  	s19 =	simm.s32 $0x9C40;
	s20 =	simm.s32 $0x40;
	s7 =	smul.u32 $0x9C0, s0  }
0x8: {  	s21 =	simm.s32 $0x4;
	[smem:$0x7FF] =	sst s3;
	s8 =	smul.u32 $0xED00, s0  }
0x9: {  	s22 =	simm.s32 $0x20;
	s9 =	smul.u32 $0xED000, s5;
	_ =	strace $0x80000053  }
0xa: {  	s13 =	sshll.u32 s0, $0x2;
	s29 =	smul.u32 $0x3B400, s0;
	s5 =	ssub.s32 $0x2, s5  }
0xb: {  	s14 =	sadd.s32 s13, s4;
	s30 =	sshrl.u32 s5, $0x1;
	s10 =	sadd.s32 s10, s13  }
0xc: {  	s12 =	sadd.s32 s6, s4;
	s11 =	sadd.s32 s7, s4;
	s28 =	sadd.s32 s8, s9  }
0xd: {  	s31 =	sshrl.u32 s29, $0x2;
	s16 =	ssub.s32 s5, s30;
	s6 =	sshrl.u32 s28, $0x3  }
.Ltmp0:
0xe: {  	s7 =	sadd.s32 s31, s2;
	s9 =	sadd.s32 $0x18000, s11;
	(pc) =	sbr.rel .LBB2_1-.Ltmp0, $4  }
0xf: {  	s12 =	sadd.s32 $0xC7C00, s12;
	s15 =	sadd.s32 s6, s4;
	s4 =	sadd.s32 s8, s2  }
0x10: {  	s5 =	sadd.s32 $0x3C00, s7;
	s6 =	sadd.s32 $0x7800, s7;
	s7 =	sadd.s32 $0xB400, s7  }
0x11: {  	s8 =	sadd.s32 $0x21C00, s11;
	s11 =	sadd.s32 $0x17E00, s14;
	s14 =	smax.u32 s16, $0x1  }
0x12: {  	v0 =	vimm.f32 $0.0e+00;
	s16 =	simm.s32 $0x5;
	s13 =	sadd.s32 $0x102600, s15;
	s15 =	simm.s32 $0xCC40  }
.LBB2_6:
0x13: {  	_ =	swait.ge [sflag:s21], $0x1800  }
0x14: {  	[sflag:s21] =	ssyncset.done $0x0  }
0x15: {  	[sflag:s21] =	ssyncadd.s32 $0xFFFFE800  }
0x16: {  	[tilespmem:s19], [sflag:$0x5] =	stream.indirect.gather [hbm4b:s12+s22], $0x60, s17, s22, $0xb8;
	[tilespmem:$0x1F540] =	vst v63  }
0x17: {  	_ =	swait.ge [sflag:s16], $0xC00  }
0x18: {  	[sflag:s16] =	ssyncset.done $0x0  }
0x19: {  	[sflag:s16] =	ssyncadd.s32 $0xFFFFF400  }
0x1a: {  	[spmem:s2] =	stream.indirect.scatter.add.f32 [tilespmem:s19], [sflag:$0x5], $0x60, s18, s22, $0xb8;
	[tilespmem:$0x1F540] =	vst v63  }
0x1b: {  	_ =	swait.ge [sflag:s16], $0xC00  }
0x1c: {  	s23 =	sshll.u32 s0, $0x6;
	s3 =	sadd.s32 $0x1, s3;
	[sflag:s16] =	ssyncset.done $0x0  }
0x1d: {  	s24 =	sshrl.u32 s4, $0x3;
	p0 =	sne.s32 s3, s14;
	[sflag:s16] =	ssyncadd.s32 $0xFFFFF400  }
.Ltmp1:
0x1e: {  	s23 =	sor.u32 $0x1C05, s23;
	[bflag:$0x0] =	sbarrier.arrive $0xFFFF;
	(pc) =	sbr.rel @!p0 .LBB2_7-.Ltmp1, $4  }
0x1f: {  	[hbm:s13], [sflag:s23] =	dma.local [spmem:s24], $0x1DA0  }
0x20: {  	_ =	swait.ge [sflag:s16], $0x1DA0  }
0x21: {  	[sflag:s16] =	ssyncset.done $0x0  }
0x22: {  	[sflag:s16] =	ssyncadd.s32 $0xFFFFE260  }
.LBB2_1:
0x23: {  	s23 =	simm.s32 $0x0  }
0x24: {  	[tilespmem:s23+$0xCC90] =	vst v0  }
0x25: {  	[tilespmem:s23+$0xCC40] =	vst v0  }
0x26: {  	[tilespmem:s23+$0xCC50] =	vst v0  }
0x27: {  	[tilespmem:s23+$0xCC60] =	vst v0  }
0x28: {  	s24 =	simm.s32 $0x180;
	[tilespmem:s23+$0xCC70] =	vst v0  }
.LBB2_2:
0x29: {  	p0 =	sne.s32 s24, $0xEE80;
	[tilespmem:s23+$0xCC80] =	vst v0;
	s23 =	sshra.s32 s24, $0x2;
	s24 =	sadd.s32 $0x180, s24  }
.Ltmp2:
0x2a: {  	[tilespmem:s23+$0xCC90] =	vst v0;
	(pc) =	sbr.rel @p0 .LBB2_2-.Ltmp2, $4  }
0x2b: {  	[tilespmem:s23+$0xCC40] =	vst v0  }
0x2c: {  	[tilespmem:s23+$0xCC50] =	vst v0  }
0x2d: {  	[tilespmem:s23+$0xCC60] =	vst v0  }
0x2e: {  	[tilespmem:s23+$0xCC70] =	vst v0  }
0x2f: {  	[tilespmem:s23+$0xCC80] =	vst v0  }
0x30: {  	[spmem:s4] =	stream.linear.scatter [tilespmem:s15], [sflag:$0x5], $0x3C00, $0x38;
	[tilespmem:$0x1F540] =	vst v63  }
0x31: {  	_ =	swait.ge [sflag:s16], $0x3C00  }
0x32: {  	[sflag:s16] =	ssyncset.done $0x0  }
0x33: {  	[sflag:s16] =	ssyncadd.s32 $0xFFFFC400  }
0x34: {  	[spmem:s5] =	stream.linear.scatter [tilespmem:s15], [sflag:$0x5], $0x3C00, $0x38;
	[tilespmem:$0x1F540] =	vst v63  }
0x35: {  	_ =	swait.ge [sflag:s16], $0x3C00  }
0x36: {  	[sflag:s16] =	ssyncset.done $0x0  }
0x37: {  	[sflag:s16] =	ssyncadd.s32 $0xFFFFC400  }
0x38: {  	[spmem:s6] =	stream.linear.scatter [tilespmem:s15], [sflag:$0x5], $0x3C00, $0x38;
	[tilespmem:$0x1F540] =	vst v63  }
0x39: {  	_ =	swait.ge [sflag:s16], $0x3C00  }
0x3a: {  	[sflag:s16] =	ssyncset.done $0x0  }
0x3b: {  	[sflag:s16] =	ssyncadd.s32 $0xFFFFC400  }
0x3c: {  	[spmem:s7] =	stream.linear.scatter [tilespmem:s15], [sflag:$0x5], $0x3900, $0x38;
	[tilespmem:$0x1F540] =	vst v63  }
0x3d: {  	_ =	swait.ge [sflag:s16], $0x3900  }
0x3e: {  	[sflag:s16] =	ssyncset.done $0x0  }
0x3f: {  	[sflag:s16] =	ssyncadd.s32 $0xFFFFC700  }
0x40: {  	s23 =	simm.s32 $0x0;
	[bflag:$0x0] =	sbarrier.arrive $0xFFFF  }
0x41: {  	[tilespmem:s23], [sflag:$0x5] =	stream.linear.gather [hbm4b:s8+s23], $0x4E00, $0x38;
	[tilespmem:$0x1F540] =	vst v63  }
0x42: {  	_ =	swait.ge [sflag:s16], $0x4E00  }
0x43: {  	[sflag:s16] =	ssyncset.done $0x0  }
0x44: {  	s24 =	simm.s32 $0x4E00;
	[sflag:s16] =	ssyncadd.s32 $0xFFFFB200  }
0x45: {  	[tilespmem:s24], [sflag:$0x5] =	stream.linear.gather [hbm4b:s9+s23], $0x4E00, $0x38;
	[tilespmem:$0x1F540] =	vst v63  }
0x46: {  	_ =	swait.ge [sflag:s16], $0x4E00  }
0x47: {  	[sflag:s16] =	ssyncset.done $0x0  }
0x48: {  	[sflag:s16] =	ssyncadd.s32 $0xFFFFB200  }
0x49: {  	[tilespmem:s17], [sflag:$0x5] =	stream.linear.gather [hbm4b:s10+s23], $0x20, $0x38;
	[tilespmem:$0x1F540] =	vst v63  }
0x4a: {  	_ =	swait.ge [sflag:s16], $0x20  }
0x4b: {  	[sflag:s16] =	ssyncset.done $0x0  }
0x4c: {  	[sflag:s16] =	ssyncadd.s32 $0xFFFFFFE0  }
0x4d: {  	[tilespmem:s18], [sflag:$0x5] =	stream.linear.gather [hbm4b:s11+s23], $0x20, $0x38;
	[tilespmem:$0x1F540] =	vst v63  }
0x4e: {  	_ =	swait.ge [sflag:s16], $0x20  }
0x4f: {  	[sflag:s16] =	ssyncset.done $0x0  }
0x50: {  	s25 =	simm.s32 $0x40;
	[sflag:s16] =	ssyncadd.s32 $0xFFFFFFE0  }
0x51: {  	[tilespmem:s19], [sflag:$0x1] =	stream.indirect.gather [hbm4b:s12+s25], $0x60, s23, s25, $0xb8;
	[tilespmem:$0x1F540] =	vst v63  }
.LBB2_4:
0x52: {  	s26 =	sand.u32 $0x1, s23  }
0x53: {  	s28 =	smul.u32 $0x6000, s26;
	s29 =	sadd.s32 $0x1, s26  }
0x54: {  	p0 =	seq.s32 s23, $0x0;
	s31 =	sadd.s32 $0x3, s26;
	_ =	swait.ge [sflag:s29], $0x1800  }
0x55: {  	p1 =	seq.s32 @!p0 s23, $0x137;
	s28 =	sshrl.u32 s28, $0x2;
	[sflag:s29] =	ssyncset.done $0x0  }
0x56: {  	p1 =	por p0, !p1;
	s28 =	sadd.s32 $0x9C40, s28;
	[sflag:s29] =	ssyncadd.s32 $0xFFFFE800  }
0x57: {  	[spmem:s2] =	stream.indirect.scatter.add.f32 [tilespmem:s28], [sflag:s31], $0x60, s24, s20, $0xb8;
	[tilespmem:$0x1F540] =	vst v63  }
.Ltmp3:
0x58: {  	s26 =	sxor.u32 @!p0 $0x1, s26;
	(pc) =	sbr.rel @!p1 .LBB2_6-.Ltmp3, $4  }
0x59: {  	s28 =	sadd.s32 @!p0 $0x3, s26  }
0x5a: {  	_ =	swait.ge @!p0 [sflag:s28], $0x1800  }
0x5b: {  	[sflag:s28] =	ssyncset.done @!p0 $0x0  }
0x5c: {  	[sflag:s28] =	ssyncadd.s32 @!p0 $0xFFFFE800  }
0x5d: {  	s26 =	simm.s32 @p0 $0x1  }
0x5e: {  	s28 =	smul.u32 $0x6000, s26  }
.Ltmp4:
0x5f: {  	_ = 	snop;
	(pc) =	sbr.rel .LBB2_4-.Ltmp4, $4  }
0x60: {  	s28 =	sshrl.u32 s28, $0x2  }
0x61: {  	s26 =	sadd.s32 $0x1, s26;
	s28 =	sadd.s32 $0x9C40, s28  }
0x62: {  	[tilespmem:s28], [sflag:s26] =	stream.indirect.gather [hbm4b:s12+s20], $0x60, s25, s20, $0xb8;
	[tilespmem:$0x1F540] =	vst v63  }
0x63: {  	s23 =	sadd.s32 $0x1, s23;
	s24 =	sadd.s32 $0x40, s24;
	s25 =	sadd.s32 $0x40, s25  }
.LBB2_7:
0x64: {  	_ =	sfence.sel $0x180000  }
0x65: {  	[bflag:$0x0] =	sbarrier.arrive $0xFFFF  }
0x66: {  	p0 =	sne.s32 s0, $0x0;
	_ =	strace $0x90000053  }
0x67: {  	s0 =	sadd.s32 @!p0 $0x100000, s1;
	[bflag:$0x2] =	sbarrier.arrive $0xFFFF  }
0x68: {  	[sflag:s0] =	ssyncadd.tile.s32 @!p0 $0x1;
	_ =	shalt  }
.Lfunc_end2:
_tile_overlayer_lowered:
.L_overlay_start_2:
0x69: {  	(tag) =	ssettag $0x2  }
0x6a: {  	s0 =	rddreg [dreg:$0x0];
	s2 =	stileid.u32  }
0x6b: {  	s1 =	rddreg [dreg:$0x1];
	p0 =	sne.s32 s2, $0x0  }
0x6c: {  	s3 =	rddreg [dreg:$0x2];
	[bflag:$0x3] =	sbarrier.arrive $0xFFFF;
	s2 =	simm.s32 @!p0 $0x1C05  }
0x6d: {  	[timem:s3], [sflag:s2] =	dma.local @!p0 [hbm:s0], s1  }
0x6e: {  	s0 =	simm.s32 @!p0 $0x5  }
0x6f: {  	_ =	swait.ge @!p0 [sflag:s0], s1  }
0x70: {  	s1 =	ssub.s32 @!p0 $0x0, s1;
	[sflag:s0] =	ssyncset.done @!p0 $0x0  }
0x71: {  	[sflag:s0] =	ssyncadd.s32 @!p0 s1  }
0x72: {  	[bflag:$0x3] =	sbarrier.arrive $0xFFFF  }
0x73: {  	_ =	shalt  }

</sc_bundles>
